<compile_context>
chip_gen: v7x
topology: tpu7x:2x2x1
jax: 0.10.2.dev20260603
libtpu: 0.0.44.dev20260713+nightly
codegen_flags: <defaults>
</compile_context>

<pallas_src>
import functools

import jax
import jax.numpy as jnp
from jax.experimental import pallas as pl
from jax.experimental.pallas import tpu as pltpu
from jax.experimental.pallas import tpu_sc as plsc

_E = 8
_TOPK = 2
_L = 16
_NW = 32


def _pool_kernel(x_ref, out_ref, xb_ref):
    ci = pl.program_id(1)
    w = x_ref.shape[3]
    scale = 1.0 / (w * w)
    xv = x_ref[0]
    s = (jnp.sum(xv, axis=(1, 2)) * scale).reshape(-1, 1)

    @pl.when(ci == 0)
    def _():
        out_ref[0] = s

    @pl.when(ci > 0)
    def _():
        out_ref[0] = out_ref[0] + s

    xb_ref[0] = xv.astype(jnp.bfloat16)


def _sc_gating_kernel(gx_hbm, wg_hbm, wf_hbm,
                      wcomb_hbm, loss_hbm,
                      gx_v, wg_v, w_v, acc_v, loss_v,
                      B, IC, CPT):
    wid = jax.lax.axis_index("s") * 2 + jax.lax.axis_index("c")
    lane = jax.lax.iota(jnp.int32, _L)
    emask = lane < _E

    gd = jax.lax.GatherDimensionNumbers(
        offset_dims=(), collapsed_slice_dims=(0,), start_index_map=(0,))

    def _allred(v, op):
        r = v
        for s in (8, 4, 2, 1):
            idx = jnp.bitwise_and(lane + s, _L - 1)
            perm = jax.lax.gather(
                r, idx[:, None], gd, (1,),
                mode=jax.lax.GatherScatterMode.PROMISE_IN_BOUNDS)
            r = op(r, perm)
        return r

    pltpu.sync_copy(gx_hbm, gx_v)
    pltpu.sync_copy(wg_hbm, wg_v)

    gates_list = []
    for b in range(B):
        def body(j, acc):
            gxc = gx_v[b, pl.ds(j * _L, _L)]
            for l in range(_L):
                acc = acc + gxc[l] * wg_v[j * _L + l, :]
            return acc
        logits = jax.lax.fori_loop(0, IC // _L, body,
                                   jnp.zeros((_L,), jnp.float32))
        z = jnp.where(emask, logits, -jnp.inf)
        m = _allred(z, jnp.maximum)
        ez = jnp.where(emask, jnp.exp(z - m), 0.0)
        p = ez / _allred(ez, jnp.add)
        m1 = _allred(p, jnp.maximum)
        e1 = _allred(jnp.where(p == m1, lane, _E), jnp.minimum)
        p2 = jnp.where(lane == e1, -jnp.inf, jnp.where(emask, p, -jnp.inf))
        m2 = _allred(p2, jnp.maximum)
        e2 = _allred(jnp.where(p2 == m2, lane, _E), jnp.minimum)
        denom = m1 + m2 + 1e-6
        gates_b = (jnp.where(lane == e1, m1, 0.0)
                   + jnp.where(lane == e2, m2, 0.0)) / denom
        gates_list.append(gates_b)

    @pl.when(wid == 0)
    def _():
        imp = jnp.zeros((_L,), jnp.float32)
        for b in range(B):
            imp = imp + gates_list[b]
        ld = jnp.zeros((_L,), jnp.float32)
        for b in range(B):
            ld = ld + jnp.where(gates_list[b] > 0, 1.0, 0.0)

        def cv_sq(v):
            mean = _allred(jnp.where(emask, v, 0.0), jnp.add) / _E
            d = jnp.where(emask, v - mean, 0.0)
            var = _allred(d * d, jnp.add) / (_E - 1)
            return var / (mean * mean + 1e-10)

        loss = (cv_sq(imp) + cv_sq(ld)) * 0.01
        loss_v[:] = jnp.where(lane == 0, loss, 0.0)
        pltpu.sync_copy(loss_v, loss_hbm)

    base = wid * CPT
    pltpu.sync_copy(wf_hbm.at[:, pl.ds(base, CPT)], w_v)
    nch = CPT // _L
    for b in range(B):
        gb = [gates_list[b][e] for e in range(_E)]

        def wbody(j, _):
            s = pl.ds(j * _L, _L)
            a = gb[0] * w_v[0, s]
            for e in range(1, _E):
                a = a + gb[e] * w_v[e, s]
            acc_v[b, s] = a
            return 0

        jax.lax.fori_loop(0, nch, wbody, 0)
    pltpu.sync_copy(acc_v, wcomb_hbm.at[:, pl.ds(base, CPT)])


def _shift_col(p):
    return jnp.concatenate(
        [jnp.zeros((p.shape[0], 1, p.shape[2]), p.dtype), p[:, :-1, :]],
        axis=1)


def _shift_row(p, prev_block):
    ci = pl.program_id(1)
    prev_row = prev_block[-1:, :, :]
    prev_row = jnp.where(ci == 0, jnp.zeros_like(prev_row), prev_row)
    return jnp.concatenate([prev_row, p[:-1, :, :]], axis=0)


def _conv_kernel(w_ref, p00_ref, p01_ref, p10_ref, p11_ref,
                 p10h_ref, p11h_ref, b_ref, out_ref):
    R, OW, OC = p00_ref.shape[3], p00_ref.shape[4], out_ref.shape[1]
    p00 = p00_ref[0, 0, 0]
    p01 = p01_ref[0, 0, 0]
    p10 = p10_ref[0, 0, 0]
    p11 = p11_ref[0, 0, 0]
    p10m = _shift_row(p10, p10h_ref[0, 0, 0])
    p11m = _shift_row(p11, p11h_ref[0, 0, 0])
    taps = (
        (_shift_col(p11m), 0), (p10m, 1), (p11m, 2),
        (_shift_col(p01), 3), (p00, 4), (p01, 5),
        (_shift_col(p11), 6), (p10, 7), (p11, 8),
    )
    acc = None
    for patch, t in taps:
        patch = patch.reshape(R * OW, patch.shape[2])
        d = jnp.dot(patch, w_ref[0, t], preferred_element_type=jnp.float32)
        acc = d if acc is None else acc + d
    res = (acc + b_ref[0]).reshape(R, OW, OC)
    out_ref[0] = jnp.transpose(res, (2, 0, 1))


def kernel(x, train, w_gate, w_noise, W, b):
    del train, w_noise
    B, IC, H, Wd = x.shape
    E, OC = W.shape[0], W.shape[1]
    OH, OW = H // 2, Wd // 2

    hchunks = 4
    HB = H // hchunks
    gate_x, xb = pl.pallas_call(
        _pool_kernel,
        grid=(B, hchunks),
        in_specs=[pl.BlockSpec((1, IC, HB, Wd),
                               lambda bi, ci: (bi, 0, ci, 0))],
        out_specs=(
            pl.BlockSpec((1, IC, 1), lambda bi, ci: (bi, 0, 0)),
            pl.BlockSpec((1, IC, HB, Wd), lambda bi, ci: (bi, 0, ci, 0)),
        ),
        out_shape=(
            jax.ShapeDtypeStruct((B, IC, 1), jnp.float32),
            jax.ShapeDtypeStruct((B, IC, H, Wd), jnp.bfloat16),
        ),
        compiler_params=pltpu.CompilerParams(
            dimension_semantics=("arbitrary", "arbitrary")),
    )(x)
    gate_x = gate_x.reshape(B, IC)

    NW9 = 9 * IC * OC
    W_flat = jnp.transpose(W, (0, 3, 4, 2, 1)).reshape(E, NW9)
    wb = jnp.concatenate([W_flat, b], axis=1)
    CPT = -(-(NW9 + OC) // (_NW * 128)) * 128
    TOT = _NW * CPT
    wb = jnp.pad(wb, ((0, 0), (0, TOT - NW9 - OC)))
    wg_pad = jnp.pad(w_gate, ((0, 0), (0, _L - E)))

    mesh = plsc.VectorSubcoreMesh(core_axis_name="c", subcore_axis_name="s")
    sc_gate = pl.kernel(
        functools.partial(_sc_gating_kernel, B=B, IC=IC, CPT=CPT),
        mesh=mesh,
        out_type=(
            jax.ShapeDtypeStruct((B, TOT), jnp.float32),
            jax.ShapeDtypeStruct((_L,), jnp.float32),
        ),
        scratch_types=[
            pltpu.VMEM((B, IC), jnp.float32),
            pltpu.VMEM((IC, _L), jnp.float32),
            pltpu.VMEM((E, CPT), jnp.float32),
            pltpu.VMEM((B, CPT), jnp.float32),
            pltpu.VMEM((_L,), jnp.float32),
        ],
    )
    wcomb_ext, loss16 = sc_gate(gate_x, wg_pad, wb)
    w_comb = wcomb_ext[:, :NW9].astype(jnp.bfloat16).reshape(B, 9, IC, OC)
    b_comb = wcomb_ext[:, NW9:NW9 + OC].reshape(B, 1, OC)
    loss = loss16[:1].reshape(1, 1)

    xr = xb.reshape(B, IC, OH, 2, OW, 2).transpose(0, 3, 5, 2, 4, 1)

    rchunks = 7
    R = OH // rchunks
    blk = (1, 1, 1, R, OW, IC)

    def _phase(ry, rx):
        return pl.BlockSpec(blk, lambda bi, ci: (bi, ry, rx, ci, 0, 0))

    def _halo(ry, rx):
        return pl.BlockSpec(
            blk, lambda bi, ci: (bi, ry, rx, jnp.maximum(ci - 1, 0), 0, 0))

    y = pl.pallas_call(
        _conv_kernel,
        grid=(B, rchunks),
        in_specs=[
            pl.BlockSpec((1, 9, IC, OC), lambda bi, ci: (bi, 0, 0, 0)),
            _phase(0, 0), _phase(0, 1), _phase(1, 0), _phase(1, 1),
            _halo(1, 0), _halo(1, 1),
            pl.BlockSpec((1, 1, OC), lambda bi, ci: (bi, 0, 0)),
        ],
        out_specs=pl.BlockSpec((1, OC, R, OW), lambda bi, ci: (bi, 0, ci, 0)),
        out_shape=jax.ShapeDtypeStruct((B, OC, OH, OW), jnp.float32),
        compiler_params=pltpu.CompilerParams(
            dimension_semantics=("parallel", "arbitrary")),
    )(w_comb, xr, xr, xr, xr, xr, xr, b_comb)

    return y, loss.reshape(())

# --- scband reference (transcript-rebuilt; emitter-appended) ---
"""Pipeline reference for scband-mo-ekanconv-base-70866960384442 (READ-ONLY COPY).

The authoritative reference and input builder live on the scoring server;
editing this copy changes nothing except your own understanding.
"""

import jax, jax.numpy as jnp
import numpy as np

NUM_EXPERTS = 8
TOP_K = 2
IN_C = 96
OUT_C = 96
B = 4
HW = 224


def setup_inputs(seed: int = 0) -> dict:
    key = jax.random.key(seed)
    ks = jax.random.split(key, 5)
    x = jax.random.normal(ks[0], (B, IN_C, HW, HW), dtype=jnp.float32)
    w_gate = jax.random.normal(ks[1], (IN_C, NUM_EXPERTS), dtype=jnp.float32) * 0.1
    w_noise = jax.random.normal(ks[2], (IN_C, NUM_EXPERTS), dtype=jnp.float32) * 0.1
    W = jax.random.normal(ks[3], (NUM_EXPERTS, OUT_C, IN_C, 3, 3), dtype=jnp.float32) * 0.05
    b = jax.random.normal(ks[4], (NUM_EXPERTS, OUT_C), dtype=jnp.float32) * 0.05
    return {"x": x, "train": False, "w_gate": w_gate, "w_noise": w_noise, "W": W, "b": b}


def _cv_squared(v):
    v = v.astype(jnp.float32)
    if v.shape[0] == 1:
        return jnp.float32(0.0)
    return jnp.var(v, ddof=1) / (jnp.mean(v) ** 2 + 1e-10)


def _forward(x, w_gate, w_noise, W, b, train):
    # gate_x = flatten(avgpool(x))
    gate_x = jnp.mean(x, axis=(2, 3))  # [B, C]
    # noisy_top_k_gating with train=False -> clean logits only
    clean_logits = gate_x @ w_gate  # [B, E]
    logits = jax.nn.softmax(clean_logits, axis=1)
    m = min(TOP_K + 1, NUM_EXPERTS)
    top_logits, top_indices = jax.lax.top_k(logits, m)
    top_k_logits = top_logits[:, :TOP_K]
    top_k_indices = top_indices[:, :TOP_K]
    top_k_gates = top_k_logits / (jnp.sum(top_k_logits, axis=1, keepdims=True) + 1e-6)
    batch = x.shape[0]
    gates = jnp.zeros((batch, NUM_EXPERTS), dtype=logits.dtype)
    gates = gates.at[jnp.arange(batch)[:, None], top_k_indices].set(top_k_gates)
    # train=False -> load = count of nonzero gates per expert
    load = jnp.count_nonzero(gates > 0, axis=0)
    importance = jnp.sum(gates, axis=0)
    loss = (_cv_squared(importance) + _cv_squared(load)) * 0.01
    # SparseDispatcher dispatch/combine == dense weighted sum of expert conv outputs:
    # y[b] = sum_e gates[b, e] * expert_e(x[b])  (items with gate==0 contribute 0)
    dn = jax.lax.conv_dimension_numbers(x.shape, W[0].shape, ('NCHW', 'OIHW', 'NCHW'))
    y = None
    for e in range(NUM_EXPERTS):
        out_e = jax.lax.conv_general_dilated(x, W[e], window_strides=(2, 2), padding=((1, 1), (1, 1)), dimension_numbers=dn)
        out_e = out_e + b[e][None, :, None, None]
        contrib = gates[:, e][:, None, None, None] * out_e
        y = contrib if y is None else y + contrib
    return y, loss


def reference(x, train, w_gate, w_noise, W, b):
    return _forward(x, w_gate, w_noise, W, b, train)

if __name__ == "__main__":
    import jax
    _d = setup_inputs()
    print(jax.jit(kernel)(*tuple(_d.values())))

</pallas_src>

<mosaic_0001>
#map = affine_map<(d0, d1) -> (0, 0)>
#map1 = affine_map<(d0, d1) -> (0)>
module attributes {stable_mosaic.version = 14 : i64} {
  func.func @_sc_gating_kernel(%arg0: i32, %arg1: i32, %arg2: memref<4x96xf32, #tpu.memory_space<hbm>>, %arg3: memref<96x16xf32, #tpu.memory_space<hbm>>, %arg4: memref<8x86016xf32, #tpu.memory_space<hbm>>, %arg5: memref<4x86016xf32, #tpu.memory_space<hbm>>, %arg6: memref<16xf32, #tpu.memory_space<hbm>>, %arg7: memref<4x96xf32, #tpu.memory_space<vmem>>, %arg8: memref<96x16xf32, #tpu.memory_space<vmem>>, %arg9: memref<8x2688xf32, #tpu.memory_space<vmem>>, %arg10: memref<4x2688xf32, #tpu.memory_space<vmem>>, %arg11: memref<16xf32, #tpu.memory_space<vmem>>) attributes {dimension_semantics = [#tpu.dimension_semantics<core_parallel>, #tpu.dimension_semantics<subcore_parallel>], iteration_bounds = array<i64: 2, 16>, scalar_prefetch = 0 : i64, scratch_operands = 5 : i64, tpu.core_type = #tpu.core_type<sc_vector_subcore>, window_params = [{transform_indices = #map}, {transform_indices = #map}, {transform_indices = #map}, {transform_indices = #map}, {transform_indices = #map1}]} {
    %mul3A = arith.constant 2 : i32
    %mul3A_0 = arith.muli %arg1, %mul3A : i32
    %add3A = arith.addi %mul3A_0, %arg0 : i32
    %iota3A = tpu.iota {dimensions = array<i32: 0>} : vector<16xi32>
    %lt3A = arith.constant 8 : i32
    %lt3A_1 = vector.broadcast %lt3A : i32 to vector<16xi32>
    %lt3A_2 = arith.cmpi slt, %iota3A, %lt3A_1 : vector<16xi32>
    "tpu.region"() ({
      %run_scoped3A = tpu.sem_alloc : memref<!tpu.dma_semaphore, #tpu.memory_space<semaphore_mem>>
      tpu.enqueue_dma source(%arg2 : memref<4x96xf32, #tpu.memory_space<hbm>>) target(%arg7 : memref<4x96xf32, #tpu.memory_space<vmem>>) target_semaphore(%run_scoped3A : memref<!tpu.dma_semaphore, #tpu.memory_space<semaphore_mem>>)
      tpu.wait_dma2 semaphore(%run_scoped3A : memref<!tpu.dma_semaphore, #tpu.memory_space<semaphore_mem>>) src(%arg2 : memref<4x96xf32, #tpu.memory_space<hbm>>) dst(%arg7 : memref<4x96xf32, #tpu.memory_space<vmem>>)
      tpu.yield
    }) : () -> ()
    "tpu.region"() ({
      %run_scoped3A = tpu.sem_alloc : memref<!tpu.dma_semaphore, #tpu.memory_space<semaphore_mem>>
      tpu.enqueue_dma source(%arg3 : memref<96x16xf32, #tpu.memory_space<hbm>>) target(%arg8 : memref<96x16xf32, #tpu.memory_space<vmem>>) target_semaphore(%run_scoped3A : memref<!tpu.dma_semaphore, #tpu.memory_space<semaphore_mem>>)
      tpu.wait_dma2 semaphore(%run_scoped3A : memref<!tpu.dma_semaphore, #tpu.memory_space<semaphore_mem>>) src(%arg3 : memref<96x16xf32, #tpu.memory_space<hbm>>) dst(%arg8 : memref<96x16xf32, #tpu.memory_space<vmem>>)
      tpu.yield
    }) : () -> ()
    %broadcast_in_dim3A = arith.constant 0.000000e+00 : f32
    %broadcast_in_dim3A_3 = vector.broadcast %broadcast_in_dim3A : f32 to vector<16xf32>
    %scan3A = arith.constant 0 : i32
    %scan3A_4 = arith.constant 6 : i32
    %scan3A_5 = arith.addi %scan3A, %scan3A_4 : i32
    %scan3A_6 = arith.constant 1 : i32
    %scan3A_7 = scf.for %scan3A_1230 = %scan3A to %scan3A_5 step %scan3A_6 iter_args(%scan3A_1231 = %broadcast_in_dim3A_3) -> (vector<16xf32>)  : i32 {
      %mul3A_1232 = arith.constant 16 : i32
      %mul3A_1233 = arith.muli %scan3A_1230, %mul3A_1232 : i32
      %get3A = arith.constant 0 : i32
      %get3A_1234 = arith.index_cast %get3A : i32 to index
      %get3A_1235 = arith.index_cast %mul3A_1233 : i32 to index
      %get3A_1236 = tpu.vector_load %arg7[%get3A_1234, %get3A_1235] {strides = array<i32>} : memref<4x96xf32, #tpu.memory_space<vmem>>, vector<1x16xf32>,
      %get3A_1237 = vector.shape_cast %get3A_1236 : vector<1x16xf32> to vector<16xf32>
      %slice3A_1238 = vector.extract_strided_slice %get3A_1237 {offsets = [0], sizes = [1], strides = [1]} : vector<16xf32> to vector<1xf32>
      %squeeze3A_1239 = vector.extract %slice3A_1238[0] : f32 from vector<1xf32>
      %mul3A_1240 = arith.constant 16 : i32
      %mul3A_1241 = arith.muli %scan3A_1230, %mul3A_1240 : i32
      %add3A_1242 = arith.constant 0 : i32
      %add3A_1243 = arith.addi %mul3A_1241, %add3A_1242 : i32
      %get3A_1244 = arith.index_cast %add3A_1243 : i32 to index
      %get3A_1245 = arith.constant 0 : index
      %get3A_1246 = tpu.vector_load %arg8[%get3A_1244, %get3A_1245] {strides = array<i32>} : memref<96x16xf32, #tpu.memory_space<vmem>>, vector<1x16xf32>,
      %get3A_1247 = vector.shape_cast %get3A_1246 : vector<1x16xf32> to vector<16xf32>
      %mul3A_1248 = vector.broadcast %squeeze3A_1239 : f32 to vector<16xf32>
      %mul3A_1249 = arith.mulf %mul3A_1248, %get3A_1247 : vector<16xf32>
      %add3A_1250 = arith.addf %scan3A_1231, %mul3A_1249 : vector<16xf32>
      %slice3A_1251 = vector.extract_strided_slice %get3A_1237 {offsets = [1], sizes = [1], strides = [1]} : vector<16xf32> to vector<1xf32>
      %squeeze3A_1252 = vector.extract %slice3A_1251[0] : f32 from vector<1xf32>
      %mul3A_1253 = arith.constant 16 : i32
      %mul3A_1254 = arith.muli %scan3A_1230, %mul3A_1253 : i32
      %add3A_1255 = arith.constant 1 : i32
      %add3A_1256 = arith.addi %mul3A_1254, %add3A_1255 : i32
      %get3A_1257 = arith.index_cast %add3A_1256 : i32 to index
      %get3A_1258 = arith.constant 0 : index
      %get3A_1259 = tpu.vector_load %arg8[%get3A_1257, %get3A_1258] {strides = array<i32>} : memref<96x16xf32, #tpu.memory_space<vmem>>, vector<1x16xf32>,
      %get3A_1260 = vector.shape_cast %get3A_1259 : vector<1x16xf32> to vector<16xf32>
      %mul3A_1261 = vector.broadcast %squeeze3A_1252 : f32 to vector<16xf32>
      %mul3A_1262 = arith.mulf %mul3A_1261, %get3A_1260 : vector<16xf32>
      %add3A_1263 = arith.addf %add3A_1250, %mul3A_1262 : vector<16xf32>
      %slice3A_1264 = vector.extract_strided_slice %get3A_1237 {offsets = [2], sizes = [1], strides = [1]} : vector<16xf32> to vector<1xf32>
      %squeeze3A_1265 = vector.extract %slice3A_1264[0] : f32 from vector<1xf32>
      %mul3A_1266 = arith.constant 16 : i32
      %mul3A_1267 = arith.muli %scan3A_1230, %mul3A_1266 : i32
      %add3A_1268 = arith.constant 2 : i32
      %add3A_1269 = arith.addi %mul3A_1267, %add3A_1268 : i32
      %get3A_1270 = arith.index_cast %add3A_1269 : i32 to index
      %get3A_1271 = arith.constant 0 : index
      %get3A_1272 = tpu.vector_load %arg8[%get3A_1270, %get3A_1271] {strides = array<i32>} : memref<96x16xf32, #tpu.memory_space<vmem>>, vector<1x16xf32>,
      %get3A_1273 = vector.shape_cast %get3A_1272 : vector<1x16xf32> to vector<16xf32>
      %mul3A_1274 = vector.broadcast %squeeze3A_1265 : f32 to vector<16xf32>
      %mul3A_1275 = arith.mulf %mul3A_1274, %get3A_1273 : vector<16xf32>
      %add3A_1276 = arith.addf %add3A_1263, %mul3A_1275 : vector<16xf32>
      %slice3A_1277 = vector.extract_strided_slice %get3A_1237 {offsets = [3], sizes = [1], strides = [1]} : vector<16xf32> to vector<1xf32>
      %squeeze3A_1278 = vector.extract %slice3A_1277[0] : f32 from vector<1xf32>
      %mul3A_1279 = arith.constant 16 : i32
      %mul3A_1280 = arith.muli %scan3A_1230, %mul3A_1279 : i32
      %add3A_1281 = arith.constant 3 : i32
      %add3A_1282 = arith.addi %mul3A_1280, %add3A_1281 : i32
      %get3A_1283 = arith.index_cast %add3A_1282 : i32 to index
      %get3A_1284 = arith.constant 0 : index
      %get3A_1285 = tpu.vector_load %arg8[%get3A_1283, %get3A_1284] {strides = array<i32>} : memref<96x16xf32, #tpu.memory_space<vmem>>, vector<1x16xf32>,
      %get3A_1286 = vector.shape_cast %get3A_1285 : vector<1x16xf32> to vector<16xf32>
      %mul3A_1287 = vector.broadcast %squeeze3A_1278 : f32 to vector<16xf32>
      %mul3A_1288 = arith.mulf %mul3A_1287, %get3A_1286 : vector<16xf32>
      %add3A_1289 = arith.addf %add3A_1276, %mul3A_1288 : vector<16xf32>
      %slice3A_1290 = vector.extract_strided_slice %get3A_1237 {offsets = [4], sizes = [1], strides = [1]} : vector<16xf32> to vector<1xf32>
      %squeeze3A_1291 = vector.extract %slice3A_1290[0] : f32 from vector<1xf32>
      %mul3A_1292 = arith.constant 16 : i32
      %mul3A_1293 = arith.muli %scan3A_1230, %mul3A_1292 : i32
      %add3A_1294 = arith.constant 4 : i32
      %add3A_1295 = arith.addi %mul3A_1293, %add3A_1294 : i32
      %get3A_1296 = arith.index_cast %add3A_1295 : i32 to index
      %get3A_1297 = arith.constant 0 : index
      %get3A_1298 = tpu.vector_load %arg8[%get3A_1296, %get3A_1297] {strides = array<i32>} : memref<96x16xf32, #tpu.memory_space<vmem>>, vector<1x16xf32>,
      %get3A_1299 = vector.shape_cast %get3A_1298 : vector<1x16xf32> to vector<16xf32>
      %mul3A_1300 = vector.broadcast %squeeze3A_1291 : f32 to vector<16xf32>
      %mul3A_1301 = arith.mulf %mul3A_1300, %get3A_1299 : vector<16xf32>
      %add3A_1302 = arith.addf %add3A_1289, %mul3A_1301 : vector<16xf32>
      %slice3A_1303 = vector.extract_strided_slice %get3A_1237 {offsets = [5], sizes = [1], strides = [1]} : vector<16xf32> to vector<1xf32>
      %squeeze3A_1304 = vector.extract %slice3A_1303[0] : f32 from vector<1xf32>
      %mul3A_1305 = arith.constant 16 : i32
      %mul3A_1306 = arith.muli %scan3A_1230, %mul3A_1305 : i32
      %add3A_1307 = arith.constant 5 : i32
      %add3A_1308 = arith.addi %mul3A_1306, %add3A_1307 : i32
      %get3A_1309 = arith.index_cast %add3A_1308 : i32 to index
      %get3A_1310 = arith.constant 0 : index
      %get3A_1311 = tpu.vector_load %arg8[%get3A_1309, %get3A_1310] {strides = array<i32>} : memref<96x16xf32, #tpu.memory_space<vmem>>, vector<1x16xf32>,
      %get3A_1312 = vector.shape_cast %get3A_1311 : vector<1x16xf32> to vector<16xf32>
      %mul3A_1313 = vector.broadcast %squeeze3A_1304 : f32 to vector<16xf32>
      %mul3A_1314 = arith.mulf %mul3A_1313, %get3A_1312 : vector<16xf32>
      %add3A_1315 = arith.addf %add3A_1302, %mul3A_1314 : vector<16xf32>
      %slice3A_1316 = vector.extract_strided_slice %get3A_1237 {offsets = [6], sizes = [1], strides = [1]} : vector<16xf32> to vector<1xf32>
      %squeeze3A_1317 = vector.extract %slice3A_1316[0] : f32 from vector<1xf32>
      %mul3A_1318 = arith.constant 16 : i32
      %mul3A_1319 = arith.muli %scan3A_1230, %mul3A_1318 : i32
      %add3A_1320 = arith.constant 6 : i32
      %add3A_1321 = arith.addi %mul3A_1319, %add3A_1320 : i32
      %get3A_1322 = arith.index_cast %add3A_1321 : i32 to index
      %get3A_1323 = arith.constant 0 : index
      %get3A_1324 = tpu.vector_load %arg8[%get3A_1322, %get3A_1323] {strides = array<i32>} : memref<96x16xf32, #tpu.memory_space<vmem>>, vector<1x16xf32>,
      %get3A_1325 = vector.shape_cast %get3A_1324 : vector<1x16xf32> to vector<16xf32>
      %mul3A_1326 = vector.broadcast %squeeze3A_1317 : f32 to vector<16xf32>
      %mul3A_1327 = arith.mulf %mul3A_1326, %get3A_1325 : vector<16xf32>
      %add3A_1328 = arith.addf %add3A_1315, %mul3A_1327 : vector<16xf32>
      %slice3A_1329 = vector.extract_strided_slice %get3A_1237 {offsets = [7], sizes = [1], strides = [1]} : vector<16xf32> to vector<1xf32>
      %squeeze3A_1330 = vector.extract %slice3A_1329[0] : f32 from vector<1xf32>
      %mul3A_1331 = arith.constant 16 : i32
      %mul3A_1332 = arith.muli %scan3A_1230, %mul3A_1331 : i32
      %add3A_1333 = arith.constant 7 : i32
      %add3A_1334 = arith.addi %mul3A_1332, %add3A_1333 : i32
      %get3A_1335 = arith.index_cast %add3A_1334 : i32 to index
      %get3A_1336 = arith.constant 0 : index
      %get3A_1337 = tpu.vector_load %arg8[%get3A_1335, %get3A_1336] {strides = array<i32>} : memref<96x16xf32, #tpu.memory_space<vmem>>, vector<1x16xf32>,
      %get3A_1338 = vector.shape_cast %get3A_1337 : vector<1x16xf32> to vector<16xf32>
      %mul3A_1339 = vector.broadcast %squeeze3A_1330 : f32 to vector<16xf32>
      %mul3A_1340 = arith.mulf %mul3A_1339, %get3A_1338 : vector<16xf32>
      %add3A_1341 = arith.addf %add3A_1328, %mul3A_1340 : vector<16xf32>
      %slice3A_1342 = vector.extract_strided_slice %get3A_1237 {offsets = [8], sizes = [1], strides = [1]} : vector<16xf32> to vector<1xf32>
      %squeeze3A_1343 = vector.extract %slice3A_1342[0] : f32 from vector<1xf32>
      %mul3A_1344 = arith.constant 16 : i32
      %mul3A_1345 = arith.muli %scan3A_1230, %mul3A_1344 : i32
      %add3A_1346 = arith.constant 8 : i32
      %add3A_1347 = arith.addi %mul3A_1345, %add3A_1346 : i32
      %get3A_1348 = arith.index_cast %add3A_1347 : i32 to index
      %get3A_1349 = arith.constant 0 : index
      %get3A_1350 = tpu.vector_load %arg8[%get3A_1348, %get3A_1349] {strides = array<i32>} : memref<96x16xf32, #tpu.memory_space<vmem>>, vector<1x16xf32>,
      %get3A_1351 = vector.shape_cast %get3A_1350 : vector<1x16xf32> to vector<16xf32>
      %mul3A_1352 = vector.broadcast %squeeze3A_1343 : f32 to vector<16xf32>
      %mul3A_1353 = arith.mulf %mul3A_1352, %get3A_1351 : vector<16xf32>
      %add3A_1354 = arith.addf %add3A_1341, %mul3A_1353 : vector<16xf32>
      %slice3A_1355 = vector.extract_strided_slice %get3A_1237 {offsets = [9], sizes = [1], strides = [1]} : vector<16xf32> to vector<1xf32>
      %squeeze3A_1356 = vector.extract %slice3A_1355[0] : f32 from vector<1xf32>
      %mul3A_1357 = arith.constant 16 : i32
      %mul3A_1358 = arith.muli %scan3A_1230, %mul3A_1357 : i32
      %add3A_1359 = arith.constant 9 : i32
      %add3A_1360 = arith.addi %mul3A_1358, %add3A_1359 : i32
      %get3A_1361 = arith.index_cast %add3A_1360 : i32 to index
      %get3A_1362 = arith.constant 0 : index
      %get3A_1363 = tpu.vector_load %arg8[%get3A_1361, %get3A_1362] {strides = array<i32>} : memref<96x16xf32, #tpu.memory_space<vmem>>, vector<1x16xf32>,
      %get3A_1364 = vector.shape_cast %get3A_1363 : vector<1x16xf32> to vector<16xf32>
      %mul3A_1365 = vector.broadcast %squeeze3A_1356 : f32 to vector<16xf32>
      %mul3A_1366 = arith.mulf %mul3A_1365, %get3A_1364 : vector<16xf32>
      %add3A_1367 = arith.addf %add3A_1354, %mul3A_1366 : vector<16xf32>
      %slice3A_1368 = vector.extract_strided_slice %get3A_1237 {offsets = [10], sizes = [1], strides = [1]} : vector<16xf32> to vector<1xf32>
      %squeeze3A_1369 = vector.extract %slice3A_1368[0] : f32 from vector<1xf32>
      %mul3A_1370 = arith.constant 16 : i32
      %mul3A_1371 = arith.muli %scan3A_1230, %mul3A_1370 : i32
      %add3A_1372 = arith.constant 10 : i32
      %add3A_1373 = arith.addi %mul3A_1371, %add3A_1372 : i32
      %get3A_1374 = arith.index_cast %add3A_1373 : i32 to index
      %get3A_1375 = arith.constant 0 : index
      %get3A_1376 = tpu.vector_load %arg8[%get3A_1374, %get3A_1375] {strides = array<i32>} : memref<96x16xf32, #tpu.memory_space<vmem>>, vector<1x16xf32>,
      %get3A_1377 = vector.shape_cast %get3A_1376 : vector<1x16xf32> to vector<16xf32>
      %mul3A_1378 = vector.broadcast %squeeze3A_1369 : f32 to vector<16xf32>
      %mul3A_1379 = arith.mulf %mul3A_1378, %get3A_1377 : vector<16xf32>
      %add3A_1380 = arith.addf %add3A_1367, %mul3A_1379 : vector<16xf32>
      %slice3A_1381 = vector.extract_strided_slice %get3A_1237 {offsets = [11], sizes = [1], strides = [1]} : vector<16xf32> to vector<1xf32>
      %squeeze3A_1382 = vector.extract %slice3A_1381[0] : f32 from vector<1xf32>
      %mul3A_1383 = arith.constant 16 : i32
      %mul3A_1384 = arith.muli %scan3A_1230, %mul3A_1383 : i32
      %add3A_1385 = arith.constant 11 : i32
      %add3A_1386 = arith.addi %mul3A_1384, %add3A_1385 : i32
      %get3A_1387 = arith.index_cast %add3A_1386 : i32 to index
      %get3A_1388 = arith.constant 0 : index
      %get3A_1389 = tpu.vector_load %arg8[%get3A_1387, %get3A_1388] {strides = array<i32>} : memref<96x16xf32, #tpu.memory_space<vmem>>, vector<1x16xf32>,
      %get3A_1390 = vector.shape_cast %get3A_1389 : vector<1x16xf32> to vector<16xf32>
      %mul3A_1391 = vector.broadcast %squeeze3A_1382 : f32 to vector<16xf32>
      %mul3A_1392 = arith.mulf %mul3A_1391, %get3A_1390 : vector<16xf32>
      %add3A_1393 = arith.addf %add3A_1380, %mul3A_1392 : vector<16xf32>
      %slice3A_1394 = vector.extract_strided_slice %get3A_1237 {offsets = [12], sizes = [1], strides = [1]} : vector<16xf32> to vector<1xf32>
      %squeeze3A_1395 = vector.extract %slice3A_1394[0] : f32 from vector<1xf32>
      %mul3A_1396 = arith.constant 16 : i32
      %mul3A_1397 = arith.muli %scan3A_1230, %mul3A_1396 : i32
      %add3A_1398 = arith.constant 12 : i32
      %add3A_1399 = arith.addi %mul3A_1397, %add3A_1398 : i32
      %get3A_1400 = arith.index_cast %add3A_1399 : i32 to index
      %get3A_1401 = arith.constant 0 : index
      %get3A_1402 = tpu.vector_load %arg8[%get3A_1400, %get3A_1401] {strides = array<i32>} : memref<96x16xf32, #tpu.memory_space<vmem>>, vector<1x16xf32>,
      %get3A_1403 = vector.shape_cast %get3A_1402 : vector<1x16xf32> to vector<16xf32>
      %mul3A_1404 = vector.broadcast %squeeze3A_1395 : f32 to vector<16xf32>
      %mul3A_1405 = arith.mulf %mul3A_1404, %get3A_1403 : vector<16xf32>
      %add3A_1406 = arith.addf %add3A_1393, %mul3A_1405 : vector<16xf32>
      %slice3A_1407 = vector.extract_strided_slice %get3A_1237 {offsets = [13], sizes = [1], strides = [1]} : vector<16xf32> to vector<1xf32>
      %squeeze3A_1408 = vector.extract %slice3A_1407[0] : f32 from vector<1xf32>
      %mul3A_1409 = arith.constant 16 : i32
      %mul3A_1410 = arith.muli %scan3A_1230, %mul3A_1409 : i32
      %add3A_1411 = arith.constant 13 : i32
      %add3A_1412 = arith.addi %mul3A_1410, %add3A_1411 : i32
      %get3A_1413 = arith.index_cast %add3A_1412 : i32 to index
      %get3A_1414 = arith.constant 0 : index
      %get3A_1415 = tpu.vector_load %arg8[%get3A_1413, %get3A_1414] {strides = array<i32>} : memref<96x16xf32, #tpu.memory_space<vmem>>, vector<1x16xf32>,
      %get3A_1416 = vector.shape_cast %get3A_1415 : vector<1x16xf32> to vector<16xf32>
      %mul3A_1417 = vector.broadcast %squeeze3A_1408 : f32 to vector<16xf32>
      %mul3A_1418 = arith.mulf %mul3A_1417, %get3A_1416 : vector<16xf32>
      %add3A_1419 = arith.addf %add3A_1406, %mul3A_1418 : vector<16xf32>
      %slice3A_1420 = vector.extract_strided_slice %get3A_1237 {offsets = [14], sizes = [1], strides = [1]} : vector<16xf32> to vector<1xf32>
      %squeeze3A_1421 = vector.extract %slice3A_1420[0] : f32 from vector<1xf32>
      %mul3A_1422 = arith.constant 16 : i32
      %mul3A_1423 = arith.muli %scan3A_1230, %mul3A_1422 : i32
      %add3A_1424 = arith.constant 14 : i32
      %add3A_1425 = arith.addi %mul3A_1423, %add3A_1424 : i32
      %get3A_1426 = arith.index_cast %add3A_1425 : i32 to index
      %get3A_1427 = arith.constant 0 : index
      %get3A_1428 = tpu.vector_load %arg8[%get3A_1426, %get3A_1427] {strides = array<i32>} : memref<96x16xf32, #tpu.memory_space<vmem>>, vector<1x16xf32>,
      %get3A_1429 = vector.shape_cast %get3A_1428 : vector<1x16xf32> to vector<16xf32>
      %mul3A_1430 = vector.broadcast %squeeze3A_1421 : f32 to vector<16xf32>
      %mul3A_1431 = arith.mulf %mul3A_1430, %get3A_1429 : vector<16xf32>
      %add3A_1432 = arith.addf %add3A_1419, %mul3A_1431 : vector<16xf32>
      %slice3A_1433 = vector.extract_strided_slice %get3A_1237 {offsets = [15], sizes = [1], strides = [1]} : vector<16xf32> to vector<1xf32>
      %squeeze3A_1434 = vector.extract %slice3A_1433[0] : f32 from vector<1xf32>
      %mul3A_1435 = arith.constant 16 : i32
      %mul3A_1436 = arith.muli %scan3A_1230, %mul3A_1435 : i32
      %add3A_1437 = arith.constant 15 : i32
      %add3A_1438 = arith.addi %mul3A_1436, %add3A_1437 : i32
      %get3A_1439 = arith.index_cast %add3A_1438 : i32 to index
      %get3A_1440 = arith.constant 0 : index
      %get3A_1441 = tpu.vector_load %arg8[%get3A_1439, %get3A_1440] {strides = array<i32>} : memref<96x16xf32, #tpu.memory_space<vmem>>, vector<1x16xf32>,
      %get3A_1442 = vector.shape_cast %get3A_1441 : vector<1x16xf32> to vector<16xf32>
      %mul3A_1443 = vector.broadcast %squeeze3A_1434 : f32 to vector<16xf32>
      %mul3A_1444 = arith.mulf %mul3A_1443, %get3A_1442 : vector<16xf32>
      %add3A_1445 = arith.addf %add3A_1432, %mul3A_1444 : vector<16xf32>
      scf.yield %add3A_1445 : vector<16xf32>
    }
    %scan3A_8 = arith.constant 6 : i32
    %jit3A = arith.constant 0xFF800000 : f32
    %broadcast_in_dim3A_9 = vector.broadcast %jit3A : f32 to vector<16xf32>
    %select_n3A = arith.select %lt3A_2, %scan3A_7, %broadcast_in_dim3A_9 : vector<16xi1>, vector<16xf32>
    %add3A_10 = arith.constant 8 : i32
    %add3A_11 = vector.broadcast %add3A_10 : i32 to vector<16xi32>
    %add3A_12 = arith.addi %iota3A, %add3A_11 : vector<16xi32>
    %and3A = arith.constant 15 : i32
    %and3A_13 = vector.broadcast %and3A : i32 to vector<16xi32>
    %and3A_14 = arith.andi %add3A_12, %and3A_13 : vector<16xi32>
    %broadcast_in_dim3A_15 = vector.shape_cast %and3A_14 : vector<16xi32> to vector<16x1xi32>
    %gather3A = vector.shape_cast %broadcast_in_dim3A_15 : vector<16x1xi32> to vector<16xi32>
    %gather3A_16 = tpu.dynamic_gather %select_n3A[%gather3A] in [0] : vector<16xf32>, vector<16xi32> -> vector<16xf32>
    %max3A = arith.maximumf %select_n3A, %gather3A_16 : vector<16xf32>
    %add3A_17 = arith.constant 4 : i32
    %add3A_18 = vector.broadcast %add3A_17 : i32 to vector<16xi32>
    %add3A_19 = arith.addi %iota3A, %add3A_18 : vector<16xi32>
    %and3A_20 = arith.constant 15 : i32
    %and3A_21 = vector.broadcast %and3A_20 : i32 to vector<16xi32>
    %and3A_22 = arith.andi %add3A_19, %and3A_21 : vector<16xi32>
    %broadcast_in_dim3A_23 = vector.shape_cast %and3A_22 : vector<16xi32> to vector<16x1xi32>
    %gather3A_24 = vector.shape_cast %broadcast_in_dim3A_23 : vector<16x1xi32> to vector<16xi32>
    %gather3A_25 = tpu.dynamic_gather %max3A[%gather3A_24] in [0] : vector<16xf32>, vector<16xi32> -> vector<16xf32>
    %max3A_26 = arith.maximumf %max3A, %gather3A_25 : vector<16xf32>
    %add3A_27 = arith.constant 2 : i32
    %add3A_28 = vector.broadcast %add3A_27 : i32 to vector<16xi32>
    %add3A_29 = arith.addi %iota3A, %add3A_28 : vector<16xi32>
    %and3A_30 = arith.constant 15 : i32
    %and3A_31 = vector.broadcast %and3A_30 : i32 to vector<16xi32>
    %and3A_32 = arith.andi %add3A_29, %and3A_31 : vector<16xi32>
    %broadcast_in_dim3A_33 = vector.shape_cast %and3A_32 : vector<16xi32> to vector<16x1xi32>
    %gather3A_34 = vector.shape_cast %broadcast_in_dim3A_33 : vector<16x1xi32> to vector<16xi32>
    %gather3A_35 = tpu.dynamic_gather %max3A_26[%gather3A_34] in [0] : vector<16xf32>, vector<16xi32> -> vector<16xf32>
    %max3A_36 = arith.maximumf %max3A_26, %gather3A_35 : vector<16xf32>
    %add3A_37 = arith.constant 1 : i32
    %add3A_38 = vector.broadcast %add3A_37 : i32 to vector<16xi32>
    %add3A_39 = arith.addi %iota3A, %add3A_38 : vector<16xi32>
    %and3A_40 = arith.constant 15 : i32
    %and3A_41 = vector.broadcast %and3A_40 : i32 to vector<16xi32>
    %and3A_42 = arith.andi %add3A_39, %and3A_41 : vector<16xi32>
    %broadcast_in_dim3A_43 = vector.shape_cast %and3A_42 : vector<16xi32> to vector<16x1xi32>
    %gather3A_44 = vector.shape_cast %broadcast_in_dim3A_43 : vector<16x1xi32> to vector<16xi32>
    %gather3A_45 = tpu.dynamic_gather %max3A_36[%gather3A_44] in [0] : vector<16xf32>, vector<16xi32> -> vector<16xf32>
    %max3A_46 = arith.maximumf %max3A_36, %gather3A_45 : vector<16xf32>
    %sub3A = arith.subf %select_n3A, %max3A_46 : vector<16xf32>
    %exp3A = math.exp %sub3A : vector<16xf32>
    %jit3A_47 = arith.constant 0.000000e+00 : f32
    %broadcast_in_dim3A_48 = vector.broadcast %jit3A_47 : f32 to vector<16xf32>
    %select_n3A_49 = arith.select %lt3A_2, %exp3A, %broadcast_in_dim3A_48 : vector<16xi1>, vector<16xf32>
    %add3A_50 = arith.constant 8 : i32
    %add3A_51 = vector.broadcast %add3A_50 : i32 to vector<16xi32>
    %add3A_52 = arith.addi %iota3A, %add3A_51 : vector<16xi32>
    %and3A_53 = arith.constant 15 : i32
    %and3A_54 = vector.broadcast %and3A_53 : i32 to vector<16xi32>
    %and3A_55 = arith.andi %add3A_52, %and3A_54 : vector<16xi32>
    %broadcast_in_dim3A_56 = vector.shape_cast %and3A_55 : vector<16xi32> to vector<16x1xi32>
    %gather3A_57 = vector.shape_cast %broadcast_in_dim3A_56 : vector<16x1xi32> to vector<16xi32>
    %gather3A_58 = tpu.dynamic_gather %select_n3A_49[%gather3A_57] in [0] : vector<16xf32>, vector<16xi32> -> vector<16xf32>
    %add3A_59 = arith.addf %select_n3A_49, %gather3A_58 : vector<16xf32>
    %add3A_60 = arith.constant 4 : i32
    %add3A_61 = vector.broadcast %add3A_60 : i32 to vector<16xi32>
    %add3A_62 = arith.addi %iota3A, %add3A_61 : vector<16xi32>
    %and3A_63 = arith.constant 15 : i32
    %and3A_64 = vector.broadcast %and3A_63 : i32 to vector<16xi32>
    %and3A_65 = arith.andi %add3A_62, %and3A_64 : vector<16xi32>
    %broadcast_in_dim3A_66 = vector.shape_cast %and3A_65 : vector<16xi32> to vector<16x1xi32>
    %gather3A_67 = vector.shape_cast %broadcast_in_dim3A_66 : vector<16x1xi32> to vector<16xi32>
    %gather3A_68 = tpu.dynamic_gather %add3A_59[%gather3A_67] in [0] : vector<16xf32>, vector<16xi32> -> vector<16xf32>
    %add3A_69 = arith.addf %add3A_59, %gather3A_68 : vector<16xf32>
    %add3A_70 = arith.constant 2 : i32
    %add3A_71 = vector.broadcast %add3A_70 : i32 to vector<16xi32>
    %add3A_72 = arith.addi %iota3A, %add3A_71 : vector<16xi32>
    %and3A_73 = arith.constant 15 : i32
    %and3A_74 = vector.broadcast %and3A_73 : i32 to vector<16xi32>
    %and3A_75 = arith.andi %add3A_72, %and3A_74 : vector<16xi32>
    %broadcast_in_dim3A_76 = vector.shape_cast %and3A_75 : vector<16xi32> to vector<16x1xi32>
    %gather3A_77 = vector.shape_cast %broadcast_in_dim3A_76 : vector<16x1xi32> to vector<16xi32>
    %gather3A_78 = tpu.dynamic_gather %add3A_69[%gather3A_77] in [0] : vector<16xf32>, vector<16xi32> -> vector<16xf32>
    %add3A_79 = arith.addf %add3A_69, %gather3A_78 : vector<16xf32>
    %add3A_80 = arith.constant 1 : i32
    %add3A_81 = vector.broadcast %add3A_80 : i32 to vector<16xi32>
    %add3A_82 = arith.addi %iota3A, %add3A_81 : vector<16xi32>
    %and3A_83 = arith.constant 15 : i32
    %and3A_84 = vector.broadcast %and3A_83 : i32 to vector<16xi32>
    %and3A_85 = arith.andi %add3A_82, %and3A_84 : vector<16xi32>
    %broadcast_in_dim3A_86 = vector.shape_cast %and3A_85 : vector<16xi32> to vector<16x1xi32>
    %gather3A_87 = vector.shape_cast %broadcast_in_dim3A_86 : vector<16x1xi32> to vector<16xi32>
    %gather3A_88 = tpu.dynamic_gather %add3A_79[%gather3A_87] in [0] : vector<16xf32>, vector<16xi32> -> vector<16xf32>
    %add3A_89 = arith.addf %add3A_79, %gather3A_88 : vector<16xf32>
    %div3A = arith.divf %select_n3A_49, %add3A_89 : vector<16xf32>
    %add3A_90 = arith.constant 8 : i32
    %add3A_91 = vector.broadcast %add3A_90 : i32 to vector<16xi32>
    %add3A_92 = arith.addi %iota3A, %add3A_91 : vector<16xi32>
    %and3A_93 = arith.constant 15 : i32
    %and3A_94 = vector.broadcast %and3A_93 : i32 to vector<16xi32>
    %and3A_95 = arith.andi %add3A_92, %and3A_94 : vector<16xi32>
    %broadcast_in_dim3A_96 = vector.shape_cast %and3A_95 : vector<16xi32> to vector<16x1xi32>
    %gather3A_97 = vector.shape_cast %broadcast_in_dim3A_96 : vector<16x1xi32> to vector<16xi32>
    %gather3A_98 = tpu.dynamic_gather %div3A[%gather3A_97] in [0] : vector<16xf32>, vector<16xi32> -> vector<16xf32>
    %max3A_99 = arith.maximumf %div3A, %gather3A_98 : vector<16xf32>
    %add3A_100 = arith.constant 4 : i32
    %add3A_101 = vector.broadcast %add3A_100 : i32 to vector<16xi32>
    %add3A_102 = arith.addi %iota3A, %add3A_101 : vector<16xi32>
    %and3A_103 = arith.constant 15 : i32
    %and3A_104 = vector.broadcast %and3A_103 : i32 to vector<16xi32>
    %and3A_105 = arith.andi %add3A_102, %and3A_104 : vector<16xi32>
    %broadcast_in_dim3A_106 = vector.shape_cast %and3A_105 : vector<16xi32> to vector<16x1xi32>
    %gather3A_107 = vector.shape_cast %broadcast_in_dim3A_106 : vector<16x1xi32> to vector<16xi32>
    %gather3A_108 = tpu.dynamic_gather %max3A_99[%gather3A_107] in [0] : vector<16xf32>, vector<16xi32> -> vector<16xf32>
    %max3A_109 = arith.maximumf %max3A_99, %gather3A_108 : vector<16xf32>
    %add3A_110 = arith.constant 2 : i32
    %add3A_111 = vector.broadcast %add3A_110 : i32 to vector<16xi32>
    %add3A_112 = arith.addi %iota3A, %add3A_111 : vector<16xi32>
    %and3A_113 = arith.constant 15 : i32
    %and3A_114 = vector.broadcast %and3A_113 : i32 to vector<16xi32>
    %and3A_115 = arith.andi %add3A_112, %and3A_114 : vector<16xi32>
    %broadcast_in_dim3A_116 = vector.shape_cast %and3A_115 : vector<16xi32> to vector<16x1xi32>
    %gather3A_117 = vector.shape_cast %broadcast_in_dim3A_116 : vector<16x1xi32> to vector<16xi32>
    %gather3A_118 = tpu.dynamic_gather %max3A_109[%gather3A_117] in [0] : vector<16xf32>, vector<16xi32> -> vector<16xf32>
    %max3A_119 = arith.maximumf %max3A_109, %gather3A_118 : vector<16xf32>
    %add3A_120 = arith.constant 1 : i32
    %add3A_121 = vector.broadcast %add3A_120 : i32 to vector<16xi32>
    %add3A_122 = arith.addi %iota3A, %add3A_121 : vector<16xi32>
    %and3A_123 = arith.constant 15 : i32
    %and3A_124 = vector.broadcast %and3A_123 : i32 to vector<16xi32>
    %and3A_125 = arith.andi %add3A_122, %and3A_124 : vector<16xi32>
    %broadcast_in_dim3A_126 = vector.shape_cast %and3A_125 : vector<16xi32> to vector<16x1xi32>
    %gather3A_127 = vector.shape_cast %broadcast_in_dim3A_126 : vector<16x1xi32> to vector<16xi32>
    %gather3A_128 = tpu.dynamic_gather %max3A_119[%gather3A_127] in [0] : vector<16xf32>, vector<16xi32> -> vector<16xf32>
    %max3A_129 = arith.maximumf %max3A_119, %gather3A_128 : vector<16xf32>
    %eq3A = arith.cmpf oeq, %div3A, %max3A_129 : vector<16xf32>
    %jit3A_130 = arith.constant 8 : i32
    %broadcast_in_dim3A_131 = vector.broadcast %jit3A_130 : i32 to vector<16xi32>
    %select_n3A_132 = arith.select %eq3A, %iota3A, %broadcast_in_dim3A_131 : vector<16xi1>, vector<16xi32>
    %add3A_133 = arith.constant 8 : i32
    %add3A_134 = vector.broadcast %add3A_133 : i32 to vector<16xi32>
    %add3A_135 = arith.addi %iota3A, %add3A_134 : vector<16xi32>
    %and3A_136 = arith.constant 15 : i32
    %and3A_137 = vector.broadcast %and3A_136 : i32 to vector<16xi32>
    %and3A_138 = arith.andi %add3A_135, %and3A_137 : vector<16xi32>
    %broadcast_in_dim3A_139 = vector.shape_cast %and3A_138 : vector<16xi32> to vector<16x1xi32>
    %gather3A_140 = vector.shape_cast %broadcast_in_dim3A_139 : vector<16x1xi32> to vector<16xi32>
    %gather3A_141 = tpu.dynamic_gather %select_n3A_132[%gather3A_140] in [0] : vector<16xi32>, vector<16xi32> -> vector<16xi32>
    %min3A = arith.minsi %select_n3A_132, %gather3A_141 : vector<16xi32>
    %add3A_142 = arith.constant 4 : i32
    %add3A_143 = vector.broadcast %add3A_142 : i32 to vector<16xi32>
    %add3A_144 = arith.addi %iota3A, %add3A_143 : vector<16xi32>
    %and3A_145 = arith.constant 15 : i32
    %and3A_146 = vector.broadcast %and3A_145 : i32 to vector<16xi32>
    %and3A_147 = arith.andi %add3A_144, %and3A_146 : vector<16xi32>
    %broadcast_in_dim3A_148 = vector.shape_cast %and3A_147 : vector<16xi32> to vector<16x1xi32>
    %gather3A_149 = vector.shape_cast %broadcast_in_dim3A_148 : vector<16x1xi32> to vector<16xi32>
    %gather3A_150 = tpu.dynamic_gather %min3A[%gather3A_149] in [0] : vector<16xi32>, vector<16xi32> -> vector<16xi32>
    %min3A_151 = arith.minsi %min3A, %gather3A_150 : vector<16xi32>
    %add3A_152 = arith.constant 2 : i32
    %add3A_153 = vector.broadcast %add3A_152 : i32 to vector<16xi32>
    %add3A_154 = arith.addi %iota3A, %add3A_153 : vector<16xi32>
    %and3A_155 = arith.constant 15 : i32
    %and3A_156 = vector.broadcast %and3A_155 : i32 to vector<16xi32>
    %and3A_157 = arith.andi %add3A_154, %and3A_156 : vector<16xi32>
    %broadcast_in_dim3A_158 = vector.shape_cast %and3A_157 : vector<16xi32> to vector<16x1xi32>
    %gather3A_159 = vector.shape_cast %broadcast_in_dim3A_158 : vector<16x1xi32> to vector<16xi32>
    %gather3A_160 = tpu.dynamic_gather %min3A_151[%gather3A_159] in [0] : vector<16xi32>, vector<16xi32> -> vector<16xi32>
    %min3A_161 = arith.minsi %min3A_151, %gather3A_160 : vector<16xi32>
    %add3A_162 = arith.constant 1 : i32
    %add3A_163 = vector.broadcast %add3A_162 : i32 to vector<16xi32>
    %add3A_164 = arith.addi %iota3A, %add3A_163 : vector<16xi32>
    %and3A_165 = arith.constant 15 : i32
    %and3A_166 = vector.broadcast %and3A_165 : i32 to vector<16xi32>
    %and3A_167 = arith.andi %add3A_164, %and3A_166 : vector<16xi32>
    %broadcast_in_dim3A_168 = vector.shape_cast %and3A_167 : vector<16xi32> to vector<16x1xi32>
    %gather3A_169 = vector.shape_cast %broadcast_in_dim3A_168 : vector<16x1xi32> to vector<16xi32>
    %gather3A_170 = tpu.dynamic_gather %min3A_161[%gather3A_169] in [0] : vector<16xi32>, vector<16xi32> -> vector<16xi32>
    %min3A_171 = arith.minsi %min3A_161, %gather3A_170 : vector<16xi32>
    %eq3A_172 = arith.cmpi eq, %iota3A, %min3A_171 : vector<16xi32>
    %jit3A_173 = arith.constant 0xFF800000 : f32
    %broadcast_in_dim3A_174 = vector.broadcast %jit3A_173 : f32 to vector<16xf32>
    %select_n3A_175 = arith.select %lt3A_2, %div3A, %broadcast_in_dim3A_174 : vector<16xi1>, vector<16xf32>
    %jit3A_176 = arith.constant 0xFF800000 : f32
    %broadcast_in_dim3A_177 = vector.broadcast %jit3A_176 : f32 to vector<16xf32>
    %select_n3A_178 = arith.select %eq3A_172, %broadcast_in_dim3A_177, %select_n3A_175 : vector<16xi1>, vector<16xf32>
    %add3A_179 = arith.constant 8 : i32
    %add3A_180 = vector.broadcast %add3A_179 : i32 to vector<16xi32>
    %add3A_181 = arith.addi %iota3A, %add3A_180 : vector<16xi32>
    %and3A_182 = arith.constant 15 : i32
    %and3A_183 = vector.broadcast %and3A_182 : i32 to vector<16xi32>
    %and3A_184 = arith.andi %add3A_181, %and3A_183 : vector<16xi32>
    %broadcast_in_dim3A_185 = vector.shape_cast %and3A_184 : vector<16xi32> to vector<16x1xi32>
    %gather3A_186 = vector.shape_cast %broadcast_in_dim3A_185 : vector<16x1xi32> to vector<16xi32>
    %gather3A_187 = tpu.dynamic_gather %select_n3A_178[%gather3A_186] in [0] : vector<16xf32>, vector<16xi32> -> vector<16xf32>
    %max3A_188 = arith.maximumf %select_n3A_178, %gather3A_187 : vector<16xf32>
    %add3A_189 = arith.constant 4 : i32
    %add3A_190 = vector.broadcast %add3A_189 : i32 to vector<16xi32>
    %add3A_191 = arith.addi %iota3A, %add3A_190 : vector<16xi32>
    %and3A_192 = arith.constant 15 : i32
    %and3A_193 = vector.broadcast %and3A_192 : i32 to vector<16xi32>
    %and3A_194 = arith.andi %add3A_191, %and3A_193 : vector<16xi32>
    %broadcast_in_dim3A_195 = vector.shape_cast %and3A_194 : vector<16xi32> to vector<16x1xi32>
    %gather3A_196 = vector.shape_cast %broadcast_in_dim3A_195 : vector<16x1xi32> to vector<16xi32>
    %gather3A_197 = tpu.dynamic_gather %max3A_188[%gather3A_196] in [0] : vector<16xf32>, vector<16xi32> -> vector<16xf32>
    %max3A_198 = arith.maximumf %max3A_188, %gather3A_197 : vector<16xf32>
    %add3A_199 = arith.constant 2 : i32
    %add3A_200 = vector.broadcast %add3A_199 : i32 to vector<16xi32>
    %add3A_201 = arith.addi %iota3A, %add3A_200 : vector<16xi32>
    %and3A_202 = arith.constant 15 : i32
    %and3A_203 = vector.broadcast %and3A_202 : i32 to vector<16xi32>
    %and3A_204 = arith.andi %add3A_201, %and3A_203 : vector<16xi32>
    %broadcast_in_dim3A_205 = vector.shape_cast %and3A_204 : vector<16xi32> to vector<16x1xi32>
    %gather3A_206 = vector.shape_cast %broadcast_in_dim3A_205 : vector<16x1xi32> to vector<16xi32>
    %gather3A_207 = tpu.dynamic_gather %max3A_198[%gather3A_206] in [0] : vector<16xf32>, vector<16xi32> -> vector<16xf32>
    %max3A_208 = arith.maximumf %max3A_198, %gather3A_207 : vector<16xf32>
    %add3A_209 = arith.constant 1 : i32
    %add3A_210 = vector.broadcast %add3A_209 : i32 to vector<16xi32>
    %add3A_211 = arith.addi %iota3A, %add3A_210 : vector<16xi32>
    %and3A_212 = arith.constant 15 : i32
    %and3A_213 = vector.broadcast %and3A_212 : i32 to vector<16xi32>
    %and3A_214 = arith.andi %add3A_211, %and3A_213 : vector<16xi32>
    %broadcast_in_dim3A_215 = vector.shape_cast %and3A_214 : vector<16xi32> to vector<16x1xi32>
    %gather3A_216 = vector.shape_cast %broadcast_in_dim3A_215 : vector<16x1xi32> to vector<16xi32>
    %gather3A_217 = tpu.dynamic_gather %max3A_208[%gather3A_216] in [0] : vector<16xf32>, vector<16xi32> -> vector<16xf32>
    %max3A_218 = arith.maximumf %max3A_208, %gather3A_217 : vector<16xf32>
    %eq3A_219 = arith.cmpf oeq, %select_n3A_178, %max3A_218 : vector<16xf32>
    %jit3A_220 = arith.constant 8 : i32
    %broadcast_in_dim3A_221 = vector.broadcast %jit3A_220 : i32 to vector<16xi32>
    %select_n3A_222 = arith.select %eq3A_219, %iota3A, %broadcast_in_dim3A_221 : vector<16xi1>, vector<16xi32>
    %add3A_223 = arith.constant 8 : i32
    %add3A_224 = vector.broadcast %add3A_223 : i32 to vector<16xi32>
    %add3A_225 = arith.addi %iota3A, %add3A_224 : vector<16xi32>
    %and3A_226 = arith.constant 15 : i32
    %and3A_227 = vector.broadcast %and3A_226 : i32 to vector<16xi32>
    %and3A_228 = arith.andi %add3A_225, %and3A_227 : vector<16xi32>
    %broadcast_in_dim3A_229 = vector.shape_cast %and3A_228 : vector<16xi32> to vector<16x1xi32>
    %gather3A_230 = vector.shape_cast %broadcast_in_dim3A_229 : vector<16x1xi32> to vector<16xi32>
    %gather3A_231 = tpu.dynamic_gather %select_n3A_222[%gather3A_230] in [0] : vector<16xi32>, vector<16xi32> -> vector<16xi32>
    %min3A_232 = arith.minsi %select_n3A_222, %gather3A_231 : vector<16xi32>
    %add3A_233 = arith.constant 4 : i32
    %add3A_234 = vector.broadcast %add3A_233 : i32 to vector<16xi32>
    %add3A_235 = arith.addi %iota3A, %add3A_234 : vector<16xi32>
    %and3A_236 = arith.constant 15 : i32
    %and3A_237 = vector.broadcast %and3A_236 : i32 to vector<16xi32>
    %and3A_238 = arith.andi %add3A_235, %and3A_237 : vector<16xi32>
    %broadcast_in_dim3A_239 = vector.shape_cast %and3A_238 : vector<16xi32> to vector<16x1xi32>
    %gather3A_240 = vector.shape_cast %broadcast_in_dim3A_239 : vector<16x1xi32> to vector<16xi32>
    %gather3A_241 = tpu.dynamic_gather %min3A_232[%gather3A_240] in [0] : vector<16xi32>, vector<16xi32> -> vector<16xi32>
    %min3A_242 = arith.minsi %min3A_232, %gather3A_241 : vector<16xi32>
    %add3A_243 = arith.constant 2 : i32
    %add3A_244 = vector.broadcast %add3A_243 : i32 to vector<16xi32>
    %add3A_245 = arith.addi %iota3A, %add3A_244 : vector<16xi32>
    %and3A_246 = arith.constant 15 : i32
    %and3A_247 = vector.broadcast %and3A_246 : i32 to vector<16xi32>
    %and3A_248 = arith.andi %add3A_245, %and3A_247 : vector<16xi32>
    %broadcast_in_dim3A_249 = vector.shape_cast %and3A_248 : vector<16xi32> to vector<16x1xi32>
    %gather3A_250 = vector.shape_cast %broadcast_in_dim3A_249 : vector<16x1xi32> to vector<16xi32>
    %gather3A_251 = tpu.dynamic_gather %min3A_242[%gather3A_250] in [0] : vector<16xi32>, vector<16xi32> -> vector<16xi32>
    %min3A_252 = arith.minsi %min3A_242, %gather3A_251 : vector<16xi32>
    %add3A_253 = arith.constant 1 : i32
    %add3A_254 = vector.broadcast %add3A_253 : i32 to vector<16xi32>
    %add3A_255 = arith.addi %iota3A, %add3A_254 : vector<16xi32>
    %and3A_256 = arith.constant 15 : i32
    %and3A_257 = vector.broadcast %and3A_256 : i32 to vector<16xi32>
    %and3A_258 = arith.andi %add3A_255, %and3A_257 : vector<16xi32>
    %broadcast_in_dim3A_259 = vector.shape_cast %and3A_258 : vector<16xi32> to vector<16x1xi32>
    %gather3A_260 = vector.shape_cast %broadcast_in_dim3A_259 : vector<16x1xi32> to vector<16xi32>
    %gather3A_261 = tpu.dynamic_gather %min3A_252[%gather3A_260] in [0] : vector<16xi32>, vector<16xi32> -> vector<16xi32>
    %min3A_262 = arith.minsi %min3A_252, %gather3A_261 : vector<16xi32>
    %add3A_263 = arith.addf %max3A_129, %max3A_218 : vector<16xf32>
    %add3A_264 = arith.constant 9.99999997E-7 : f32
    %add3A_265 = vector.broadcast %add3A_264 : f32 to vector<16xf32>
    %add3A_266 = arith.addf %add3A_263, %add3A_265 : vector<16xf32>
    %eq3A_267 = arith.cmpi eq, %iota3A, %min3A_171 : vector<16xi32>
    %jit3A_268 = arith.constant 0.000000e+00 : f32
    %broadcast_in_dim3A_269 = vector.broadcast %jit3A_268 : f32 to vector<16xf32>
    %select_n3A_270 = arith.select %eq3A_267, %max3A_129, %broadcast_in_dim3A_269 : vector<16xi1>, vector<16xf32>
    %eq3A_271 = arith.cmpi eq, %iota3A, %min3A_262 : vector<16xi32>
    %jit3A_272 = arith.constant 0.000000e+00 : f32
    %broadcast_in_dim3A_273 = vector.broadcast %jit3A_272 : f32 to vector<16xf32>
    %select_n3A_274 = arith.select %eq3A_271, %max3A_218, %broadcast_in_dim3A_273 : vector<16xi1>, vector<16xf32>
    %add3A_275 = arith.addf %select_n3A_270, %select_n3A_274 : vector<16xf32>
    %div3A_276 = arith.divf %add3A_275, %add3A_266 : vector<16xf32>
    %broadcast_in_dim3A_277 = arith.constant 0.000000e+00 : f32
    %broadcast_in_dim3A_278 = vector.broadcast %broadcast_in_dim3A_277 : f32 to vector<16xf32>
    %scan3A_279 = arith.constant 0 : i32
    %scan3A_280 = arith.constant 6 : i32
    %scan3A_281 = arith.addi %scan3A_279, %scan3A_280 : i32
    %scan3A_282 = arith.constant 1 : i32
    %scan3A_283 = scf.for %scan3A_1230 = %scan3A_279 to %scan3A_281 step %scan3A_282 iter_args(%scan3A_1231 = %broadcast_in_dim3A_278) -> (vector<16xf32>)  : i32 {
      %mul3A_1232 = arith.constant 16 : i32
      %mul3A_1233 = arith.muli %scan3A_1230, %mul3A_1232 : i32
      %get3A = arith.constant 1 : i32
      %get3A_1234 = arith.index_cast %get3A : i32 to index
      %get3A_1235 = arith.index_cast %mul3A_1233 : i32 to index
      %get3A_1236 = tpu.vector_load %arg7[%get3A_1234, %get3A_1235] {strides = array<i32>} : memref<4x96xf32, #tpu.memory_space<vmem>>, vector<1x16xf32>,
      %get3A_1237 = vector.shape_cast %get3A_1236 : vector<1x16xf32> to vector<16xf32>
      %slice3A_1238 = vector.extract_strided_slice %get3A_1237 {offsets = [0], sizes = [1], strides = [1]} : vector<16xf32> to vector<1xf32>
      %squeeze3A_1239 = vector.extract %slice3A_1238[0] : f32 from vector<1xf32>
      %mul3A_1240 = arith.constant 16 : i32
      %mul3A_1241 = arith.muli %scan3A_1230, %mul3A_1240 : i32
      %add3A_1242 = arith.constant 0 : i32
      %add3A_1243 = arith.addi %mul3A_1241, %add3A_1242 : i32
      %get3A_1244 = arith.index_cast %add3A_1243 : i32 to index
      %get3A_1245 = arith.constant 0 : index
      %get3A_1246 = tpu.vector_load %arg8[%get3A_1244, %get3A_1245] {strides = array<i32>} : memref<96x16xf32, #tpu.memory_space<vmem>>, vector<1x16xf32>,
      %get3A_1247 = vector.shape_cast %get3A_1246 : vector<1x16xf32> to vector<16xf32>
      %mul3A_1248 = vector.broadcast %squeeze3A_1239 : f32 to vector<16xf32>
      %mul3A_1249 = arith.mulf %mul3A_1248, %get3A_1247 : vector<16xf32>
      %add3A_1250 = arith.addf %scan3A_1231, %mul3A_1249 : vector<16xf32>
      %slice3A_1251 = vector.extract_strided_slice %get3A_1237 {offsets = [1], sizes = [1], strides = [1]} : vector<16xf32> to vector<1xf32>
      %squeeze3A_1252 = vector.extract %slice3A_1251[0] : f32 from vector<1xf32>
      %mul3A_1253 = arith.constant 16 : i32
      %mul3A_1254 = arith.muli %scan3A_1230, %mul3A_1253 : i32
      %add3A_1255 = arith.constant 1 : i32
      %add3A_1256 = arith.addi %mul3A_1254, %add3A_1255 : i32
      %get3A_1257 = arith.index_cast %add3A_1256 : i32 to index
      %get3A_1258 = arith.constant 0 : index
      %get3A_1259 = tpu.vector_load %arg8[%get3A_1257, %get3A_1258] {strides = array<i32>} : memref<96x16xf32, #tpu.memory_space<vmem>>, vector<1x16xf32>,
      %get3A_1260 = vector.shape_cast %get3A_1259 : vector<1x16xf32> to vector<16xf32>
      %mul3A_1261 = vector.broadcast %squeeze3A_1252 : f32 to vector<16xf32>
      %mul3A_1262 = arith.mulf %mul3A_1261, %get3A_1260 : vector<16xf32>
      %add3A_1263 = arith.addf %add3A_1250, %mul3A_1262 : vector<16xf32>
      %slice3A_1264 = vector.extract_strided_slice %get3A_1237 {offsets = [2], sizes = [1], strides = [1]} : vector<16xf32> to vector<1xf32>
      %squeeze3A_1265 = vector.extract %slice3A_1264[0] : f32 from vector<1xf32>
      %mul3A_1266 = arith.constant 16 : i32
      %mul3A_1267 = arith.muli %scan3A_1230, %mul3A_1266 : i32
      %add3A_1268 = arith.constant 2 : i32
      %add3A_1269 = arith.addi %mul3A_1267, %add3A_1268 : i32
      %get3A_1270 = arith.index_cast %add3A_1269 : i32 to index
      %get3A_1271 = arith.constant 0 : index
      %get3A_1272 = tpu.vector_load %arg8[%get3A_1270, %get3A_1271] {strides = array<i32>} : memref<96x16xf32, #tpu.memory_space<vmem>>, vector<1x16xf32>,
      %get3A_1273 = vector.shape_cast %get3A_1272 : vector<1x16xf32> to vector<16xf32>
      %mul3A_1274 = vector.broadcast %squeeze3A_1265 : f32 to vector<16xf32>
      %mul3A_1275 = arith.mulf %mul3A_1274, %get3A_1273 : vector<16xf32>
      %add3A_1276 = arith.addf %add3A_1263, %mul3A_1275 : vector<16xf32>
      %slice3A_1277 = vector.extract_strided_slice %get3A_1237 {offsets = [3], sizes = [1], strides = [1]} : vector<16xf32> to vector<1xf32>
      %squeeze3A_1278 = vector.extract %slice3A_1277[0] : f32 from vector<1xf32>
      %mul3A_1279 = arith.constant 16 : i32
      %mul3A_1280 = arith.muli %scan3A_1230, %mul3A_1279 : i32
      %add3A_1281 = arith.constant 3 : i32
      %add3A_1282 = arith.addi %mul3A_1280, %add3A_1281 : i32
      %get3A_1283 = arith.index_cast %add3A_1282 : i32 to index
      %get3A_1284 = arith.constant 0 : index
      %get3A_1285 = tpu.vector_load %arg8[%get3A_1283, %get3A_1284] {strides = array<i32>} : memref<96x16xf32, #tpu.memory_space<vmem>>, vector<1x16xf32>,
      %get3A_1286 = vector.shape_cast %get3A_1285 : vector<1x16xf32> to vector<16xf32>
      %mul3A_1287 = vector.broadcast %squeeze3A_1278 : f32 to vector<16xf32>
      %mul3A_1288 = arith.mulf %mul3A_1287, %get3A_1286 : vector<16xf32>
      %add3A_1289 = arith.addf %add3A_1276, %mul3A_1288 : vector<16xf32>
      %slice3A_1290 = vector.extract_strided_slice %get3A_1237 {offsets = [4], sizes = [1], strides = [1]} : vector<16xf32> to vector<1xf32>
      %squeeze3A_1291 = vector.extract %slice3A_1290[0] : f32 from vector<1xf32>
      %mul3A_1292 = arith.constant 16 : i32
      %mul3A_1293 = arith.muli %scan3A_1230, %mul3A_1292 : i32
      %add3A_1294 = arith.constant 4 : i32
      %add3A_1295 = arith.addi %mul3A_1293, %add3A_1294 : i32
      %get3A_1296 = arith.index_cast %add3A_1295 : i32 to index
      %get3A_1297 = arith.constant 0 : index
      %get3A_1298 = tpu.vector_load %arg8[%get3A_1296, %get3A_1297] {strides = array<i32>} : memref<96x16xf32, #tpu.memory_space<vmem>>, vector<1x16xf32>,
      %get3A_1299 = vector.shape_cast %get3A_1298 : vector<1x16xf32> to vector<16xf32>
      %mul3A_1300 = vector.broadcast %squeeze3A_1291 : f32 to vector<16xf32>
      %mul3A_1301 = arith.mulf %mul3A_1300, %get3A_1299 : vector<16xf32>
      %add3A_1302 = arith.addf %add3A_1289, %mul3A_1301 : vector<16xf32>
      %slice3A_1303 = vector.extract_strided_slice %get3A_1237 {offsets = [5], sizes = [1], strides = [1]} : vector<16xf32> to vector<1xf32>
      %squeeze3A_1304 = vector.extract %slice3A_1303[0] : f32 from vector<1xf32>
      %mul3A_1305 = arith.constant 16 : i32
      %mul3A_1306 = arith.muli %scan3A_1230, %mul3A_1305 : i32
      %add3A_1307 = arith.constant 5 : i32
      %add3A_1308 = arith.addi %mul3A_1306, %add3A_1307 : i32
      %get3A_1309 = arith.index_cast %add3A_1308 : i32 to index
      %get3A_1310 = arith.constant 0 : index
      %get3A_1311 = tpu.vector_load %arg8[%get3A_1309, %get3A_1310] {strides = array<i32>} : memref<96x16xf32, #tpu.memory_space<vmem>>, vector<1x16xf32>,
      %get3A_1312 = vector.shape_cast %get3A_1311 : vector<1x16xf32> to vector<16xf32>
      %mul3A_1313 = vector.broadcast %squeeze3A_1304 : f32 to vector<16xf32>
      %mul3A_1314 = arith.mulf %mul3A_1313, %get3A_1312 : vector<16xf32>
      %add3A_1315 = arith.addf %add3A_1302, %mul3A_1314 : vector<16xf32>
      %slice3A_1316 = vector.extract_strided_slice %get3A_1237 {offsets = [6], sizes = [1], strides = [1]} : vector<16xf32> to vector<1xf32>
      %squeeze3A_1317 = vector.extract %slice3A_1316[0] : f32 from vector<1xf32>
      %mul3A_1318 = arith.constant 16 : i32
      %mul3A_1319 = arith.muli %scan3A_1230, %mul3A_1318 : i32
      %add3A_1320 = arith.constant 6 : i32
      %add3A_1321 = arith.addi %mul3A_1319, %add3A_1320 : i32
      %get3A_1322 = arith.index_cast %add3A_1321 : i32 to index
      %get3A_1323 = arith.constant 0 : index
      %get3A_1324 = tpu.vector_load %arg8[%get3A_1322, %get3A_1323] {strides = array<i32>} : memref<96x16xf32, #tpu.memory_space<vmem>>, vector<1x16xf32>,
      %get3A_1325 = vector.shape_cast %get3A_1324 : vector<1x16xf32> to vector<16xf32>
      %mul3A_1326 = vector.broadcast %squeeze3A_1317 : f32 to vector<16xf32>
      %mul3A_1327 = arith.mulf %mul3A_1326, %get3A_1325 : vector<16xf32>
      %add3A_1328 = arith.addf %add3A_1315, %mul3A_1327 : vector<16xf32>
      %slice3A_1329 = vector.extract_strided_slice %get3A_1237 {offsets = [7], sizes = [1], strides = [1]} : vector<16xf32> to vector<1xf32>
      %squeeze3A_1330 = vector.extract %slice3A_1329[0] : f32 from vector<1xf32>
      %mul3A_1331 = arith.constant 16 : i32
      %mul3A_1332 = arith.muli %scan3A_1230, %mul3A_1331 : i32
      %add3A_1333 = arith.constant 7 : i32
      %add3A_1334 = arith.addi %mul3A_1332, %add3A_1333 : i32
      %get3A_1335 = arith.index_cast %add3A_1334 : i32 to index
      %get3A_1336 = arith.constant 0 : index
      %get3A_1337 = tpu.vector_load %arg8[%get3A_1335, %get3A_1336] {strides = array<i32>} : memref<96x16xf32, #tpu.memory_space<vmem>>, vector<1x16xf32>,
      %get3A_1338 = vector.shape_cast %get3A_1337 : vector<1x16xf32> to vector<16xf32>
      %mul3A_1339 = vector.broadcast %squeeze3A_1330 : f32 to vector<16xf32>
      %mul3A_1340 = arith.mulf %mul3A_1339, %get3A_1338 : vector<16xf32>
      %add3A_1341 = arith.addf %add3A_1328, %mul3A_1340 : vector<16xf32>
      %slice3A_1342 = vector.extract_strided_slice %get3A_1237 {offsets = [8], sizes = [1], strides = [1]} : vector<16xf32> to vector<1xf32>
      %squeeze3A_1343 = vector.extract %slice3A_1342[0] : f32 from vector<1xf32>
      %mul3A_1344 = arith.constant 16 : i32
      %mul3A_1345 = arith.muli %scan3A_1230, %mul3A_1344 : i32
      %add3A_1346 = arith.constant 8 : i32
      %add3A_1347 = arith.addi %mul3A_1345, %add3A_1346 : i32
      %get3A_1348 = arith.index_cast %add3A_1347 : i32 to index
      %get3A_1349 = arith.constant 0 : index
      %get3A_1350 = tpu.vector_load %arg8[%get3A_1348, %get3A_1349] {strides = array<i32>} : memref<96x16xf32, #tpu.memory_space<vmem>>, vector<1x16xf32>,
      %get3A_1351 = vector.shape_cast %get3A_1350 : vector<1x16xf32> to vector<16xf32>
      %mul3A_1352 = vector.broadcast %squeeze3A_1343 : f32 to vector<16xf32>
      %mul3A_1353 = arith.mulf %mul3A_1352, %get3A_1351 : vector<16xf32>
      %add3A_1354 = arith.addf %add3A_1341, %mul3A_1353 : vector<16xf32>
      %slice3A_1355 = vector.extract_strided_slice %get3A_1237 {offsets = [9], sizes = [1], strides = [1]} : vector<16xf32> to vector<1xf32>
      %squeeze3A_1356 = vector.extract %slice3A_1355[0] : f32 from vector<1xf32>
      %mul3A_1357 = arith.constant 16 : i32
      %mul3A_1358 = arith.muli %scan3A_1230, %mul3A_1357 : i32
      %add3A_1359 = arith.constant 9 : i32
      %add3A_1360 = arith.addi %mul3A_1358, %add3A_1359 : i32
      %get3A_1361 = arith.index_cast %add3A_1360 : i32 to index
      %get3A_1362 = arith.constant 0 : index
      %get3A_1363 = tpu.vector_load %arg8[%get3A_1361, %get3A_1362] {strides = array<i32>} : memref<96x16xf32, #tpu.memory_space<vmem>>, vector<1x16xf32>,
      %get3A_1364 = vector.shape_cast %get3A_1363 : vector<1x16xf32> to vector<16xf32>
      %mul3A_1365 = vector.broadcast %squeeze3A_1356 : f32 to vector<16xf32>
      %mul3A_1366 = arith.mulf %mul3A_1365, %get3A_1364 : vector<16xf32>
      %add3A_1367 = arith.addf %add3A_1354, %mul3A_1366 : vector<16xf32>
      %slice3A_1368 = vector.extract_strided_slice %get3A_1237 {offsets = [10], sizes = [1], strides = [1]} : vector<16xf32> to vector<1xf32>
      %squeeze3A_1369 = vector.extract %slice3A_1368[0] : f32 from vector<1xf32>
      %mul3A_1370 = arith.constant 16 : i32
      %mul3A_1371 = arith.muli %scan3A_1230, %mul3A_1370 : i32
      %add3A_1372 = arith.constant 10 : i32
      %add3A_1373 = arith.addi %mul3A_1371, %add3A_1372 : i32
      %get3A_1374 = arith.index_cast %add3A_1373 : i32 to index
      %get3A_1375 = arith.constant 0 : index
      %get3A_1376 = tpu.vector_load %arg8[%get3A_1374, %get3A_1375] {strides = array<i32>} : memref<96x16xf32, #tpu.memory_space<vmem>>, vector<1x16xf32>,
      %get3A_1377 = vector.shape_cast %get3A_1376 : vector<1x16xf32> to vector<16xf32>
      %mul3A_1378 = vector.broadcast %squeeze3A_1369 : f32 to vector<16xf32>
      %mul3A_1379 = arith.mulf %mul3A_1378, %get3A_1377 : vector<16xf32>
      %add3A_1380 = arith.addf %add3A_1367, %mul3A_1379 : vector<16xf32>
      %slice3A_1381 = vector.extract_strided_slice %get3A_1237 {offsets = [11], sizes = [1], strides = [1]} : vector<16xf32> to vector<1xf32>
      %squeeze3A_1382 = vector.extract %slice3A_1381[0] : f32 from vector<1xf32>
      %mul3A_1383 = arith.constant 16 : i32
      %mul3A_1384 = arith.muli %scan3A_1230, %mul3A_1383 : i32
      %add3A_1385 = arith.constant 11 : i32
      %add3A_1386 = arith.addi %mul3A_1384, %add3A_1385 : i32
      %get3A_1387 = arith.index_cast %add3A_1386 : i32 to index
      %get3A_1388 = arith.constant 0 : index
      %get3A_1389 = tpu.vector_load %arg8[%get3A_1387, %get3A_1388] {strides = array<i32>} : memref<96x16xf32, #tpu.memory_space<vmem>>, vector<1x16xf32>,
      %get3A_1390 = vector.shape_cast %get3A_1389 : vector<1x16xf32> to vector<16xf32>
      %mul3A_1391 = vector.broadcast %squeeze3A_1382 : f32 to vector<16xf32>
      %mul3A_1392 = arith.mulf %mul3A_1391, %get3A_1390 : vector<16xf32>
      %add3A_1393 = arith.addf %add3A_1380, %mul3A_1392 : vector<16xf32>
      %slice3A_1394 = vector.extract_strided_slice %get3A_1237 {offsets = [12], sizes = [1], strides = [1]} : vector<16xf32> to vector<1xf32>
      %squeeze3A_1395 = vector.extract %slice3A_1394[0] : f32 from vector<1xf32>
      %mul3A_1396 = arith.constant 16 : i32
      %mul3A_1397 = arith.muli %scan3A_1230, %mul3A_1396 : i32
      %add3A_1398 = arith.constant 12 : i32
      %add3A_1399 = arith.addi %mul3A_1397, %add3A_1398 : i32
      %get3A_1400 = arith.index_cast %add3A_1399 : i32 to index
      %get3A_1401 = arith.constant 0 : index
      %get3A_1402 = tpu.vector_load %arg8[%get3A_1400, %get3A_1401] {strides = array<i32>} : memref<96x16xf32, #tpu.memory_space<vmem>>, vector<1x16xf32>,
      %get3A_1403 = vector.shape_cast %get3A_1402 : vector<1x16xf32> to vector<16xf32>
      %mul3A_1404 = vector.broadcast %squeeze3A_1395 : f32 to vector<16xf32>
      %mul3A_1405 = arith.mulf %mul3A_1404, %get3A_1403 : vector<16xf32>
      %add3A_1406 = arith.addf %add3A_1393, %mul3A_1405 : vector<16xf32>
      %slice3A_1407 = vector.extract_strided_slice %get3A_1237 {offsets = [13], sizes = [1], strides = [1]} : vector<16xf32> to vector<1xf32>
      %squeeze3A_1408 = vector.extract %slice3A_1407[0] : f32 from vector<1xf32>
      %mul3A_1409 = arith.constant 16 : i32
      %mul3A_1410 = arith.muli %scan3A_1230, %mul3A_1409 : i32
      %add3A_1411 = arith.constant 13 : i32
      %add3A_1412 = arith.addi %mul3A_1410, %add3A_1411 : i32
      %get3A_1413 = arith.index_cast %add3A_1412 : i32 to index
      %get3A_1414 = arith.constant 0 : index
      %get3A_1415 = tpu.vector_load %arg8[%get3A_1413, %get3A_1414] {strides = array<i32>} : memref<96x16xf32, #tpu.memory_space<vmem>>, vector<1x16xf32>,
      %get3A_1416 = vector.shape_cast %get3A_1415 : vector<1x16xf32> to vector<16xf32>
      %mul3A_1417 = vector.broadcast %squeeze3A_1408 : f32 to vector<16xf32>
      %mul3A_1418 = arith.mulf %mul3A_1417, %get3A_1416 : vector<16xf32>
      %add3A_1419 = arith.addf %add3A_1406, %mul3A_1418 : vector<16xf32>
      %slice3A_1420 = vector.extract_strided_slice %get3A_1237 {offsets = [14], sizes = [1], strides = [1]} : vector<16xf32> to vector<1xf32>
      %squeeze3A_1421 = vector.extract %slice3A_1420[0] : f32 from vector<1xf32>
      %mul3A_1422 = arith.constant 16 : i32
      %mul3A_1423 = arith.muli %scan3A_1230, %mul3A_1422 : i32
      %add3A_1424 = arith.constant 14 : i32
      %add3A_1425 = arith.addi %mul3A_1423, %add3A_1424 : i32
      %get3A_1426 = arith.index_cast %add3A_1425 : i32 to index
      %get3A_1427 = arith.constant 0 : index
      %get3A_1428 = tpu.vector_load %arg8[%get3A_1426, %get3A_1427] {strides = array<i32>} : memref<96x16xf32, #tpu.memory_space<vmem>>, vector<1x16xf32>,
      %get3A_1429 = vector.shape_cast %get3A_1428 : vector<1x16xf32> to vector<16xf32>
      %mul3A_1430 = vector.broadcast %squeeze3A_1421 : f32 to vector<16xf32>
      %mul3A_1431 = arith.mulf %mul3A_1430, %get3A_1429 : vector<16xf32>
      %add3A_1432 = arith.addf %add3A_1419, %mul3A_1431 : vector<16xf32>
      %slice3A_1433 = vector.extract_strided_slice %get3A_1237 {offsets = [15], sizes = [1], strides = [1]} : vector<16xf32> to vector<1xf32>
      %squeeze3A_1434 = vector.extract %slice3A_1433[0] : f32 from vector<1xf32>
      %mul3A_1435 = arith.constant 16 : i32
      %mul3A_1436 = arith.muli %scan3A_1230, %mul3A_1435 : i32
      %add3A_1437 = arith.constant 15 : i32
      %add3A_1438 = arith.addi %mul3A_1436, %add3A_1437 : i32
      %get3A_1439 = arith.index_cast %add3A_1438 : i32 to index
      %get3A_1440 = arith.constant 0 : index
      %get3A_1441 = tpu.vector_load %arg8[%get3A_1439, %get3A_1440] {strides = array<i32>} : memref<96x16xf32, #tpu.memory_space<vmem>>, vector<1x16xf32>,
      %get3A_1442 = vector.shape_cast %get3A_1441 : vector<1x16xf32> to vector<16xf32>
      %mul3A_1443 = vector.broadcast %squeeze3A_1434 : f32 to vector<16xf32>
      %mul3A_1444 = arith.mulf %mul3A_1443, %get3A_1442 : vector<16xf32>
      %add3A_1445 = arith.addf %add3A_1432, %mul3A_1444 : vector<16xf32>
      scf.yield %add3A_1445 : vector<16xf32>
    }
    %scan3A_284 = arith.constant 6 : i32
    %jit3A_285 = arith.constant 0xFF800000 : f32
    %broadcast_in_dim3A_286 = vector.broadcast %jit3A_285 : f32 to vector<16xf32>
    %select_n3A_287 = arith.select %lt3A_2, %scan3A_283, %broadcast_in_dim3A_286 : vector<16xi1>, vector<16xf32>
    %add3A_288 = arith.constant 8 : i32
    %add3A_289 = vector.broadcast %add3A_288 : i32 to vector<16xi32>
    %add3A_290 = arith.addi %iota3A, %add3A_289 : vector<16xi32>
    %and3A_291 = arith.constant 15 : i32
    %and3A_292 = vector.broadcast %and3A_291 : i32 to vector<16xi32>
    %and3A_293 = arith.andi %add3A_290, %and3A_292 : vector<16xi32>
    %broadcast_in_dim3A_294 = vector.shape_cast %and3A_293 : vector<16xi32> to vector<16x1xi32>
    %gather3A_295 = vector.shape_cast %broadcast_in_dim3A_294 : vector<16x1xi32> to vector<16xi32>
    %gather3A_296 = tpu.dynamic_gather %select_n3A_287[%gather3A_295] in [0] : vector<16xf32>, vector<16xi32> -> vector<16xf32>
    %max3A_297 = arith.maximumf %select_n3A_287, %gather3A_296 : vector<16xf32>
    %add3A_298 = arith.constant 4 : i32
    %add3A_299 = vector.broadcast %add3A_298 : i32 to vector<16xi32>
    %add3A_300 = arith.addi %iota3A, %add3A_299 : vector<16xi32>
    %and3A_301 = arith.constant 15 : i32
    %and3A_302 = vector.broadcast %and3A_301 : i32 to vector<16xi32>
    %and3A_303 = arith.andi %add3A_300, %and3A_302 : vector<16xi32>
    %broadcast_in_dim3A_304 = vector.shape_cast %and3A_303 : vector<16xi32> to vector<16x1xi32>
    %gather3A_305 = vector.shape_cast %broadcast_in_dim3A_304 : vector<16x1xi32> to vector<16xi32>
    %gather3A_306 = tpu.dynamic_gather %max3A_297[%gather3A_305] in [0] : vector<16xf32>, vector<16xi32> -> vector<16xf32>
    %max3A_307 = arith.maximumf %max3A_297, %gather3A_306 : vector<16xf32>
    %add3A_308 = arith.constant 2 : i32
    %add3A_309 = vector.broadcast %add3A_308 : i32 to vector<16xi32>
    %add3A_310 = arith.addi %iota3A, %add3A_309 : vector<16xi32>
    %and3A_311 = arith.constant 15 : i32
    %and3A_312 = vector.broadcast %and3A_311 : i32 to vector<16xi32>
    %and3A_313 = arith.andi %add3A_310, %and3A_312 : vector<16xi32>
    %broadcast_in_dim3A_314 = vector.shape_cast %and3A_313 : vector<16xi32> to vector<16x1xi32>
    %gather3A_315 = vector.shape_cast %broadcast_in_dim3A_314 : vector<16x1xi32> to vector<16xi32>
    %gather3A_316 = tpu.dynamic_gather %max3A_307[%gather3A_315] in [0] : vector<16xf32>, vector<16xi32> -> vector<16xf32>
    %max3A_317 = arith.maximumf %max3A_307, %gather3A_316 : vector<16xf32>
    %add3A_318 = arith.constant 1 : i32
    %add3A_319 = vector.broadcast %add3A_318 : i32 to vector<16xi32>
    %add3A_320 = arith.addi %iota3A, %add3A_319 : vector<16xi32>
    %and3A_321 = arith.constant 15 : i32
    %and3A_322 = vector.broadcast %and3A_321 : i32 to vector<16xi32>
    %and3A_323 = arith.andi %add3A_320, %and3A_322 : vector<16xi32>
    %broadcast_in_dim3A_324 = vector.shape_cast %and3A_323 : vector<16xi32> to vector<16x1xi32>
    %gather3A_325 = vector.shape_cast %broadcast_in_dim3A_324 : vector<16x1xi32> to vector<16xi32>
    %gather3A_326 = tpu.dynamic_gather %max3A_317[%gather3A_325] in [0] : vector<16xf32>, vector<16xi32> -> vector<16xf32>
    %max3A_327 = arith.maximumf %max3A_317, %gather3A_326 : vector<16xf32>
    %sub3A_328 = arith.subf %select_n3A_287, %max3A_327 : vector<16xf32>
    %exp3A_329 = math.exp %sub3A_328 : vector<16xf32>
    %jit3A_330 = arith.constant 0.000000e+00 : f32
    %broadcast_in_dim3A_331 = vector.broadcast %jit3A_330 : f32 to vector<16xf32>
    %select_n3A_332 = arith.select %lt3A_2, %exp3A_329, %broadcast_in_dim3A_331 : vector<16xi1>, vector<16xf32>
    %add3A_333 = arith.constant 8 : i32
    %add3A_334 = vector.broadcast %add3A_333 : i32 to vector<16xi32>
    %add3A_335 = arith.addi %iota3A, %add3A_334 : vector<16xi32>
    %and3A_336 = arith.constant 15 : i32
    %and3A_337 = vector.broadcast %and3A_336 : i32 to vector<16xi32>
    %and3A_338 = arith.andi %add3A_335, %and3A_337 : vector<16xi32>
    %broadcast_in_dim3A_339 = vector.shape_cast %and3A_338 : vector<16xi32> to vector<16x1xi32>
    %gather3A_340 = vector.shape_cast %broadcast_in_dim3A_339 : vector<16x1xi32> to vector<16xi32>
    %gather3A_341 = tpu.dynamic_gather %select_n3A_332[%gather3A_340] in [0] : vector<16xf32>, vector<16xi32> -> vector<16xf32>
    %add3A_342 = arith.addf %select_n3A_332, %gather3A_341 : vector<16xf32>
    %add3A_343 = arith.constant 4 : i32
    %add3A_344 = vector.broadcast %add3A_343 : i32 to vector<16xi32>
    %add3A_345 = arith.addi %iota3A, %add3A_344 : vector<16xi32>
    %and3A_346 = arith.constant 15 : i32
    %and3A_347 = vector.broadcast %and3A_346 : i32 to vector<16xi32>
    %and3A_348 = arith.andi %add3A_345, %and3A_347 : vector<16xi32>
    %broadcast_in_dim3A_349 = vector.shape_cast %and3A_348 : vector<16xi32> to vector<16x1xi32>
    %gather3A_350 = vector.shape_cast %broadcast_in_dim3A_349 : vector<16x1xi32> to vector<16xi32>
    %gather3A_351 = tpu.dynamic_gather %add3A_342[%gather3A_350] in [0] : vector<16xf32>, vector<16xi32> -> vector<16xf32>
    %add3A_352 = arith.addf %add3A_342, %gather3A_351 : vector<16xf32>
    %add3A_353 = arith.constant 2 : i32
    %add3A_354 = vector.broadcast %add3A_353 : i32 to vector<16xi32>
    %add3A_355 = arith.addi %iota3A, %add3A_354 : vector<16xi32>
    %and3A_356 = arith.constant 15 : i32
    %and3A_357 = vector.broadcast %and3A_356 : i32 to vector<16xi32>
    %and3A_358 = arith.andi %add3A_355, %and3A_357 : vector<16xi32>
    %broadcast_in_dim3A_359 = vector.shape_cast %and3A_358 : vector<16xi32> to vector<16x1xi32>
    %gather3A_360 = vector.shape_cast %broadcast_in_dim3A_359 : vector<16x1xi32> to vector<16xi32>
    %gather3A_361 = tpu.dynamic_gather %add3A_352[%gather3A_360] in [0] : vector<16xf32>, vector<16xi32> -> vector<16xf32>
    %add3A_362 = arith.addf %add3A_352, %gather3A_361 : vector<16xf32>
    %add3A_363 = arith.constant 1 : i32
    %add3A_364 = vector.broadcast %add3A_363 : i32 to vector<16xi32>
    %add3A_365 = arith.addi %iota3A, %add3A_364 : vector<16xi32>
    %and3A_366 = arith.constant 15 : i32
    %and3A_367 = vector.broadcast %and3A_366 : i32 to vector<16xi32>
    %and3A_368 = arith.andi %add3A_365, %and3A_367 : vector<16xi32>
    %broadcast_in_dim3A_369 = vector.shape_cast %and3A_368 : vector<16xi32> to vector<16x1xi32>
    %gather3A_370 = vector.shape_cast %broadcast_in_dim3A_369 : vector<16x1xi32> to vector<16xi32>
    %gather3A_371 = tpu.dynamic_gather %add3A_362[%gather3A_370] in [0] : vector<16xf32>, vector<16xi32> -> vector<16xf32>
    %add3A_372 = arith.addf %add3A_362, %gather3A_371 : vector<16xf32>
    %div3A_373 = arith.divf %select_n3A_332, %add3A_372 : vector<16xf32>
    %add3A_374 = arith.constant 8 : i32
    %add3A_375 = vector.broadcast %add3A_374 : i32 to vector<16xi32>
    %add3A_376 = arith.addi %iota3A, %add3A_375 : vector<16xi32>
    %and3A_377 = arith.constant 15 : i32
    %and3A_378 = vector.broadcast %and3A_377 : i32 to vector<16xi32>
    %and3A_379 = arith.andi %add3A_376, %and3A_378 : vector<16xi32>
    %broadcast_in_dim3A_380 = vector.shape_cast %and3A_379 : vector<16xi32> to vector<16x1xi32>
    %gather3A_381 = vector.shape_cast %broadcast_in_dim3A_380 : vector<16x1xi32> to vector<16xi32>
    %gather3A_382 = tpu.dynamic_gather %div3A_373[%gather3A_381] in [0] : vector<16xf32>, vector<16xi32> -> vector<16xf32>
    %max3A_383 = arith.maximumf %div3A_373, %gather3A_382 : vector<16xf32>
    %add3A_384 = arith.constant 4 : i32
    %add3A_385 = vector.broadcast %add3A_384 : i32 to vector<16xi32>
    %add3A_386 = arith.addi %iota3A, %add3A_385 : vector<16xi32>
    %and3A_387 = arith.constant 15 : i32
    %and3A_388 = vector.broadcast %and3A_387 : i32 to vector<16xi32>
    %and3A_389 = arith.andi %add3A_386, %and3A_388 : vector<16xi32>
    %broadcast_in_dim3A_390 = vector.shape_cast %and3A_389 : vector<16xi32> to vector<16x1xi32>
    %gather3A_391 = vector.shape_cast %broadcast_in_dim3A_390 : vector<16x1xi32> to vector<16xi32>
    %gather3A_392 = tpu.dynamic_gather %max3A_383[%gather3A_391] in [0] : vector<16xf32>, vector<16xi32> -> vector<16xf32>
    %max3A_393 = arith.maximumf %max3A_383, %gather3A_392 : vector<16xf32>
    %add3A_394 = arith.constant 2 : i32
    %add3A_395 = vector.broadcast %add3A_394 : i32 to vector<16xi32>
    %add3A_396 = arith.addi %iota3A, %add3A_395 : vector<16xi32>
    %and3A_397 = arith.constant 15 : i32
    %and3A_398 = vector.broadcast %and3A_397 : i32 to vector<16xi32>
    %and3A_399 = arith.andi %add3A_396, %and3A_398 : vector<16xi32>
    %broadcast_in_dim3A_400 = vector.shape_cast %and3A_399 : vector<16xi32> to vector<16x1xi32>
    %gather3A_401 = vector.shape_cast %broadcast_in_dim3A_400 : vector<16x1xi32> to vector<16xi32>
    %gather3A_402 = tpu.dynamic_gather %max3A_393[%gather3A_401] in [0] : vector<16xf32>, vector<16xi32> -> vector<16xf32>
    %max3A_403 = arith.maximumf %max3A_393, %gather3A_402 : vector<16xf32>
    %add3A_404 = arith.constant 1 : i32
    %add3A_405 = vector.broadcast %add3A_404 : i32 to vector<16xi32>
    %add3A_406 = arith.addi %iota3A, %add3A_405 : vector<16xi32>
    %and3A_407 = arith.constant 15 : i32
    %and3A_408 = vector.broadcast %and3A_407 : i32 to vector<16xi32>
    %and3A_409 = arith.andi %add3A_406, %and3A_408 : vector<16xi32>
    %broadcast_in_dim3A_410 = vector.shape_cast %and3A_409 : vector<16xi32> to vector<16x1xi32>
    %gather3A_411 = vector.shape_cast %broadcast_in_dim3A_410 : vector<16x1xi32> to vector<16xi32>
    %gather3A_412 = tpu.dynamic_gather %max3A_403[%gather3A_411] in [0] : vector<16xf32>, vector<16xi32> -> vector<16xf32>
    %max3A_413 = arith.maximumf %max3A_403, %gather3A_412 : vector<16xf32>
    %eq3A_414 = arith.cmpf oeq, %div3A_373, %max3A_413 : vector<16xf32>
    %jit3A_415 = arith.constant 8 : i32
    %broadcast_in_dim3A_416 = vector.broadcast %jit3A_415 : i32 to vector<16xi32>
    %select_n3A_417 = arith.select %eq3A_414, %iota3A, %broadcast_in_dim3A_416 : vector<16xi1>, vector<16xi32>
    %add3A_418 = arith.constant 8 : i32
    %add3A_419 = vector.broadcast %add3A_418 : i32 to vector<16xi32>
    %add3A_420 = arith.addi %iota3A, %add3A_419 : vector<16xi32>
    %and3A_421 = arith.constant 15 : i32
    %and3A_422 = vector.broadcast %and3A_421 : i32 to vector<16xi32>
    %and3A_423 = arith.andi %add3A_420, %and3A_422 : vector<16xi32>
    %broadcast_in_dim3A_424 = vector.shape_cast %and3A_423 : vector<16xi32> to vector<16x1xi32>
    %gather3A_425 = vector.shape_cast %broadcast_in_dim3A_424 : vector<16x1xi32> to vector<16xi32>
    %gather3A_426 = tpu.dynamic_gather %select_n3A_417[%gather3A_425] in [0] : vector<16xi32>, vector<16xi32> -> vector<16xi32>
    %min3A_427 = arith.minsi %select_n3A_417, %gather3A_426 : vector<16xi32>
    %add3A_428 = arith.constant 4 : i32
    %add3A_429 = vector.broadcast %add3A_428 : i32 to vector<16xi32>
    %add3A_430 = arith.addi %iota3A, %add3A_429 : vector<16xi32>
    %and3A_431 = arith.constant 15 : i32
    %and3A_432 = vector.broadcast %and3A_431 : i32 to vector<16xi32>
    %and3A_433 = arith.andi %add3A_430, %and3A_432 : vector<16xi32>
    %broadcast_in_dim3A_434 = vector.shape_cast %and3A_433 : vector<16xi32> to vector<16x1xi32>
    %gather3A_435 = vector.shape_cast %broadcast_in_dim3A_434 : vector<16x1xi32> to vector<16xi32>
    %gather3A_436 = tpu.dynamic_gather %min3A_427[%gather3A_435] in [0] : vector<16xi32>, vector<16xi32> -> vector<16xi32>
    %min3A_437 = arith.minsi %min3A_427, %gather3A_436 : vector<16xi32>
    %add3A_438 = arith.constant 2 : i32
    %add3A_439 = vector.broadcast %add3A_438 : i32 to vector<16xi32>
    %add3A_440 = arith.addi %iota3A, %add3A_439 : vector<16xi32>
    %and3A_441 = arith.constant 15 : i32
    %and3A_442 = vector.broadcast %and3A_441 : i32 to vector<16xi32>
    %and3A_443 = arith.andi %add3A_440, %and3A_442 : vector<16xi32>
    %broadcast_in_dim3A_444 = vector.shape_cast %and3A_443 : vector<16xi32> to vector<16x1xi32>
    %gather3A_445 = vector.shape_cast %broadcast_in_dim3A_444 : vector<16x1xi32> to vector<16xi32>
    %gather3A_446 = tpu.dynamic_gather %min3A_437[%gather3A_445] in [0] : vector<16xi32>, vector<16xi32> -> vector<16xi32>
    %min3A_447 = arith.minsi %min3A_437, %gather3A_446 : vector<16xi32>
    %add3A_448 = arith.constant 1 : i32
    %add3A_449 = vector.broadcast %add3A_448 : i32 to vector<16xi32>
    %add3A_450 = arith.addi %iota3A, %add3A_449 : vector<16xi32>
    %and3A_451 = arith.constant 15 : i32
    %and3A_452 = vector.broadcast %and3A_451 : i32 to vector<16xi32>
    %and3A_453 = arith.andi %add3A_450, %and3A_452 : vector<16xi32>
    %broadcast_in_dim3A_454 = vector.shape_cast %and3A_453 : vector<16xi32> to vector<16x1xi32>
    %gather3A_455 = vector.shape_cast %broadcast_in_dim3A_454 : vector<16x1xi32> to vector<16xi32>
    %gather3A_456 = tpu.dynamic_gather %min3A_447[%gather3A_455] in [0] : vector<16xi32>, vector<16xi32> -> vector<16xi32>
    %min3A_457 = arith.minsi %min3A_447, %gather3A_456 : vector<16xi32>
    %eq3A_458 = arith.cmpi eq, %iota3A, %min3A_457 : vector<16xi32>
    %jit3A_459 = arith.constant 0xFF800000 : f32
    %broadcast_in_dim3A_460 = vector.broadcast %jit3A_459 : f32 to vector<16xf32>
    %select_n3A_461 = arith.select %lt3A_2, %div3A_373, %broadcast_in_dim3A_460 : vector<16xi1>, vector<16xf32>
    %jit3A_462 = arith.constant 0xFF800000 : f32
    %broadcast_in_dim3A_463 = vector.broadcast %jit3A_462 : f32 to vector<16xf32>
    %select_n3A_464 = arith.select %eq3A_458, %broadcast_in_dim3A_463, %select_n3A_461 : vector<16xi1>, vector<16xf32>
    %add3A_465 = arith.constant 8 : i32
    %add3A_466 = vector.broadcast %add3A_465 : i32 to vector<16xi32>
    %add3A_467 = arith.addi %iota3A, %add3A_466 : vector<16xi32>
    %and3A_468 = arith.constant 15 : i32
    %and3A_469 = vector.broadcast %and3A_468 : i32 to vector<16xi32>
    %and3A_470 = arith.andi %add3A_467, %and3A_469 : vector<16xi32>
    %broadcast_in_dim3A_471 = vector.shape_cast %and3A_470 : vector<16xi32> to vector<16x1xi32>
    %gather3A_472 = vector.shape_cast %broadcast_in_dim3A_471 : vector<16x1xi32> to vector<16xi32>
    %gather3A_473 = tpu.dynamic_gather %select_n3A_464[%gather3A_472] in [0] : vector<16xf32>, vector<16xi32> -> vector<16xf32>
    %max3A_474 = arith.maximumf %select_n3A_464, %gather3A_473 : vector<16xf32>
    %add3A_475 = arith.constant 4 : i32
    %add3A_476 = vector.broadcast %add3A_475 : i32 to vector<16xi32>
    %add3A_477 = arith.addi %iota3A, %add3A_476 : vector<16xi32>
    %and3A_478 = arith.constant 15 : i32
    %and3A_479 = vector.broadcast %and3A_478 : i32 to vector<16xi32>
    %and3A_480 = arith.andi %add3A_477, %and3A_479 : vector<16xi32>
    %broadcast_in_dim3A_481 = vector.shape_cast %and3A_480 : vector<16xi32> to vector<16x1xi32>
    %gather3A_482 = vector.shape_cast %broadcast_in_dim3A_481 : vector<16x1xi32> to vector<16xi32>
    %gather3A_483 = tpu.dynamic_gather %max3A_474[%gather3A_482] in [0] : vector<16xf32>, vector<16xi32> -> vector<16xf32>
    %max3A_484 = arith.maximumf %max3A_474, %gather3A_483 : vector<16xf32>
    %add3A_485 = arith.constant 2 : i32
    %add3A_486 = vector.broadcast %add3A_485 : i32 to vector<16xi32>
    %add3A_487 = arith.addi %iota3A, %add3A_486 : vector<16xi32>
    %and3A_488 = arith.constant 15 : i32
    %and3A_489 = vector.broadcast %and3A_488 : i32 to vector<16xi32>
    %and3A_490 = arith.andi %add3A_487, %and3A_489 : vector<16xi32>
    %broadcast_in_dim3A_491 = vector.shape_cast %and3A_490 : vector<16xi32> to vector<16x1xi32>
    %gather3A_492 = vector.shape_cast %broadcast_in_dim3A_491 : vector<16x1xi32> to vector<16xi32>
    %gather3A_493 = tpu.dynamic_gather %max3A_484[%gather3A_492] in [0] : vector<16xf32>, vector<16xi32> -> vector<16xf32>
    %max3A_494 = arith.maximumf %max3A_484, %gather3A_493 : vector<16xf32>
    %add3A_495 = arith.constant 1 : i32
    %add3A_496 = vector.broadcast %add3A_495 : i32 to vector<16xi32>
    %add3A_497 = arith.addi %iota3A, %add3A_496 : vector<16xi32>
    %and3A_498 = arith.constant 15 : i32
    %and3A_499 = vector.broadcast %and3A_498 : i32 to vector<16xi32>
    %and3A_500 = arith.andi %add3A_497, %and3A_499 : vector<16xi32>
    %broadcast_in_dim3A_501 = vector.shape_cast %and3A_500 : vector<16xi32> to vector<16x1xi32>
    %gather3A_502 = vector.shape_cast %broadcast_in_dim3A_501 : vector<16x1xi32> to vector<16xi32>
    %gather3A_503 = tpu.dynamic_gather %max3A_494[%gather3A_502] in [0] : vector<16xf32>, vector<16xi32> -> vector<16xf32>
    %max3A_504 = arith.maximumf %max3A_494, %gather3A_503 : vector<16xf32>
    %eq3A_505 = arith.cmpf oeq, %select_n3A_464, %max3A_504 : vector<16xf32>
    %jit3A_506 = arith.constant 8 : i32
    %broadcast_in_dim3A_507 = vector.broadcast %jit3A_506 : i32 to vector<16xi32>
    %select_n3A_508 = arith.select %eq3A_505, %iota3A, %broadcast_in_dim3A_507 : vector<16xi1>, vector<16xi32>
    %add3A_509 = arith.constant 8 : i32
    %add3A_510 = vector.broadcast %add3A_509 : i32 to vector<16xi32>
    %add3A_511 = arith.addi %iota3A, %add3A_510 : vector<16xi32>
    %and3A_512 = arith.constant 15 : i32
    %and3A_513 = vector.broadcast %and3A_512 : i32 to vector<16xi32>
    %and3A_514 = arith.andi %add3A_511, %and3A_513 : vector<16xi32>
    %broadcast_in_dim3A_515 = vector.shape_cast %and3A_514 : vector<16xi32> to vector<16x1xi32>
    %gather3A_516 = vector.shape_cast %broadcast_in_dim3A_515 : vector<16x1xi32> to vector<16xi32>
    %gather3A_517 = tpu.dynamic_gather %select_n3A_508[%gather3A_516] in [0] : vector<16xi32>, vector<16xi32> -> vector<16xi32>
    %min3A_518 = arith.minsi %select_n3A_508, %gather3A_517 : vector<16xi32>
    %add3A_519 = arith.constant 4 : i32
    %add3A_520 = vector.broadcast %add3A_519 : i32 to vector<16xi32>
    %add3A_521 = arith.addi %iota3A, %add3A_520 : vector<16xi32>
    %and3A_522 = arith.constant 15 : i32
    %and3A_523 = vector.broadcast %and3A_522 : i32 to vector<16xi32>
    %and3A_524 = arith.andi %add3A_521, %and3A_523 : vector<16xi32>
    %broadcast_in_dim3A_525 = vector.shape_cast %and3A_524 : vector<16xi32> to vector<16x1xi32>
    %gather3A_526 = vector.shape_cast %broadcast_in_dim3A_525 : vector<16x1xi32> to vector<16xi32>
    %gather3A_527 = tpu.dynamic_gather %min3A_518[%gather3A_526] in [0] : vector<16xi32>, vector<16xi32> -> vector<16xi32>
    %min3A_528 = arith.minsi %min3A_518, %gather3A_527 : vector<16xi32>
    %add3A_529 = arith.constant 2 : i32
    %add3A_530 = vector.broadcast %add3A_529 : i32 to vector<16xi32>
    %add3A_531 = arith.addi %iota3A, %add3A_530 : vector<16xi32>
    %and3A_532 = arith.constant 15 : i32
    %and3A_533 = vector.broadcast %and3A_532 : i32 to vector<16xi32>
    %and3A_534 = arith.andi %add3A_531, %and3A_533 : vector<16xi32>
    %broadcast_in_dim3A_535 = vector.shape_cast %and3A_534 : vector<16xi32> to vector<16x1xi32>
    %gather3A_536 = vector.shape_cast %broadcast_in_dim3A_535 : vector<16x1xi32> to vector<16xi32>
    %gather3A_537 = tpu.dynamic_gather %min3A_528[%gather3A_536] in [0] : vector<16xi32>, vector<16xi32> -> vector<16xi32>
    %min3A_538 = arith.minsi %min3A_528, %gather3A_537 : vector<16xi32>
    %add3A_539 = arith.constant 1 : i32
    %add3A_540 = vector.broadcast %add3A_539 : i32 to vector<16xi32>
    %add3A_541 = arith.addi %iota3A, %add3A_540 : vector<16xi32>
    %and3A_542 = arith.constant 15 : i32
    %and3A_543 = vector.broadcast %and3A_542 : i32 to vector<16xi32>
    %and3A_544 = arith.andi %add3A_541, %and3A_543 : vector<16xi32>
    %broadcast_in_dim3A_545 = vector.shape_cast %and3A_544 : vector<16xi32> to vector<16x1xi32>
    %gather3A_546 = vector.shape_cast %broadcast_in_dim3A_545 : vector<16x1xi32> to vector<16xi32>
    %gather3A_547 = tpu.dynamic_gather %min3A_538[%gather3A_546] in [0] : vector<16xi32>, vector<16xi32> -> vector<16xi32>
    %min3A_548 = arith.minsi %min3A_538, %gather3A_547 : vector<16xi32>
    %add3A_549 = arith.addf %max3A_413, %max3A_504 : vector<16xf32>
    %add3A_550 = arith.constant 9.99999997E-7 : f32
    %add3A_551 = vector.broadcast %add3A_550 : f32 to vector<16xf32>
    %add3A_552 = arith.addf %add3A_549, %add3A_551 : vector<16xf32>
    %eq3A_553 = arith.cmpi eq, %iota3A, %min3A_457 : vector<16xi32>
    %jit3A_554 = arith.constant 0.000000e+00 : f32
    %broadcast_in_dim3A_555 = vector.broadcast %jit3A_554 : f32 to vector<16xf32>
    %select_n3A_556 = arith.select %eq3A_553, %max3A_413, %broadcast_in_dim3A_555 : vector<16xi1>, vector<16xf32>
    %eq3A_557 = arith.cmpi eq, %iota3A, %min3A_548 : vector<16xi32>
    %jit3A_558 = arith.constant 0.000000e+00 : f32
    %broadcast_in_dim3A_559 = vector.broadcast %jit3A_558 : f32 to vector<16xf32>
    %select_n3A_560 = arith.select %eq3A_557, %max3A_504, %broadcast_in_dim3A_559 : vector<16xi1>, vector<16xf32>
    %add3A_561 = arith.addf %select_n3A_556, %select_n3A_560 : vector<16xf32>
    %div3A_562 = arith.divf %add3A_561, %add3A_552 : vector<16xf32>
    %broadcast_in_dim3A_563 = arith.constant 0.000000e+00 : f32
    %broadcast_in_dim3A_564 = vector.broadcast %broadcast_in_dim3A_563 : f32 to vector<16xf32>
    %scan3A_565 = arith.constant 0 : i32
    %scan3A_566 = arith.constant 6 : i32
    %scan3A_567 = arith.addi %scan3A_565, %scan3A_566 : i32
    %scan3A_568 = arith.constant 1 : i32
    %scan3A_569 = scf.for %scan3A_1230 = %scan3A_565 to %scan3A_567 step %scan3A_568 iter_args(%scan3A_1231 = %broadcast_in_dim3A_564) -> (vector<16xf32>)  : i32 {
      %mul3A_1232 = arith.constant 16 : i32
      %mul3A_1233 = arith.muli %scan3A_1230, %mul3A_1232 : i32
      %get3A = arith.constant 2 : i32
      %get3A_1234 = arith.index_cast %get3A : i32 to index
      %get3A_1235 = arith.index_cast %mul3A_1233 : i32 to index
      %get3A_1236 = tpu.vector_load %arg7[%get3A_1234, %get3A_1235] {strides = array<i32>} : memref<4x96xf32, #tpu.memory_space<vmem>>, vector<1x16xf32>,
      %get3A_1237 = vector.shape_cast %get3A_1236 : vector<1x16xf32> to vector<16xf32>
      %slice3A_1238 = vector.extract_strided_slice %get3A_1237 {offsets = [0], sizes = [1], strides = [1]} : vector<16xf32> to vector<1xf32>
      %squeeze3A_1239 = vector.extract %slice3A_1238[0] : f32 from vector<1xf32>
      %mul3A_1240 = arith.constant 16 : i32
      %mul3A_1241 = arith.muli %scan3A_1230, %mul3A_1240 : i32
      %add3A_1242 = arith.constant 0 : i32
      %add3A_1243 = arith.addi %mul3A_1241, %add3A_1242 : i32
      %get3A_1244 = arith.index_cast %add3A_1243 : i32 to index
      %get3A_1245 = arith.constant 0 : index
      %get3A_1246 = tpu.vector_load %arg8[%get3A_1244, %get3A_1245] {strides = array<i32>} : memref<96x16xf32, #tpu.memory_space<vmem>>, vector<1x16xf32>,
      %get3A_1247 = vector.shape_cast %get3A_1246 : vector<1x16xf32> to vector<16xf32>
      %mul3A_1248 = vector.broadcast %squeeze3A_1239 : f32 to vector<16xf32>
      %mul3A_1249 = arith.mulf %mul3A_1248, %get3A_1247 : vector<16xf32>
      %add3A_1250 = arith.addf %scan3A_1231, %mul3A_1249 : vector<16xf32>
      %slice3A_1251 = vector.extract_strided_slice %get3A_1237 {offsets = [1], sizes = [1], strides = [1]} : vector<16xf32> to vector<1xf32>
      %squeeze3A_1252 = vector.extract %slice3A_1251[0] : f32 from vector<1xf32>
      %mul3A_1253 = arith.constant 16 : i32
      %mul3A_1254 = arith.muli %scan3A_1230, %mul3A_1253 : i32
      %add3A_1255 = arith.constant 1 : i32
      %add3A_1256 = arith.addi %mul3A_1254, %add3A_1255 : i32
      %get3A_1257 = arith.index_cast %add3A_1256 : i32 to index
      %get3A_1258 = arith.constant 0 : index
      %get3A_1259 = tpu.vector_load %arg8[%get3A_1257, %get3A_1258] {strides = array<i32>} : memref<96x16xf32, #tpu.memory_space<vmem>>, vector<1x16xf32>,
      %get3A_1260 = vector.shape_cast %get3A_1259 : vector<1x16xf32> to vector<16xf32>
      %mul3A_1261 = vector.broadcast %squeeze3A_1252 : f32 to vector<16xf32>
      %mul3A_1262 = arith.mulf %mul3A_1261, %get3A_1260 : vector<16xf32>
      %add3A_1263 = arith.addf %add3A_1250, %mul3A_1262 : vector<16xf32>
      %slice3A_1264 = vector.extract_strided_slice %get3A_1237 {offsets = [2], sizes = [1], strides = [1]} : vector<16xf32> to vector<1xf32>
      %squeeze3A_1265 = vector.extract %slice3A_1264[0] : f32 from vector<1xf32>
      %mul3A_1266 = arith.constant 16 : i32
      %mul3A_1267 = arith.muli %scan3A_1230, %mul3A_1266 : i32
      %add3A_1268 = arith.constant 2 : i32
      %add3A_1269 = arith.addi %mul3A_1267, %add3A_1268 : i32
      %get3A_1270 = arith.index_cast %add3A_1269 : i32 to index
      %get3A_1271 = arith.constant 0 : index
      %get3A_1272 = tpu.vector_load %arg8[%get3A_1270, %get3A_1271] {strides = array<i32>} : memref<96x16xf32, #tpu.memory_space<vmem>>, vector<1x16xf32>,
      %get3A_1273 = vector.shape_cast %get3A_1272 : vector<1x16xf32> to vector<16xf32>
      %mul3A_1274 = vector.broadcast %squeeze3A_1265 : f32 to vector<16xf32>
      %mul3A_1275 = arith.mulf %mul3A_1274, %get3A_1273 : vector<16xf32>
      %add3A_1276 = arith.addf %add3A_1263, %mul3A_1275 : vector<16xf32>
      %slice3A_1277 = vector.extract_strided_slice %get3A_1237 {offsets = [3], sizes = [1], strides = [1]} : vector<16xf32> to vector<1xf32>
      %squeeze3A_1278 = vector.extract %slice3A_1277[0] : f32 from vector<1xf32>
      %mul3A_1279 = arith.constant 16 : i32
      %mul3A_1280 = arith.muli %scan3A_1230, %mul3A_1279 : i32
      %add3A_1281 = arith.constant 3 : i32
      %add3A_1282 = arith.addi %mul3A_1280, %add3A_1281 : i32
      %get3A_1283 = arith.index_cast %add3A_1282 : i32 to index
      %get3A_1284 = arith.constant 0 : index
      %get3A_1285 = tpu.vector_load %arg8[%get3A_1283, %get3A_1284] {strides = array<i32>} : memref<96x16xf32, #tpu.memory_space<vmem>>, vector<1x16xf32>,
      %get3A_1286 = vector.shape_cast %get3A_1285 : vector<1x16xf32> to vector<16xf32>
      %mul3A_1287 = vector.broadcast %squeeze3A_1278 : f32 to vector<16xf32>
      %mul3A_1288 = arith.mulf %mul3A_1287, %get3A_1286 : vector<16xf32>
      %add3A_1289 = arith.addf %add3A_1276, %mul3A_1288 : vector<16xf32>
      %slice3A_1290 = vector.extract_strided_slice %get3A_1237 {offsets = [4], sizes = [1], strides = [1]} : vector<16xf32> to vector<1xf32>
      %squeeze3A_1291 = vector.extract %slice3A_1290[0] : f32 from vector<1xf32>
      %mul3A_1292 = arith.constant 16 : i32
      %mul3A_1293 = arith.muli %scan3A_1230, %mul3A_1292 : i32
      %add3A_1294 = arith.constant 4 : i32
      %add3A_1295 = arith.addi %mul3A_1293, %add3A_1294 : i32
      %get3A_1296 = arith.index_cast %add3A_1295 : i32 to index
      %get3A_1297 = arith.constant 0 : index
      %get3A_1298 = tpu.vector_load %arg8[%get3A_1296, %get3A_1297] {strides = array<i32>} : memref<96x16xf32, #tpu.memory_space<vmem>>, vector<1x16xf32>,
      %get3A_1299 = vector.shape_cast %get3A_1298 : vector<1x16xf32> to vector<16xf32>
      %mul3A_1300 = vector.broadcast %squeeze3A_1291 : f32 to vector<16xf32>
      %mul3A_1301 = arith.mulf %mul3A_1300, %get3A_1299 : vector<16xf32>
      %add3A_1302 = arith.addf %add3A_1289, %mul3A_1301 : vector<16xf32>
      %slice3A_1303 = vector.extract_strided_slice %get3A_1237 {offsets = [5], sizes = [1], strides = [1]} : vector<16xf32> to vector<1xf32>
      %squeeze3A_1304 = vector.extract %slice3A_1303[0] : f32 from vector<1xf32>
      %mul3A_1305 = arith.constant 16 : i32
      %mul3A_1306 = arith.muli %scan3A_1230, %mul3A_1305 : i32
      %add3A_1307 = arith.constant 5 : i32
      %add3A_1308 = arith.addi %mul3A_1306, %add3A_1307 : i32
      %get3A_1309 = arith.index_cast %add3A_1308 : i32 to index
      %get3A_1310 = arith.constant 0 : index
      %get3A_1311 = tpu.vector_load %arg8[%get3A_1309, %get3A_1310] {strides = array<i32>} : memref<96x16xf32, #tpu.memory_space<vmem>>, vector<1x16xf32>,
      %get3A_1312 = vector.shape_cast %get3A_1311 : vector<1x16xf32> to vector<16xf32>
      %mul3A_1313 = vector.broadcast %squeeze3A_1304 : f32 to vector<16xf32>
      %mul3A_1314 = arith.mulf %mul3A_1313, %get3A_1312 : vector<16xf32>
      %add3A_1315 = arith.addf %add3A_1302, %mul3A_1314 : vector<16xf32>
      %slice3A_1316 = vector.extract_strided_slice %get3A_1237 {offsets = [6], sizes = [1], strides = [1]} : vector<16xf32> to vector<1xf32>
      %squeeze3A_1317 = vector.extract %slice3A_1316[0] : f32 from vector<1xf32>
      %mul3A_1318 = arith.constant 16 : i32
      %mul3A_1319 = arith.muli %scan3A_1230, %mul3A_1318 : i32
      %add3A_1320 = arith.constant 6 : i32
      %add3A_1321 = arith.addi %mul3A_1319, %add3A_1320 : i32
      %get3A_1322 = arith.index_cast %add3A_1321 : i32 to index
      %get3A_1323 = arith.constant 0 : index
      %get3A_1324 = tpu.vector_load %arg8[%get3A_1322, %get3A_1323] {strides = array<i32>} : memref<96x16xf32, #tpu.memory_space<vmem>>, vector<1x16xf32>,
      %get3A_1325 = vector.shape_cast %get3A_1324 : vector<1x16xf32> to vector<16xf32>
      %mul3A_1326 = vector.broadcast %squeeze3A_1317 : f32 to vector<16xf32>
      %mul3A_1327 = arith.mulf %mul3A_1326, %get3A_1325 : vector<16xf32>
      %add3A_1328 = arith.addf %add3A_1315, %mul3A_1327 : vector<16xf32>
      %slice3A_1329 = vector.extract_strided_slice %get3A_1237 {offsets = [7], sizes = [1], strides = [1]} : vector<16xf32> to vector<1xf32>
      %squeeze3A_1330 = vector.extract %slice3A_1329[0] : f32 from vector<1xf32>
      %mul3A_1331 = arith.constant 16 : i32
      %mul3A_1332 = arith.muli %scan3A_1230, %mul3A_1331 : i32
      %add3A_1333 = arith.constant 7 : i32
      %add3A_1334 = arith.addi %mul3A_1332, %add3A_1333 : i32
      %get3A_1335 = arith.index_cast %add3A_1334 : i32 to index
      %get3A_1336 = arith.constant 0 : index
      %get3A_1337 = tpu.vector_load %arg8[%get3A_1335, %get3A_1336] {strides = array<i32>} : memref<96x16xf32, #tpu.memory_space<vmem>>, vector<1x16xf32>,
      %get3A_1338 = vector.shape_cast %get3A_1337 : vector<1x16xf32> to vector<16xf32>
      %mul3A_1339 = vector.broadcast %squeeze3A_1330 : f32 to vector<16xf32>
      %mul3A_1340 = arith.mulf %mul3A_1339, %get3A_1338 : vector<16xf32>
      %add3A_1341 = arith.addf %add3A_1328, %mul3A_1340 : vector<16xf32>
      %slice3A_1342 = vector.extract_strided_slice %get3A_1237 {offsets = [8], sizes = [1], strides = [1]} : vector<16xf32> to vector<1xf32>
      %squeeze3A_1343 = vector.extract %slice3A_1342[0] : f32 from vector<1xf32>
      %mul3A_1344 = arith.constant 16 : i32
      %mul3A_1345 = arith.muli %scan3A_1230, %mul3A_1344 : i32
      %add3A_1346 = arith.constant 8 : i32
      %add3A_1347 = arith.addi %mul3A_1345, %add3A_1346 : i32
      %get3A_1348 = arith.index_cast %add3A_1347 : i32 to index
      %get3A_1349 = arith.constant 0 : index
      %get3A_1350 = tpu.vector_load %arg8[%get3A_1348, %get3A_1349] {strides = array<i32>} : memref<96x16xf32, #tpu.memory_space<vmem>>, vector<1x16xf32>,
      %get3A_1351 = vector.shape_cast %get3A_1350 : vector<1x16xf32> to vector<16xf32>
      %mul3A_1352 = vector.broadcast %squeeze3A_1343 : f32 to vector<16xf32>
      %mul3A_1353 = arith.mulf %mul3A_1352, %get3A_1351 : vector<16xf32>
      %add3A_1354 = arith.addf %add3A_1341, %mul3A_1353 : vector<16xf32>
      %slice3A_1355 = vector.extract_strided_slice %get3A_1237 {offsets = [9], sizes = [1], strides = [1]} : vector<16xf32> to vector<1xf32>
      %squeeze3A_1356 = vector.extract %slice3A_1355[0] : f32 from vector<1xf32>
      %mul3A_1357 = arith.constant 16 : i32
      %mul3A_1358 = arith.muli %scan3A_1230, %mul3A_1357 : i32
      %add3A_1359 = arith.constant 9 : i32
      %add3A_1360 = arith.addi %mul3A_1358, %add3A_1359 : i32
      %get3A_1361 = arith.index_cast %add3A_1360 : i32 to index
      %get3A_1362 = arith.constant 0 : index
      %get3A_1363 = tpu.vector_load %arg8[%get3A_1361, %get3A_1362] {strides = array<i32>} : memref<96x16xf32, #tpu.memory_space<vmem>>, vector<1x16xf32>,
      %get3A_1364 = vector.shape_cast %get3A_1363 : vector<1x16xf32> to vector<16xf32>
      %mul3A_1365 = vector.broadcast %squeeze3A_1356 : f32 to vector<16xf32>
      %mul3A_1366 = arith.mulf %mul3A_1365, %get3A_1364 : vector<16xf32>
      %add3A_1367 = arith.addf %add3A_1354, %mul3A_1366 : vector<16xf32>
      %slice3A_1368 = vector.extract_strided_slice %get3A_1237 {offsets = [10], sizes = [1], strides = [1]} : vector<16xf32> to vector<1xf32>
      %squeeze3A_1369 = vector.extract %slice3A_1368[0] : f32 from vector<1xf32>
      %mul3A_1370 = arith.constant 16 : i32
      %mul3A_1371 = arith.muli %scan3A_1230, %mul3A_1370 : i32
      %add3A_1372 = arith.constant 10 : i32
      %add3A_1373 = arith.addi %mul3A_1371, %add3A_1372 : i32
      %get3A_1374 = arith.index_cast %add3A_1373 : i32 to index
      %get3A_1375 = arith.constant 0 : index
      %get3A_1376 = tpu.vector_load %arg8[%get3A_1374, %get3A_1375] {strides = array<i32>} : memref<96x16xf32, #tpu.memory_space<vmem>>, vector<1x16xf32>,
      %get3A_1377 = vector.shape_cast %get3A_1376 : vector<1x16xf32> to vector<16xf32>
      %mul3A_1378 = vector.broadcast %squeeze3A_1369 : f32 to vector<16xf32>
      %mul3A_1379 = arith.mulf %mul3A_1378, %get3A_1377 : vector<16xf32>
      %add3A_1380 = arith.addf %add3A_1367, %mul3A_1379 : vector<16xf32>
      %slice3A_1381 = vector.extract_strided_slice %get3A_1237 {offsets = [11], sizes = [1], strides = [1]} : vector<16xf32> to vector<1xf32>
      %squeeze3A_1382 = vector.extract %slice3A_1381[0] : f32 from vector<1xf32>
      %mul3A_1383 = arith.constant 16 : i32
      %mul3A_1384 = arith.muli %scan3A_1230, %mul3A_1383 : i32
      %add3A_1385 = arith.constant 11 : i32
      %add3A_1386 = arith.addi %mul3A_1384, %add3A_1385 : i32
      %get3A_1387 = arith.index_cast %add3A_1386 : i32 to index
      %get3A_1388 = arith.constant 0 : index
      %get3A_1389 = tpu.vector_load %arg8[%get3A_1387, %get3A_1388] {strides = array<i32>} : memref<96x16xf32, #tpu.memory_space<vmem>>, vector<1x16xf32>,
      %get3A_1390 = vector.shape_cast %get3A_1389 : vector<1x16xf32> to vector<16xf32>
      %mul3A_1391 = vector.broadcast %squeeze3A_1382 : f32 to vector<16xf32>
      %mul3A_1392 = arith.mulf %mul3A_1391, %get3A_1390 : vector<16xf32>
      %add3A_1393 = arith.addf %add3A_1380, %mul3A_1392 : vector<16xf32>
      %slice3A_1394 = vector.extract_strided_slice %get3A_1237 {offsets = [12], sizes = [1], strides = [1]} : vector<16xf32> to vector<1xf32>
      %squeeze3A_1395 = vector.extract %slice3A_1394[0] : f32 from vector<1xf32>
      %mul3A_1396 = arith.constant 16 : i32
      %mul3A_1397 = arith.muli %scan3A_1230, %mul3A_1396 : i32
      %add3A_1398 = arith.constant 12 : i32
      %add3A_1399 = arith.addi %mul3A_1397, %add3A_1398 : i32
      %get3A_1400 = arith.index_cast %add3A_1399 : i32 to index
      %get3A_1401 = arith.constant 0 : index
      %get3A_1402 = tpu.vector_load %arg8[%get3A_1400, %get3A_1401] {strides = array<i32>} : memref<96x16xf32, #tpu.memory_space<vmem>>, vector<1x16xf32>,
      %get3A_1403 = vector.shape_cast %get3A_1402 : vector<1x16xf32> to vector<16xf32>
      %mul3A_1404 = vector.broadcast %squeeze3A_1395 : f32 to vector<16xf32>
      %mul3A_1405 = arith.mulf %mul3A_1404, %get3A_1403 : vector<16xf32>
      %add3A_1406 = arith.addf %add3A_1393, %mul3A_1405 : vector<16xf32>
      %slice3A_1407 = vector.extract_strided_slice %get3A_1237 {offsets = [13], sizes = [1], strides = [1]} : vector<16xf32> to vector<1xf32>
      %squeeze3A_1408 = vector.extract %slice3A_1407[0] : f32 from vector<1xf32>
      %mul3A_1409 = arith.constant 16 : i32
      %mul3A_1410 = arith.muli %scan3A_1230, %mul3A_1409 : i32
      %add3A_1411 = arith.constant 13 : i32
      %add3A_1412 = arith.addi %mul3A_1410, %add3A_1411 : i32
      %get3A_1413 = arith.index_cast %add3A_1412 : i32 to index
      %get3A_1414 = arith.constant 0 : index
      %get3A_1415 = tpu.vector_load %arg8[%get3A_1413, %get3A_1414] {strides = array<i32>} : memref<96x16xf32, #tpu.memory_space<vmem>>, vector<1x16xf32>,
      %get3A_1416 = vector.shape_cast %get3A_1415 : vector<1x16xf32> to vector<16xf32>
      %mul3A_1417 = vector.broadcast %squeeze3A_1408 : f32 to vector<16xf32>
      %mul3A_1418 = arith.mulf %mul3A_1417, %get3A_1416 : vector<16xf32>
      %add3A_1419 = arith.addf %add3A_1406, %mul3A_1418 : vector<16xf32>
      %slice3A_1420 = vector.extract_strided_slice %get3A_1237 {offsets = [14], sizes = [1], strides = [1]} : vector<16xf32> to vector<1xf32>
      %squeeze3A_1421 = vector.extract %slice3A_1420[0] : f32 from vector<1xf32>
      %mul3A_1422 = arith.constant 16 : i32
      %mul3A_1423 = arith.muli %scan3A_1230, %mul3A_1422 : i32
      %add3A_1424 = arith.constant 14 : i32
      %add3A_1425 = arith.addi %mul3A_1423, %add3A_1424 : i32
      %get3A_1426 = arith.index_cast %add3A_1425 : i32 to index
      %get3A_1427 = arith.constant 0 : index
      %get3A_1428 = tpu.vector_load %arg8[%get3A_1426, %get3A_1427] {strides = array<i32>} : memref<96x16xf32, #tpu.memory_space<vmem>>, vector<1x16xf32>,
      %get3A_1429 = vector.shape_cast %get3A_1428 : vector<1x16xf32> to vector<16xf32>
      %mul3A_1430 = vector.broadcast %squeeze3A_1421 : f32 to vector<16xf32>
      %mul3A_1431 = arith.mulf %mul3A_1430, %get3A_1429 : vector<16xf32>
      %add3A_1432 = arith.addf %add3A_1419, %mul3A_1431 : vector<16xf32>
      %slice3A_1433 = vector.extract_strided_slice %get3A_1237 {offsets = [15], sizes = [1], strides = [1]} : vector<16xf32> to vector<1xf32>
      %squeeze3A_1434 = vector.extract %slice3A_1433[0] : f32 from vector<1xf32>
      %mul3A_1435 = arith.constant 16 : i32
      %mul3A_1436 = arith.muli %scan3A_1230, %mul3A_1435 : i32
      %add3A_1437 = arith.constant 15 : i32
      %add3A_1438 = arith.addi %mul3A_1436, %add3A_1437 : i32
      %get3A_1439 = arith.index_cast %add3A_1438 : i32 to index
      %get3A_1440 = arith.constant 0 : index
      %get3A_1441 = tpu.vector_load %arg8[%get3A_1439, %get3A_1440] {strides = array<i32>} : memref<96x16xf32, #tpu.memory_space<vmem>>, vector<1x16xf32>,
      %get3A_1442 = vector.shape_cast %get3A_1441 : vector<1x16xf32> to vector<16xf32>
      %mul3A_1443 = vector.broadcast %squeeze3A_1434 : f32 to vector<16xf32>
      %mul3A_1444 = arith.mulf %mul3A_1443, %get3A_1442 : vector<16xf32>
      %add3A_1445 = arith.addf %add3A_1432, %mul3A_1444 : vector<16xf32>
      scf.yield %add3A_1445 : vector<16xf32>
    }
    %scan3A_570 = arith.constant 6 : i32
    %jit3A_571 = arith.constant 0xFF800000 : f32
    %broadcast_in_dim3A_572 = vector.broadcast %jit3A_571 : f32 to vector<16xf32>
    %select_n3A_573 = arith.select %lt3A_2, %scan3A_569, %broadcast_in_dim3A_572 : vector<16xi1>, vector<16xf32>
    %add3A_574 = arith.constant 8 : i32
    %add3A_575 = vector.broadcast %add3A_574 : i32 to vector<16xi32>
    %add3A_576 = arith.addi %iota3A, %add3A_575 : vector<16xi32>
    %and3A_577 = arith.constant 15 : i32
    %and3A_578 = vector.broadcast %and3A_577 : i32 to vector<16xi32>
    %and3A_579 = arith.andi %add3A_576, %and3A_578 : vector<16xi32>
    %broadcast_in_dim3A_580 = vector.shape_cast %and3A_579 : vector<16xi32> to vector<16x1xi32>
    %gather3A_581 = vector.shape_cast %broadcast_in_dim3A_580 : vector<16x1xi32> to vector<16xi32>
    %gather3A_582 = tpu.dynamic_gather %select_n3A_573[%gather3A_581] in [0] : vector<16xf32>, vector<16xi32> -> vector<16xf32>
    %max3A_583 = arith.maximumf %select_n3A_573, %gather3A_582 : vector<16xf32>
    %add3A_584 = arith.constant 4 : i32
    %add3A_585 = vector.broadcast %add3A_584 : i32 to vector<16xi32>
    %add3A_586 = arith.addi %iota3A, %add3A_585 : vector<16xi32>
    %and3A_587 = arith.constant 15 : i32
    %and3A_588 = vector.broadcast %and3A_587 : i32 to vector<16xi32>
    %and3A_589 = arith.andi %add3A_586, %and3A_588 : vector<16xi32>
    %broadcast_in_dim3A_590 = vector.shape_cast %and3A_589 : vector<16xi32> to vector<16x1xi32>
    %gather3A_591 = vector.shape_cast %broadcast_in_dim3A_590 : vector<16x1xi32> to vector<16xi32>
    %gather3A_592 = tpu.dynamic_gather %max3A_583[%gather3A_591] in [0] : vector<16xf32>, vector<16xi32> -> vector<16xf32>
    %max3A_593 = arith.maximumf %max3A_583, %gather3A_592 : vector<16xf32>
    %add3A_594 = arith.constant 2 : i32
    %add3A_595 = vector.broadcast %add3A_594 : i32 to vector<16xi32>
    %add3A_596 = arith.addi %iota3A, %add3A_595 : vector<16xi32>
    %and3A_597 = arith.constant 15 : i32
    %and3A_598 = vector.broadcast %and3A_597 : i32 to vector<16xi32>
    %and3A_599 = arith.andi %add3A_596, %and3A_598 : vector<16xi32>
    %broadcast_in_dim3A_600 = vector.shape_cast %and3A_599 : vector<16xi32> to vector<16x1xi32>
    %gather3A_601 = vector.shape_cast %broadcast_in_dim3A_600 : vector<16x1xi32> to vector<16xi32>
    %gather3A_602 = tpu.dynamic_gather %max3A_593[%gather3A_601] in [0] : vector<16xf32>, vector<16xi32> -> vector<16xf32>
    %max3A_603 = arith.maximumf %max3A_593, %gather3A_602 : vector<16xf32>
    %add3A_604 = arith.constant 1 : i32
    %add3A_605 = vector.broadcast %add3A_604 : i32 to vector<16xi32>
    %add3A_606 = arith.addi %iota3A, %add3A_605 : vector<16xi32>
    %and3A_607 = arith.constant 15 : i32
    %and3A_608 = vector.broadcast %and3A_607 : i32 to vector<16xi32>
    %and3A_609 = arith.andi %add3A_606, %and3A_608 : vector<16xi32>
    %broadcast_in_dim3A_610 = vector.shape_cast %and3A_609 : vector<16xi32> to vector<16x1xi32>
    %gather3A_611 = vector.shape_cast %broadcast_in_dim3A_610 : vector<16x1xi32> to vector<16xi32>
    %gather3A_612 = tpu.dynamic_gather %max3A_603[%gather3A_611] in [0] : vector<16xf32>, vector<16xi32> -> vector<16xf32>
    %max3A_613 = arith.maximumf %max3A_603, %gather3A_612 : vector<16xf32>
    %sub3A_614 = arith.subf %select_n3A_573, %max3A_613 : vector<16xf32>
    %exp3A_615 = math.exp %sub3A_614 : vector<16xf32>
    %jit3A_616 = arith.constant 0.000000e+00 : f32
    %broadcast_in_dim3A_617 = vector.broadcast %jit3A_616 : f32 to vector<16xf32>
    %select_n3A_618 = arith.select %lt3A_2, %exp3A_615, %broadcast_in_dim3A_617 : vector<16xi1>, vector<16xf32>
    %add3A_619 = arith.constant 8 : i32
    %add3A_620 = vector.broadcast %add3A_619 : i32 to vector<16xi32>
    %add3A_621 = arith.addi %iota3A, %add3A_620 : vector<16xi32>
    %and3A_622 = arith.constant 15 : i32
    %and3A_623 = vector.broadcast %and3A_622 : i32 to vector<16xi32>
    %and3A_624 = arith.andi %add3A_621, %and3A_623 : vector<16xi32>
    %broadcast_in_dim3A_625 = vector.shape_cast %and3A_624 : vector<16xi32> to vector<16x1xi32>
    %gather3A_626 = vector.shape_cast %broadcast_in_dim3A_625 : vector<16x1xi32> to vector<16xi32>
    %gather3A_627 = tpu.dynamic_gather %select_n3A_618[%gather3A_626] in [0] : vector<16xf32>, vector<16xi32> -> vector<16xf32>
    %add3A_628 = arith.addf %select_n3A_618, %gather3A_627 : vector<16xf32>
    %add3A_629 = arith.constant 4 : i32
    %add3A_630 = vector.broadcast %add3A_629 : i32 to vector<16xi32>
    %add3A_631 = arith.addi %iota3A, %add3A_630 : vector<16xi32>
    %and3A_632 = arith.constant 15 : i32
    %and3A_633 = vector.broadcast %and3A_632 : i32 to vector<16xi32>
    %and3A_634 = arith.andi %add3A_631, %and3A_633 : vector<16xi32>
    %broadcast_in_dim3A_635 = vector.shape_cast %and3A_634 : vector<16xi32> to vector<16x1xi32>
    %gather3A_636 = vector.shape_cast %broadcast_in_dim3A_635 : vector<16x1xi32> to vector<16xi32>
    %gather3A_637 = tpu.dynamic_gather %add3A_628[%gather3A_636] in [0] : vector<16xf32>, vector<16xi32> -> vector<16xf32>
    %add3A_638 = arith.addf %add3A_628, %gather3A_637 : vector<16xf32>
    %add3A_639 = arith.constant 2 : i32
    %add3A_640 = vector.broadcast %add3A_639 : i32 to vector<16xi32>
    %add3A_641 = arith.addi %iota3A, %add3A_640 : vector<16xi32>
    %and3A_642 = arith.constant 15 : i32
    %and3A_643 = vector.broadcast %and3A_642 : i32 to vector<16xi32>
    %and3A_644 = arith.andi %add3A_641, %and3A_643 : vector<16xi32>
    %broadcast_in_dim3A_645 = vector.shape_cast %and3A_644 : vector<16xi32> to vector<16x1xi32>
    %gather3A_646 = vector.shape_cast %broadcast_in_dim3A_645 : vector<16x1xi32> to vector<16xi32>
    %gather3A_647 = tpu.dynamic_gather %add3A_638[%gather3A_646] in [0] : vector<16xf32>, vector<16xi32> -> vector<16xf32>
    %add3A_648 = arith.addf %add3A_638, %gather3A_647 : vector<16xf32>
    %add3A_649 = arith.constant 1 : i32
    %add3A_650 = vector.broadcast %add3A_649 : i32 to vector<16xi32>
    %add3A_651 = arith.addi %iota3A, %add3A_650 : vector<16xi32>
    %and3A_652 = arith.constant 15 : i32
    %and3A_653 = vector.broadcast %and3A_652 : i32 to vector<16xi32>
    %and3A_654 = arith.andi %add3A_651, %and3A_653 : vector<16xi32>
    %broadcast_in_dim3A_655 = vector.shape_cast %and3A_654 : vector<16xi32> to vector<16x1xi32>
    %gather3A_656 = vector.shape_cast %broadcast_in_dim3A_655 : vector<16x1xi32> to vector<16xi32>
    %gather3A_657 = tpu.dynamic_gather %add3A_648[%gather3A_656] in [0] : vector<16xf32>, vector<16xi32> -> vector<16xf32>
    %add3A_658 = arith.addf %add3A_648, %gather3A_657 : vector<16xf32>
    %div3A_659 = arith.divf %select_n3A_618, %add3A_658 : vector<16xf32>
    %add3A_660 = arith.constant 8 : i32
    %add3A_661 = vector.broadcast %add3A_660 : i32 to vector<16xi32>
    %add3A_662 = arith.addi %iota3A, %add3A_661 : vector<16xi32>
    %and3A_663 = arith.constant 15 : i32
    %and3A_664 = vector.broadcast %and3A_663 : i32 to vector<16xi32>
    %and3A_665 = arith.andi %add3A_662, %and3A_664 : vector<16xi32>
    %broadcast_in_dim3A_666 = vector.shape_cast %and3A_665 : vector<16xi32> to vector<16x1xi32>
    %gather3A_667 = vector.shape_cast %broadcast_in_dim3A_666 : vector<16x1xi32> to vector<16xi32>
    %gather3A_668 = tpu.dynamic_gather %div3A_659[%gather3A_667] in [0] : vector<16xf32>, vector<16xi32> -> vector<16xf32>
    %max3A_669 = arith.maximumf %div3A_659, %gather3A_668 : vector<16xf32>
    %add3A_670 = arith.constant 4 : i32
    %add3A_671 = vector.broadcast %add3A_670 : i32 to vector<16xi32>
    %add3A_672 = arith.addi %iota3A, %add3A_671 : vector<16xi32>
    %and3A_673 = arith.constant 15 : i32
    %and3A_674 = vector.broadcast %and3A_673 : i32 to vector<16xi32>
    %and3A_675 = arith.andi %add3A_672, %and3A_674 : vector<16xi32>
    %broadcast_in_dim3A_676 = vector.shape_cast %and3A_675 : vector<16xi32> to vector<16x1xi32>
    %gather3A_677 = vector.shape_cast %broadcast_in_dim3A_676 : vector<16x1xi32> to vector<16xi32>
    %gather3A_678 = tpu.dynamic_gather %max3A_669[%gather3A_677] in [0] : vector<16xf32>, vector<16xi32> -> vector<16xf32>
    %max3A_679 = arith.maximumf %max3A_669, %gather3A_678 : vector<16xf32>
    %add3A_680 = arith.constant 2 : i32
    %add3A_681 = vector.broadcast %add3A_680 : i32 to vector<16xi32>
    %add3A_682 = arith.addi %iota3A, %add3A_681 : vector<16xi32>
    %and3A_683 = arith.constant 15 : i32
    %and3A_684 = vector.broadcast %and3A_683 : i32 to vector<16xi32>
    %and3A_685 = arith.andi %add3A_682, %and3A_684 : vector<16xi32>
    %broadcast_in_dim3A_686 = vector.shape_cast %and3A_685 : vector<16xi32> to vector<16x1xi32>
    %gather3A_687 = vector.shape_cast %broadcast_in_dim3A_686 : vector<16x1xi32> to vector<16xi32>
    %gather3A_688 = tpu.dynamic_gather %max3A_679[%gather3A_687] in [0] : vector<16xf32>, vector<16xi32> -> vector<16xf32>
    %max3A_689 = arith.maximumf %max3A_679, %gather3A_688 : vector<16xf32>
    %add3A_690 = arith.constant 1 : i32
    %add3A_691 = vector.broadcast %add3A_690 : i32 to vector<16xi32>
    %add3A_692 = arith.addi %iota3A, %add3A_691 : vector<16xi32>
    %and3A_693 = arith.constant 15 : i32
    %and3A_694 = vector.broadcast %and3A_693 : i32 to vector<16xi32>
    %and3A_695 = arith.andi %add3A_692, %and3A_694 : vector<16xi32>
    %broadcast_in_dim3A_696 = vector.shape_cast %and3A_695 : vector<16xi32> to vector<16x1xi32>
    %gather3A_697 = vector.shape_cast %broadcast_in_dim3A_696 : vector<16x1xi32> to vector<16xi32>
    %gather3A_698 = tpu.dynamic_gather %max3A_689[%gather3A_697] in [0] : vector<16xf32>, vector<16xi32> -> vector<16xf32>
    %max3A_699 = arith.maximumf %max3A_689, %gather3A_698 : vector<16xf32>
    %eq3A_700 = arith.cmpf oeq, %div3A_659, %max3A_699 : vector<16xf32>
    %jit3A_701 = arith.constant 8 : i32
    %broadcast_in_dim3A_702 = vector.broadcast %jit3A_701 : i32 to vector<16xi32>
    %select_n3A_703 = arith.select %eq3A_700, %iota3A, %broadcast_in_dim3A_702 : vector<16xi1>, vector<16xi32>
    %add3A_704 = arith.constant 8 : i32
    %add3A_705 = vector.broadcast %add3A_704 : i32 to vector<16xi32>
    %add3A_706 = arith.addi %iota3A, %add3A_705 : vector<16xi32>
    %and3A_707 = arith.constant 15 : i32
    %and3A_708 = vector.broadcast %and3A_707 : i32 to vector<16xi32>
    %and3A_709 = arith.andi %add3A_706, %and3A_708 : vector<16xi32>
    %broadcast_in_dim3A_710 = vector.shape_cast %and3A_709 : vector<16xi32> to vector<16x1xi32>
    %gather3A_711 = vector.shape_cast %broadcast_in_dim3A_710 : vector<16x1xi32> to vector<16xi32>
    %gather3A_712 = tpu.dynamic_gather %select_n3A_703[%gather3A_711] in [0] : vector<16xi32>, vector<16xi32> -> vector<16xi32>
    %min3A_713 = arith.minsi %select_n3A_703, %gather3A_712 : vector<16xi32>
    %add3A_714 = arith.constant 4 : i32
    %add3A_715 = vector.broadcast %add3A_714 : i32 to vector<16xi32>
    %add3A_716 = arith.addi %iota3A, %add3A_715 : vector<16xi32>
    %and3A_717 = arith.constant 15 : i32
    %and3A_718 = vector.broadcast %and3A_717 : i32 to vector<16xi32>
    %and3A_719 = arith.andi %add3A_716, %and3A_718 : vector<16xi32>
    %broadcast_in_dim3A_720 = vector.shape_cast %and3A_719 : vector<16xi32> to vector<16x1xi32>
    %gather3A_721 = vector.shape_cast %broadcast_in_dim3A_720 : vector<16x1xi32> to vector<16xi32>
    %gather3A_722 = tpu.dynamic_gather %min3A_713[%gather3A_721] in [0] : vector<16xi32>, vector<16xi32> -> vector<16xi32>
    %min3A_723 = arith.minsi %min3A_713, %gather3A_722 : vector<16xi32>
    %add3A_724 = arith.constant 2 : i32
    %add3A_725 = vector.broadcast %add3A_724 : i32 to vector<16xi32>
    %add3A_726 = arith.addi %iota3A, %add3A_725 : vector<16xi32>
    %and3A_727 = arith.constant 15 : i32
    %and3A_728 = vector.broadcast %and3A_727 : i32 to vector<16xi32>
    %and3A_729 = arith.andi %add3A_726, %and3A_728 : vector<16xi32>
    %broadcast_in_dim3A_730 = vector.shape_cast %and3A_729 : vector<16xi32> to vector<16x1xi32>
    %gather3A_731 = vector.shape_cast %broadcast_in_dim3A_730 : vector<16x1xi32> to vector<16xi32>
    %gather3A_732 = tpu.dynamic_gather %min3A_723[%gather3A_731] in [0] : vector<16xi32>, vector<16xi32> -> vector<16xi32>
    %min3A_733 = arith.minsi %min3A_723, %gather3A_732 : vector<16xi32>
    %add3A_734 = arith.constant 1 : i32
    %add3A_735 = vector.broadcast %add3A_734 : i32 to vector<16xi32>
    %add3A_736 = arith.addi %iota3A, %add3A_735 : vector<16xi32>
    %and3A_737 = arith.constant 15 : i32
    %and3A_738 = vector.broadcast %and3A_737 : i32 to vector<16xi32>
    %and3A_739 = arith.andi %add3A_736, %and3A_738 : vector<16xi32>
    %broadcast_in_dim3A_740 = vector.shape_cast %and3A_739 : vector<16xi32> to vector<16x1xi32>
    %gather3A_741 = vector.shape_cast %broadcast_in_dim3A_740 : vector<16x1xi32> to vector<16xi32>
    %gather3A_742 = tpu.dynamic_gather %min3A_733[%gather3A_741] in [0] : vector<16xi32>, vector<16xi32> -> vector<16xi32>
    %min3A_743 = arith.minsi %min3A_733, %gather3A_742 : vector<16xi32>
    %eq3A_744 = arith.cmpi eq, %iota3A, %min3A_743 : vector<16xi32>
    %jit3A_745 = arith.constant 0xFF800000 : f32
    %broadcast_in_dim3A_746 = vector.broadcast %jit3A_745 : f32 to vector<16xf32>
    %select_n3A_747 = arith.select %lt3A_2, %div3A_659, %broadcast_in_dim3A_746 : vector<16xi1>, vector<16xf32>
    %jit3A_748 = arith.constant 0xFF800000 : f32
    %broadcast_in_dim3A_749 = vector.broadcast %jit3A_748 : f32 to vector<16xf32>
    %select_n3A_750 = arith.select %eq3A_744, %broadcast_in_dim3A_749, %select_n3A_747 : vector<16xi1>, vector<16xf32>
    %add3A_751 = arith.constant 8 : i32
    %add3A_752 = vector.broadcast %add3A_751 : i32 to vector<16xi32>
    %add3A_753 = arith.addi %iota3A, %add3A_752 : vector<16xi32>
    %and3A_754 = arith.constant 15 : i32
    %and3A_755 = vector.broadcast %and3A_754 : i32 to vector<16xi32>
    %and3A_756 = arith.andi %add3A_753, %and3A_755 : vector<16xi32>
    %broadcast_in_dim3A_757 = vector.shape_cast %and3A_756 : vector<16xi32> to vector<16x1xi32>
    %gather3A_758 = vector.shape_cast %broadcast_in_dim3A_757 : vector<16x1xi32> to vector<16xi32>
    %gather3A_759 = tpu.dynamic_gather %select_n3A_750[%gather3A_758] in [0] : vector<16xf32>, vector<16xi32> -> vector<16xf32>
    %max3A_760 = arith.maximumf %select_n3A_750, %gather3A_759 : vector<16xf32>
    %add3A_761 = arith.constant 4 : i32
    %add3A_762 = vector.broadcast %add3A_761 : i32 to vector<16xi32>
    %add3A_763 = arith.addi %iota3A, %add3A_762 : vector<16xi32>
    %and3A_764 = arith.constant 15 : i32
    %and3A_765 = vector.broadcast %and3A_764 : i32 to vector<16xi32>
    %and3A_766 = arith.andi %add3A_763, %and3A_765 : vector<16xi32>
    %broadcast_in_dim3A_767 = vector.shape_cast %and3A_766 : vector<16xi32> to vector<16x1xi32>
    %gather3A_768 = vector.shape_cast %broadcast_in_dim3A_767 : vector<16x1xi32> to vector<16xi32>
    %gather3A_769 = tpu.dynamic_gather %max3A_760[%gather3A_768] in [0] : vector<16xf32>, vector<16xi32> -> vector<16xf32>
    %max3A_770 = arith.maximumf %max3A_760, %gather3A_769 : vector<16xf32>
    %add3A_771 = arith.constant 2 : i32
    %add3A_772 = vector.broadcast %add3A_771 : i32 to vector<16xi32>
    %add3A_773 = arith.addi %iota3A, %add3A_772 : vector<16xi32>
    %and3A_774 = arith.constant 15 : i32
    %and3A_775 = vector.broadcast %and3A_774 : i32 to vector<16xi32>
    %and3A_776 = arith.andi %add3A_773, %and3A_775 : vector<16xi32>
    %broadcast_in_dim3A_777 = vector.shape_cast %and3A_776 : vector<16xi32> to vector<16x1xi32>
    %gather3A_778 = vector.shape_cast %broadcast_in_dim3A_777 : vector<16x1xi32> to vector<16xi32>
    %gather3A_779 = tpu.dynamic_gather %max3A_770[%gather3A_778] in [0] : vector<16xf32>, vector<16xi32> -> vector<16xf32>
    %max3A_780 = arith.maximumf %max3A_770, %gather3A_779 : vector<16xf32>
    %add3A_781 = arith.constant 1 : i32
    %add3A_782 = vector.broadcast %add3A_781 : i32 to vector<16xi32>
    %add3A_783 = arith.addi %iota3A, %add3A_782 : vector<16xi32>
    %and3A_784 = arith.constant 15 : i32
    %and3A_785 = vector.broadcast %and3A_784 : i32 to vector<16xi32>
    %and3A_786 = arith.andi %add3A_783, %and3A_785 : vector<16xi32>
    %broadcast_in_dim3A_787 = vector.shape_cast %and3A_786 : vector<16xi32> to vector<16x1xi32>
    %gather3A_788 = vector.shape_cast %broadcast_in_dim3A_787 : vector<16x1xi32> to vector<16xi32>
    %gather3A_789 = tpu.dynamic_gather %max3A_780[%gather3A_788] in [0] : vector<16xf32>, vector<16xi32> -> vector<16xf32>
    %max3A_790 = arith.maximumf %max3A_780, %gather3A_789 : vector<16xf32>
    %eq3A_791 = arith.cmpf oeq, %select_n3A_750, %max3A_790 : vector<16xf32>
    %jit3A_792 = arith.constant 8 : i32
    %broadcast_in_dim3A_793 = vector.broadcast %jit3A_792 : i32 to vector<16xi32>
    %select_n3A_794 = arith.select %eq3A_791, %iota3A, %broadcast_in_dim3A_793 : vector<16xi1>, vector<16xi32>
    %add3A_795 = arith.constant 8 : i32
    %add3A_796 = vector.broadcast %add3A_795 : i32 to vector<16xi32>
    %add3A_797 = arith.addi %iota3A, %add3A_796 : vector<16xi32>
    %and3A_798 = arith.constant 15 : i32
    %and3A_799 = vector.broadcast %and3A_798 : i32 to vector<16xi32>
    %and3A_800 = arith.andi %add3A_797, %and3A_799 : vector<16xi32>
    %broadcast_in_dim3A_801 = vector.shape_cast %and3A_800 : vector<16xi32> to vector<16x1xi32>
    %gather3A_802 = vector.shape_cast %broadcast_in_dim3A_801 : vector<16x1xi32> to vector<16xi32>
    %gather3A_803 = tpu.dynamic_gather %select_n3A_794[%gather3A_802] in [0] : vector<16xi32>, vector<16xi32> -> vector<16xi32>
    %min3A_804 = arith.minsi %select_n3A_794, %gather3A_803 : vector<16xi32>
    %add3A_805 = arith.constant 4 : i32
    %add3A_806 = vector.broadcast %add3A_805 : i32 to vector<16xi32>
    %add3A_807 = arith.addi %iota3A, %add3A_806 : vector<16xi32>
    %and3A_808 = arith.constant 15 : i32
    %and3A_809 = vector.broadcast %and3A_808 : i32 to vector<16xi32>
    %and3A_810 = arith.andi %add3A_807, %and3A_809 : vector<16xi32>
    %broadcast_in_dim3A_811 = vector.shape_cast %and3A_810 : vector<16xi32> to vector<16x1xi32>
    %gather3A_812 = vector.shape_cast %broadcast_in_dim3A_811 : vector<16x1xi32> to vector<16xi32>
    %gather3A_813 = tpu.dynamic_gather %min3A_804[%gather3A_812] in [0] : vector<16xi32>, vector<16xi32> -> vector<16xi32>
    %min3A_814 = arith.minsi %min3A_804, %gather3A_813 : vector<16xi32>
    %add3A_815 = arith.constant 2 : i32
    %add3A_816 = vector.broadcast %add3A_815 : i32 to vector<16xi32>
    %add3A_817 = arith.addi %iota3A, %add3A_816 : vector<16xi32>
    %and3A_818 = arith.constant 15 : i32
    %and3A_819 = vector.broadcast %and3A_818 : i32 to vector<16xi32>
    %and3A_820 = arith.andi %add3A_817, %and3A_819 : vector<16xi32>
    %broadcast_in_dim3A_821 = vector.shape_cast %and3A_820 : vector<16xi32> to vector<16x1xi32>
    %gather3A_822 = vector.shape_cast %broadcast_in_dim3A_821 : vector<16x1xi32> to vector<16xi32>
    %gather3A_823 = tpu.dynamic_gather %min3A_814[%gather3A_822] in [0] : vector<16xi32>, vector<16xi32> -> vector<16xi32>
    %min3A_824 = arith.minsi %min3A_814, %gather3A_823 : vector<16xi32>
    %add3A_825 = arith.constant 1 : i32
    %add3A_826 = vector.broadcast %add3A_825 : i32 to vector<16xi32>
    %add3A_827 = arith.addi %iota3A, %add3A_826 : vector<16xi32>
    %and3A_828 = arith.constant 15 : i32
    %and3A_829 = vector.broadcast %and3A_828 : i32 to vector<16xi32>
    %and3A_830 = arith.andi %add3A_827, %and3A_829 : vector<16xi32>
    %broadcast_in_dim3A_831 = vector.shape_cast %and3A_830 : vector<16xi32> to vector<16x1xi32>
    %gather3A_832 = vector.shape_cast %broadcast_in_dim3A_831 : vector<16x1xi32> to vector<16xi32>
    %gather3A_833 = tpu.dynamic_gather %min3A_824[%gather3A_832] in [0] : vector<16xi32>, vector<16xi32> -> vector<16xi32>
    %min3A_834 = arith.minsi %min3A_824, %gather3A_833 : vector<16xi32>
    %add3A_835 = arith.addf %max3A_699, %max3A_790 : vector<16xf32>
    %add3A_836 = arith.constant 9.99999997E-7 : f32
    %add3A_837 = vector.broadcast %add3A_836 : f32 to vector<16xf32>
    %add3A_838 = arith.addf %add3A_835, %add3A_837 : vector<16xf32>
    %eq3A_839 = arith.cmpi eq, %iota3A, %min3A_743 : vector<16xi32>
    %jit3A_840 = arith.constant 0.000000e+00 : f32
    %broadcast_in_dim3A_841 = vector.broadcast %jit3A_840 : f32 to vector<16xf32>
    %select_n3A_842 = arith.select %eq3A_839, %max3A_699, %broadcast_in_dim3A_841 : vector<16xi1>, vector<16xf32>
    %eq3A_843 = arith.cmpi eq, %iota3A, %min3A_834 : vector<16xi32>
    %jit3A_844 = arith.constant 0.000000e+00 : f32
    %broadcast_in_dim3A_845 = vector.broadcast %jit3A_844 : f32 to vector<16xf32>
    %select_n3A_846 = arith.select %eq3A_843, %max3A_790, %broadcast_in_dim3A_845 : vector<16xi1>, vector<16xf32>
    %add3A_847 = arith.addf %select_n3A_842, %select_n3A_846 : vector<16xf32>
    %div3A_848 = arith.divf %add3A_847, %add3A_838 : vector<16xf32>
    %broadcast_in_dim3A_849 = arith.constant 0.000000e+00 : f32
    %broadcast_in_dim3A_850 = vector.broadcast %broadcast_in_dim3A_849 : f32 to vector<16xf32>
    %scan3A_851 = arith.constant 0 : i32
    %scan3A_852 = arith.constant 6 : i32
    %scan3A_853 = arith.addi %scan3A_851, %scan3A_852 : i32
    %scan3A_854 = arith.constant 1 : i32
    %scan3A_855 = scf.for %scan3A_1230 = %scan3A_851 to %scan3A_853 step %scan3A_854 iter_args(%scan3A_1231 = %broadcast_in_dim3A_850) -> (vector<16xf32>)  : i32 {
      %mul3A_1232 = arith.constant 16 : i32
      %mul3A_1233 = arith.muli %scan3A_1230, %mul3A_1232 : i32
      %get3A = arith.constant 3 : i32
      %get3A_1234 = arith.index_cast %get3A : i32 to index
      %get3A_1235 = arith.index_cast %mul3A_1233 : i32 to index
      %get3A_1236 = tpu.vector_load %arg7[%get3A_1234, %get3A_1235] {strides = array<i32>} : memref<4x96xf32, #tpu.memory_space<vmem>>, vector<1x16xf32>,
      %get3A_1237 = vector.shape_cast %get3A_1236 : vector<1x16xf32> to vector<16xf32>
      %slice3A_1238 = vector.extract_strided_slice %get3A_1237 {offsets = [0], sizes = [1], strides = [1]} : vector<16xf32> to vector<1xf32>
      %squeeze3A_1239 = vector.extract %slice3A_1238[0] : f32 from vector<1xf32>
      %mul3A_1240 = arith.constant 16 : i32
      %mul3A_1241 = arith.muli %scan3A_1230, %mul3A_1240 : i32
      %add3A_1242 = arith.constant 0 : i32
      %add3A_1243 = arith.addi %mul3A_1241, %add3A_1242 : i32
      %get3A_1244 = arith.index_cast %add3A_1243 : i32 to index
      %get3A_1245 = arith.constant 0 : index
      %get3A_1246 = tpu.vector_load %arg8[%get3A_1244, %get3A_1245] {strides = array<i32>} : memref<96x16xf32, #tpu.memory_space<vmem>>, vector<1x16xf32>,
      %get3A_1247 = vector.shape_cast %get3A_1246 : vector<1x16xf32> to vector<16xf32>
      %mul3A_1248 = vector.broadcast %squeeze3A_1239 : f32 to vector<16xf32>
      %mul3A_1249 = arith.mulf %mul3A_1248, %get3A_1247 : vector<16xf32>
      %add3A_1250 = arith.addf %scan3A_1231, %mul3A_1249 : vector<16xf32>
      %slice3A_1251 = vector.extract_strided_slice %get3A_1237 {offsets = [1], sizes = [1], strides = [1]} : vector<16xf32> to vector<1xf32>
      %squeeze3A_1252 = vector.extract %slice3A_1251[0] : f32 from vector<1xf32>
      %mul3A_1253 = arith.constant 16 : i32
      %mul3A_1254 = arith.muli %scan3A_1230, %mul3A_1253 : i32
      %add3A_1255 = arith.constant 1 : i32
      %add3A_1256 = arith.addi %mul3A_1254, %add3A_1255 : i32
      %get3A_1257 = arith.index_cast %add3A_1256 : i32 to index
      %get3A_1258 = arith.constant 0 : index
      %get3A_1259 = tpu.vector_load %arg8[%get3A_1257, %get3A_1258] {strides = array<i32>} : memref<96x16xf32, #tpu.memory_space<vmem>>, vector<1x16xf32>,
      %get3A_1260 = vector.shape_cast %get3A_1259 : vector<1x16xf32> to vector<16xf32>
      %mul3A_1261 = vector.broadcast %squeeze3A_1252 : f32 to vector<16xf32>
      %mul3A_1262 = arith.mulf %mul3A_1261, %get3A_1260 : vector<16xf32>
      %add3A_1263 = arith.addf %add3A_1250, %mul3A_1262 : vector<16xf32>
      %slice3A_1264 = vector.extract_strided_slice %get3A_1237 {offsets = [2], sizes = [1], strides = [1]} : vector<16xf32> to vector<1xf32>
      %squeeze3A_1265 = vector.extract %slice3A_1264[0] : f32 from vector<1xf32>
      %mul3A_1266 = arith.constant 16 : i32
      %mul3A_1267 = arith.muli %scan3A_1230, %mul3A_1266 : i32
      %add3A_1268 = arith.constant 2 : i32
      %add3A_1269 = arith.addi %mul3A_1267, %add3A_1268 : i32
      %get3A_1270 = arith.index_cast %add3A_1269 : i32 to index
      %get3A_1271 = arith.constant 0 : index
      %get3A_1272 = tpu.vector_load %arg8[%get3A_1270, %get3A_1271] {strides = array<i32>} : memref<96x16xf32, #tpu.memory_space<vmem>>, vector<1x16xf32>,
      %get3A_1273 = vector.shape_cast %get3A_1272 : vector<1x16xf32> to vector<16xf32>
      %mul3A_1274 = vector.broadcast %squeeze3A_1265 : f32 to vector<16xf32>
      %mul3A_1275 = arith.mulf %mul3A_1274, %get3A_1273 : vector<16xf32>
      %add3A_1276 = arith.addf %add3A_1263, %mul3A_1275 : vector<16xf32>
      %slice3A_1277 = vector.extract_strided_slice %get3A_1237 {offsets = [3], sizes = [1], strides = [1]} : vector<16xf32> to vector<1xf32>
      %squeeze3A_1278 = vector.extract %slice3A_1277[0] : f32 from vector<1xf32>
      %mul3A_1279 = arith.constant 16 : i32
      %mul3A_1280 = arith.muli %scan3A_1230, %mul3A_1279 : i32
      %add3A_1281 = arith.constant 3 : i32
      %add3A_1282 = arith.addi %mul3A_1280, %add3A_1281 : i32
      %get3A_1283 = arith.index_cast %add3A_1282 : i32 to index
      %get3A_1284 = arith.constant 0 : index
      %get3A_1285 = tpu.vector_load %arg8[%get3A_1283, %get3A_1284] {strides = array<i32>} : memref<96x16xf32, #tpu.memory_space<vmem>>, vector<1x16xf32>,
      %get3A_1286 = vector.shape_cast %get3A_1285 : vector<1x16xf32> to vector<16xf32>
      %mul3A_1287 = vector.broadcast %squeeze3A_1278 : f32 to vector<16xf32>
      %mul3A_1288 = arith.mulf %mul3A_1287, %get3A_1286 : vector<16xf32>
      %add3A_1289 = arith.addf %add3A_1276, %mul3A_1288 : vector<16xf32>
      %slice3A_1290 = vector.extract_strided_slice %get3A_1237 {offsets = [4], sizes = [1], strides = [1]} : vector<16xf32> to vector<1xf32>
      %squeeze3A_1291 = vector.extract %slice3A_1290[0] : f32 from vector<1xf32>
      %mul3A_1292 = arith.constant 16 : i32
      %mul3A_1293 = arith.muli %scan3A_1230, %mul3A_1292 : i32
      %add3A_1294 = arith.constant 4 : i32
      %add3A_1295 = arith.addi %mul3A_1293, %add3A_1294 : i32
      %get3A_1296 = arith.index_cast %add3A_1295 : i32 to index
      %get3A_1297 = arith.constant 0 : index
      %get3A_1298 = tpu.vector_load %arg8[%get3A_1296, %get3A_1297] {strides = array<i32>} : memref<96x16xf32, #tpu.memory_space<vmem>>, vector<1x16xf32>,
      %get3A_1299 = vector.shape_cast %get3A_1298 : vector<1x16xf32> to vector<16xf32>
      %mul3A_1300 = vector.broadcast %squeeze3A_1291 : f32 to vector<16xf32>
      %mul3A_1301 = arith.mulf %mul3A_1300, %get3A_1299 : vector<16xf32>
      %add3A_1302 = arith.addf %add3A_1289, %mul3A_1301 : vector<16xf32>
      %slice3A_1303 = vector.extract_strided_slice %get3A_1237 {offsets = [5], sizes = [1], strides = [1]} : vector<16xf32> to vector<1xf32>
      %squeeze3A_1304 = vector.extract %slice3A_1303[0] : f32 from vector<1xf32>
      %mul3A_1305 = arith.constant 16 : i32
      %mul3A_1306 = arith.muli %scan3A_1230, %mul3A_1305 : i32
      %add3A_1307 = arith.constant 5 : i32
      %add3A_1308 = arith.addi %mul3A_1306, %add3A_1307 : i32
      %get3A_1309 = arith.index_cast %add3A_1308 : i32 to index
      %get3A_1310 = arith.constant 0 : index
      %get3A_1311 = tpu.vector_load %arg8[%get3A_1309, %get3A_1310] {strides = array<i32>} : memref<96x16xf32, #tpu.memory_space<vmem>>, vector<1x16xf32>,
      %get3A_1312 = vector.shape_cast %get3A_1311 : vector<1x16xf32> to vector<16xf32>
      %mul3A_1313 = vector.broadcast %squeeze3A_1304 : f32 to vector<16xf32>
      %mul3A_1314 = arith.mulf %mul3A_1313, %get3A_1312 : vector<16xf32>
      %add3A_1315 = arith.addf %add3A_1302, %mul3A_1314 : vector<16xf32>
      %slice3A_1316 = vector.extract_strided_slice %get3A_1237 {offsets = [6], sizes = [1], strides = [1]} : vector<16xf32> to vector<1xf32>
      %squeeze3A_1317 = vector.extract %slice3A_1316[0] : f32 from vector<1xf32>
      %mul3A_1318 = arith.constant 16 : i32
      %mul3A_1319 = arith.muli %scan3A_1230, %mul3A_1318 : i32
      %add3A_1320 = arith.constant 6 : i32
      %add3A_1321 = arith.addi %mul3A_1319, %add3A_1320 : i32
      %get3A_1322 = arith.index_cast %add3A_1321 : i32 to index
      %get3A_1323 = arith.constant 0 : index
      %get3A_1324 = tpu.vector_load %arg8[%get3A_1322, %get3A_1323] {strides = array<i32>} : memref<96x16xf32, #tpu.memory_space<vmem>>, vector<1x16xf32>,
      %get3A_1325 = vector.shape_cast %get3A_1324 : vector<1x16xf32> to vector<16xf32>
      %mul3A_1326 = vector.broadcast %squeeze3A_1317 : f32 to vector<16xf32>
      %mul3A_1327 = arith.mulf %mul3A_1326, %get3A_1325 : vector<16xf32>
      %add3A_1328 = arith.addf %add3A_1315, %mul3A_1327 : vector<16xf32>
      %slice3A_1329 = vector.extract_strided_slice %get3A_1237 {offsets = [7], sizes = [1], strides = [1]} : vector<16xf32> to vector<1xf32>
      %squeeze3A_1330 = vector.extract %slice3A_1329[0] : f32 from vector<1xf32>
      %mul3A_1331 = arith.constant 16 : i32
      %mul3A_1332 = arith.muli %scan3A_1230, %mul3A_1331 : i32
      %add3A_1333 = arith.constant 7 : i32
      %add3A_1334 = arith.addi %mul3A_1332, %add3A_1333 : i32
      %get3A_1335 = arith.index_cast %add3A_1334 : i32 to index
      %get3A_1336 = arith.constant 0 : index
      %get3A_1337 = tpu.vector_load %arg8[%get3A_1335, %get3A_1336] {strides = array<i32>} : memref<96x16xf32, #tpu.memory_space<vmem>>, vector<1x16xf32>,
      %get3A_1338 = vector.shape_cast %get3A_1337 : vector<1x16xf32> to vector<16xf32>
      %mul3A_1339 = vector.broadcast %squeeze3A_1330 : f32 to vector<16xf32>
      %mul3A_1340 = arith.mulf %mul3A_1339, %get3A_1338 : vector<16xf32>
      %add3A_1341 = arith.addf %add3A_1328, %mul3A_1340 : vector<16xf32>
      %slice3A_1342 = vector.extract_strided_slice %get3A_1237 {offsets = [8], sizes = [1], strides = [1]} : vector<16xf32> to vector<1xf32>
      %squeeze3A_1343 = vector.extract %slice3A_1342[0] : f32 from vector<1xf32>
      %mul3A_1344 = arith.constant 16 : i32
      %mul3A_1345 = arith.muli %scan3A_1230, %mul3A_1344 : i32
      %add3A_1346 = arith.constant 8 : i32
      %add3A_1347 = arith.addi %mul3A_1345, %add3A_1346 : i32
      %get3A_1348 = arith.index_cast %add3A_1347 : i32 to index
      %get3A_1349 = arith.constant 0 : index
      %get3A_1350 = tpu.vector_load %arg8[%get3A_1348, %get3A_1349] {strides = array<i32>} : memref<96x16xf32, #tpu.memory_space<vmem>>, vector<1x16xf32>,
      %get3A_1351 = vector.shape_cast %get3A_1350 : vector<1x16xf32> to vector<16xf32>
      %mul3A_1352 = vector.broadcast %squeeze3A_1343 : f32 to vector<16xf32>
      %mul3A_1353 = arith.mulf %mul3A_1352, %get3A_1351 : vector<16xf32>
      %add3A_1354 = arith.addf %add3A_1341, %mul3A_1353 : vector<16xf32>
      %slice3A_1355 = vector.extract_strided_slice %get3A_1237 {offsets = [9], sizes = [1], strides = [1]} : vector<16xf32> to vector<1xf32>
      %squeeze3A_1356 = vector.extract %slice3A_1355[0] : f32 from vector<1xf32>
      %mul3A_1357 = arith.constant 16 : i32
      %mul3A_1358 = arith.muli %scan3A_1230, %mul3A_1357 : i32
      %add3A_1359 = arith.constant 9 : i32
      %add3A_1360 = arith.addi %mul3A_1358, %add3A_1359 : i32
      %get3A_1361 = arith.index_cast %add3A_1360 : i32 to index
      %get3A_1362 = arith.constant 0 : index
      %get3A_1363 = tpu.vector_load %arg8[%get3A_1361, %get3A_1362] {strides = array<i32>} : memref<96x16xf32, #tpu.memory_space<vmem>>, vector<1x16xf32>,
      %get3A_1364 = vector.shape_cast %get3A_1363 : vector<1x16xf32> to vector<16xf32>
      %mul3A_1365 = vector.broadcast %squeeze3A_1356 : f32 to vector<16xf32>
      %mul3A_1366 = arith.mulf %mul3A_1365, %get3A_1364 : vector<16xf32>
      %add3A_1367 = arith.addf %add3A_1354, %mul3A_1366 : vector<16xf32>
      %slice3A_1368 = vector.extract_strided_slice %get3A_1237 {offsets = [10], sizes = [1], strides = [1]} : vector<16xf32> to vector<1xf32>
      %squeeze3A_1369 = vector.extract %slice3A_1368[0] : f32 from vector<1xf32>
      %mul3A_1370 = arith.constant 16 : i32
      %mul3A_1371 = arith.muli %scan3A_1230, %mul3A_1370 : i32
      %add3A_1372 = arith.constant 10 : i32
      %add3A_1373 = arith.addi %mul3A_1371, %add3A_1372 : i32
      %get3A_1374 = arith.index_cast %add3A_1373 : i32 to index
      %get3A_1375 = arith.constant 0 : index
      %get3A_1376 = tpu.vector_load %arg8[%get3A_1374, %get3A_1375] {strides = array<i32>} : memref<96x16xf32, #tpu.memory_space<vmem>>, vector<1x16xf32>,
      %get3A_1377 = vector.shape_cast %get3A_1376 : vector<1x16xf32> to vector<16xf32>
      %mul3A_1378 = vector.broadcast %squeeze3A_1369 : f32 to vector<16xf32>
      %mul3A_1379 = arith.mulf %mul3A_1378, %get3A_1377 : vector<16xf32>
      %add3A_1380 = arith.addf %add3A_1367, %mul3A_1379 : vector<16xf32>
      %slice3A_1381 = vector.extract_strided_slice %get3A_1237 {offsets = [11], sizes = [1], strides = [1]} : vector<16xf32> to vector<1xf32>
      %squeeze3A_1382 = vector.extract %slice3A_1381[0] : f32 from vector<1xf32>
      %mul3A_1383 = arith.constant 16 : i32
      %mul3A_1384 = arith.muli %scan3A_1230, %mul3A_1383 : i32
      %add3A_1385 = arith.constant 11 : i32
      %add3A_1386 = arith.addi %mul3A_1384, %add3A_1385 : i32
      %get3A_1387 = arith.index_cast %add3A_1386 : i32 to index
      %get3A_1388 = arith.constant 0 : index
      %get3A_1389 = tpu.vector_load %arg8[%get3A_1387, %get3A_1388] {strides = array<i32>} : memref<96x16xf32, #tpu.memory_space<vmem>>, vector<1x16xf32>,
      %get3A_1390 = vector.shape_cast %get3A_1389 : vector<1x16xf32> to vector<16xf32>
      %mul3A_1391 = vector.broadcast %squeeze3A_1382 : f32 to vector<16xf32>
      %mul3A_1392 = arith.mulf %mul3A_1391, %get3A_1390 : vector<16xf32>
      %add3A_1393 = arith.addf %add3A_1380, %mul3A_1392 : vector<16xf32>
      %slice3A_1394 = vector.extract_strided_slice %get3A_1237 {offsets = [12], sizes = [1], strides = [1]} : vector<16xf32> to vector<1xf32>
      %squeeze3A_1395 = vector.extract %slice3A_1394[0] : f32 from vector<1xf32>
      %mul3A_1396 = arith.constant 16 : i32
      %mul3A_1397 = arith.muli %scan3A_1230, %mul3A_1396 : i32
      %add3A_1398 = arith.constant 12 : i32
      %add3A_1399 = arith.addi %mul3A_1397, %add3A_1398 : i32
      %get3A_1400 = arith.index_cast %add3A_1399 : i32 to index
      %get3A_1401 = arith.constant 0 : index
      %get3A_1402 = tpu.vector_load %arg8[%get3A_1400, %get3A_1401] {strides = array<i32>} : memref<96x16xf32, #tpu.memory_space<vmem>>, vector<1x16xf32>,
      %get3A_1403 = vector.shape_cast %get3A_1402 : vector<1x16xf32> to vector<16xf32>
      %mul3A_1404 = vector.broadcast %squeeze3A_1395 : f32 to vector<16xf32>
      %mul3A_1405 = arith.mulf %mul3A_1404, %get3A_1403 : vector<16xf32>
      %add3A_1406 = arith.addf %add3A_1393, %mul3A_1405 : vector<16xf32>
      %slice3A_1407 = vector.extract_strided_slice %get3A_1237 {offsets = [13], sizes = [1], strides = [1]} : vector<16xf32> to vector<1xf32>
      %squeeze3A_1408 = vector.extract %slice3A_1407[0] : f32 from vector<1xf32>
      %mul3A_1409 = arith.constant 16 : i32
      %mul3A_1410 = arith.muli %scan3A_1230, %mul3A_1409 : i32
      %add3A_1411 = arith.constant 13 : i32
      %add3A_1412 = arith.addi %mul3A_1410, %add3A_1411 : i32
      %get3A_1413 = arith.index_cast %add3A_1412 : i32 to index
      %get3A_1414 = arith.constant 0 : index
      %get3A_1415 = tpu.vector_load %arg8[%get3A_1413, %get3A_1414] {strides = array<i32>} : memref<96x16xf32, #tpu.memory_space<vmem>>, vector<1x16xf32>,
      %get3A_1416 = vector.shape_cast %get3A_1415 : vector<1x16xf32> to vector<16xf32>
      %mul3A_1417 = vector.broadcast %squeeze3A_1408 : f32 to vector<16xf32>
      %mul3A_1418 = arith.mulf %mul3A_1417, %get3A_1416 : vector<16xf32>
      %add3A_1419 = arith.addf %add3A_1406, %mul3A_1418 : vector<16xf32>
      %slice3A_1420 = vector.extract_strided_slice %get3A_1237 {offsets = [14], sizes = [1], strides = [1]} : vector<16xf32> to vector<1xf32>
      %squeeze3A_1421 = vector.extract %slice3A_1420[0] : f32 from vector<1xf32>
      %mul3A_1422 = arith.constant 16 : i32
      %mul3A_1423 = arith.muli %scan3A_1230, %mul3A_1422 : i32
      %add3A_1424 = arith.constant 14 : i32
      %add3A_1425 = arith.addi %mul3A_1423, %add3A_1424 : i32
      %get3A_1426 = arith.index_cast %add3A_1425 : i32 to index
      %get3A_1427 = arith.constant 0 : index
      %get3A_1428 = tpu.vector_load %arg8[%get3A_1426, %get3A_1427] {strides = array<i32>} : memref<96x16xf32, #tpu.memory_space<vmem>>, vector<1x16xf32>,
      %get3A_1429 = vector.shape_cast %get3A_1428 : vector<1x16xf32> to vector<16xf32>
      %mul3A_1430 = vector.broadcast %squeeze3A_1421 : f32 to vector<16xf32>
      %mul3A_1431 = arith.mulf %mul3A_1430, %get3A_1429 : vector<16xf32>
      %add3A_1432 = arith.addf %add3A_1419, %mul3A_1431 : vector<16xf32>
      %slice3A_1433 = vector.extract_strided_slice %get3A_1237 {offsets = [15], sizes = [1], strides = [1]} : vector<16xf32> to vector<1xf32>
      %squeeze3A_1434 = vector.extract %slice3A_1433[0] : f32 from vector<1xf32>
      %mul3A_1435 = arith.constant 16 : i32
      %mul3A_1436 = arith.muli %scan3A_1230, %mul3A_1435 : i32
      %add3A_1437 = arith.constant 15 : i32
      %add3A_1438 = arith.addi %mul3A_1436, %add3A_1437 : i32
      %get3A_1439 = arith.index_cast %add3A_1438 : i32 to index
      %get3A_1440 = arith.constant 0 : index
      %get3A_1441 = tpu.vector_load %arg8[%get3A_1439, %get3A_1440] {strides = array<i32>} : memref<96x16xf32, #tpu.memory_space<vmem>>, vector<1x16xf32>,
      %get3A_1442 = vector.shape_cast %get3A_1441 : vector<1x16xf32> to vector<16xf32>
      %mul3A_1443 = vector.broadcast %squeeze3A_1434 : f32 to vector<16xf32>
      %mul3A_1444 = arith.mulf %mul3A_1443, %get3A_1442 : vector<16xf32>
      %add3A_1445 = arith.addf %add3A_1432, %mul3A_1444 : vector<16xf32>
      scf.yield %add3A_1445 : vector<16xf32>
    }
    %scan3A_856 = arith.constant 6 : i32
    %jit3A_857 = arith.constant 0xFF800000 : f32
    %broadcast_in_dim3A_858 = vector.broadcast %jit3A_857 : f32 to vector<16xf32>
    %select_n3A_859 = arith.select %lt3A_2, %scan3A_855, %broadcast_in_dim3A_858 : vector<16xi1>, vector<16xf32>
    %add3A_860 = arith.constant 8 : i32
    %add3A_861 = vector.broadcast %add3A_860 : i32 to vector<16xi32>
    %add3A_862 = arith.addi %iota3A, %add3A_861 : vector<16xi32>
    %and3A_863 = arith.constant 15 : i32
    %and3A_864 = vector.broadcast %and3A_863 : i32 to vector<16xi32>
    %and3A_865 = arith.andi %add3A_862, %and3A_864 : vector<16xi32>
    %broadcast_in_dim3A_866 = vector.shape_cast %and3A_865 : vector<16xi32> to vector<16x1xi32>
    %gather3A_867 = vector.shape_cast %broadcast_in_dim3A_866 : vector<16x1xi32> to vector<16xi32>
    %gather3A_868 = tpu.dynamic_gather %select_n3A_859[%gather3A_867] in [0] : vector<16xf32>, vector<16xi32> -> vector<16xf32>
    %max3A_869 = arith.maximumf %select_n3A_859, %gather3A_868 : vector<16xf32>
    %add3A_870 = arith.constant 4 : i32
    %add3A_871 = vector.broadcast %add3A_870 : i32 to vector<16xi32>
    %add3A_872 = arith.addi %iota3A, %add3A_871 : vector<16xi32>
    %and3A_873 = arith.constant 15 : i32
    %and3A_874 = vector.broadcast %and3A_873 : i32 to vector<16xi32>
    %and3A_875 = arith.andi %add3A_872, %and3A_874 : vector<16xi32>
    %broadcast_in_dim3A_876 = vector.shape_cast %and3A_875 : vector<16xi32> to vector<16x1xi32>
    %gather3A_877 = vector.shape_cast %broadcast_in_dim3A_876 : vector<16x1xi32> to vector<16xi32>
    %gather3A_878 = tpu.dynamic_gather %max3A_869[%gather3A_877] in [0] : vector<16xf32>, vector<16xi32> -> vector<16xf32>
    %max3A_879 = arith.maximumf %max3A_869, %gather3A_878 : vector<16xf32>
    %add3A_880 = arith.constant 2 : i32
    %add3A_881 = vector.broadcast %add3A_880 : i32 to vector<16xi32>
    %add3A_882 = arith.addi %iota3A, %add3A_881 : vector<16xi32>
    %and3A_883 = arith.constant 15 : i32
    %and3A_884 = vector.broadcast %and3A_883 : i32 to vector<16xi32>
    %and3A_885 = arith.andi %add3A_882, %and3A_884 : vector<16xi32>
    %broadcast_in_dim3A_886 = vector.shape_cast %and3A_885 : vector<16xi32> to vector<16x1xi32>
    %gather3A_887 = vector.shape_cast %broadcast_in_dim3A_886 : vector<16x1xi32> to vector<16xi32>
    %gather3A_888 = tpu.dynamic_gather %max3A_879[%gather3A_887] in [0] : vector<16xf32>, vector<16xi32> -> vector<16xf32>
    %max3A_889 = arith.maximumf %max3A_879, %gather3A_888 : vector<16xf32>
    %add3A_890 = arith.constant 1 : i32
    %add3A_891 = vector.broadcast %add3A_890 : i32 to vector<16xi32>
    %add3A_892 = arith.addi %iota3A, %add3A_891 : vector<16xi32>
    %and3A_893 = arith.constant 15 : i32
    %and3A_894 = vector.broadcast %and3A_893 : i32 to vector<16xi32>
    %and3A_895 = arith.andi %add3A_892, %and3A_894 : vector<16xi32>
    %broadcast_in_dim3A_896 = vector.shape_cast %and3A_895 : vector<16xi32> to vector<16x1xi32>
    %gather3A_897 = vector.shape_cast %broadcast_in_dim3A_896 : vector<16x1xi32> to vector<16xi32>
    %gather3A_898 = tpu.dynamic_gather %max3A_889[%gather3A_897] in [0] : vector<16xf32>, vector<16xi32> -> vector<16xf32>
    %max3A_899 = arith.maximumf %max3A_889, %gather3A_898 : vector<16xf32>
    %sub3A_900 = arith.subf %select_n3A_859, %max3A_899 : vector<16xf32>
    %exp3A_901 = math.exp %sub3A_900 : vector<16xf32>
    %jit3A_902 = arith.constant 0.000000e+00 : f32
    %broadcast_in_dim3A_903 = vector.broadcast %jit3A_902 : f32 to vector<16xf32>
    %select_n3A_904 = arith.select %lt3A_2, %exp3A_901, %broadcast_in_dim3A_903 : vector<16xi1>, vector<16xf32>
    %add3A_905 = arith.constant 8 : i32
    %add3A_906 = vector.broadcast %add3A_905 : i32 to vector<16xi32>
    %add3A_907 = arith.addi %iota3A, %add3A_906 : vector<16xi32>
    %and3A_908 = arith.constant 15 : i32
    %and3A_909 = vector.broadcast %and3A_908 : i32 to vector<16xi32>
    %and3A_910 = arith.andi %add3A_907, %and3A_909 : vector<16xi32>
    %broadcast_in_dim3A_911 = vector.shape_cast %and3A_910 : vector<16xi32> to vector<16x1xi32>
    %gather3A_912 = vector.shape_cast %broadcast_in_dim3A_911 : vector<16x1xi32> to vector<16xi32>
    %gather3A_913 = tpu.dynamic_gather %select_n3A_904[%gather3A_912] in [0] : vector<16xf32>, vector<16xi32> -> vector<16xf32>
    %add3A_914 = arith.addf %select_n3A_904, %gather3A_913 : vector<16xf32>
    %add3A_915 = arith.constant 4 : i32
    %add3A_916 = vector.broadcast %add3A_915 : i32 to vector<16xi32>
    %add3A_917 = arith.addi %iota3A, %add3A_916 : vector<16xi32>
    %and3A_918 = arith.constant 15 : i32
    %and3A_919 = vector.broadcast %and3A_918 : i32 to vector<16xi32>
    %and3A_920 = arith.andi %add3A_917, %and3A_919 : vector<16xi32>
    %broadcast_in_dim3A_921 = vector.shape_cast %and3A_920 : vector<16xi32> to vector<16x1xi32>
    %gather3A_922 = vector.shape_cast %broadcast_in_dim3A_921 : vector<16x1xi32> to vector<16xi32>
    %gather3A_923 = tpu.dynamic_gather %add3A_914[%gather3A_922] in [0] : vector<16xf32>, vector<16xi32> -> vector<16xf32>
    %add3A_924 = arith.addf %add3A_914, %gather3A_923 : vector<16xf32>
    %add3A_925 = arith.constant 2 : i32
    %add3A_926 = vector.broadcast %add3A_925 : i32 to vector<16xi32>
    %add3A_927 = arith.addi %iota3A, %add3A_926 : vector<16xi32>
    %and3A_928 = arith.constant 15 : i32
    %and3A_929 = vector.broadcast %and3A_928 : i32 to vector<16xi32>
    %and3A_930 = arith.andi %add3A_927, %and3A_929 : vector<16xi32>
    %broadcast_in_dim3A_931 = vector.shape_cast %and3A_930 : vector<16xi32> to vector<16x1xi32>
    %gather3A_932 = vector.shape_cast %broadcast_in_dim3A_931 : vector<16x1xi32> to vector<16xi32>
    %gather3A_933 = tpu.dynamic_gather %add3A_924[%gather3A_932] in [0] : vector<16xf32>, vector<16xi32> -> vector<16xf32>
    %add3A_934 = arith.addf %add3A_924, %gather3A_933 : vector<16xf32>
    %add3A_935 = arith.constant 1 : i32
    %add3A_936 = vector.broadcast %add3A_935 : i32 to vector<16xi32>
    %add3A_937 = arith.addi %iota3A, %add3A_936 : vector<16xi32>
    %and3A_938 = arith.constant 15 : i32
    %and3A_939 = vector.broadcast %and3A_938 : i32 to vector<16xi32>
    %and3A_940 = arith.andi %add3A_937, %and3A_939 : vector<16xi32>
    %broadcast_in_dim3A_941 = vector.shape_cast %and3A_940 : vector<16xi32> to vector<16x1xi32>
    %gather3A_942 = vector.shape_cast %broadcast_in_dim3A_941 : vector<16x1xi32> to vector<16xi32>
    %gather3A_943 = tpu.dynamic_gather %add3A_934[%gather3A_942] in [0] : vector<16xf32>, vector<16xi32> -> vector<16xf32>
    %add3A_944 = arith.addf %add3A_934, %gather3A_943 : vector<16xf32>
    %div3A_945 = arith.divf %select_n3A_904, %add3A_944 : vector<16xf32>
    %add3A_946 = arith.constant 8 : i32
    %add3A_947 = vector.broadcast %add3A_946 : i32 to vector<16xi32>
    %add3A_948 = arith.addi %iota3A, %add3A_947 : vector<16xi32>
    %and3A_949 = arith.constant 15 : i32
    %and3A_950 = vector.broadcast %and3A_949 : i32 to vector<16xi32>
    %and3A_951 = arith.andi %add3A_948, %and3A_950 : vector<16xi32>
    %broadcast_in_dim3A_952 = vector.shape_cast %and3A_951 : vector<16xi32> to vector<16x1xi32>
    %gather3A_953 = vector.shape_cast %broadcast_in_dim3A_952 : vector<16x1xi32> to vector<16xi32>
    %gather3A_954 = tpu.dynamic_gather %div3A_945[%gather3A_953] in [0] : vector<16xf32>, vector<16xi32> -> vector<16xf32>
    %max3A_955 = arith.maximumf %div3A_945, %gather3A_954 : vector<16xf32>
    %add3A_956 = arith.constant 4 : i32
    %add3A_957 = vector.broadcast %add3A_956 : i32 to vector<16xi32>
    %add3A_958 = arith.addi %iota3A, %add3A_957 : vector<16xi32>
    %and3A_959 = arith.constant 15 : i32
    %and3A_960 = vector.broadcast %and3A_959 : i32 to vector<16xi32>
    %and3A_961 = arith.andi %add3A_958, %and3A_960 : vector<16xi32>
    %broadcast_in_dim3A_962 = vector.shape_cast %and3A_961 : vector<16xi32> to vector<16x1xi32>
    %gather3A_963 = vector.shape_cast %broadcast_in_dim3A_962 : vector<16x1xi32> to vector<16xi32>
    %gather3A_964 = tpu.dynamic_gather %max3A_955[%gather3A_963] in [0] : vector<16xf32>, vector<16xi32> -> vector<16xf32>
    %max3A_965 = arith.maximumf %max3A_955, %gather3A_964 : vector<16xf32>
    %add3A_966 = arith.constant 2 : i32
    %add3A_967 = vector.broadcast %add3A_966 : i32 to vector<16xi32>
    %add3A_968 = arith.addi %iota3A, %add3A_967 : vector<16xi32>
    %and3A_969 = arith.constant 15 : i32
    %and3A_970 = vector.broadcast %and3A_969 : i32 to vector<16xi32>
    %and3A_971 = arith.andi %add3A_968, %and3A_970 : vector<16xi32>
    %broadcast_in_dim3A_972 = vector.shape_cast %and3A_971 : vector<16xi32> to vector<16x1xi32>
    %gather3A_973 = vector.shape_cast %broadcast_in_dim3A_972 : vector<16x1xi32> to vector<16xi32>
    %gather3A_974 = tpu.dynamic_gather %max3A_965[%gather3A_973] in [0] : vector<16xf32>, vector<16xi32> -> vector<16xf32>
    %max3A_975 = arith.maximumf %max3A_965, %gather3A_974 : vector<16xf32>
    %add3A_976 = arith.constant 1 : i32
    %add3A_977 = vector.broadcast %add3A_976 : i32 to vector<16xi32>
    %add3A_978 = arith.addi %iota3A, %add3A_977 : vector<16xi32>
    %and3A_979 = arith.constant 15 : i32
    %and3A_980 = vector.broadcast %and3A_979 : i32 to vector<16xi32>
    %and3A_981 = arith.andi %add3A_978, %and3A_980 : vector<16xi32>
    %broadcast_in_dim3A_982 = vector.shape_cast %and3A_981 : vector<16xi32> to vector<16x1xi32>
    %gather3A_983 = vector.shape_cast %broadcast_in_dim3A_982 : vector<16x1xi32> to vector<16xi32>
    %gather3A_984 = tpu.dynamic_gather %max3A_975[%gather3A_983] in [0] : vector<16xf32>, vector<16xi32> -> vector<16xf32>
    %max3A_985 = arith.maximumf %max3A_975, %gather3A_984 : vector<16xf32>
    %eq3A_986 = arith.cmpf oeq, %div3A_945, %max3A_985 : vector<16xf32>
    %jit3A_987 = arith.constant 8 : i32
    %broadcast_in_dim3A_988 = vector.broadcast %jit3A_987 : i32 to vector<16xi32>
    %select_n3A_989 = arith.select %eq3A_986, %iota3A, %broadcast_in_dim3A_988 : vector<16xi1>, vector<16xi32>
    %add3A_990 = arith.constant 8 : i32
    %add3A_991 = vector.broadcast %add3A_990 : i32 to vector<16xi32>
    %add3A_992 = arith.addi %iota3A, %add3A_991 : vector<16xi32>
    %and3A_993 = arith.constant 15 : i32
    %and3A_994 = vector.broadcast %and3A_993 : i32 to vector<16xi32>
    %and3A_995 = arith.andi %add3A_992, %and3A_994 : vector<16xi32>
    %broadcast_in_dim3A_996 = vector.shape_cast %and3A_995 : vector<16xi32> to vector<16x1xi32>
    %gather3A_997 = vector.shape_cast %broadcast_in_dim3A_996 : vector<16x1xi32> to vector<16xi32>
    %gather3A_998 = tpu.dynamic_gather %select_n3A_989[%gather3A_997] in [0] : vector<16xi32>, vector<16xi32> -> vector<16xi32>
    %min3A_999 = arith.minsi %select_n3A_989, %gather3A_998 : vector<16xi32>
    %add3A_1000 = arith.constant 4 : i32
    %add3A_1001 = vector.broadcast %add3A_1000 : i32 to vector<16xi32>
    %add3A_1002 = arith.addi %iota3A, %add3A_1001 : vector<16xi32>
    %and3A_1003 = arith.constant 15 : i32
    %and3A_1004 = vector.broadcast %and3A_1003 : i32 to vector<16xi32>
    %and3A_1005 = arith.andi %add3A_1002, %and3A_1004 : vector<16xi32>
    %broadcast_in_dim3A_1006 = vector.shape_cast %and3A_1005 : vector<16xi32> to vector<16x1xi32>
    %gather3A_1007 = vector.shape_cast %broadcast_in_dim3A_1006 : vector<16x1xi32> to vector<16xi32>
    %gather3A_1008 = tpu.dynamic_gather %min3A_999[%gather3A_1007] in [0] : vector<16xi32>, vector<16xi32> -> vector<16xi32>
    %min3A_1009 = arith.minsi %min3A_999, %gather3A_1008 : vector<16xi32>
    %add3A_1010 = arith.constant 2 : i32
    %add3A_1011 = vector.broadcast %add3A_1010 : i32 to vector<16xi32>
    %add3A_1012 = arith.addi %iota3A, %add3A_1011 : vector<16xi32>
    %and3A_1013 = arith.constant 15 : i32
    %and3A_1014 = vector.broadcast %and3A_1013 : i32 to vector<16xi32>
    %and3A_1015 = arith.andi %add3A_1012, %and3A_1014 : vector<16xi32>
    %broadcast_in_dim3A_1016 = vector.shape_cast %and3A_1015 : vector<16xi32> to vector<16x1xi32>
    %gather3A_1017 = vector.shape_cast %broadcast_in_dim3A_1016 : vector<16x1xi32> to vector<16xi32>
    %gather3A_1018 = tpu.dynamic_gather %min3A_1009[%gather3A_1017] in [0] : vector<16xi32>, vector<16xi32> -> vector<16xi32>
    %min3A_1019 = arith.minsi %min3A_1009, %gather3A_1018 : vector<16xi32>
    %add3A_1020 = arith.constant 1 : i32
    %add3A_1021 = vector.broadcast %add3A_1020 : i32 to vector<16xi32>
    %add3A_1022 = arith.addi %iota3A, %add3A_1021 : vector<16xi32>
    %and3A_1023 = arith.constant 15 : i32
    %and3A_1024 = vector.broadcast %and3A_1023 : i32 to vector<16xi32>
    %and3A_1025 = arith.andi %add3A_1022, %and3A_1024 : vector<16xi32>
    %broadcast_in_dim3A_1026 = vector.shape_cast %and3A_1025 : vector<16xi32> to vector<16x1xi32>
    %gather3A_1027 = vector.shape_cast %broadcast_in_dim3A_1026 : vector<16x1xi32> to vector<16xi32>
    %gather3A_1028 = tpu.dynamic_gather %min3A_1019[%gather3A_1027] in [0] : vector<16xi32>, vector<16xi32> -> vector<16xi32>
    %min3A_1029 = arith.minsi %min3A_1019, %gather3A_1028 : vector<16xi32>
    %eq3A_1030 = arith.cmpi eq, %iota3A, %min3A_1029 : vector<16xi32>
    %jit3A_1031 = arith.constant 0xFF800000 : f32
    %broadcast_in_dim3A_1032 = vector.broadcast %jit3A_1031 : f32 to vector<16xf32>
    %select_n3A_1033 = arith.select %lt3A_2, %div3A_945, %broadcast_in_dim3A_1032 : vector<16xi1>, vector<16xf32>
    %jit3A_1034 = arith.constant 0xFF800000 : f32
    %broadcast_in_dim3A_1035 = vector.broadcast %jit3A_1034 : f32 to vector<16xf32>
    %select_n3A_1036 = arith.select %eq3A_1030, %broadcast_in_dim3A_1035, %select_n3A_1033 : vector<16xi1>, vector<16xf32>
    %add3A_1037 = arith.constant 8 : i32
    %add3A_1038 = vector.broadcast %add3A_1037 : i32 to vector<16xi32>
    %add3A_1039 = arith.addi %iota3A, %add3A_1038 : vector<16xi32>
    %and3A_1040 = arith.constant 15 : i32
    %and3A_1041 = vector.broadcast %and3A_1040 : i32 to vector<16xi32>
    %and3A_1042 = arith.andi %add3A_1039, %and3A_1041 : vector<16xi32>
    %broadcast_in_dim3A_1043 = vector.shape_cast %and3A_1042 : vector<16xi32> to vector<16x1xi32>
    %gather3A_1044 = vector.shape_cast %broadcast_in_dim3A_1043 : vector<16x1xi32> to vector<16xi32>
    %gather3A_1045 = tpu.dynamic_gather %select_n3A_1036[%gather3A_1044] in [0] : vector<16xf32>, vector<16xi32> -> vector<16xf32>
    %max3A_1046 = arith.maximumf %select_n3A_1036, %gather3A_1045 : vector<16xf32>
    %add3A_1047 = arith.constant 4 : i32
    %add3A_1048 = vector.broadcast %add3A_1047 : i32 to vector<16xi32>
    %add3A_1049 = arith.addi %iota3A, %add3A_1048 : vector<16xi32>
    %and3A_1050 = arith.constant 15 : i32
    %and3A_1051 = vector.broadcast %and3A_1050 : i32 to vector<16xi32>
    %and3A_1052 = arith.andi %add3A_1049, %and3A_1051 : vector<16xi32>
    %broadcast_in_dim3A_1053 = vector.shape_cast %and3A_1052 : vector<16xi32> to vector<16x1xi32>
    %gather3A_1054 = vector.shape_cast %broadcast_in_dim3A_1053 : vector<16x1xi32> to vector<16xi32>
    %gather3A_1055 = tpu.dynamic_gather %max3A_1046[%gather3A_1054] in [0] : vector<16xf32>, vector<16xi32> -> vector<16xf32>
    %max3A_1056 = arith.maximumf %max3A_1046, %gather3A_1055 : vector<16xf32>
    %add3A_1057 = arith.constant 2 : i32
    %add3A_1058 = vector.broadcast %add3A_1057 : i32 to vector<16xi32>
    %add3A_1059 = arith.addi %iota3A, %add3A_1058 : vector<16xi32>
    %and3A_1060 = arith.constant 15 : i32
    %and3A_1061 = vector.broadcast %and3A_1060 : i32 to vector<16xi32>
    %and3A_1062 = arith.andi %add3A_1059, %and3A_1061 : vector<16xi32>
    %broadcast_in_dim3A_1063 = vector.shape_cast %and3A_1062 : vector<16xi32> to vector<16x1xi32>
    %gather3A_1064 = vector.shape_cast %broadcast_in_dim3A_1063 : vector<16x1xi32> to vector<16xi32>
    %gather3A_1065 = tpu.dynamic_gather %max3A_1056[%gather3A_1064] in [0] : vector<16xf32>, vector<16xi32> -> vector<16xf32>
    %max3A_1066 = arith.maximumf %max3A_1056, %gather3A_1065 : vector<16xf32>
    %add3A_1067 = arith.constant 1 : i32
    %add3A_1068 = vector.broadcast %add3A_1067 : i32 to vector<16xi32>
    %add3A_1069 = arith.addi %iota3A, %add3A_1068 : vector<16xi32>
    %and3A_1070 = arith.constant 15 : i32
    %and3A_1071 = vector.broadcast %and3A_1070 : i32 to vector<16xi32>
    %and3A_1072 = arith.andi %add3A_1069, %and3A_1071 : vector<16xi32>
    %broadcast_in_dim3A_1073 = vector.shape_cast %and3A_1072 : vector<16xi32> to vector<16x1xi32>
    %gather3A_1074 = vector.shape_cast %broadcast_in_dim3A_1073 : vector<16x1xi32> to vector<16xi32>
    %gather3A_1075 = tpu.dynamic_gather %max3A_1066[%gather3A_1074] in [0] : vector<16xf32>, vector<16xi32> -> vector<16xf32>
    %max3A_1076 = arith.maximumf %max3A_1066, %gather3A_1075 : vector<16xf32>
    %eq3A_1077 = arith.cmpf oeq, %select_n3A_1036, %max3A_1076 : vector<16xf32>
    %jit3A_1078 = arith.constant 8 : i32
    %broadcast_in_dim3A_1079 = vector.broadcast %jit3A_1078 : i32 to vector<16xi32>
    %select_n3A_1080 = arith.select %eq3A_1077, %iota3A, %broadcast_in_dim3A_1079 : vector<16xi1>, vector<16xi32>
    %add3A_1081 = arith.constant 8 : i32
    %add3A_1082 = vector.broadcast %add3A_1081 : i32 to vector<16xi32>
    %add3A_1083 = arith.addi %iota3A, %add3A_1082 : vector<16xi32>
    %and3A_1084 = arith.constant 15 : i32
    %and3A_1085 = vector.broadcast %and3A_1084 : i32 to vector<16xi32>
    %and3A_1086 = arith.andi %add3A_1083, %and3A_1085 : vector<16xi32>
    %broadcast_in_dim3A_1087 = vector.shape_cast %and3A_1086 : vector<16xi32> to vector<16x1xi32>
    %gather3A_1088 = vector.shape_cast %broadcast_in_dim3A_1087 : vector<16x1xi32> to vector<16xi32>
    %gather3A_1089 = tpu.dynamic_gather %select_n3A_1080[%gather3A_1088] in [0] : vector<16xi32>, vector<16xi32> -> vector<16xi32>
    %min3A_1090 = arith.minsi %select_n3A_1080, %gather3A_1089 : vector<16xi32>
    %add3A_1091 = arith.constant 4 : i32
    %add3A_1092 = vector.broadcast %add3A_1091 : i32 to vector<16xi32>
    %add3A_1093 = arith.addi %iota3A, %add3A_1092 : vector<16xi32>
    %and3A_1094 = arith.constant 15 : i32
    %and3A_1095 = vector.broadcast %and3A_1094 : i32 to vector<16xi32>
    %and3A_1096 = arith.andi %add3A_1093, %and3A_1095 : vector<16xi32>
    %broadcast_in_dim3A_1097 = vector.shape_cast %and3A_1096 : vector<16xi32> to vector<16x1xi32>
    %gather3A_1098 = vector.shape_cast %broadcast_in_dim3A_1097 : vector<16x1xi32> to vector<16xi32>
    %gather3A_1099 = tpu.dynamic_gather %min3A_1090[%gather3A_1098] in [0] : vector<16xi32>, vector<16xi32> -> vector<16xi32>
    %min3A_1100 = arith.minsi %min3A_1090, %gather3A_1099 : vector<16xi32>
    %add3A_1101 = arith.constant 2 : i32
    %add3A_1102 = vector.broadcast %add3A_1101 : i32 to vector<16xi32>
    %add3A_1103 = arith.addi %iota3A, %add3A_1102 : vector<16xi32>
    %and3A_1104 = arith.constant 15 : i32
    %and3A_1105 = vector.broadcast %and3A_1104 : i32 to vector<16xi32>
    %and3A_1106 = arith.andi %add3A_1103, %and3A_1105 : vector<16xi32>
    %broadcast_in_dim3A_1107 = vector.shape_cast %and3A_1106 : vector<16xi32> to vector<16x1xi32>
    %gather3A_1108 = vector.shape_cast %broadcast_in_dim3A_1107 : vector<16x1xi32> to vector<16xi32>
    %gather3A_1109 = tpu.dynamic_gather %min3A_1100[%gather3A_1108] in [0] : vector<16xi32>, vector<16xi32> -> vector<16xi32>
    %min3A_1110 = arith.minsi %min3A_1100, %gather3A_1109 : vector<16xi32>
    %add3A_1111 = arith.constant 1 : i32
    %add3A_1112 = vector.broadcast %add3A_1111 : i32 to vector<16xi32>
    %add3A_1113 = arith.addi %iota3A, %add3A_1112 : vector<16xi32>
    %and3A_1114 = arith.constant 15 : i32
    %and3A_1115 = vector.broadcast %and3A_1114 : i32 to vector<16xi32>
    %and3A_1116 = arith.andi %add3A_1113, %and3A_1115 : vector<16xi32>
    %broadcast_in_dim3A_1117 = vector.shape_cast %and3A_1116 : vector<16xi32> to vector<16x1xi32>
    %gather3A_1118 = vector.shape_cast %broadcast_in_dim3A_1117 : vector<16x1xi32> to vector<16xi32>
    %gather3A_1119 = tpu.dynamic_gather %min3A_1110[%gather3A_1118] in [0] : vector<16xi32>, vector<16xi32> -> vector<16xi32>
    %min3A_1120 = arith.minsi %min3A_1110, %gather3A_1119 : vector<16xi32>
    %add3A_1121 = arith.addf %max3A_985, %max3A_1076 : vector<16xf32>
    %add3A_1122 = arith.constant 9.99999997E-7 : f32
    %add3A_1123 = vector.broadcast %add3A_1122 : f32 to vector<16xf32>
    %add3A_1124 = arith.addf %add3A_1121, %add3A_1123 : vector<16xf32>
    %eq3A_1125 = arith.cmpi eq, %iota3A, %min3A_1029 : vector<16xi32>
    %jit3A_1126 = arith.constant 0.000000e+00 : f32
    %broadcast_in_dim3A_1127 = vector.broadcast %jit3A_1126 : f32 to vector<16xf32>
    %select_n3A_1128 = arith.select %eq3A_1125, %max3A_985, %broadcast_in_dim3A_1127 : vector<16xi1>, vector<16xf32>
    %eq3A_1129 = arith.cmpi eq, %iota3A, %min3A_1120 : vector<16xi32>
    %jit3A_1130 = arith.constant 0.000000e+00 : f32
    %broadcast_in_dim3A_1131 = vector.broadcast %jit3A_1130 : f32 to vector<16xf32>
    %select_n3A_1132 = arith.select %eq3A_1129, %max3A_1076, %broadcast_in_dim3A_1131 : vector<16xi1>, vector<16xf32>
    %add3A_1133 = arith.addf %select_n3A_1128, %select_n3A_1132 : vector<16xf32>
    %div3A_1134 = arith.divf %add3A_1133, %add3A_1124 : vector<16xf32>
    %eq3A_1135 = arith.constant 0 : i32
    %eq3A_1136 = arith.cmpi eq, %add3A, %eq3A_1135 : i32
    %convert_element_type3A = arith.extui %eq3A_1136 : i1 to i32
    %cond3A = arith.constant 0 : i32
    %cond3A_1137 = arith.cmpi ne, %convert_element_type3A, %cond3A : i32
    scf.if %cond3A_1137 {
      %broadcast_in_dim3A_1230 = arith.constant 0.000000e+00 : f32
      %broadcast_in_dim3A_1231 = vector.broadcast %broadcast_in_dim3A_1230 : f32 to vector<16xf32>
      %add3A_1232 = arith.addf %broadcast_in_dim3A_1231, %div3A_276 : vector<16xf32>
      %add3A_1233 = arith.addf %add3A_1232, %div3A_562 : vector<16xf32>
      %add3A_1234 = arith.addf %add3A_1233, %div3A_848 : vector<16xf32>
      %add3A_1235 = arith.addf %add3A_1234, %div3A_1134 : vector<16xf32>
      %broadcast_in_dim3A_1236 = arith.constant 0.000000e+00 : f32
      %broadcast_in_dim3A_1237 = vector.broadcast %broadcast_in_dim3A_1236 : f32 to vector<16xf32>
      %gt3A = arith.constant 0.000000e+00 : f32
      %gt3A_1238 = vector.broadcast %gt3A : f32 to vector<16xf32>
      %gt3A_1239 = arith.cmpf ogt, %div3A_276, %gt3A_1238 : vector<16xf32>
      %jit3A_1240 = arith.constant 1.000000e+00 : f32
      %jit3A_1241 = arith.constant 0.000000e+00 : f32
      %broadcast_in_dim3A_1242 = vector.broadcast %jit3A_1240 : f32 to vector<16xf32>
      %broadcast_in_dim3A_1243 = vector.broadcast %jit3A_1241 : f32 to vector<16xf32>
      %select_n3A_1244 = arith.select %gt3A_1239, %broadcast_in_dim3A_1242, %broadcast_in_dim3A_1243 : vector<16xi1>, vector<16xf32>
      %add3A_1245 = arith.addf %broadcast_in_dim3A_1237, %select_n3A_1244 : vector<16xf32>
      %gt3A_1246 = arith.constant 0.000000e+00 : f32
      %gt3A_1247 = vector.broadcast %gt3A_1246 : f32 to vector<16xf32>
      %gt3A_1248 = arith.cmpf ogt, %div3A_562, %gt3A_1247 : vector<16xf32>
      %jit3A_1249 = arith.constant 1.000000e+00 : f32
      %jit3A_1250 = arith.constant 0.000000e+00 : f32
      %broadcast_in_dim3A_1251 = vector.broadcast %jit3A_1249 : f32 to vector<16xf32>
      %broadcast_in_dim3A_1252 = vector.broadcast %jit3A_1250 : f32 to vector<16xf32>
      %select_n3A_1253 = arith.select %gt3A_1248, %broadcast_in_dim3A_1251, %broadcast_in_dim3A_1252 : vector<16xi1>, vector<16xf32>
      %add3A_1254 = arith.addf %add3A_1245, %select_n3A_1253 : vector<16xf32>
      %gt3A_1255 = arith.constant 0.000000e+00 : f32
      %gt3A_1256 = vector.broadcast %gt3A_1255 : f32 to vector<16xf32>
      %gt3A_1257 = arith.cmpf ogt, %div3A_848, %gt3A_1256 : vector<16xf32>
      %jit3A_1258 = arith.constant 1.000000e+00 : f32
      %jit3A_1259 = arith.constant 0.000000e+00 : f32
      %broadcast_in_dim3A_1260 = vector.broadcast %jit3A_1258 : f32 to vector<16xf32>
      %broadcast_in_dim3A_1261 = vector.broadcast %jit3A_1259 : f32 to vector<16xf32>
      %select_n3A_1262 = arith.select %gt3A_1257, %broadcast_in_dim3A_1260, %broadcast_in_dim3A_1261 : vector<16xi1>, vector<16xf32>
      %add3A_1263 = arith.addf %add3A_1254, %select_n3A_1262 : vector<16xf32>
      %gt3A_1264 = arith.constant 0.000000e+00 : f32
      %gt3A_1265 = vector.broadcast %gt3A_1264 : f32 to vector<16xf32>
      %gt3A_1266 = arith.cmpf ogt, %div3A_1134, %gt3A_1265 : vector<16xf32>
      %jit3A_1267 = arith.constant 1.000000e+00 : f32
      %jit3A_1268 = arith.constant 0.000000e+00 : f32
      %broadcast_in_dim3A_1269 = vector.broadcast %jit3A_1267 : f32 to vector<16xf32>
      %broadcast_in_dim3A_1270 = vector.broadcast %jit3A_1268 : f32 to vector<16xf32>
      %select_n3A_1271 = arith.select %gt3A_1266, %broadcast_in_dim3A_1269, %broadcast_in_dim3A_1270 : vector<16xi1>, vector<16xf32>
      %add3A_1272 = arith.addf %add3A_1263, %select_n3A_1271 : vector<16xf32>
      %jit3A_1273 = arith.constant 0.000000e+00 : f32
      %broadcast_in_dim3A_1274 = vector.broadcast %jit3A_1273 : f32 to vector<16xf32>
      %select_n3A_1275 = arith.select %lt3A_2, %add3A_1235, %broadcast_in_dim3A_1274 : vector<16xi1>, vector<16xf32>
      %add3A_1276 = arith.constant 8 : i32
      %add3A_1277 = vector.broadcast %add3A_1276 : i32 to vector<16xi32>
      %add3A_1278 = arith.addi %iota3A, %add3A_1277 : vector<16xi32>
      %and3A_1279 = arith.constant 15 : i32
      %and3A_1280 = vector.broadcast %and3A_1279 : i32 to vector<16xi32>
      %and3A_1281 = arith.andi %add3A_1278, %and3A_1280 : vector<16xi32>
      %broadcast_in_dim3A_1282 = vector.shape_cast %and3A_1281 : vector<16xi32> to vector<16x1xi32>
      %gather3A_1283 = vector.shape_cast %broadcast_in_dim3A_1282 : vector<16x1xi32> to vector<16xi32>
      %gather3A_1284 = tpu.dynamic_gather %select_n3A_1275[%gather3A_1283] in [0] : vector<16xf32>, vector<16xi32> -> vector<16xf32>
      %add3A_1285 = arith.addf %select_n3A_1275, %gather3A_1284 : vector<16xf32>
      %add3A_1286 = arith.constant 4 : i32
      %add3A_1287 = vector.broadcast %add3A_1286 : i32 to vector<16xi32>
      %add3A_1288 = arith.addi %iota3A, %add3A_1287 : vector<16xi32>
      %and3A_1289 = arith.constant 15 : i32
      %and3A_1290 = vector.broadcast %and3A_1289 : i32 to vector<16xi32>
      %and3A_1291 = arith.andi %add3A_1288, %and3A_1290 : vector<16xi32>
      %broadcast_in_dim3A_1292 = vector.shape_cast %and3A_1291 : vector<16xi32> to vector<16x1xi32>
      %gather3A_1293 = vector.shape_cast %broadcast_in_dim3A_1292 : vector<16x1xi32> to vector<16xi32>
      %gather3A_1294 = tpu.dynamic_gather %add3A_1285[%gather3A_1293] in [0] : vector<16xf32>, vector<16xi32> -> vector<16xf32>
      %add3A_1295 = arith.addf %add3A_1285, %gather3A_1294 : vector<16xf32>
      %add3A_1296 = arith.constant 2 : i32
      %add3A_1297 = vector.broadcast %add3A_1296 : i32 to vector<16xi32>
      %add3A_1298 = arith.addi %iota3A, %add3A_1297 : vector<16xi32>
      %and3A_1299 = arith.constant 15 : i32
      %and3A_1300 = vector.broadcast %and3A_1299 : i32 to vector<16xi32>
      %and3A_1301 = arith.andi %add3A_1298, %and3A_1300 : vector<16xi32>
      %broadcast_in_dim3A_1302 = vector.shape_cast %and3A_1301 : vector<16xi32> to vector<16x1xi32>
      %gather3A_1303 = vector.shape_cast %broadcast_in_dim3A_1302 : vector<16x1xi32> to vector<16xi32>
      %gather3A_1304 = tpu.dynamic_gather %add3A_1295[%gather3A_1303] in [0] : vector<16xf32>, vector<16xi32> -> vector<16xf32>
      %add3A_1305 = arith.addf %add3A_1295, %gather3A_1304 : vector<16xf32>
      %add3A_1306 = arith.constant 1 : i32
      %add3A_1307 = vector.broadcast %add3A_1306 : i32 to vector<16xi32>
      %add3A_1308 = arith.addi %iota3A, %add3A_1307 : vector<16xi32>
      %and3A_1309 = arith.constant 15 : i32
      %and3A_1310 = vector.broadcast %and3A_1309 : i32 to vector<16xi32>
      %and3A_1311 = arith.andi %add3A_1308, %and3A_1310 : vector<16xi32>
      %broadcast_in_dim3A_1312 = vector.shape_cast %and3A_1311 : vector<16xi32> to vector<16x1xi32>
      %gather3A_1313 = vector.shape_cast %broadcast_in_dim3A_1312 : vector<16x1xi32> to vector<16xi32>
      %gather3A_1314 = tpu.dynamic_gather %add3A_1305[%gather3A_1313] in [0] : vector<16xf32>, vector<16xi32> -> vector<16xf32>
      %add3A_1315 = arith.addf %add3A_1305, %gather3A_1314 : vector<16xf32>
      %div3A_1316 = arith.constant 8.000000e+00 : f32
      %div3A_1317 = vector.broadcast %div3A_1316 : f32 to vector<16xf32>
      %div3A_1318 = arith.divf %add3A_1315, %div3A_1317 : vector<16xf32>
      %sub3A_1319 = arith.subf %add3A_1235, %div3A_1318 : vector<16xf32>
      %jit3A_1320 = arith.constant 0.000000e+00 : f32
      %broadcast_in_dim3A_1321 = vector.broadcast %jit3A_1320 : f32 to vector<16xf32>
      %select_n3A_1322 = arith.select %lt3A_2, %sub3A_1319, %broadcast_in_dim3A_1321 : vector<16xi1>, vector<16xf32>
      %mul3A_1323 = arith.mulf %select_n3A_1322, %select_n3A_1322 : vector<16xf32>
      %add3A_1324 = arith.constant 8 : i32
      %add3A_1325 = vector.broadcast %add3A_1324 : i32 to vector<16xi32>
      %add3A_1326 = arith.addi %iota3A, %add3A_1325 : vector<16xi32>
      %and3A_1327 = arith.constant 15 : i32
      %and3A_1328 = vector.broadcast %and3A_1327 : i32 to vector<16xi32>
      %and3A_1329 = arith.andi %add3A_1326, %and3A_1328 : vector<16xi32>
      %broadcast_in_dim3A_1330 = vector.shape_cast %and3A_1329 : vector<16xi32> to vector<16x1xi32>
      %gather3A_1331 = vector.shape_cast %broadcast_in_dim3A_1330 : vector<16x1xi32> to vector<16xi32>
      %gather3A_1332 = tpu.dynamic_gather %mul3A_1323[%gather3A_1331] in [0] : vector<16xf32>, vector<16xi32> -> vector<16xf32>
      %add3A_1333 = arith.addf %mul3A_1323, %gather3A_1332 : vector<16xf32>
      %add3A_1334 = arith.constant 4 : i32
      %add3A_1335 = vector.broadcast %add3A_1334 : i32 to vector<16xi32>
      %add3A_1336 = arith.addi %iota3A, %add3A_1335 : vector<16xi32>
      %and3A_1337 = arith.constant 15 : i32
      %and3A_1338 = vector.broadcast %and3A_1337 : i32 to vector<16xi32>
      %and3A_1339 = arith.andi %add3A_1336, %and3A_1338 : vector<16xi32>
      %broadcast_in_dim3A_1340 = vector.shape_cast %and3A_1339 : vector<16xi32> to vector<16x1xi32>
      %gather3A_1341 = vector.shape_cast %broadcast_in_dim3A_1340 : vector<16x1xi32> to vector<16xi32>
      %gather3A_1342 = tpu.dynamic_gather %add3A_1333[%gather3A_1341] in [0] : vector<16xf32>, vector<16xi32> -> vector<16xf32>
      %add3A_1343 = arith.addf %add3A_1333, %gather3A_1342 : vector<16xf32>
      %add3A_1344 = arith.constant 2 : i32
      %add3A_1345 = vector.broadcast %add3A_1344 : i32 to vector<16xi32>
      %add3A_1346 = arith.addi %iota3A, %add3A_1345 : vector<16xi32>
      %and3A_1347 = arith.constant 15 : i32
      %and3A_1348 = vector.broadcast %and3A_1347 : i32 to vector<16xi32>
      %and3A_1349 = arith.andi %add3A_1346, %and3A_1348 : vector<16xi32>
      %broadcast_in_dim3A_1350 = vector.shape_cast %and3A_1349 : vector<16xi32> to vector<16x1xi32>
      %gather3A_1351 = vector.shape_cast %broadcast_in_dim3A_1350 : vector<16x1xi32> to vector<16xi32>
      %gather3A_1352 = tpu.dynamic_gather %add3A_1343[%gather3A_1351] in [0] : vector<16xf32>, vector<16xi32> -> vector<16xf32>
      %add3A_1353 = arith.addf %add3A_1343, %gather3A_1352 : vector<16xf32>
      %add3A_1354 = arith.constant 1 : i32
      %add3A_1355 = vector.broadcast %add3A_1354 : i32 to vector<16xi32>
      %add3A_1356 = arith.addi %iota3A, %add3A_1355 : vector<16xi32>
      %and3A_1357 = arith.constant 15 : i32
      %and3A_1358 = vector.broadcast %and3A_1357 : i32 to vector<16xi32>
      %and3A_1359 = arith.andi %add3A_1356, %and3A_1358 : vector<16xi32>
      %broadcast_in_dim3A_1360 = vector.shape_cast %and3A_1359 : vector<16xi32> to vector<16x1xi32>
      %gather3A_1361 = vector.shape_cast %broadcast_in_dim3A_1360 : vector<16x1xi32> to vector<16xi32>
      %gather3A_1362 = tpu.dynamic_gather %add3A_1353[%gather3A_1361] in [0] : vector<16xf32>, vector<16xi32> -> vector<16xf32>
      %add3A_1363 = arith.addf %add3A_1353, %gather3A_1362 : vector<16xf32>
      %div3A_1364 = arith.constant 7.000000e+00 : f32
      %div3A_1365 = vector.broadcast %div3A_1364 : f32 to vector<16xf32>
      %div3A_1366 = arith.divf %add3A_1363, %div3A_1365 : vector<16xf32>
      %mul3A_1367 = arith.mulf %div3A_1318, %div3A_1318 : vector<16xf32>
      %add3A_1368 = arith.constant 1.000000e-10 : f32
      %add3A_1369 = vector.broadcast %add3A_1368 : f32 to vector<16xf32>
      %add3A_1370 = arith.addf %mul3A_1367, %add3A_1369 : vector<16xf32>
      %div3A_1371 = arith.divf %div3A_1366, %add3A_1370 : vector<16xf32>
      %jit3A_1372 = arith.constant 0.000000e+00 : f32
      %broadcast_in_dim3A_1373 = vector.broadcast %jit3A_1372 : f32 to vector<16xf32>
      %select_n3A_1374 = arith.select %lt3A_2, %add3A_1272, %broadcast_in_dim3A_1373 : vector<16xi1>, vector<16xf32>
      %add3A_1375 = arith.constant 8 : i32
      %add3A_1376 = vector.broadcast %add3A_1375 : i32 to vector<16xi32>
      %add3A_1377 = arith.addi %iota3A, %add3A_1376 : vector<16xi32>
      %and3A_1378 = arith.constant 15 : i32
      %and3A_1379 = vector.broadcast %and3A_1378 : i32 to vector<16xi32>
      %and3A_1380 = arith.andi %add3A_1377, %and3A_1379 : vector<16xi32>
      %broadcast_in_dim3A_1381 = vector.shape_cast %and3A_1380 : vector<16xi32> to vector<16x1xi32>
      %gather3A_1382 = vector.shape_cast %broadcast_in_dim3A_1381 : vector<16x1xi32> to vector<16xi32>
      %gather3A_1383 = tpu.dynamic_gather %select_n3A_1374[%gather3A_1382] in [0] : vector<16xf32>, vector<16xi32> -> vector<16xf32>
      %add3A_1384 = arith.addf %select_n3A_1374, %gather3A_1383 : vector<16xf32>
      %add3A_1385 = arith.constant 4 : i32
      %add3A_1386 = vector.broadcast %add3A_1385 : i32 to vector<16xi32>
      %add3A_1387 = arith.addi %iota3A, %add3A_1386 : vector<16xi32>
      %and3A_1388 = arith.constant 15 : i32
      %and3A_1389 = vector.broadcast %and3A_1388 : i32 to vector<16xi32>
      %and3A_1390 = arith.andi %add3A_1387, %and3A_1389 : vector<16xi32>
      %broadcast_in_dim3A_1391 = vector.shape_cast %and3A_1390 : vector<16xi32> to vector<16x1xi32>
      %gather3A_1392 = vector.shape_cast %broadcast_in_dim3A_1391 : vector<16x1xi32> to vector<16xi32>
      %gather3A_1393 = tpu.dynamic_gather %add3A_1384[%gather3A_1392] in [0] : vector<16xf32>, vector<16xi32> -> vector<16xf32>
      %add3A_1394 = arith.addf %add3A_1384, %gather3A_1393 : vector<16xf32>
      %add3A_1395 = arith.constant 2 : i32
      %add3A_1396 = vector.broadcast %add3A_1395 : i32 to vector<16xi32>
      %add3A_1397 = arith.addi %iota3A, %add3A_1396 : vector<16xi32>
      %and3A_1398 = arith.constant 15 : i32
      %and3A_1399 = vector.broadcast %and3A_1398 : i32 to vector<16xi32>
      %and3A_1400 = arith.andi %add3A_1397, %and3A_1399 : vector<16xi32>
      %broadcast_in_dim3A_1401 = vector.shape_cast %and3A_1400 : vector<16xi32> to vector<16x1xi32>
      %gather3A_1402 = vector.shape_cast %broadcast_in_dim3A_1401 : vector<16x1xi32> to vector<16xi32>
      %gather3A_1403 = tpu.dynamic_gather %add3A_1394[%gather3A_1402] in [0] : vector<16xf32>, vector<16xi32> -> vector<16xf32>
      %add3A_1404 = arith.addf %add3A_1394, %gather3A_1403 : vector<16xf32>
      %add3A_1405 = arith.constant 1 : i32
      %add3A_1406 = vector.broadcast %add3A_1405 : i32 to vector<16xi32>
      %add3A_1407 = arith.addi %iota3A, %add3A_1406 : vector<16xi32>
      %and3A_1408 = arith.constant 15 : i32
      %and3A_1409 = vector.broadcast %and3A_1408 : i32 to vector<16xi32>
      %and3A_1410 = arith.andi %add3A_1407, %and3A_1409 : vector<16xi32>
      %broadcast_in_dim3A_1411 = vector.shape_cast %and3A_1410 : vector<16xi32> to vector<16x1xi32>
      %gather3A_1412 = vector.shape_cast %broadcast_in_dim3A_1411 : vector<16x1xi32> to vector<16xi32>
      %gather3A_1413 = tpu.dynamic_gather %add3A_1404[%gather3A_1412] in [0] : vector<16xf32>, vector<16xi32> -> vector<16xf32>
      %add3A_1414 = arith.addf %add3A_1404, %gather3A_1413 : vector<16xf32>
      %div3A_1415 = arith.constant 8.000000e+00 : f32
      %div3A_1416 = vector.broadcast %div3A_1415 : f32 to vector<16xf32>
      %div3A_1417 = arith.divf %add3A_1414, %div3A_1416 : vector<16xf32>
      %sub3A_1418 = arith.subf %add3A_1272, %div3A_1417 : vector<16xf32>
      %jit3A_1419 = arith.constant 0.000000e+00 : f32
      %broadcast_in_dim3A_1420 = vector.broadcast %jit3A_1419 : f32 to vector<16xf32>
      %select_n3A_1421 = arith.select %lt3A_2, %sub3A_1418, %broadcast_in_dim3A_1420 : vector<16xi1>, vector<16xf32>
      %mul3A_1422 = arith.mulf %select_n3A_1421, %select_n3A_1421 : vector<16xf32>
      %add3A_1423 = arith.constant 8 : i32
      %add3A_1424 = vector.broadcast %add3A_1423 : i32 to vector<16xi32>
      %add3A_1425 = arith.addi %iota3A, %add3A_1424 : vector<16xi32>
      %and3A_1426 = arith.constant 15 : i32
      %and3A_1427 = vector.broadcast %and3A_1426 : i32 to vector<16xi32>
      %and3A_1428 = arith.andi %add3A_1425, %and3A_1427 : vector<16xi32>
      %broadcast_in_dim3A_1429 = vector.shape_cast %and3A_1428 : vector<16xi32> to vector<16x1xi32>
      %gather3A_1430 = vector.shape_cast %broadcast_in_dim3A_1429 : vector<16x1xi32> to vector<16xi32>
      %gather3A_1431 = tpu.dynamic_gather %mul3A_1422[%gather3A_1430] in [0] : vector<16xf32>, vector<16xi32> -> vector<16xf32>
      %add3A_1432 = arith.addf %mul3A_1422, %gather3A_1431 : vector<16xf32>
      %add3A_1433 = arith.constant 4 : i32
      %add3A_1434 = vector.broadcast %add3A_1433 : i32 to vector<16xi32>
      %add3A_1435 = arith.addi %iota3A, %add3A_1434 : vector<16xi32>
      %and3A_1436 = arith.constant 15 : i32
      %and3A_1437 = vector.broadcast %and3A_1436 : i32 to vector<16xi32>
      %and3A_1438 = arith.andi %add3A_1435, %and3A_1437 : vector<16xi32>
      %broadcast_in_dim3A_1439 = vector.shape_cast %and3A_1438 : vector<16xi32> to vector<16x1xi32>
      %gather3A_1440 = vector.shape_cast %broadcast_in_dim3A_1439 : vector<16x1xi32> to vector<16xi32>
      %gather3A_1441 = tpu.dynamic_gather %add3A_1432[%gather3A_1440] in [0] : vector<16xf32>, vector<16xi32> -> vector<16xf32>
      %add3A_1442 = arith.addf %add3A_1432, %gather3A_1441 : vector<16xf32>
      %add3A_1443 = arith.constant 2 : i32
      %add3A_1444 = vector.broadcast %add3A_1443 : i32 to vector<16xi32>
      %add3A_1445 = arith.addi %iota3A, %add3A_1444 : vector<16xi32>
      %and3A_1446 = arith.constant 15 : i32
      %and3A_1447 = vector.broadcast %and3A_1446 : i32 to vector<16xi32>
      %and3A_1448 = arith.andi %add3A_1445, %and3A_1447 : vector<16xi32>
      %broadcast_in_dim3A_1449 = vector.shape_cast %and3A_1448 : vector<16xi32> to vector<16x1xi32>
      %gather3A_1450 = vector.shape_cast %broadcast_in_dim3A_1449 : vector<16x1xi32> to vector<16xi32>
      %gather3A_1451 = tpu.dynamic_gather %add3A_1442[%gather3A_1450] in [0] : vector<16xf32>, vector<16xi32> -> vector<16xf32>
      %add3A_1452 = arith.addf %add3A_1442, %gather3A_1451 : vector<16xf32>
      %add3A_1453 = arith.constant 1 : i32
      %add3A_1454 = vector.broadcast %add3A_1453 : i32 to vector<16xi32>
      %add3A_1455 = arith.addi %iota3A, %add3A_1454 : vector<16xi32>
      %and3A_1456 = arith.constant 15 : i32
      %and3A_1457 = vector.broadcast %and3A_1456 : i32 to vector<16xi32>
      %and3A_1458 = arith.andi %add3A_1455, %and3A_1457 : vector<16xi32>
      %broadcast_in_dim3A_1459 = vector.shape_cast %and3A_1458 : vector<16xi32> to vector<16x1xi32>
      %gather3A_1460 = vector.shape_cast %broadcast_in_dim3A_1459 : vector<16x1xi32> to vector<16xi32>
      %gather3A_1461 = tpu.dynamic_gather %add3A_1452[%gather3A_1460] in [0] : vector<16xf32>, vector<16xi32> -> vector<16xf32>
      %add3A_1462 = arith.addf %add3A_1452, %gather3A_1461 : vector<16xf32>
      %div3A_1463 = arith.constant 7.000000e+00 : f32
      %div3A_1464 = vector.broadcast %div3A_1463 : f32 to vector<16xf32>
      %div3A_1465 = arith.divf %add3A_1462, %div3A_1464 : vector<16xf32>
      %mul3A_1466 = arith.mulf %div3A_1417, %div3A_1417 : vector<16xf32>
      %add3A_1467 = arith.constant 1.000000e-10 : f32
      %add3A_1468 = vector.broadcast %add3A_1467 : f32 to vector<16xf32>
      %add3A_1469 = arith.addf %mul3A_1466, %add3A_1468 : vector<16xf32>
      %div3A_1470 = arith.divf %div3A_1465, %add3A_1469 : vector<16xf32>
      %add3A_1471 = arith.addf %div3A_1371, %div3A_1470 : vector<16xf32>
      %mul3A_1472 = arith.constant 0.00999999977 : f32
      %mul3A_1473 = vector.broadcast %mul3A_1472 : f32 to vector<16xf32>
      %mul3A_1474 = arith.mulf %add3A_1471, %mul3A_1473 : vector<16xf32>
      %eq3A_1475 = arith.constant 0 : i32
      %eq3A_1476 = vector.broadcast %eq3A_1475 : i32 to vector<16xi32>
      %eq3A_1477 = arith.cmpi eq, %iota3A, %eq3A_1476 : vector<16xi32>
      %jit3A_1478 = arith.constant 0.000000e+00 : f32
      %broadcast_in_dim3A_1479 = vector.broadcast %jit3A_1478 : f32 to vector<16xf32>
      %select_n3A_1480 = arith.select %eq3A_1477, %mul3A_1474, %broadcast_in_dim3A_1479 : vector<16xi1>, vector<16xf32>
      %swap3A = arith.constant 0 : index
      %swap3A_1481 = tpu.vector_load %arg11[%swap3A] {strides = array<i32>} : memref<16xf32, #tpu.memory_space<vmem>>, vector<16xf32>,
      %swap3A_1482 = vector.shape_cast %swap3A_1481 : vector<16xf32> to vector<16xf32>
      %swap3A_1483 = vector.shape_cast %select_n3A_1480 : vector<16xf32> to vector<16xf32>
      tpu.vector_store %arg11[%swap3A], %swap3A_1483 {strides = array<i32>} : memref<16xf32, #tpu.memory_space<vmem>>, vector<16xf32>,
      "tpu.region"() ({
        %run_scoped3A = tpu.sem_alloc : memref<!tpu.dma_semaphore, #tpu.memory_space<semaphore_mem>>
        tpu.enqueue_dma source(%arg11 : memref<16xf32, #tpu.memory_space<vmem>>) target(%arg6 : memref<16xf32, #tpu.memory_space<hbm>>) target_semaphore(%run_scoped3A : memref<!tpu.dma_semaphore, #tpu.memory_space<semaphore_mem>>)
        tpu.wait_dma2 semaphore(%run_scoped3A : memref<!tpu.dma_semaphore, #tpu.memory_space<semaphore_mem>>) src(%arg11 : memref<16xf32, #tpu.memory_space<vmem>>) dst(%arg6 : memref<16xf32, #tpu.memory_space<hbm>>)
        tpu.yield
      }) : () -> ()
    } else {
    }
    %mul3A_1138 = arith.constant 2688 : i32
    %mul3A_1139 = arith.muli %add3A, %mul3A_1138 : i32
    "tpu.region"() ({
      %run_scoped3A = tpu.sem_alloc : memref<!tpu.dma_semaphore, #tpu.memory_space<semaphore_mem>>
      %dma_start3A = arith.constant 0 : i32
      %dma_start3A_1230 = tpu.memref_slice %arg4[%dma_start3A, %mul3A_1139] : memref<8x86016xf32, #tpu.memory_space<hbm>> -> memref<8x2688xf32, #tpu.memory_space<hbm>>
      %dma_start3A_1231 = arith.constant 0 : i32
      %dma_start3A_1232 = tpu.memref_slice %arg4[%dma_start3A_1231, %mul3A_1139] : memref<8x86016xf32, #tpu.memory_space<hbm>> -> memref<8x2688xf32, #tpu.memory_space<hbm>>
      tpu.enqueue_dma source(%dma_start3A_1232 : memref<8x2688xf32, #tpu.memory_space<hbm>>) target(%arg9 : memref<8x2688xf32, #tpu.memory_space<vmem>>) target_semaphore(%run_scoped3A : memref<!tpu.dma_semaphore, #tpu.memory_space<semaphore_mem>>)
      %dma_wait3A = arith.constant 0 : i32
      %dma_wait3A_1233 = tpu.memref_slice %arg4[%dma_wait3A, %mul3A_1139] : memref<8x86016xf32, #tpu.memory_space<hbm>> -> memref<8x2688xf32, #tpu.memory_space<hbm>>
      %dma_wait3A_1234 = arith.constant 0 : i32
      %dma_wait3A_1235 = tpu.memref_slice %arg4[%dma_wait3A_1234, %mul3A_1139] : memref<8x86016xf32, #tpu.memory_space<hbm>> -> memref<8x2688xf32, #tpu.memory_space<hbm>>
      tpu.wait_dma2 semaphore(%run_scoped3A : memref<!tpu.dma_semaphore, #tpu.memory_space<semaphore_mem>>) src(%dma_wait3A_1235 : memref<8x2688xf32, #tpu.memory_space<hbm>>) dst(%arg9 : memref<8x2688xf32, #tpu.memory_space<vmem>>)
      tpu.yield
    }) : () -> ()
    %slice3A = vector.extract_strided_slice %div3A_276 {offsets = [0], sizes = [1], strides = [1]} : vector<16xf32> to vector<1xf32>
    %squeeze3A = vector.extract %slice3A[0] : f32 from vector<1xf32>
    %slice3A_1140 = vector.extract_strided_slice %div3A_276 {offsets = [1], sizes = [1], strides = [1]} : vector<16xf32> to vector<1xf32>
    %squeeze3A_1141 = vector.extract %slice3A_1140[0] : f32 from vector<1xf32>
    %slice3A_1142 = vector.extract_strided_slice %div3A_276 {offsets = [2], sizes = [1], strides = [1]} : vector<16xf32> to vector<1xf32>
    %squeeze3A_1143 = vector.extract %slice3A_1142[0] : f32 from vector<1xf32>
    %slice3A_1144 = vector.extract_strided_slice %div3A_276 {offsets = [3], sizes = [1], strides = [1]} : vector<16xf32> to vector<1xf32>
    %squeeze3A_1145 = vector.extract %slice3A_1144[0] : f32 from vector<1xf32>
    %slice3A_1146 = vector.extract_strided_slice %div3A_276 {offsets = [4], sizes = [1], strides = [1]} : vector<16xf32> to vector<1xf32>
    %squeeze3A_1147 = vector.extract %slice3A_1146[0] : f32 from vector<1xf32>
    %slice3A_1148 = vector.extract_strided_slice %div3A_276 {offsets = [5], sizes = [1], strides = [1]} : vector<16xf32> to vector<1xf32>
    %squeeze3A_1149 = vector.extract %slice3A_1148[0] : f32 from vector<1xf32>
    %slice3A_1150 = vector.extract_strided_slice %div3A_276 {offsets = [6], sizes = [1], strides = [1]} : vector<16xf32> to vector<1xf32>
    %squeeze3A_1151 = vector.extract %slice3A_1150[0] : f32 from vector<1xf32>
    %slice3A_1152 = vector.extract_strided_slice %div3A_276 {offsets = [7], sizes = [1], strides = [1]} : vector<16xf32> to vector<1xf32>
    %squeeze3A_1153 = vector.extract %slice3A_1152[0] : f32 from vector<1xf32>
    %scan3A_1154 = arith.constant 0 : i32
    %scan3A_1155 = arith.constant 0 : i32
    %scan3A_1156 = arith.constant 168 : i32
    %scan3A_1157 = arith.addi %scan3A_1155, %scan3A_1156 : i32
    %scan3A_1158 = arith.constant 1 : i32
    %scan3A_1159 = scf.for %scan3A_1230 = %scan3A_1155 to %scan3A_1157 step %scan3A_1158 iter_args(%scan3A_1231 = %scan3A_1154) -> (i32)  : i32 {
      %mul3A_1232 = arith.constant 16 : i32
      %mul3A_1233 = arith.muli %scan3A_1230, %mul3A_1232 : i32
      %get3A = arith.constant 0 : i32
      %get3A_1234 = arith.index_cast %get3A : i32 to index
      %get3A_1235 = arith.index_cast %mul3A_1233 : i32 to index
      %get3A_1236 = tpu.vector_load %arg9[%get3A_1234, %get3A_1235] {strides = array<i32>} : memref<8x2688xf32, #tpu.memory_space<vmem>>, vector<1x16xf32>,
      %get3A_1237 = vector.shape_cast %get3A_1236 : vector<1x16xf32> to vector<16xf32>
      %mul3A_1238 = vector.broadcast %squeeze3A : f32 to vector<16xf32>
      %mul3A_1239 = arith.mulf %mul3A_1238, %get3A_1237 : vector<16xf32>
      %get3A_1240 = arith.constant 1 : i32
      %get3A_1241 = arith.index_cast %get3A_1240 : i32 to index
      %get3A_1242 = arith.index_cast %mul3A_1233 : i32 to index
      %get3A_1243 = tpu.vector_load %arg9[%get3A_1241, %get3A_1242] {strides = array<i32>} : memref<8x2688xf32, #tpu.memory_space<vmem>>, vector<1x16xf32>,
      %get3A_1244 = vector.shape_cast %get3A_1243 : vector<1x16xf32> to vector<16xf32>
      %mul3A_1245 = vector.broadcast %squeeze3A_1141 : f32 to vector<16xf32>
      %mul3A_1246 = arith.mulf %mul3A_1245, %get3A_1244 : vector<16xf32>
      %add3A_1247 = arith.addf %mul3A_1239, %mul3A_1246 : vector<16xf32>
      %get3A_1248 = arith.constant 2 : i32
      %get3A_1249 = arith.index_cast %get3A_1248 : i32 to index
      %get3A_1250 = arith.index_cast %mul3A_1233 : i32 to index
      %get3A_1251 = tpu.vector_load %arg9[%get3A_1249, %get3A_1250] {strides = array<i32>} : memref<8x2688xf32, #tpu.memory_space<vmem>>, vector<1x16xf32>,
      %get3A_1252 = vector.shape_cast %get3A_1251 : vector<1x16xf32> to vector<16xf32>
      %mul3A_1253 = vector.broadcast %squeeze3A_1143 : f32 to vector<16xf32>
      %mul3A_1254 = arith.mulf %mul3A_1253, %get3A_1252 : vector<16xf32>
      %add3A_1255 = arith.addf %add3A_1247, %mul3A_1254 : vector<16xf32>
      %get3A_1256 = arith.constant 3 : i32
      %get3A_1257 = arith.index_cast %get3A_1256 : i32 to index
      %get3A_1258 = arith.index_cast %mul3A_1233 : i32 to index
      %get3A_1259 = tpu.vector_load %arg9[%get3A_1257, %get3A_1258] {strides = array<i32>} : memref<8x2688xf32, #tpu.memory_space<vmem>>, vector<1x16xf32>,
      %get3A_1260 = vector.shape_cast %get3A_1259 : vector<1x16xf32> to vector<16xf32>
      %mul3A_1261 = vector.broadcast %squeeze3A_1145 : f32 to vector<16xf32>
      %mul3A_1262 = arith.mulf %mul3A_1261, %get3A_1260 : vector<16xf32>
      %add3A_1263 = arith.addf %add3A_1255, %mul3A_1262 : vector<16xf32>
      %get3A_1264 = arith.constant 4 : i32
      %get3A_1265 = arith.index_cast %get3A_1264 : i32 to index
      %get3A_1266 = arith.index_cast %mul3A_1233 : i32 to index
      %get3A_1267 = tpu.vector_load %arg9[%get3A_1265, %get3A_1266] {strides = array<i32>} : memref<8x2688xf32, #tpu.memory_space<vmem>>, vector<1x16xf32>,
      %get3A_1268 = vector.shape_cast %get3A_1267 : vector<1x16xf32> to vector<16xf32>
      %mul3A_1269 = vector.broadcast %squeeze3A_1147 : f32 to vector<16xf32>
      %mul3A_1270 = arith.mulf %mul3A_1269, %get3A_1268 : vector<16xf32>
      %add3A_1271 = arith.addf %add3A_1263, %mul3A_1270 : vector<16xf32>
      %get3A_1272 = arith.constant 5 : i32
      %get3A_1273 = arith.index_cast %get3A_1272 : i32 to index
      %get3A_1274 = arith.index_cast %mul3A_1233 : i32 to index
      %get3A_1275 = tpu.vector_load %arg9[%get3A_1273, %get3A_1274] {strides = array<i32>} : memref<8x2688xf32, #tpu.memory_space<vmem>>, vector<1x16xf32>,
      %get3A_1276 = vector.shape_cast %get3A_1275 : vector<1x16xf32> to vector<16xf32>
      %mul3A_1277 = vector.broadcast %squeeze3A_1149 : f32 to vector<16xf32>
      %mul3A_1278 = arith.mulf %mul3A_1277, %get3A_1276 : vector<16xf32>
      %add3A_1279 = arith.addf %add3A_1271, %mul3A_1278 : vector<16xf32>
      %get3A_1280 = arith.constant 6 : i32
      %get3A_1281 = arith.index_cast %get3A_1280 : i32 to index
      %get3A_1282 = arith.index_cast %mul3A_1233 : i32 to index
      %get3A_1283 = tpu.vector_load %arg9[%get3A_1281, %get3A_1282] {strides = array<i32>} : memref<8x2688xf32, #tpu.memory_space<vmem>>, vector<1x16xf32>,
      %get3A_1284 = vector.shape_cast %get3A_1283 : vector<1x16xf32> to vector<16xf32>
      %mul3A_1285 = vector.broadcast %squeeze3A_1151 : f32 to vector<16xf32>
      %mul3A_1286 = arith.mulf %mul3A_1285, %get3A_1284 : vector<16xf32>
      %add3A_1287 = arith.addf %add3A_1279, %mul3A_1286 : vector<16xf32>
      %get3A_1288 = arith.constant 7 : i32
      %get3A_1289 = arith.index_cast %get3A_1288 : i32 to index
      %get3A_1290 = arith.index_cast %mul3A_1233 : i32 to index
      %get3A_1291 = tpu.vector_load %arg9[%get3A_1289, %get3A_1290] {strides = array<i32>} : memref<8x2688xf32, #tpu.memory_space<vmem>>, vector<1x16xf32>,
      %get3A_1292 = vector.shape_cast %get3A_1291 : vector<1x16xf32> to vector<16xf32>
      %mul3A_1293 = vector.broadcast %squeeze3A_1153 : f32 to vector<16xf32>
      %mul3A_1294 = arith.mulf %mul3A_1293, %get3A_1292 : vector<16xf32>
      %add3A_1295 = arith.addf %add3A_1287, %mul3A_1294 : vector<16xf32>
      %swap3A = arith.constant 0 : i32
      %swap3A_1296 = arith.index_cast %swap3A : i32 to index
      %swap3A_1297 = arith.index_cast %mul3A_1233 : i32 to index
      %swap3A_1298 = tpu.vector_load %arg10[%swap3A_1296, %swap3A_1297] {strides = array<i32>} : memref<4x2688xf32, #tpu.memory_space<vmem>>, vector<1x16xf32>,
      %swap3A_1299 = vector.shape_cast %swap3A_1298 : vector<1x16xf32> to vector<16xf32>
      %swap3A_1300 = vector.shape_cast %add3A_1295 : vector<16xf32> to vector<1x16xf32>
      tpu.vector_store %arg10[%swap3A_1296, %swap3A_1297], %swap3A_1300 {strides = array<i32>} : memref<4x2688xf32, #tpu.memory_space<vmem>>, vector<1x16xf32>,
      %scan3A_1301 = arith.constant 0 : i32
      scf.yield %scan3A_1301 : i32
    }
    %scan3A_1160 = arith.constant 168 : i32
    %slice3A_1161 = vector.extract_strided_slice %div3A_562 {offsets = [0], sizes = [1], strides = [1]} : vector<16xf32> to vector<1xf32>
    %squeeze3A_1162 = vector.extract %slice3A_1161[0] : f32 from vector<1xf32>
    %slice3A_1163 = vector.extract_strided_slice %div3A_562 {offsets = [1], sizes = [1], strides = [1]} : vector<16xf32> to vector<1xf32>
    %squeeze3A_1164 = vector.extract %slice3A_1163[0] : f32 from vector<1xf32>
    %slice3A_1165 = vector.extract_strided_slice %div3A_562 {offsets = [2], sizes = [1], strides = [1]} : vector<16xf32> to vector<1xf32>
    %squeeze3A_1166 = vector.extract %slice3A_1165[0] : f32 from vector<1xf32>
    %slice3A_1167 = vector.extract_strided_slice %div3A_562 {offsets = [3], sizes = [1], strides = [1]} : vector<16xf32> to vector<1xf32>
    %squeeze3A_1168 = vector.extract %slice3A_1167[0] : f32 from vector<1xf32>
    %slice3A_1169 = vector.extract_strided_slice %div3A_562 {offsets = [4], sizes = [1], strides = [1]} : vector<16xf32> to vector<1xf32>
    %squeeze3A_1170 = vector.extract %slice3A_1169[0] : f32 from vector<1xf32>
    %slice3A_1171 = vector.extract_strided_slice %div3A_562 {offsets = [5], sizes = [1], strides = [1]} : vector<16xf32> to vector<1xf32>
    %squeeze3A_1172 = vector.extract %slice3A_1171[0] : f32 from vector<1xf32>
    %slice3A_1173 = vector.extract_strided_slice %div3A_562 {offsets = [6], sizes = [1], strides = [1]} : vector<16xf32> to vector<1xf32>
    %squeeze3A_1174 = vector.extract %slice3A_1173[0] : f32 from vector<1xf32>
    %slice3A_1175 = vector.extract_strided_slice %div3A_562 {offsets = [7], sizes = [1], strides = [1]} : vector<16xf32> to vector<1xf32>
    %squeeze3A_1176 = vector.extract %slice3A_1175[0] : f32 from vector<1xf32>
    %scan3A_1177 = arith.constant 0 : i32
    %scan3A_1178 = arith.constant 0 : i32
    %scan3A_1179 = arith.constant 168 : i32
    %scan3A_1180 = arith.addi %scan3A_1178, %scan3A_1179 : i32
    %scan3A_1181 = arith.constant 1 : i32
    %scan3A_1182 = scf.for %scan3A_1230 = %scan3A_1178 to %scan3A_1180 step %scan3A_1181 iter_args(%scan3A_1231 = %scan3A_1177) -> (i32)  : i32 {
      %mul3A_1232 = arith.constant 16 : i32
      %mul3A_1233 = arith.muli %scan3A_1230, %mul3A_1232 : i32
      %get3A = arith.constant 0 : i32
      %get3A_1234 = arith.index_cast %get3A : i32 to index
      %get3A_1235 = arith.index_cast %mul3A_1233 : i32 to index
      %get3A_1236 = tpu.vector_load %arg9[%get3A_1234, %get3A_1235] {strides = array<i32>} : memref<8x2688xf32, #tpu.memory_space<vmem>>, vector<1x16xf32>,
      %get3A_1237 = vector.shape_cast %get3A_1236 : vector<1x16xf32> to vector<16xf32>
      %mul3A_1238 = vector.broadcast %squeeze3A_1162 : f32 to vector<16xf32>
      %mul3A_1239 = arith.mulf %mul3A_1238, %get3A_1237 : vector<16xf32>
      %get3A_1240 = arith.constant 1 : i32
      %get3A_1241 = arith.index_cast %get3A_1240 : i32 to index
      %get3A_1242 = arith.index_cast %mul3A_1233 : i32 to index
      %get3A_1243 = tpu.vector_load %arg9[%get3A_1241, %get3A_1242] {strides = array<i32>} : memref<8x2688xf32, #tpu.memory_space<vmem>>, vector<1x16xf32>,
      %get3A_1244 = vector.shape_cast %get3A_1243 : vector<1x16xf32> to vector<16xf32>
      %mul3A_1245 = vector.broadcast %squeeze3A_1164 : f32 to vector<16xf32>
      %mul3A_1246 = arith.mulf %mul3A_1245, %get3A_1244 : vector<16xf32>
      %add3A_1247 = arith.addf %mul3A_1239, %mul3A_1246 : vector<16xf32>
      %get3A_1248 = arith.constant 2 : i32
      %get3A_1249 = arith.index_cast %get3A_1248 : i32 to index
      %get3A_1250 = arith.index_cast %mul3A_1233 : i32 to index
      %get3A_1251 = tpu.vector_load %arg9[%get3A_1249, %get3A_1250] {strides = array<i32>} : memref<8x2688xf32, #tpu.memory_space<vmem>>, vector<1x16xf32>,
      %get3A_1252 = vector.shape_cast %get3A_1251 : vector<1x16xf32> to vector<16xf32>
      %mul3A_1253 = vector.broadcast %squeeze3A_1166 : f32 to vector<16xf32>
      %mul3A_1254 = arith.mulf %mul3A_1253, %get3A_1252 : vector<16xf32>
      %add3A_1255 = arith.addf %add3A_1247, %mul3A_1254 : vector<16xf32>
      %get3A_1256 = arith.constant 3 : i32
      %get3A_1257 = arith.index_cast %get3A_1256 : i32 to index
      %get3A_1258 = arith.index_cast %mul3A_1233 : i32 to index
      %get3A_1259 = tpu.vector_load %arg9[%get3A_1257, %get3A_1258] {strides = array<i32>} : memref<8x2688xf32, #tpu.memory_space<vmem>>, vector<1x16xf32>,
      %get3A_1260 = vector.shape_cast %get3A_1259 : vector<1x16xf32> to vector<16xf32>
      %mul3A_1261 = vector.broadcast %squeeze3A_1168 : f32 to vector<16xf32>
      %mul3A_1262 = arith.mulf %mul3A_1261, %get3A_1260 : vector<16xf32>
      %add3A_1263 = arith.addf %add3A_1255, %mul3A_1262 : vector<16xf32>
      %get3A_1264 = arith.constant 4 : i32
      %get3A_1265 = arith.index_cast %get3A_1264 : i32 to index
      %get3A_1266 = arith.index_cast %mul3A_1233 : i32 to index
      %get3A_1267 = tpu.vector_load %arg9[%get3A_1265, %get3A_1266] {strides = array<i32>} : memref<8x2688xf32, #tpu.memory_space<vmem>>, vector<1x16xf32>,
      %get3A_1268 = vector.shape_cast %get3A_1267 : vector<1x16xf32> to vector<16xf32>
      %mul3A_1269 = vector.broadcast %squeeze3A_1170 : f32 to vector<16xf32>
      %mul3A_1270 = arith.mulf %mul3A_1269, %get3A_1268 : vector<16xf32>
      %add3A_1271 = arith.addf %add3A_1263, %mul3A_1270 : vector<16xf32>
      %get3A_1272 = arith.constant 5 : i32
      %get3A_1273 = arith.index_cast %get3A_1272 : i32 to index
      %get3A_1274 = arith.index_cast %mul3A_1233 : i32 to index
      %get3A_1275 = tpu.vector_load %arg9[%get3A_1273, %get3A_1274] {strides = array<i32>} : memref<8x2688xf32, #tpu.memory_space<vmem>>, vector<1x16xf32>,
      %get3A_1276 = vector.shape_cast %get3A_1275 : vector<1x16xf32> to vector<16xf32>
      %mul3A_1277 = vector.broadcast %squeeze3A_1172 : f32 to vector<16xf32>
      %mul3A_1278 = arith.mulf %mul3A_1277, %get3A_1276 : vector<16xf32>
      %add3A_1279 = arith.addf %add3A_1271, %mul3A_1278 : vector<16xf32>
      %get3A_1280 = arith.constant 6 : i32
      %get3A_1281 = arith.index_cast %get3A_1280 : i32 to index
      %get3A_1282 = arith.index_cast %mul3A_1233 : i32 to index
      %get3A_1283 = tpu.vector_load %arg9[%get3A_1281, %get3A_1282] {strides = array<i32>} : memref<8x2688xf32, #tpu.memory_space<vmem>>, vector<1x16xf32>,
      %get3A_1284 = vector.shape_cast %get3A_1283 : vector<1x16xf32> to vector<16xf32>
      %mul3A_1285 = vector.broadcast %squeeze3A_1174 : f32 to vector<16xf32>
      %mul3A_1286 = arith.mulf %mul3A_1285, %get3A_1284 : vector<16xf32>
      %add3A_1287 = arith.addf %add3A_1279, %mul3A_1286 : vector<16xf32>
      %get3A_1288 = arith.constant 7 : i32
      %get3A_1289 = arith.index_cast %get3A_1288 : i32 to index
      %get3A_1290 = arith.index_cast %mul3A_1233 : i32 to index
      %get3A_1291 = tpu.vector_load %arg9[%get3A_1289, %get3A_1290] {strides = array<i32>} : memref<8x2688xf32, #tpu.memory_space<vmem>>, vector<1x16xf32>,
      %get3A_1292 = vector.shape_cast %get3A_1291 : vector<1x16xf32> to vector<16xf32>
      %mul3A_1293 = vector.broadcast %squeeze3A_1176 : f32 to vector<16xf32>
      %mul3A_1294 = arith.mulf %mul3A_1293, %get3A_1292 : vector<16xf32>
      %add3A_1295 = arith.addf %add3A_1287, %mul3A_1294 : vector<16xf32>
      %swap3A = arith.constant 1 : i32
      %swap3A_1296 = arith.index_cast %swap3A : i32 to index
      %swap3A_1297 = arith.index_cast %mul3A_1233 : i32 to index
      %swap3A_1298 = tpu.vector_load %arg10[%swap3A_1296, %swap3A_1297] {strides = array<i32>} : memref<4x2688xf32, #tpu.memory_space<vmem>>, vector<1x16xf32>,
      %swap3A_1299 = vector.shape_cast %swap3A_1298 : vector<1x16xf32> to vector<16xf32>
      %swap3A_1300 = vector.shape_cast %add3A_1295 : vector<16xf32> to vector<1x16xf32>
      tpu.vector_store %arg10[%swap3A_1296, %swap3A_1297], %swap3A_1300 {strides = array<i32>} : memref<4x2688xf32, #tpu.memory_space<vmem>>, vector<1x16xf32>,
      %scan3A_1301 = arith.constant 0 : i32
      scf.yield %scan3A_1301 : i32
    }
    %scan3A_1183 = arith.constant 168 : i32
    %slice3A_1184 = vector.extract_strided_slice %div3A_848 {offsets = [0], sizes = [1], strides = [1]} : vector<16xf32> to vector<1xf32>
    %squeeze3A_1185 = vector.extract %slice3A_1184[0] : f32 from vector<1xf32>
    %slice3A_1186 = vector.extract_strided_slice %div3A_848 {offsets = [1], sizes = [1], strides = [1]} : vector<16xf32> to vector<1xf32>
    %squeeze3A_1187 = vector.extract %slice3A_1186[0] : f32 from vector<1xf32>
    %slice3A_1188 = vector.extract_strided_slice %div3A_848 {offsets = [2], sizes = [1], strides = [1]} : vector<16xf32> to vector<1xf32>
    %squeeze3A_1189 = vector.extract %slice3A_1188[0] : f32 from vector<1xf32>
    %slice3A_1190 = vector.extract_strided_slice %div3A_848 {offsets = [3], sizes = [1], strides = [1]} : vector<16xf32> to vector<1xf32>
    %squeeze3A_1191 = vector.extract %slice3A_1190[0] : f32 from vector<1xf32>
    %slice3A_1192 = vector.extract_strided_slice %div3A_848 {offsets = [4], sizes = [1], strides = [1]} : vector<16xf32> to vector<1xf32>
    %squeeze3A_1193 = vector.extract %slice3A_1192[0] : f32 from vector<1xf32>
    %slice3A_1194 = vector.extract_strided_slice %div3A_848 {offsets = [5], sizes = [1], strides = [1]} : vector<16xf32> to vector<1xf32>
    %squeeze3A_1195 = vector.extract %slice3A_1194[0] : f32 from vector<1xf32>
    %slice3A_1196 = vector.extract_strided_slice %div3A_848 {offsets = [6], sizes = [1], strides = [1]} : vector<16xf32> to vector<1xf32>
    %squeeze3A_1197 = vector.extract %slice3A_1196[0] : f32 from vector<1xf32>
    %slice3A_1198 = vector.extract_strided_slice %div3A_848 {offsets = [7], sizes = [1], strides = [1]} : vector<16xf32> to vector<1xf32>
    %squeeze3A_1199 = vector.extract %slice3A_1198[0] : f32 from vector<1xf32>
    %scan3A_1200 = arith.constant 0 : i32
    %scan3A_1201 = arith.constant 0 : i32
    %scan3A_1202 = arith.constant 168 : i32
    %scan3A_1203 = arith.addi %scan3A_1201, %scan3A_1202 : i32
    %scan3A_1204 = arith.constant 1 : i32
    %scan3A_1205 = scf.for %scan3A_1230 = %scan3A_1201 to %scan3A_1203 step %scan3A_1204 iter_args(%scan3A_1231 = %scan3A_1200) -> (i32)  : i32 {
      %mul3A_1232 = arith.constant 16 : i32
      %mul3A_1233 = arith.muli %scan3A_1230, %mul3A_1232 : i32
      %get3A = arith.constant 0 : i32
      %get3A_1234 = arith.index_cast %get3A : i32 to index
      %get3A_1235 = arith.index_cast %mul3A_1233 : i32 to index
      %get3A_1236 = tpu.vector_load %arg9[%get3A_1234, %get3A_1235] {strides = array<i32>} : memref<8x2688xf32, #tpu.memory_space<vmem>>, vector<1x16xf32>,
      %get3A_1237 = vector.shape_cast %get3A_1236 : vector<1x16xf32> to vector<16xf32>
      %mul3A_1238 = vector.broadcast %squeeze3A_1185 : f32 to vector<16xf32>
      %mul3A_1239 = arith.mulf %mul3A_1238, %get3A_1237 : vector<16xf32>
      %get3A_1240 = arith.constant 1 : i32
      %get3A_1241 = arith.index_cast %get3A_1240 : i32 to index
      %get3A_1242 = arith.index_cast %mul3A_1233 : i32 to index
      %get3A_1243 = tpu.vector_load %arg9[%get3A_1241, %get3A_1242] {strides = array<i32>} : memref<8x2688xf32, #tpu.memory_space<vmem>>, vector<1x16xf32>,
      %get3A_1244 = vector.shape_cast %get3A_1243 : vector<1x16xf32> to vector<16xf32>
      %mul3A_1245 = vector.broadcast %squeeze3A_1187 : f32 to vector<16xf32>
      %mul3A_1246 = arith.mulf %mul3A_1245, %get3A_1244 : vector<16xf32>
      %add3A_1247 = arith.addf %mul3A_1239, %mul3A_1246 : vector<16xf32>
      %get3A_1248 = arith.constant 2 : i32
      %get3A_1249 = arith.index_cast %get3A_1248 : i32 to index
      %get3A_1250 = arith.index_cast %mul3A_1233 : i32 to index
      %get3A_1251 = tpu.vector_load %arg9[%get3A_1249, %get3A_1250] {strides = array<i32>} : memref<8x2688xf32, #tpu.memory_space<vmem>>, vector<1x16xf32>,
      %get3A_1252 = vector.shape_cast %get3A_1251 : vector<1x16xf32> to vector<16xf32>
      %mul3A_1253 = vector.broadcast %squeeze3A_1189 : f32 to vector<16xf32>
      %mul3A_1254 = arith.mulf %mul3A_1253, %get3A_1252 : vector<16xf32>
      %add3A_1255 = arith.addf %add3A_1247, %mul3A_1254 : vector<16xf32>
      %get3A_1256 = arith.constant 3 : i32
      %get3A_1257 = arith.index_cast %get3A_1256 : i32 to index
      %get3A_1258 = arith.index_cast %mul3A_1233 : i32 to index
      %get3A_1259 = tpu.vector_load %arg9[%get3A_1257, %get3A_1258] {strides = array<i32>} : memref<8x2688xf32, #tpu.memory_space<vmem>>, vector<1x16xf32>,
      %get3A_1260 = vector.shape_cast %get3A_1259 : vector<1x16xf32> to vector<16xf32>
      %mul3A_1261 = vector.broadcast %squeeze3A_1191 : f32 to vector<16xf32>
      %mul3A_1262 = arith.mulf %mul3A_1261, %get3A_1260 : vector<16xf32>
      %add3A_1263 = arith.addf %add3A_1255, %mul3A_1262 : vector<16xf32>
      %get3A_1264 = arith.constant 4 : i32
      %get3A_1265 = arith.index_cast %get3A_1264 : i32 to index
      %get3A_1266 = arith.index_cast %mul3A_1233 : i32 to index
      %get3A_1267 = tpu.vector_load %arg9[%get3A_1265, %get3A_1266] {strides = array<i32>} : memref<8x2688xf32, #tpu.memory_space<vmem>>, vector<1x16xf32>,
      %get3A_1268 = vector.shape_cast %get3A_1267 : vector<1x16xf32> to vector<16xf32>
      %mul3A_1269 = vector.broadcast %squeeze3A_1193 : f32 to vector<16xf32>
      %mul3A_1270 = arith.mulf %mul3A_1269, %get3A_1268 : vector<16xf32>
      %add3A_1271 = arith.addf %add3A_1263, %mul3A_1270 : vector<16xf32>
      %get3A_1272 = arith.constant 5 : i32
      %get3A_1273 = arith.index_cast %get3A_1272 : i32 to index
      %get3A_1274 = arith.index_cast %mul3A_1233 : i32 to index
      %get3A_1275 = tpu.vector_load %arg9[%get3A_1273, %get3A_1274] {strides = array<i32>} : memref<8x2688xf32, #tpu.memory_space<vmem>>, vector<1x16xf32>,
      %get3A_1276 = vector.shape_cast %get3A_1275 : vector<1x16xf32> to vector<16xf32>
      %mul3A_1277 = vector.broadcast %squeeze3A_1195 : f32 to vector<16xf32>
      %mul3A_1278 = arith.mulf %mul3A_1277, %get3A_1276 : vector<16xf32>
      %add3A_1279 = arith.addf %add3A_1271, %mul3A_1278 : vector<16xf32>
      %get3A_1280 = arith.constant 6 : i32
      %get3A_1281 = arith.index_cast %get3A_1280 : i32 to index
      %get3A_1282 = arith.index_cast %mul3A_1233 : i32 to index
      %get3A_1283 = tpu.vector_load %arg9[%get3A_1281, %get3A_1282] {strides = array<i32>} : memref<8x2688xf32, #tpu.memory_space<vmem>>, vector<1x16xf32>,
      %get3A_1284 = vector.shape_cast %get3A_1283 : vector<1x16xf32> to vector<16xf32>
      %mul3A_1285 = vector.broadcast %squeeze3A_1197 : f32 to vector<16xf32>
      %mul3A_1286 = arith.mulf %mul3A_1285, %get3A_1284 : vector<16xf32>
      %add3A_1287 = arith.addf %add3A_1279, %mul3A_1286 : vector<16xf32>
      %get3A_1288 = arith.constant 7 : i32
      %get3A_1289 = arith.index_cast %get3A_1288 : i32 to index
      %get3A_1290 = arith.index_cast %mul3A_1233 : i32 to index
      %get3A_1291 = tpu.vector_load %arg9[%get3A_1289, %get3A_1290] {strides = array<i32>} : memref<8x2688xf32, #tpu.memory_space<vmem>>, vector<1x16xf32>,
      %get3A_1292 = vector.shape_cast %get3A_1291 : vector<1x16xf32> to vector<16xf32>
      %mul3A_1293 = vector.broadcast %squeeze3A_1199 : f32 to vector<16xf32>
      %mul3A_1294 = arith.mulf %mul3A_1293, %get3A_1292 : vector<16xf32>
      %add3A_1295 = arith.addf %add3A_1287, %mul3A_1294 : vector<16xf32>
      %swap3A = arith.constant 2 : i32
      %swap3A_1296 = arith.index_cast %swap3A : i32 to index
      %swap3A_1297 = arith.index_cast %mul3A_1233 : i32 to index
      %swap3A_1298 = tpu.vector_load %arg10[%swap3A_1296, %swap3A_1297] {strides = array<i32>} : memref<4x2688xf32, #tpu.memory_space<vmem>>, vector<1x16xf32>,
      %swap3A_1299 = vector.shape_cast %swap3A_1298 : vector<1x16xf32> to vector<16xf32>
      %swap3A_1300 = vector.shape_cast %add3A_1295 : vector<16xf32> to vector<1x16xf32>
      tpu.vector_store %arg10[%swap3A_1296, %swap3A_1297], %swap3A_1300 {strides = array<i32>} : memref<4x2688xf32, #tpu.memory_space<vmem>>, vector<1x16xf32>,
      %scan3A_1301 = arith.constant 0 : i32
      scf.yield %scan3A_1301 : i32
    }
    %scan3A_1206 = arith.constant 168 : i32
    %slice3A_1207 = vector.extract_strided_slice %div3A_1134 {offsets = [0], sizes = [1], strides = [1]} : vector<16xf32> to vector<1xf32>
    %squeeze3A_1208 = vector.extract %slice3A_1207[0] : f32 from vector<1xf32>
    %slice3A_1209 = vector.extract_strided_slice %div3A_1134 {offsets = [1], sizes = [1], strides = [1]} : vector<16xf32> to vector<1xf32>
    %squeeze3A_1210 = vector.extract %slice3A_1209[0] : f32 from vector<1xf32>
    %slice3A_1211 = vector.extract_strided_slice %div3A_1134 {offsets = [2], sizes = [1], strides = [1]} : vector<16xf32> to vector<1xf32>
    %squeeze3A_1212 = vector.extract %slice3A_1211[0] : f32 from vector<1xf32>
    %slice3A_1213 = vector.extract_strided_slice %div3A_1134 {offsets = [3], sizes = [1], strides = [1]} : vector<16xf32> to vector<1xf32>
    %squeeze3A_1214 = vector.extract %slice3A_1213[0] : f32 from vector<1xf32>
    %slice3A_1215 = vector.extract_strided_slice %div3A_1134 {offsets = [4], sizes = [1], strides = [1]} : vector<16xf32> to vector<1xf32>
    %squeeze3A_1216 = vector.extract %slice3A_1215[0] : f32 from vector<1xf32>
    %slice3A_1217 = vector.extract_strided_slice %div3A_1134 {offsets = [5], sizes = [1], strides = [1]} : vector<16xf32> to vector<1xf32>
    %squeeze3A_1218 = vector.extract %slice3A_1217[0] : f32 from vector<1xf32>
    %slice3A_1219 = vector.extract_strided_slice %div3A_1134 {offsets = [6], sizes = [1], strides = [1]} : vector<16xf32> to vector<1xf32>
    %squeeze3A_1220 = vector.extract %slice3A_1219[0] : f32 from vector<1xf32>
    %slice3A_1221 = vector.extract_strided_slice %div3A_1134 {offsets = [7], sizes = [1], strides = [1]} : vector<16xf32> to vector<1xf32>
    %squeeze3A_1222 = vector.extract %slice3A_1221[0] : f32 from vector<1xf32>
    %scan3A_1223 = arith.constant 0 : i32
    %scan3A_1224 = arith.constant 0 : i32
    %scan3A_1225 = arith.constant 168 : i32
    %scan3A_1226 = arith.addi %scan3A_1224, %scan3A_1225 : i32
    %scan3A_1227 = arith.constant 1 : i32
    %scan3A_1228 = scf.for %scan3A_1230 = %scan3A_1224 to %scan3A_1226 step %scan3A_1227 iter_args(%scan3A_1231 = %scan3A_1223) -> (i32)  : i32 {
      %mul3A_1232 = arith.constant 16 : i32
      %mul3A_1233 = arith.muli %scan3A_1230, %mul3A_1232 : i32
      %get3A = arith.constant 0 : i32
      %get3A_1234 = arith.index_cast %get3A : i32 to index
      %get3A_1235 = arith.index_cast %mul3A_1233 : i32 to index
      %get3A_1236 = tpu.vector_load %arg9[%get3A_1234, %get3A_1235] {strides = array<i32>} : memref<8x2688xf32, #tpu.memory_space<vmem>>, vector<1x16xf32>,
      %get3A_1237 = vector.shape_cast %get3A_1236 : vector<1x16xf32> to vector<16xf32>
      %mul3A_1238 = vector.broadcast %squeeze3A_1208 : f32 to vector<16xf32>
      %mul3A_1239 = arith.mulf %mul3A_1238, %get3A_1237 : vector<16xf32>
      %get3A_1240 = arith.constant 1 : i32
      %get3A_1241 = arith.index_cast %get3A_1240 : i32 to index
      %get3A_1242 = arith.index_cast %mul3A_1233 : i32 to index
      %get3A_1243 = tpu.vector_load %arg9[%get3A_1241, %get3A_1242] {strides = array<i32>} : memref<8x2688xf32, #tpu.memory_space<vmem>>, vector<1x16xf32>,
      %get3A_1244 = vector.shape_cast %get3A_1243 : vector<1x16xf32> to vector<16xf32>
      %mul3A_1245 = vector.broadcast %squeeze3A_1210 : f32 to vector<16xf32>
      %mul3A_1246 = arith.mulf %mul3A_1245, %get3A_1244 : vector<16xf32>
      %add3A_1247 = arith.addf %mul3A_1239, %mul3A_1246 : vector<16xf32>
      %get3A_1248 = arith.constant 2 : i32
      %get3A_1249 = arith.index_cast %get3A_1248 : i32 to index
      %get3A_1250 = arith.index_cast %mul3A_1233 : i32 to index
      %get3A_1251 = tpu.vector_load %arg9[%get3A_1249, %get3A_1250] {strides = array<i32>} : memref<8x2688xf32, #tpu.memory_space<vmem>>, vector<1x16xf32>,
      %get3A_1252 = vector.shape_cast %get3A_1251 : vector<1x16xf32> to vector<16xf32>
      %mul3A_1253 = vector.broadcast %squeeze3A_1212 : f32 to vector<16xf32>
      %mul3A_1254 = arith.mulf %mul3A_1253, %get3A_1252 : vector<16xf32>
      %add3A_1255 = arith.addf %add3A_1247, %mul3A_1254 : vector<16xf32>
      %get3A_1256 = arith.constant 3 : i32
      %get3A_1257 = arith.index_cast %get3A_1256 : i32 to index
      %get3A_1258 = arith.index_cast %mul3A_1233 : i32 to index
      %get3A_1259 = tpu.vector_load %arg9[%get3A_1257, %get3A_1258] {strides = array<i32>} : memref<8x2688xf32, #tpu.memory_space<vmem>>, vector<1x16xf32>,
      %get3A_1260 = vector.shape_cast %get3A_1259 : vector<1x16xf32> to vector<16xf32>
      %mul3A_1261 = vector.broadcast %squeeze3A_1214 : f32 to vector<16xf32>
      %mul3A_1262 = arith.mulf %mul3A_1261, %get3A_1260 : vector<16xf32>
      %add3A_1263 = arith.addf %add3A_1255, %mul3A_1262 : vector<16xf32>
      %get3A_1264 = arith.constant 4 : i32
      %get3A_1265 = arith.index_cast %get3A_1264 : i32 to index
      %get3A_1266 = arith.index_cast %mul3A_1233 : i32 to index
      %get3A_1267 = tpu.vector_load %arg9[%get3A_1265, %get3A_1266] {strides = array<i32>} : memref<8x2688xf32, #tpu.memory_space<vmem>>, vector<1x16xf32>,
      %get3A_1268 = vector.shape_cast %get3A_1267 : vector<1x16xf32> to vector<16xf32>
      %mul3A_1269 = vector.broadcast %squeeze3A_1216 : f32 to vector<16xf32>
      %mul3A_1270 = arith.mulf %mul3A_1269, %get3A_1268 : vector<16xf32>
      %add3A_1271 = arith.addf %add3A_1263, %mul3A_1270 : vector<16xf32>
      %get3A_1272 = arith.constant 5 : i32
      %get3A_1273 = arith.index_cast %get3A_1272 : i32 to index
      %get3A_1274 = arith.index_cast %mul3A_1233 : i32 to index
      %get3A_1275 = tpu.vector_load %arg9[%get3A_1273, %get3A_1274] {strides = array<i32>} : memref<8x2688xf32, #tpu.memory_space<vmem>>, vector<1x16xf32>,
      %get3A_1276 = vector.shape_cast %get3A_1275 : vector<1x16xf32> to vector<16xf32>
      %mul3A_1277 = vector.broadcast %squeeze3A_1218 : f32 to vector<16xf32>
      %mul3A_1278 = arith.mulf %mul3A_1277, %get3A_1276 : vector<16xf32>
      %add3A_1279 = arith.addf %add3A_1271, %mul3A_1278 : vector<16xf32>
      %get3A_1280 = arith.constant 6 : i32
      %get3A_1281 = arith.index_cast %get3A_1280 : i32 to index
      %get3A_1282 = arith.index_cast %mul3A_1233 : i32 to index
      %get3A_1283 = tpu.vector_load %arg9[%get3A_1281, %get3A_1282] {strides = array<i32>} : memref<8x2688xf32, #tpu.memory_space<vmem>>, vector<1x16xf32>,
      %get3A_1284 = vector.shape_cast %get3A_1283 : vector<1x16xf32> to vector<16xf32>
      %mul3A_1285 = vector.broadcast %squeeze3A_1220 : f32 to vector<16xf32>
      %mul3A_1286 = arith.mulf %mul3A_1285, %get3A_1284 : vector<16xf32>
      %add3A_1287 = arith.addf %add3A_1279, %mul3A_1286 : vector<16xf32>
      %get3A_1288 = arith.constant 7 : i32
      %get3A_1289 = arith.index_cast %get3A_1288 : i32 to index
      %get3A_1290 = arith.index_cast %mul3A_1233 : i32 to index
      %get3A_1291 = tpu.vector_load %arg9[%get3A_1289, %get3A_1290] {strides = array<i32>} : memref<8x2688xf32, #tpu.memory_space<vmem>>, vector<1x16xf32>,
      %get3A_1292 = vector.shape_cast %get3A_1291 : vector<1x16xf32> to vector<16xf32>
      %mul3A_1293 = vector.broadcast %squeeze3A_1222 : f32 to vector<16xf32>
      %mul3A_1294 = arith.mulf %mul3A_1293, %get3A_1292 : vector<16xf32>
      %add3A_1295 = arith.addf %add3A_1287, %mul3A_1294 : vector<16xf32>
      %swap3A = arith.constant 3 : i32
      %swap3A_1296 = arith.index_cast %swap3A : i32 to index
      %swap3A_1297 = arith.index_cast %mul3A_1233 : i32 to index
      %swap3A_1298 = tpu.vector_load %arg10[%swap3A_1296, %swap3A_1297] {strides = array<i32>} : memref<4x2688xf32, #tpu.memory_space<vmem>>, vector<1x16xf32>,
      %swap3A_1299 = vector.shape_cast %swap3A_1298 : vector<1x16xf32> to vector<16xf32>
      %swap3A_1300 = vector.shape_cast %add3A_1295 : vector<16xf32> to vector<1x16xf32>
      tpu.vector_store %arg10[%swap3A_1296, %swap3A_1297], %swap3A_1300 {strides = array<i32>} : memref<4x2688xf32, #tpu.memory_space<vmem>>, vector<1x16xf32>,
      %scan3A_1301 = arith.constant 0 : i32
      scf.yield %scan3A_1301 : i32
    }
    %scan3A_1229 = arith.constant 168 : i32
    "tpu.region"() ({
      %run_scoped3A = tpu.sem_alloc : memref<!tpu.dma_semaphore, #tpu.memory_space<semaphore_mem>>
      %dma_start3A = arith.constant 0 : i32
      %dma_start3A_1230 = tpu.memref_slice %arg5[%dma_start3A, %mul3A_1139] : memref<4x86016xf32, #tpu.memory_space<hbm>> -> memref<4x2688xf32, #tpu.memory_space<hbm>>
      %dma_start3A_1231 = arith.constant 0 : i32
      %dma_start3A_1232 = tpu.memref_slice %arg5[%dma_start3A_1231, %mul3A_1139] : memref<4x86016xf32, #tpu.memory_space<hbm>> -> memref<4x2688xf32, #tpu.memory_space<hbm>>
      tpu.enqueue_dma source(%arg10 : memref<4x2688xf32, #tpu.memory_space<vmem>>) target(%dma_start3A_1232 : memref<4x2688xf32, #tpu.memory_space<hbm>>) target_semaphore(%run_scoped3A : memref<!tpu.dma_semaphore, #tpu.memory_space<semaphore_mem>>)
      %dma_wait3A = arith.constant 0 : i32
      %dma_wait3A_1233 = tpu.memref_slice %arg5[%dma_wait3A, %mul3A_1139] : memref<4x86016xf32, #tpu.memory_space<hbm>> -> memref<4x2688xf32, #tpu.memory_space<hbm>>
      %dma_wait3A_1234 = arith.constant 0 : i32
      %dma_wait3A_1235 = tpu.memref_slice %arg5[%dma_wait3A_1234, %mul3A_1139] : memref<4x86016xf32, #tpu.memory_space<hbm>> -> memref<4x2688xf32, #tpu.memory_space<hbm>>
      tpu.wait_dma2 semaphore(%run_scoped3A : memref<!tpu.dma_semaphore, #tpu.memory_space<semaphore_mem>>) src(%arg10 : memref<4x2688xf32, #tpu.memory_space<vmem>>) dst(%dma_wait3A_1235 : memref<4x2688xf32, #tpu.memory_space<hbm>>)
      tpu.yield
    }) : () -> ()
    return
  }
}

module attributes {stable_mosaic.version = 14 : i64} {
  func.func @_pool_kernel(%arg0: i32, %arg1: i32, %arg2: memref<1x96x56x224xf32, #tpu.memory_space<vmem>>, %arg3: memref<1x96x1xf32, #tpu.memory_space<vmem>>, %arg4: memref<1x96x56x224xbf16, #tpu.memory_space<vmem>>) attributes {dimension_semantics = [#tpu.dimension_semantics<arbitrary>, #tpu.dimension_semantics<arbitrary>], iteration_bounds = array<i64: 4, 4>, scalar_prefetch = 0 : i64, scratch_operands = 0 : i64, tpu.core_type = #tpu.core_type<tc>, window_params = [{transform_indices = @transform_0, window_bounds = array<i64: 1, 96, 56, 224>}, {transform_indices = @transform_1, window_bounds = array<i64: 1, 96, 1>}, {transform_indices = @transform_2, window_bounds = array<i64: 1, 96, 56, 224>}]} {
    %get3A = arith.constant 0 : index
    %get3A_0 = arith.constant 0 : index
    %get3A_1 = arith.constant 0 : index
    %get3A_2 = arith.constant 0 : index
    %get3A_3 = vector.load %arg2[%get3A, %get3A_0, %get3A_1, %get3A_2] : memref<1x96x56x224xf32, #tpu.memory_space<vmem>>, vector<1x96x56x224xf32>
    %get3A_4 = vector.shape_cast %get3A_3 : vector<1x96x56x224xf32> to vector<96x56x224xf32>
    %reduce_sum3A = arith.constant dense<0.000000e+00> : vector<96xf32>
    %reduce_sum3A_5 = vector.multi_reduction <add>, %get3A_4, %reduce_sum3A [1, 2] : vector<96x56x224xf32> to vector<96xf32>
    %mul3A = arith.constant 1.99298465E-5 : f32
    %mul3A_6 = vector.broadcast %mul3A : f32 to vector<96xf32>
    %mul3A_7 = arith.mulf %reduce_sum3A_5, %mul3A_6 : vector<96xf32>
    %reshape3A = vector.shape_cast %mul3A_7 : vector<96xf32> to vector<96x1xf32>
    %eq3A = arith.constant 0 : i32
    %eq3A_8 = arith.cmpi eq, %arg1, %eq3A : i32
    %convert_element_type3A = arith.extui %eq3A_8 : i1 to i32
    %cond3A = arith.constant 0 : i32
    %cond3A_9 = arith.cmpi ne, %convert_element_type3A, %cond3A : i32
    scf.if %cond3A_9 {
      %swap3A_21 = arith.constant 0 : index
      %swap3A_22 = arith.constant 0 : index
      %swap3A_23 = arith.constant 0 : index
      %swap3A_24 = vector.load %arg3[%swap3A_21, %swap3A_22, %swap3A_23] : memref<1x96x1xf32, #tpu.memory_space<vmem>>, vector<1x96x1xf32>
      %swap3A_25 = vector.shape_cast %swap3A_24 : vector<1x96x1xf32> to vector<96x1xf32>
      %swap3A_26 = vector.shape_cast %reshape3A : vector<96x1xf32> to vector<1x96x1xf32>
      tpu.vector_store %arg3[%swap3A_21, %swap3A_22, %swap3A_23], %swap3A_26 {strides = array<i32>} : memref<1x96x1xf32, #tpu.memory_space<vmem>>, vector<1x96x1xf32>,
    } else {
    }
    %gt3A = arith.constant 0 : i32
    %gt3A_10 = arith.cmpi sgt, %arg1, %gt3A : i32
    %convert_element_type3A_11 = arith.extui %gt3A_10 : i1 to i32
    %cond3A_12 = arith.constant 0 : i32
    %cond3A_13 = arith.cmpi ne, %convert_element_type3A_11, %cond3A_12 : i32
    scf.if %cond3A_13 {
      %get3A_21 = arith.constant 0 : index
      %get3A_22 = arith.constant 0 : index
      %get3A_23 = arith.constant 0 : index
      %get3A_24 = vector.load %arg3[%get3A_21, %get3A_22, %get3A_23] : memref<1x96x1xf32, #tpu.memory_space<vmem>>, vector<1x96x1xf32>
      %get3A_25 = vector.shape_cast %get3A_24 : vector<1x96x1xf32> to vector<96x1xf32>
      %add3A = arith.addf %get3A_25, %reshape3A : vector<96x1xf32>
      %swap3A_26 = arith.constant 0 : index
      %swap3A_27 = arith.constant 0 : index
      %swap3A_28 = arith.constant 0 : index
      %swap3A_29 = vector.load %arg3[%swap3A_26, %swap3A_27, %swap3A_28] : memref<1x96x1xf32, #tpu.memory_space<vmem>>, vector<1x96x1xf32>
      %swap3A_30 = vector.shape_cast %swap3A_29 : vector<1x96x1xf32> to vector<96x1xf32>
      %swap3A_31 = vector.shape_cast %add3A : vector<96x1xf32> to vector<1x96x1xf32>
      tpu.vector_store %arg3[%swap3A_26, %swap3A_27, %swap3A_28], %swap3A_31 {strides = array<i32>} : memref<1x96x1xf32, #tpu.memory_space<vmem>>, vector<1x96x1xf32>,
    } else {
    }
    %convert_element_type3A_14 = arith.truncf %get3A_4 : vector<96x56x224xf32> to vector<96x56x224xbf16>
    %swap3A = arith.constant 0 : index
    %swap3A_15 = arith.constant 0 : index
    %swap3A_16 = arith.constant 0 : index
    %swap3A_17 = arith.constant 0 : index
    %swap3A_18 = vector.load %arg4[%swap3A, %swap3A_15, %swap3A_16, %swap3A_17] : memref<1x96x56x224xbf16, #tpu.memory_space<vmem>>, vector<1x96x56x224xbf16>
    %swap3A_19 = vector.shape_cast %swap3A_18 : vector<1x96x56x224xbf16> to vector<96x56x224xbf16>
    %swap3A_20 = vector.shape_cast %convert_element_type3A_14 : vector<96x56x224xbf16> to vector<1x96x56x224xbf16>
    tpu.vector_store %arg4[%swap3A, %swap3A_15, %swap3A_16, %swap3A_17], %swap3A_20 {strides = array<i32>} : memref<1x96x56x224xbf16, #tpu.memory_space<vmem>>, vector<1x96x56x224xbf16>,
    return
  }
  func.func @transform_0(%arg0: i32, %arg1: i32) -> (i32, i32, i32, i32) {
    %c0_i32 = arith.constant 0 : i32
    %c0_i32_0 = arith.constant 0 : i32
    %c0_i32_1 = arith.constant 0 : i32
    return %arg0, %c0_i32, %arg1, %c0_i32_0 : i32, i32, i32, i32
  }
  func.func @transform_1(%arg0: i32, %arg1: i32) -> (i32, i32, i32) {
    %c0_i32 = arith.constant 0 : i32
    %c0_i32_0 = arith.constant 0 : i32
    %c0_i32_1 = arith.constant 0 : i32
    return %arg0, %c0_i32, %c0_i32_0 : i32, i32, i32
  }
  func.func @transform_2(%arg0: i32, %arg1: i32) -> (i32, i32, i32, i32) {
    %c0_i32 = arith.constant 0 : i32
    %c0_i32_0 = arith.constant 0 : i32
    %c0_i32_1 = arith.constant 0 : i32
    return %arg0, %c0_i32, %arg1, %c0_i32_0 : i32, i32, i32, i32
  }
}

module attributes {stable_mosaic.version = 14 : i64} {
  func.func @_conv_kernel(%arg0: i32, %arg1: i32, %arg2: memref<1x9x96x96xbf16, #tpu.memory_space<vmem>>, %arg3: memref<1x1x1x16x112x96xbf16, #tpu.memory_space<vmem>>, %arg4: memref<1x1x1x16x112x96xbf16, #tpu.memory_space<vmem>>, %arg5: memref<1x1x1x16x112x96xbf16, #tpu.memory_space<vmem>>, %arg6: memref<1x1x1x16x112x96xbf16, #tpu.memory_space<vmem>>, %arg7: memref<1x1x1x16x112x96xbf16, #tpu.memory_space<vmem>>, %arg8: memref<1x1x1x16x112x96xbf16, #tpu.memory_space<vmem>>, %arg9: memref<1x1x96xf32, #tpu.memory_space<vmem>>, %arg10: memref<1x96x16x112xf32, #tpu.memory_space<vmem>>) attributes {dimension_semantics = [#tpu.dimension_semantics<parallel>, #tpu.dimension_semantics<arbitrary>], iteration_bounds = array<i64: 4, 7>, scalar_prefetch = 0 : i64, scratch_operands = 0 : i64, tpu.core_type = #tpu.core_type<tc>, window_params = [{transform_indices = @transform_0, window_bounds = array<i64: 1, 9, 96, 96>}, {transform_indices = @transform_1, window_bounds = array<i64: 1, 1, 1, 16, 112, 96>}, {transform_indices = @transform_2, window_bounds = array<i64: 1, 1, 1, 16, 112, 96>}, {transform_indices = @transform_3, window_bounds = array<i64: 1, 1, 1, 16, 112, 96>}, {transform_indices = @transform_4, window_bounds = array<i64: 1, 1, 1, 16, 112, 96>}, {transform_indices = @transform_5, window_bounds = array<i64: 1, 1, 1, 16, 112, 96>}, {transform_indices = @transform_6, window_bounds = array<i64: 1, 1, 1, 16, 112, 96>}, {transform_indices = @transform_7, window_bounds = array<i64: 1, 1, 96>}, {transform_indices = @transform_8, window_bounds = array<i64: 1, 96, 16, 112>}]} {
    %get3A = arith.constant 0 : index
    %get3A_0 = arith.constant 0 : index
    %get3A_1 = arith.constant 0 : index
    %get3A_2 = arith.constant 0 : index
    %get3A_3 = arith.constant 0 : index
    %get3A_4 = arith.constant 0 : index
    %get3A_5 = vector.load %arg3[%get3A, %get3A_0, %get3A_1, %get3A_2, %get3A_3, %get3A_4] : memref<1x1x1x16x112x96xbf16, #tpu.memory_space<vmem>>, vector<1x1x1x16x112x96xbf16>
    %get3A_6 = vector.shape_cast %get3A_5 : vector<1x1x1x16x112x96xbf16> to vector<16x112x96xbf16>
    %get3A_7 = arith.constant 0 : index
    %get3A_8 = arith.constant 0 : index
    %get3A_9 = arith.constant 0 : index
    %get3A_10 = arith.constant 0 : index
    %get3A_11 = arith.constant 0 : index
    %get3A_12 = arith.constant 0 : index
    %get3A_13 = vector.load %arg4[%get3A_7, %get3A_8, %get3A_9, %get3A_10, %get3A_11, %get3A_12] : memref<1x1x1x16x112x96xbf16, #tpu.memory_space<vmem>>, vector<1x1x1x16x112x96xbf16>
    %get3A_14 = vector.shape_cast %get3A_13 : vector<1x1x1x16x112x96xbf16> to vector<16x112x96xbf16>
    %get3A_15 = arith.constant 0 : index
    %get3A_16 = arith.constant 0 : index
    %get3A_17 = arith.constant 0 : index
    %get3A_18 = arith.constant 0 : index
    %get3A_19 = arith.constant 0 : index
    %get3A_20 = arith.constant 0 : index
    %get3A_21 = vector.load %arg5[%get3A_15, %get3A_16, %get3A_17, %get3A_18, %get3A_19, %get3A_20] : memref<1x1x1x16x112x96xbf16, #tpu.memory_space<vmem>>, vector<1x1x1x16x112x96xbf16>
    %get3A_22 = vector.shape_cast %get3A_21 : vector<1x1x1x16x112x96xbf16> to vector<16x112x96xbf16>
    %get3A_23 = arith.constant 0 : index
    %get3A_24 = arith.constant 0 : index
    %get3A_25 = arith.constant 0 : index
    %get3A_26 = arith.constant 0 : index
    %get3A_27 = arith.constant 0 : index
    %get3A_28 = arith.constant 0 : index
    %get3A_29 = vector.load %arg6[%get3A_23, %get3A_24, %get3A_25, %get3A_26, %get3A_27, %get3A_28] : memref<1x1x1x16x112x96xbf16, #tpu.memory_space<vmem>>, vector<1x1x1x16x112x96xbf16>
    %get3A_30 = vector.shape_cast %get3A_29 : vector<1x1x1x16x112x96xbf16> to vector<16x112x96xbf16>
    %get3A_31 = arith.constant 0 : index
    %get3A_32 = arith.constant 0 : index
    %get3A_33 = arith.constant 0 : index
    %get3A_34 = arith.constant 0 : index
    %get3A_35 = arith.constant 0 : index
    %get3A_36 = arith.constant 0 : index
    %get3A_37 = vector.load %arg7[%get3A_31, %get3A_32, %get3A_33, %get3A_34, %get3A_35, %get3A_36] : memref<1x1x1x16x112x96xbf16, #tpu.memory_space<vmem>>, vector<1x1x1x16x112x96xbf16>
    %get3A_38 = vector.shape_cast %get3A_37 : vector<1x1x1x16x112x96xbf16> to vector<16x112x96xbf16>
    %slice3A = vector.extract_strided_slice %get3A_38 {offsets = [15, 0, 0], sizes = [1, 112, 96], strides = [1, 1, 1]} : vector<16x112x96xbf16> to vector<1x112x96xbf16>
    %eq3A = arith.constant 0 : i32
    %eq3A_39 = arith.cmpi eq, %arg1, %eq3A : i32
    %broadcast_in_dim3A = arith.constant 0.000000e+00 : bf16
    %broadcast_in_dim3A_40 = vector.broadcast %broadcast_in_dim3A : bf16 to vector<1x112x96xbf16>
    %select_n3A = arith.select %eq3A_39, %broadcast_in_dim3A_40, %slice3A : vector<1x112x96xbf16>
    %slice3A_41 = vector.extract_strided_slice %get3A_22 {offsets = [0, 0, 0], sizes = [15, 112, 96], strides = [1, 1, 1]} : vector<16x112x96xbf16> to vector<15x112x96xbf16>
    %concatenate3A = tpu.concatenate %select_n3A, %slice3A_41 in 0 : vector<1x112x96xbf16>, vector<15x112x96xbf16> -> vector<16x112x96xbf16>
    %get3A_42 = arith.constant 0 : index
    %get3A_43 = arith.constant 0 : index
    %get3A_44 = arith.constant 0 : index
    %get3A_45 = arith.constant 0 : index
    %get3A_46 = arith.constant 0 : index
    %get3A_47 = arith.constant 0 : index
    %get3A_48 = vector.load %arg8[%get3A_42, %get3A_43, %get3A_44, %get3A_45, %get3A_46, %get3A_47] : memref<1x1x1x16x112x96xbf16, #tpu.memory_space<vmem>>, vector<1x1x1x16x112x96xbf16>
    %get3A_49 = vector.shape_cast %get3A_48 : vector<1x1x1x16x112x96xbf16> to vector<16x112x96xbf16>
    %slice3A_50 = vector.extract_strided_slice %get3A_49 {offsets = [15, 0, 0], sizes = [1, 112, 96], strides = [1, 1, 1]} : vector<16x112x96xbf16> to vector<1x112x96xbf16>
    %eq3A_51 = arith.constant 0 : i32
    %eq3A_52 = arith.cmpi eq, %arg1, %eq3A_51 : i32
    %broadcast_in_dim3A_53 = arith.constant 0.000000e+00 : bf16
    %broadcast_in_dim3A_54 = vector.broadcast %broadcast_in_dim3A_53 : bf16 to vector<1x112x96xbf16>
    %select_n3A_55 = arith.select %eq3A_52, %broadcast_in_dim3A_54, %slice3A_50 : vector<1x112x96xbf16>
    %slice3A_56 = vector.extract_strided_slice %get3A_30 {offsets = [0, 0, 0], sizes = [15, 112, 96], strides = [1, 1, 1]} : vector<16x112x96xbf16> to vector<15x112x96xbf16>
    %concatenate3A_57 = tpu.concatenate %select_n3A_55, %slice3A_56 in 0 : vector<1x112x96xbf16>, vector<15x112x96xbf16> -> vector<16x112x96xbf16>
    %broadcast_in_dim3A_58 = arith.constant 0.000000e+00 : bf16
    %broadcast_in_dim3A_59 = vector.broadcast %broadcast_in_dim3A_58 : bf16 to vector<16x1x96xbf16>
    %slice3A_60 = vector.extract_strided_slice %concatenate3A_57 {offsets = [0, 0, 0], sizes = [16, 111, 96], strides = [1, 1, 1]} : vector<16x112x96xbf16> to vector<16x111x96xbf16>
    %concatenate3A_61 = tpu.concatenate %broadcast_in_dim3A_59, %slice3A_60 in 1 : vector<16x1x96xbf16>, vector<16x111x96xbf16> -> vector<16x112x96xbf16>
    %broadcast_in_dim3A_62 = arith.constant 0.000000e+00 : bf16
    %broadcast_in_dim3A_63 = vector.broadcast %broadcast_in_dim3A_62 : bf16 to vector<16x1x96xbf16>
    %slice3A_64 = vector.extract_strided_slice %get3A_14 {offsets = [0, 0, 0], sizes = [16, 111, 96], strides = [1, 1, 1]} : vector<16x112x96xbf16> to vector<16x111x96xbf16>
    %concatenate3A_65 = tpu.concatenate %broadcast_in_dim3A_63, %slice3A_64 in 1 : vector<16x1x96xbf16>, vector<16x111x96xbf16> -> vector<16x112x96xbf16>
    %broadcast_in_dim3A_66 = arith.constant 0.000000e+00 : bf16
    %broadcast_in_dim3A_67 = vector.broadcast %broadcast_in_dim3A_66 : bf16 to vector<16x1x96xbf16>
    %slice3A_68 = vector.extract_strided_slice %get3A_30 {offsets = [0, 0, 0], sizes = [16, 111, 96], strides = [1, 1, 1]} : vector<16x112x96xbf16> to vector<16x111x96xbf16>
    %concatenate3A_69 = tpu.concatenate %broadcast_in_dim3A_67, %slice3A_68 in 1 : vector<16x1x96xbf16>, vector<16x111x96xbf16> -> vector<16x112x96xbf16>
    %reshape3A = vector.shape_cast %concatenate3A_61 : vector<16x112x96xbf16> to vector<1792x96xbf16>
    %get3A_70 = arith.constant 0 : index
    %get3A_71 = arith.constant 0 : index
    %get3A_72 = arith.constant 0 : index
    %get3A_73 = arith.constant 0 : index
    %get3A_74 = vector.load %arg2[%get3A_70, %get3A_71, %get3A_72, %get3A_73] : memref<1x9x96x96xbf16, #tpu.memory_space<vmem>>, vector<1x1x96x96xbf16>
    %get3A_75 = vector.shape_cast %get3A_74 : vector<1x1x96x96xbf16> to vector<96x96xbf16>
    %dot_general3A = arith.constant dense<0.000000e+00> : vector<1792x96xf32>
    %dot_general3A_76 = tpu.matmul %reshape3A, %get3A_75, %dot_general3A {dimension_numbers = #tpu.dot_dimension_numbers<[1], [0], [0], [1], [0, 0, 1, 1], [], []>, transpose_lhs_hint = false} : vector<1792x96xbf16>, vector<96x96xbf16>, vector<1792x96xf32> -> vector<1792x96xf32>
    %reshape3A_77 = vector.shape_cast %concatenate3A : vector<16x112x96xbf16> to vector<1792x96xbf16>
    %get3A_78 = arith.constant 0 : index
    %get3A_79 = arith.constant 1 : index
    %get3A_80 = arith.constant 0 : index
    %get3A_81 = arith.constant 0 : index
    %get3A_82 = vector.load %arg2[%get3A_78, %get3A_79, %get3A_80, %get3A_81] : memref<1x9x96x96xbf16, #tpu.memory_space<vmem>>, vector<1x1x96x96xbf16>
    %get3A_83 = vector.shape_cast %get3A_82 : vector<1x1x96x96xbf16> to vector<96x96xbf16>
    %dot_general3A_84 = arith.constant dense<0.000000e+00> : vector<1792x96xf32>
    %dot_general3A_85 = tpu.matmul %reshape3A_77, %get3A_83, %dot_general3A_84 {dimension_numbers = #tpu.dot_dimension_numbers<[1], [0], [0], [1], [0, 0, 1, 1], [], []>, transpose_lhs_hint = false} : vector<1792x96xbf16>, vector<96x96xbf16>, vector<1792x96xf32> -> vector<1792x96xf32>
    %add3A = arith.addf %dot_general3A_76, %dot_general3A_85 : vector<1792x96xf32>
    %reshape3A_86 = vector.shape_cast %concatenate3A_57 : vector<16x112x96xbf16> to vector<1792x96xbf16>
    %get3A_87 = arith.constant 0 : index
    %get3A_88 = arith.constant 2 : index
    %get3A_89 = arith.constant 0 : index
    %get3A_90 = arith.constant 0 : index
    %get3A_91 = vector.load %arg2[%get3A_87, %get3A_88, %get3A_89, %get3A_90] : memref<1x9x96x96xbf16, #tpu.memory_space<vmem>>, vector<1x1x96x96xbf16>
    %get3A_92 = vector.shape_cast %get3A_91 : vector<1x1x96x96xbf16> to vector<96x96xbf16>
    %dot_general3A_93 = arith.constant dense<0.000000e+00> : vector<1792x96xf32>
    %dot_general3A_94 = tpu.matmul %reshape3A_86, %get3A_92, %dot_general3A_93 {dimension_numbers = #tpu.dot_dimension_numbers<[1], [0], [0], [1], [0, 0, 1, 1], [], []>, transpose_lhs_hint = false} : vector<1792x96xbf16>, vector<96x96xbf16>, vector<1792x96xf32> -> vector<1792x96xf32>
    %add3A_95 = arith.addf %add3A, %dot_general3A_94 : vector<1792x96xf32>
    %reshape3A_96 = vector.shape_cast %concatenate3A_65 : vector<16x112x96xbf16> to vector<1792x96xbf16>
    %get3A_97 = arith.constant 0 : index
    %get3A_98 = arith.constant 3 : index
    %get3A_99 = arith.constant 0 : index
    %get3A_100 = arith.constant 0 : index
    %get3A_101 = vector.load %arg2[%get3A_97, %get3A_98, %get3A_99, %get3A_100] : memref<1x9x96x96xbf16, #tpu.memory_space<vmem>>, vector<1x1x96x96xbf16>
    %get3A_102 = vector.shape_cast %get3A_101 : vector<1x1x96x96xbf16> to vector<96x96xbf16>
    %dot_general3A_103 = arith.constant dense<0.000000e+00> : vector<1792x96xf32>
    %dot_general3A_104 = tpu.matmul %reshape3A_96, %get3A_102, %dot_general3A_103 {dimension_numbers = #tpu.dot_dimension_numbers<[1], [0], [0], [1], [0, 0, 1, 1], [], []>, transpose_lhs_hint = false} : vector<1792x96xbf16>, vector<96x96xbf16>, vector<1792x96xf32> -> vector<1792x96xf32>
    %add3A_105 = arith.addf %add3A_95, %dot_general3A_104 : vector<1792x96xf32>
    %reshape3A_106 = vector.shape_cast %get3A_6 : vector<16x112x96xbf16> to vector<1792x96xbf16>
    %get3A_107 = arith.constant 0 : index
    %get3A_108 = arith.constant 4 : index
    %get3A_109 = arith.constant 0 : index
    %get3A_110 = arith.constant 0 : index
    %get3A_111 = vector.load %arg2[%get3A_107, %get3A_108, %get3A_109, %get3A_110] : memref<1x9x96x96xbf16, #tpu.memory_space<vmem>>, vector<1x1x96x96xbf16>
    %get3A_112 = vector.shape_cast %get3A_111 : vector<1x1x96x96xbf16> to vector<96x96xbf16>
    %dot_general3A_113 = arith.constant dense<0.000000e+00> : vector<1792x96xf32>
    %dot_general3A_114 = tpu.matmul %reshape3A_106, %get3A_112, %dot_general3A_113 {dimension_numbers = #tpu.dot_dimension_numbers<[1], [0], [0], [1], [0, 0, 1, 1], [], []>, transpose_lhs_hint = false} : vector<1792x96xbf16>, vector<96x96xbf16>, vector<1792x96xf32> -> vector<1792x96xf32>
    %add3A_115 = arith.addf %add3A_105, %dot_general3A_114 : vector<1792x96xf32>
    %reshape3A_116 = vector.shape_cast %get3A_14 : vector<16x112x96xbf16> to vector<1792x96xbf16>
    %get3A_117 = arith.constant 0 : index
    %get3A_118 = arith.constant 5 : index
    %get3A_119 = arith.constant 0 : index
    %get3A_120 = arith.constant 0 : index
    %get3A_121 = vector.load %arg2[%get3A_117, %get3A_118, %get3A_119, %get3A_120] : memref<1x9x96x96xbf16, #tpu.memory_space<vmem>>, vector<1x1x96x96xbf16>
    %get3A_122 = vector.shape_cast %get3A_121 : vector<1x1x96x96xbf16> to vector<96x96xbf16>
    %dot_general3A_123 = arith.constant dense<0.000000e+00> : vector<1792x96xf32>
    %dot_general3A_124 = tpu.matmul %reshape3A_116, %get3A_122, %dot_general3A_123 {dimension_numbers = #tpu.dot_dimension_numbers<[1], [0], [0], [1], [0, 0, 1, 1], [], []>, transpose_lhs_hint = false} : vector<1792x96xbf16>, vector<96x96xbf16>, vector<1792x96xf32> -> vector<1792x96xf32>
    %add3A_125 = arith.addf %add3A_115, %dot_general3A_124 : vector<1792x96xf32>
    %reshape3A_126 = vector.shape_cast %concatenate3A_69 : vector<16x112x96xbf16> to vector<1792x96xbf16>
    %get3A_127 = arith.constant 0 : index
    %get3A_128 = arith.constant 6 : index
    %get3A_129 = arith.constant 0 : index
    %get3A_130 = arith.constant 0 : index
    %get3A_131 = vector.load %arg2[%get3A_127, %get3A_128, %get3A_129, %get3A_130] : memref<1x9x96x96xbf16, #tpu.memory_space<vmem>>, vector<1x1x96x96xbf16>
    %get3A_132 = vector.shape_cast %get3A_131 : vector<1x1x96x96xbf16> to vector<96x96xbf16>
    %dot_general3A_133 = arith.constant dense<0.000000e+00> : vector<1792x96xf32>
    %dot_general3A_134 = tpu.matmul %reshape3A_126, %get3A_132, %dot_general3A_133 {dimension_numbers = #tpu.dot_dimension_numbers<[1], [0], [0], [1], [0, 0, 1, 1], [], []>, transpose_lhs_hint = false} : vector<1792x96xbf16>, vector<96x96xbf16>, vector<1792x96xf32> -> vector<1792x96xf32>
    %add3A_135 = arith.addf %add3A_125, %dot_general3A_134 : vector<1792x96xf32>
    %reshape3A_136 = vector.shape_cast %get3A_22 : vector<16x112x96xbf16> to vector<1792x96xbf16>
    %get3A_137 = arith.constant 0 : index
    %get3A_138 = arith.constant 7 : index
    %get3A_139 = arith.constant 0 : index
    %get3A_140 = arith.constant 0 : index
    %get3A_141 = vector.load %arg2[%get3A_137, %get3A_138, %get3A_139, %get3A_140] : memref<1x9x96x96xbf16, #tpu.memory_space<vmem>>, vector<1x1x96x96xbf16>
    %get3A_142 = vector.shape_cast %get3A_141 : vector<1x1x96x96xbf16> to vector<96x96xbf16>
    %dot_general3A_143 = arith.constant dense<0.000000e+00> : vector<1792x96xf32>
    %dot_general3A_144 = tpu.matmul %reshape3A_136, %get3A_142, %dot_general3A_143 {dimension_numbers = #tpu.dot_dimension_numbers<[1], [0], [0], [1], [0, 0, 1, 1], [], []>, transpose_lhs_hint = false} : vector<1792x96xbf16>, vector<96x96xbf16>, vector<1792x96xf32> -> vector<1792x96xf32>
    %add3A_145 = arith.addf %add3A_135, %dot_general3A_144 : vector<1792x96xf32>
    %reshape3A_146 = vector.shape_cast %get3A_30 : vector<16x112x96xbf16> to vector<1792x96xbf16>
    %get3A_147 = arith.constant 0 : index
    %get3A_148 = arith.constant 8 : index
    %get3A_149 = arith.constant 0 : index
    %get3A_150 = arith.constant 0 : index
    %get3A_151 = vector.load %arg2[%get3A_147, %get3A_148, %get3A_149, %get3A_150] : memref<1x9x96x96xbf16, #tpu.memory_space<vmem>>, vector<1x1x96x96xbf16>
    %get3A_152 = vector.shape_cast %get3A_151 : vector<1x1x96x96xbf16> to vector<96x96xbf16>
    %dot_general3A_153 = arith.constant dense<0.000000e+00> : vector<1792x96xf32>
    %dot_general3A_154 = tpu.matmul %reshape3A_146, %get3A_152, %dot_general3A_153 {dimension_numbers = #tpu.dot_dimension_numbers<[1], [0], [0], [1], [0, 0, 1, 1], [], []>, transpose_lhs_hint = false} : vector<1792x96xbf16>, vector<96x96xbf16>, vector<1792x96xf32> -> vector<1792x96xf32>
    %add3A_155 = arith.addf %add3A_145, %dot_general3A_154 : vector<1792x96xf32>
    %get3A_156 = arith.constant 0 : index
    %get3A_157 = arith.constant 0 : index
    %get3A_158 = arith.constant 0 : index
    %get3A_159 = vector.load %arg9[%get3A_156, %get3A_157, %get3A_158] : memref<1x1x96xf32, #tpu.memory_space<vmem>>, vector<1x1x96xf32>
    %get3A_160 = vector.shape_cast %get3A_159 : vector<1x1x96xf32> to vector<1x96xf32>
    %add3A_161 = vector.broadcast %get3A_160 : vector<1x96xf32> to vector<1792x96xf32>
    %add3A_162 = arith.addf %add3A_155, %add3A_161 : vector<1792x96xf32>
    %reshape3A_163 = vector.shape_cast %add3A_162 : vector<1792x96xf32> to vector<16x112x96xf32>
    %transpose3A = tpu.transpose %reshape3A_163, [2, 0, 1] : vector<16x112x96xf32> -> vector<96x16x112xf32>
    %swap3A = arith.constant 0 : index
    %swap3A_164 = arith.constant 0 : index
    %swap3A_165 = arith.constant 0 : index
    %swap3A_166 = arith.constant 0 : index
    %swap3A_167 = vector.load %arg10[%swap3A, %swap3A_164, %swap3A_165, %swap3A_166] : memref<1x96x16x112xf32, #tpu.memory_space<vmem>>, vector<1x96x16x112xf32>
    %swap3A_168 = vector.shape_cast %swap3A_167 : vector<1x96x16x112xf32> to vector<96x16x112xf32>
    %swap3A_169 = vector.shape_cast %transpose3A : vector<96x16x112xf32> to vector<1x96x16x112xf32>
    tpu.vector_store %arg10[%swap3A, %swap3A_164, %swap3A_165, %swap3A_166], %swap3A_169 {strides = array<i32>} : memref<1x96x16x112xf32, #tpu.memory_space<vmem>>, vector<1x96x16x112xf32>,
    return
  }
  func.func @transform_0(%arg0: i32, %arg1: i32) -> (i32, i32, i32, i32) {
    %c0_i32 = arith.constant 0 : i32
    %c0_i32_0 = arith.constant 0 : i32
    %c0_i32_1 = arith.constant 0 : i32
    %c0_i32_2 = arith.constant 0 : i32
    return %arg0, %c0_i32, %c0_i32_0, %c0_i32_1 : i32, i32, i32, i32
  }
  func.func @transform_1(%arg0: i32, %arg1: i32) -> (i32, i32, i32, i32, i32, i32) {
    %c0_i32 = arith.constant 0 : i32
    %c0_i32_0 = arith.constant 0 : i32
    %c0_i32_1 = arith.constant 0 : i32
    %c0_i32_2 = arith.constant 0 : i32
    %c0_i32_3 = arith.constant 0 : i32
    return %arg0, %c0_i32, %c0_i32_0, %arg1, %c0_i32_1, %c0_i32_2 : i32, i32, i32, i32, i32, i32
  }
  func.func @transform_2(%arg0: i32, %arg1: i32) -> (i32, i32, i32, i32, i32, i32) {
    %c0_i32 = arith.constant 0 : i32
    %c1_i32 = arith.constant 1 : i32
    %c0_i32_0 = arith.constant 0 : i32
    %c0_i32_1 = arith.constant 0 : i32
    %c0_i32_2 = arith.constant 0 : i32
    return %arg0, %c0_i32, %c1_i32, %arg1, %c0_i32_0, %c0_i32_1 : i32, i32, i32, i32, i32, i32
  }
  func.func @transform_3(%arg0: i32, %arg1: i32) -> (i32, i32, i32, i32, i32, i32) {
    %c1_i32 = arith.constant 1 : i32
    %c0_i32 = arith.constant 0 : i32
    %c0_i32_0 = arith.constant 0 : i32
    %c0_i32_1 = arith.constant 0 : i32
    %c0_i32_2 = arith.constant 0 : i32
    return %arg0, %c1_i32, %c0_i32, %arg1, %c0_i32_0, %c0_i32_1 : i32, i32, i32, i32, i32, i32
  }
  func.func @transform_4(%arg0: i32, %arg1: i32) -> (i32, i32, i32, i32, i32, i32) {
    %c1_i32 = arith.constant 1 : i32
    %c1_i32_0 = arith.constant 1 : i32
    %c0_i32 = arith.constant 0 : i32
    %c0_i32_1 = arith.constant 0 : i32
    %c0_i32_2 = arith.constant 0 : i32
    return %arg0, %c1_i32, %c1_i32_0, %arg1, %c0_i32, %c0_i32_1 : i32, i32, i32, i32, i32, i32
  }
  func.func @transform_5(%arg0: i32, %arg1: i32) -> (i32, i32, i32, i32, i32, i32) {
    %sub3A = arith.constant 1 : i32
    %sub3A_0 = arith.subi %arg1, %sub3A : i32
    %max3A = arith.constant 0 : i32
    %max3A_1 = arith.maxsi %sub3A_0, %max3A : i32
    %c1_i32 = arith.constant 1 : i32
    %c0_i32 = arith.constant 0 : i32
    %c0_i32_2 = arith.constant 0 : i32
    %c0_i32_3 = arith.constant 0 : i32
    %c0_i32_4 = arith.constant 0 : i32
    return %arg0, %c1_i32, %c0_i32, %max3A_1, %c0_i32_2, %c0_i32_3 : i32, i32, i32, i32, i32, i32
  }
  func.func @transform_6(%arg0: i32, %arg1: i32) -> (i32, i32, i32, i32, i32, i32) {
    %sub3A = arith.constant 1 : i32
    %sub3A_0 = arith.subi %arg1, %sub3A : i32
    %max3A = arith.constant 0 : i32
    %max3A_1 = arith.maxsi %sub3A_0, %max3A : i32
    %c1_i32 = arith.constant 1 : i32
    %c1_i32_2 = arith.constant 1 : i32
    %c0_i32 = arith.constant 0 : i32
    %c0_i32_3 = arith.constant 0 : i32
    %c0_i32_4 = arith.constant 0 : i32
    return %arg0, %c1_i32, %c1_i32_2, %max3A_1, %c0_i32, %c0_i32_3 : i32, i32, i32, i32, i32, i32
  }
  func.func @transform_7(%arg0: i32, %arg1: i32) -> (i32, i32, i32) {
    %c0_i32 = arith.constant 0 : i32
    %c0_i32_0 = arith.constant 0 : i32
    %c0_i32_1 = arith.constant 0 : i32
    return %arg0, %c0_i32, %c0_i32_0 : i32, i32, i32
  }
  func.func @transform_8(%arg0: i32, %arg1: i32) -> (i32, i32, i32, i32) {
    %c0_i32 = arith.constant 0 : i32
    %c0_i32_0 = arith.constant 0 : i32
    %c0_i32_1 = arith.constant 0 : i32
    return %arg0, %c0_i32, %arg1, %c0_i32_0 : i32, i32, i32, i32
  }
}

</mosaic_0001>

<sc_bundles>
// kernel: kernel.5.cloned.1.call-start
scs
__scs_entry_jumppad:
0x0: {  	(pc) =	sbr.rel $0x88, $3  }
0x1: {  	(tag) =	ssettag $0x0;
	lr =	simm.s32 $0x1  }
0x2: {  	[smem:$0x3F9D] =	sst lr;
	_ =	strace $0xD0000000  }
0x3: {  	_ = 	snop  }
0x4: {  	_ = 	snop  }
0x5: {  	_ = 	snop  }
0x6: {  	_ = 	snop  }
0x7: {  	_ = 	snop  }
__scs_overlays_trampoline_lowered:
0x8: {  	[smem:$0x3FAC] =	sst s0  }
0x9: {  	[smem:$0x3FAD] =	sst s1  }
0xa: {  	[smem:$0x3FAE] =	sst s2  }
0xb: {  	[smem:$0x3FAF] =	sst s3  }
0xc: {  	[smem:$0x3FB0] =	sst s4  }
0xd: {  	[smem:$0x3FB1] =	sst s5  }
0xe: {  	[smem:$0x3FB2] =	sst s6  }
0xf: {  	[smem:$0x3FB3] =	sst s7  }
0x10: {  	[smem:$0x3FB4] =	sst s8  }
0x11: {  	[smem:$0x3FB5] =	sst s9;
	s0 =	simm.s32 @!p0 $0x0  }
0x12: {  	s1 =	sld [smem:$0x3F9B];
	s0 =	simm.s32 @p0 $0x1  }
0x13: {  	[smem:$0x3FB6] =	sst s0;
	s0 =	simm.s32 @!p1 $0x0  }
0x14: {  	s2 =	sld [smem:$0x3F9A];
	s0 =	simm.s32 @p1 $0x1  }
0x15: {  	[smem:$0x3FB7] =	sst s0;
	s0 =	simm.s32 @!p2 $0x0  }
0x16: {  	s3 =	sld [smem:$0x3FDB];
	s0 =	simm.s32 @p2 $0x1  }
0x17: {  	s4 =	simm.s32 $0x1BF5;
	[smem:$0x3FB9] =	sst s0  }
0x18: {  	s0 =	sld [smem:$0x3F9C];
	_ =	swait.ge [sflag:s4], $0x0  }
0x19: {  	s7 =	sld [smem:$0x3F9D]  }
0x1a: {  	s8 =	sadd.s32 $0xFFFFE003, lr  }
0x1b: {  	s9 =	sadd.s32 $0xFFFFFEF7, lr;
	s5 =	simm.s32 $0xFFFFFFFF;
	p2 =	slt.u32 s8, $0xFFFFF086  }
0x1c: {  	p1 =	slt.u32 s9, $0xF7A;
	s5 =	simm.s32 @!p2 $0x0  }
0x1d: {  	s5 =	simm.s32 @p1 $0x1;
	p0 =	seq.s32 s7, s2  }
0x1e: {  	s7 =	smul.u32 @!p0 $0xF7A, s2;
	p2 =	seq.s32 @!p0 s5, $0x0  }
0x1f: {  	s9 =	smul.u32 $0xF7A, s1;
	s8 =	simm.s32 @!p0 $0x1BF5;
	p2 =	por !p2, p0  }
0x20: {  	[sflag:s8] =	ssyncset.s32 @!p0 $0xFFFFF086;
	s6 =	sadd.s32 @!p0 s3, s7;
	s7 =	simm.s32 @!p0 $0x108  }
0x21: {  	s3 =	sadd.s32 s3, s9;
	s6 =	sadd.s32 @!p0 $0x88, s6;
	s7 =	simm.s32 @p2 $0x1082  }
0x22: {  	[simem:s7], [sflag:s8] =	dma.local @!p0 [hbm:s6], $0xF7A  }
0x23: {  	s9 =	sor.u32 $0xD0000000, s2;
	s6 =	simm.s32 $0x108;
	_ =	swait.ge @!p0 [sflag:s8], $0x0  }
0x24: {  	s3 =	sadd.s32 $0x88, s3;
	s6 =	simm.s32 @!p1 $0x1082;
	[sflag:s4] =	ssyncset.s32 $0xFFFFF086  }
0x25: {  	[simem:s6], [sflag:s4] =	dma.local [hbm:s3], $0xF7A  }
0x26: {  	[smem:$0x3F9D] =	sst s1;
	(tag) =	ssettag s2;
	_ =	strace s9  }
0x27: {  	s1 =	sld [smem:$0x3FAD]  }
0x28: {  	s2 =	sld [smem:$0x3FAE]  }
0x29: {  	s4 =	sld [smem:$0x3FB0]  }
0x2a: {  	p0 =	seq.s32 s5, $0x0;
	s5 =	sld [smem:$0x3FB1]  }
0x2b: {  	s6 =	sld [smem:$0x3FB2]  }
0x2c: {  	s7 =	sld [smem:$0x3FB3]  }
0x2d: {  	s3 =	simm.s32 $0x108;
	s8 =	sld [smem:$0x3FB4]  }
0x2e: {  	s3 =	simm.s32 @!p0 $0x1082;
	s9 =	sld [smem:$0x3FB5]  }
0x2f: {  	lr =	sadd.s32 s0, s3;
	s0 =	sld [smem:$0x3FAC]  }
0x30: {  	s3 =	sld [smem:$0x3FAF]  }
0x31: {  	[smem:$0x3FB8] =	sst s10  }
0x32: {  	s10 =	sld [smem:$0x3FB6];
	_ =	sdelay $0x3  }
0x33: {  	p0 =	seq.s32 s10, $0x1;
	s10 =	sld [smem:$0x3FB8];
	_ =	sdelay $0x3  }
0x34: {  	[smem:$0x3FB8] =	sst s10  }
0x35: {  	s10 =	sld [smem:$0x3FB7];
	_ =	sdelay $0x3  }
0x36: {  	p1 =	seq.s32 s10, $0x1;
	s10 =	sld [smem:$0x3FB8];
	_ =	sdelay $0x3  }
0x37: {  	[smem:$0x3FB8] =	sst s10  }
0x38: {  	s10 =	sld [smem:$0x3FB9]  }
0x39: {  	_ = 	snop;
	(pc) =	sbr.ind lr, $3  }
0x3a: {  	_ = 	snop  }
0x3b: {  	_ = 	snop  }
0x3c: {  	p2 =	seq.s32 s10, $0x1;
	s10 =	sld [smem:$0x3FB8]  }
0x3d: {  	_ =	shalt  }
0x3e: {  	_ =	shalt  }
0x3f: {  	_ =	shalt  }
0x40: {  	_ =	shalt  }
0x41: {  	_ =	shalt  }
0x42: {  	_ =	shalt  }
0x43: {  	_ =	shalt  }
0x44: {  	_ =	shalt  }
0x45: {  	_ =	shalt  }
0x46: {  	_ =	shalt  }
0x47: {  	_ =	shalt  }
0x48: {  	_ =	shalt  }
0x49: {  	_ =	shalt  }
0x4a: {  	_ =	shalt  }
0x4b: {  	_ =	shalt  }
0x4c: {  	_ =	shalt  }
0x4d: {  	_ =	shalt  }
0x4e: {  	_ =	shalt  }
0x4f: {  	_ =	shalt  }
0x50: {  	_ =	shalt  }
0x51: {  	_ =	shalt  }
0x52: {  	_ =	shalt  }
0x53: {  	_ =	shalt  }
0x54: {  	_ =	shalt  }
0x55: {  	_ =	shalt  }
0x56: {  	_ =	shalt  }
0x57: {  	_ =	shalt  }
0x58: {  	_ =	shalt  }
0x59: {  	_ =	shalt  }
0x5a: {  	_ =	shalt  }
0x5b: {  	_ =	shalt  }
0x5c: {  	_ =	shalt  }
0x5d: {  	_ =	shalt  }
0x5e: {  	_ =	shalt  }
0x5f: {  	_ =	shalt  }
0x60: {  	_ =	shalt  }
0x61: {  	_ =	shalt  }
0x62: {  	_ =	shalt  }
0x63: {  	_ =	shalt  }
0x64: {  	_ =	shalt  }
0x65: {  	_ =	shalt  }
0x66: {  	_ =	shalt  }
0x67: {  	_ =	shalt  }
0x68: {  	_ =	shalt  }
0x69: {  	_ =	shalt  }
0x6a: {  	_ =	shalt  }
0x6b: {  	_ =	shalt  }
0x6c: {  	_ =	shalt  }
0x6d: {  	_ =	shalt  }
0x6e: {  	_ =	shalt  }
0x6f: {  	_ =	shalt  }
0x70: {  	_ =	shalt  }
0x71: {  	_ =	shalt  }
0x72: {  	_ =	shalt  }
0x73: {  	_ =	shalt  }
0x74: {  	_ =	shalt  }
0x75: {  	_ =	shalt  }
0x76: {  	_ =	shalt  }
0x77: {  	_ =	shalt  }
0x78: {  	_ =	shalt  }
0x79: {  	_ =	shalt  }
0x7a: {  	_ =	shalt  }
0x7b: {  	_ =	shalt  }
0x7c: {  	_ =	shalt  }
0x7d: {  	_ =	shalt  }
0x7e: {  	_ =	shalt  }
0x7f: {  	_ =	shalt  }
0x80: {  	_ =	shalt  }
0x81: {  	_ =	shalt  }
0x82: {  	_ =	shalt  }
0x83: {  	_ =	shalt  }
0x84: {  	_ =	shalt  }
0x85: {  	_ =	shalt  }
0x86: {  	_ =	shalt  }
0x87: {  	_ =	shalt  }
.Lfunc_end0:
.L_simem_size_0:
called_computation.1_lowered:
.L_overlay_start_0:
0x88: {  	s2 =	sld [smem:$0x3FD9]  }
0x89: {  	s3 =	sld [smem:$0x3FFE];
	_ =	sdelay $0x1  }
0x8a: {  	s1 =	srdreg.scid  }
0x8b: {  	s0 =	sand.u32 $0x1, s1  }
0x8c: {  	s14 =	sshll.u32 s0, $0xA;
	s2 =	sadd.s32 s3, s2  }
0x8d: {  	s2 =	sadd.s32 s2, s14  }
0x8e: {  	[smem:$0x3FC4] =	sst s2  }
0x8f: {  	_ = 	snop  }
0x90: {  	s2 =	sld [smem:$0x3FD0];
	_ =	sdelay $0x2  }
0x91: {  	s15 =	simm.s32 $0xB;
	s4 =	simm.s32 $0x10  }
0x92: {  	[smem:s4], [sflag:s15] =	dma.local [hbm:s2], $0x1  }
0x93: {  	_ =	swait.eq [sflag:s15], $0x1  }
0x94: {  	[sflag:s15] =	ssyncset.done $0x0  }
0x95: {  	s16 =	sld [smem:$0x10];
	[sflag:s15] =	ssyncadd.s32 $0xFFFFFFFF  }
0x96: {  	s17 =	sld [smem:$0x11];
	(tm) =	ssettm $0x1  }
0x97: {  	s18 =	sld [smem:$0x3FFB];
	_ =	sdelay $0x3  }
0x98: {  	_ =	strace s18  }
0x99: {  	s4 =	sld [smem:$0x3FFC];
	_ =	sdelay $0x3  }
0x9a: {  	_ =	strace s4  }
0x9b: {  	s4 =	sld [smem:$0x3FFD];
	_ =	sdelay $0x3  }
0x9c: {  	_ =	strace s4  }
0x9d: {  	_ =	strace $0x8FFFFFFF  }
0x9e: {  	s19 =	sld [smem:$0x3FDB];
	_ =	sdelay $0x1  }
0x9f: {  	s5 =	simm.s32 $_scs_section_size  }
0xa0: {  	s6 =	simm.s32 $_size__tile_overlayer_lowered;
	s7 =	simm.s32 $_tile_overlayer_lowered  }
0xa1: {  	s22 =	simm.s32 $0x1BFF;
	s21 =	sshll.u32 s7, $0x1;
	s4 =	sadd.s32 s5, s19  }
0xa2: {  	s8 =	simm.s32 $0x0;
	s20 =	sshll.u32 s6, $0x1;
	s6 =	sadd.s32 s21, s4  }
0xa3: {  	[timem:s8], [sflag:s22] =	dma.local [hbm:s6], s20  }
0xa4: {  	_ =	swait.ge [sflag:s22], s20  }
0xa5: {  	s5 =	ssub.s32 $0x0, s20;
	[sflag:s22] =	ssyncset.done $0x0  }
0xa6: {  	[sflag:s22] =	ssyncadd.s32 s5;
	_ =	sdelay $0x1  }
0xa7: {  	s23 =	simm.s32 $0x1B8B  }
0xa8: {  	_ =	swait.ge [sflag:s23], $0x1  }
0xa9: {  	[sflag:s23] =	ssyncset.done $0x0  }
0xaa: {  	s25 =	simm.s32 $0x1B8E;
	s24 =	sld [smem:$0x3FFE];
	[sflag:s23] =	ssyncadd.s32 $0xFFFFFFFF  }
0xab: {  	s26 =	simm.s32 $execute0_lowered;
	[smem:$0x3FD2] =	sst s25  }
0xac: {  	s6 =	sshll.u32 s26, $0x1;
	_ =	strace $0x80000046;
	[dreg:$0x1] =	wrdreg $0xFFFFFFFF  }
0xad: {  	s28 =	simm.s32 $_size_execute0_lowered;
	s4 =	sadd.s32 s4, s6;
	[dreg:$0x0] =	wrdreg $0x0  }
0xae: {  	s6 =	sshll.u32 s28, $0x1;
	[dreg:$0x2] =	wrdreg s4  }
0xaf: {  	[dreg:$0x3] =	wrdreg s6  }
0xb0: {  	[dreg:$0x4] =	wrdreg $0xC0  }
0xb1: {  	_ =	task [dreg:s8], $0x5FFFF  }
0xb2: {  	[dreg:$0x1] =	wrdreg $0xFFFFFFFF  }
0xb3: {  	[dreg:$0x0] =	wrdreg $0x60  }
0xb4: {  	[dreg:$0x2] =	wrdreg s24  }
0xb5: {  	[dreg:$0x3] =	wrdreg s16  }
0xb6: {  	[dreg:$0x4] =	wrdreg s17  }
0xb7: {  	[dreg:$0x5] =	wrdreg $0xA  }
0xb8: {  	_ =	task.clear_ibuf [dreg:s8], $0x6FFFF;
	_ =	strace $0x90000046  }
0xb9: {  	s29 =	simm.s32 $0xA;
	_ =	strace $0x80000048  }
0xba: {  	_ =	swait.ge [sflag:s29], $0x1  }
0xbb: {  	[sflag:s29] =	ssyncadd.s32 $0xFFFFFFFF  }
0xbc: {  	_ =	strace $0x90000048  }
0xbd: {  	_ =	sfence  }
0xbe: {  	s30 =	sld [smem:$0x0];
	_ =	sdelay $0x2  }
0xbf: {  	s31 =	sshll.u32 s1, $0xD;
	s1 =	sshrl.u32 s1, $0x2  }
0xc0: {  	s3 =	sand.u32 $0x4000, s31;
	s1 =	sadd.s32 s1, s30  }
0xc1: {  	s0 =	sor.u32 s3, s0;
	s1 =	sshll.u32 s1, $0x11  }
0xc2: {  	s0 =	sor.u32 s1, s0  }
0xc3: {  	s0 =	sadd.s32 $0x8F2B, s0  }
0xc4: {  	[sflag:s0] =	ssyncadd.remote.s32 $0x1  }
0xc5: {  	_ =	sfence.sel $0xFFFF  }
0xc6: {  	[dreg:$0x0] =	wrdreg $0xFFFFFFFF;
	(pc) =	sbr.abs _section_cstart, $3  }
0xc7: {  	[dreg:$0x1] =	wrdreg $0xFFFFFFFF  }
0xc8: {  	_ =	task.clear_ibuf [dreg:s8], $0x2FFFF;
	_ =	strace $0x9FFFFFFF  }
0xc9: {  	(tm) =	ssettm $0x7FFFFFFF  }
tec
execute0_lowered:
.L_overlay_start_1:
0x0: {  	(tag) =	ssettag $0x1  }
0x1: {  	s6 =	rddreg [dreg:$0x0]  }
0x2: {  	s7 =	rddreg [dreg:$0x1]  }
0x3: {  	s1 =	rddreg [dreg:$0x2];
	s2 =	simm.s32 $0x0;
	v1 =	vimm.s32 $0xFEDCBA98  }
0x4: {  	v0 =	vimm.f32 $8.000000000e+00;
	v2 =	vimm.s32 $0x3210FEDC;
	v3 =	vimm.s32 $0xBA987654;
	[smem:$0x7FF] =	sst s2  }
0x5: {  	s0 =	rddreg [dreg:$0x3];
	v4 =	vimm.s32 $0x10FEDCBA;
	v5 =	vimm.s32 $0x98765432;
	_ =	strace $0x80000047  }
0x6: {  	v6 =	vimm.s32 $0xFEDCBA9;
	(erf) = vrcp.f32 v0;
	v0 =	vimm.f32 $7.000000000e+00  }
0x7: {  	v7 =	vimm.s32 $0x87654321;
	v1 =	vunpack.c.l.s4.s8 v1;
	(erf) = vrcp.f32 v0  }
0x8: {  	v2 =	vunpack.c.l.s4.s8 v2;
	v3 =	vunpack.c.l.s4.s8 v3;
	v4 =	vunpack.c.l.s4.s8 v4  }
0x9: {  	s4 =	srdreg.scid;
	s3 =	stileid.u32;
	v5 =	vunpack.c.l.s4.s8 v5;
	v6 =	vunpack.c.l.s4.s8 v6;
	v7 =	vunpack.c.l.s4.s8 v7  }
0xa: {  	s13 =	simm.s32 $0x8600;
	s4 =	sand.u32 $0x1, s4;
	s5 =	sshll.u32 s3, $0x1;
	v2 =	vunpack.c.0.s8.s32 v2;
	v3 =	vunpack.c.0.s8.s32 v3;
	v0 =	vimm.s32 $0x76543210  }
0xb: {  	s11 =	sor.u32 s4, s5;
	s9 =	ssub.s32 $0x2, s4;
	s4 =	sadd.s32 $0x151200, s6;
	v4 =	vunpack.c.0.s8.s32 v4;
	v5 =	vunpack.c.0.s8.s32 v5;
	v0 =	vunpack.c.l.s4.s8 v0  }
0xc: {  	s14 =	simm.s32 $0x0;
	s5 =	sadd.s32 $0x150C00, s6;
	s8 =	smul.u32 $0x540, s11;
	v1 =	vunpack.c.0.s8.s32 v1;
	v6 =	vunpack.c.0.s8.s32 v6;
	v7 =	vunpack.c.0.s8.s32 v7  }
0xd: {  	vm0 =	vmmov $0xff;
	s10 =	smul.u32 $0xA80, s11;
	s12 =	sshrl.u32 s9, $0x1;
	p0 =	sne.s32 s11, $0x0;
	v2 =	vcombine.low v3, v2;
	v3 =	vcombine.low v5, v4  }
0xe: {  	s11 =	simm.s32 $0xB000;
	s9 =	ssub.s32 s9, s12;
	s12 =	simm.s32 $0x3200;
	v1 =	vand.u32 $0xF, v1;
	v5 =	vcombine.low v7, v6;
	v8 =	vunpack.c.0.s8.s32 v0  }
0xf: {  	s8 =	sadd.s32 s8, s6;
	s6 =	sadd.s32 s7, s10;
	s10 =	simm.s32 $0x200;
	v6 =	vlaneseq.u32;
	v7 =	vimm.f32 $0.0e+00;
	v2 =	vand.u32 $0xF, v2;
	v0 =	vpop (erf)  }
0x10: {  	s7 =	sadd.s32 $0x151400, s8;
	s8 =	smax.u32 s9, $0x1;
	s9 =	simm.s32 $0x1;
	v3 =	vand.u32 $0xF, v3;
	v5 =	vand.u32 $0xF, v5;
	v1 =	vcombine.low v1, v8;
	v4 =	vpop (erf)  }
.LBB2_1:
0x11: {  	[tilespmem:s2], [sflag:$0x1] =	stream.linear.gather [hbm4b:s4+s2], $0x200, $0x38;
	[tilespmem:$0xB080] =	vst v63  }
0x12: {  	_ =	swait.ge [sflag:s9], $0x200  }
0x13: {  	[sflag:s9] =	ssyncset.done $0x0  }
0x14: {  	[sflag:s9] =	ssyncadd.s32 $0xFFFFFE00  }
0x15: {  	[tilespmem:s10], [sflag:$0x1] =	stream.linear.gather [hbm4b:s5+s2], $0x3000, $0x38;
	[tilespmem:$0xB080] =	vst v63  }
0x16: {  	_ =	swait.ge [sflag:s9], $0x3000  }
0x17: {  	[sflag:s9] =	ssyncset.done $0x0  }
0x18: {  	s15 =	simm.s32 $0x0;
	[sflag:s9] =	ssyncadd.s32 $0xFFFFD000  }
0x19: {  	v8 =	vld [tilespmem:s15+$0x0]  }
0x1a: {  	s15 =	simm.s32 $0x600  }
0x1b: {  	v9 =	vld [tilespmem:s15+$0xFFFFFC00];
	_ =	sdelay $0x1  }
0x1c: {  	v10 =	vld [tilespmem:s15+$0xFFFFFC80]  }
0x1d: {  	v11 =	vbroadcast v8, $0x0  }
0x1e: {  	v12 =	vld [tilespmem:s15+$0xFFFFFD00]  }
0x1f: {  	v9 =	vmul.f32 v9, v11;
	v11 =	vbroadcast v8, $0x1  }
0x20: {  	v13 =	vld [tilespmem:s15+$0xFFFFFD80]  }
0x21: {  	v9 =	vadd.f32 v9, v7;
	v10 =	vmul.f32 v10, v11;
	v11 =	vbroadcast v8, $0x2  }
0x22: {  	v14 =	vld [tilespmem:s15+$0xFFFFFE00]  }
0x23: {  	v9 =	vadd.f32 v10, v9;
	v10 =	vmul.f32 v12, v11;
	v11 =	vbroadcast v8, $0x3  }
0x24: {  	v12 =	vld [tilespmem:s15+$0xFFFFFE80]  }
0x25: {  	v9 =	vadd.f32 v10, v9;
	v10 =	vmul.f32 v13, v11;
	v11 =	vbroadcast v8, $0x4  }
0x26: {  	v13 =	vld [tilespmem:s15+$0xFFFFFF00]  }
0x27: {  	v9 =	vadd.f32 v10, v9;
	v10 =	vmul.f32 v14, v11;
	v11 =	vbroadcast v8, $0x5  }
0x28: {  	v14 =	vld [tilespmem:s15+$0xFFFFFF80]  }
0x29: {  	v9 =	vadd.f32 v10, v9;
	v10 =	vmul.f32 v12, v11;
	v11 =	vbroadcast v8, $0x6  }
0x2a: {  	v12 =	vld [tilespmem:s15+$0x0]  }
0x2b: {  	v9 =	vadd.f32 v10, v9;
	v10 =	vmul.f32 v13, v11;
	v11 =	vbroadcast v8, $0x7  }
0x2c: {  	v13 =	vld [tilespmem:s15+$0x80]  }
0x2d: {  	v9 =	vadd.f32 v10, v9;
	v10 =	vmul.f32 v14, v11;
	v11 =	vbroadcast v8, $0x8  }
0x2e: {  	v14 =	vld [tilespmem:s15+$0x100]  }
0x2f: {  	v9 =	vadd.f32 v10, v9;
	v10 =	vmul.f32 v12, v11;
	v11 =	vbroadcast v8, $0x9  }
0x30: {  	v12 =	vld [tilespmem:s15+$0x180]  }
0x31: {  	v9 =	vadd.f32 v10, v9;
	v10 =	vmul.f32 v13, v11;
	v11 =	vbroadcast v8, $0xA  }
0x32: {  	v13 =	vld [tilespmem:s15+$0x200]  }
0x33: {  	v9 =	vadd.f32 v10, v9;
	v10 =	vmul.f32 v14, v11;
	v14 =	vbroadcast v8, $0xB  }
0x34: {  	v11 =	vld [tilespmem:s15+$0x280]  }
0x35: {  	v10 =	vadd.f32 v10, v9;
	v12 =	vmul.f32 v12, v14;
	v14 =	vbroadcast v8, $0xC  }
0x36: {  	v9 =	vld [tilespmem:s15+$0x300]  }
0x37: {  	s17 =	simm.s32 $0x10;
	s16 =	simm.s32 $0x80;
	v12 =	vadd.f32 v12, v10;
	v13 =	vmul.f32 v13, v14;
	v14 =	vbroadcast v8, $0xD;
	v10 =	vld [tilespmem:s15+$0x380]  }
.LBB2_2:
0x38: {  	p1 =	sne.s32 s16, $0x140;
	v15 =	vld [tilespmem:s17+$0x0]  }
0x39: {  	s15 =	sadd.s32 $0x800, s15;
	v12 =	vadd.f32 v13, v12;
	v11 =	vmul.f32 v11, v14;
	v13 =	vbroadcast v8, $0xE  }
0x3a: {  	v14 =	vld [tilespmem:s15+$0xFFFFFC00]  }
0x3b: {  	v16 =	vbroadcast v8, $0xF;
	v11 =	vadd.f32 v11, v12;
	v9 =	vmul.f32 v9, v13  }
0x3c: {  	v12 =	vld [tilespmem:s15+$0xFFFFFC80]  }
0x3d: {  	v10 =	vmul.f32 v10, v16;
	v13 =	vbroadcast v15, $0x0;
	v9 =	vadd.f32 v9, v11;
	v8 =	vmovc v15  }
0x3e: {  	v11 =	vld [tilespmem:s15+$0xFFFFFD00]  }
0x3f: {  	v13 =	vmul.f32 v14, v13;
	v14 =	vbroadcast v8, $0x1;
	v9 =	vadd.f32 v10, v9  }
0x40: {  	v10 =	vld [tilespmem:s15+$0xFFFFFD80]  }
0x41: {  	v9 =	vadd.f32 v13, v9;
	v12 =	vmul.f32 v12, v14;
	v13 =	vbroadcast v8, $0x2  }
0x42: {  	v14 =	vld [tilespmem:s15+$0xFFFFFE00]  }
0x43: {  	v9 =	vadd.f32 v12, v9;
	v11 =	vmul.f32 v11, v13;
	v12 =	vbroadcast v8, $0x3  }
0x44: {  	v13 =	vld [tilespmem:s15+$0xFFFFFE80]  }
0x45: {  	v9 =	vadd.f32 v11, v9;
	v10 =	vmul.f32 v10, v12;
	v11 =	vbroadcast v8, $0x4  }
0x46: {  	v12 =	vld [tilespmem:s15+$0xFFFFFF00]  }
0x47: {  	v9 =	vadd.f32 v10, v9;
	v10 =	vmul.f32 v14, v11;
	v11 =	vbroadcast v8, $0x5  }
0x48: {  	v14 =	vld [tilespmem:s15+$0xFFFFFF80]  }
0x49: {  	v9 =	vadd.f32 v10, v9;
	v10 =	vmul.f32 v13, v11;
	v11 =	vbroadcast v8, $0x6  }
0x4a: {  	v13 =	vld [tilespmem:s15+$0x0]  }
0x4b: {  	v9 =	vadd.f32 v10, v9;
	v10 =	vmul.f32 v12, v11;
	v11 =	vbroadcast v8, $0x7  }
0x4c: {  	v12 =	vld [tilespmem:s15+$0x80]  }
0x4d: {  	v9 =	vadd.f32 v10, v9;
	v10 =	vmul.f32 v14, v11;
	v11 =	vbroadcast v8, $0x8  }
0x4e: {  	v14 =	vld [tilespmem:s15+$0x100]  }
0x4f: {  	v9 =	vadd.f32 v10, v9;
	v10 =	vmul.f32 v13, v11;
	v11 =	vbroadcast v8, $0x9  }
0x50: {  	v13 =	vld [tilespmem:s15+$0x180]  }
0x51: {  	v9 =	vadd.f32 v10, v9;
	v10 =	vmul.f32 v12, v11;
	v11 =	vbroadcast v8, $0xA  }
0x52: {  	v15 =	vld [tilespmem:s15+$0x200]  }
.Ltmp0:
0x53: {  	v12 =	vbroadcast v8, $0xB;
	v9 =	vadd.f32 v10, v9;
	v10 =	vmul.f32 v14, v11;
	(pc) =	sbr.rel @p1 .LBB2_2-.Ltmp0, $4  }
0x54: {  	v11 =	vld [tilespmem:s15+$0x280]  }
0x55: {  	v10 =	vadd.f32 v10, v9;
	v12 =	vmul.f32 v13, v12;
	v13 =	vbroadcast v8, $0xC  }
0x56: {  	v9 =	vld [tilespmem:s15+$0x300]  }
0x57: {  	s17 =	sshra.s32 s16, $0x2;
	s16 =	sadd.s32 $0x40, s16;
	v14 =	vbroadcast v8, $0xD;
	v12 =	vadd.f32 v12, v10;
	v13 =	vmul.f32 v15, v13;
	v10 =	vld [tilespmem:s15+$0x380]  }
0x58: {  	v15 =	vld [tilespmem:s17+$0x0]  }
0x59: {  	s15 =	sadd.s32 $0x800, s15;
	v12 =	vadd.f32 v13, v12;
	v11 =	vmul.f32 v11, v14;
	v13 =	vbroadcast v8, $0xE  }
0x5a: {  	v14 =	vld [tilespmem:s15+$0xFFFFFC00]  }
0x5b: {  	v8 =	vbroadcast v8, $0xF;
	v11 =	vadd.f32 v11, v12;
	v9 =	vmul.f32 v9, v13  }
0x5c: {  	v12 =	vld [tilespmem:s15+$0xFFFFFC80]  }
0x5d: {  	v8 =	vmul.f32 v10, v8;
	v13 =	vbroadcast v15, $0x0;
	v9 =	vadd.f32 v9, v11  }
0x5e: {  	v10 =	vld [tilespmem:s15+$0xFFFFFD00]  }
0x5f: {  	v11 =	vmul.f32 v14, v13;
	v13 =	vbroadcast v15, $0x1;
	v8 =	vadd.f32 v8, v9  }
0x60: {  	v9 =	vld [tilespmem:s15+$0xFFFFFD80]  }
0x61: {  	v8 =	vadd.f32 v11, v8;
	v11 =	vmul.f32 v12, v13;
	v12 =	vbroadcast v15, $0x2  }
0x62: {  	v13 =	vld [tilespmem:s15+$0xFFFFFE00]  }
0x63: {  	v8 =	vadd.f32 v11, v8;
	v10 =	vmul.f32 v10, v12;
	v11 =	vbroadcast v15, $0x3  }
0x64: {  	v12 =	vld [tilespmem:s15+$0xFFFFFE80]  }
0x65: {  	v8 =	vadd.f32 v10, v8;
	v9 =	vmul.f32 v9, v11;
	v10 =	vbroadcast v15, $0x4  }
0x66: {  	v11 =	vld [tilespmem:s15+$0xFFFFFF00]  }
0x67: {  	v8 =	vadd.f32 v9, v8;
	v9 =	vmul.f32 v13, v10;
	v10 =	vbroadcast v15, $0x5  }
0x68: {  	v13 =	vld [tilespmem:s15+$0xFFFFFF80]  }
0x69: {  	v8 =	vadd.f32 v9, v8;
	v9 =	vmul.f32 v12, v10;
	v10 =	vbroadcast v15, $0x6  }
0x6a: {  	v12 =	vld [tilespmem:s15+$0x0]  }
0x6b: {  	v8 =	vadd.f32 v9, v8;
	v9 =	vmul.f32 v11, v10;
	v10 =	vbroadcast v15, $0x7  }
0x6c: {  	v11 =	vld [tilespmem:s15+$0x80]  }
0x6d: {  	v8 =	vadd.f32 v9, v8;
	v9 =	vmul.f32 v13, v10;
	v10 =	vbroadcast v15, $0x8  }
0x6e: {  	v13 =	vld [tilespmem:s15+$0x100]  }
0x6f: {  	v8 =	vadd.f32 v9, v8;
	v9 =	vmul.f32 v12, v10;
	v10 =	vbroadcast v15, $0x9  }
0x70: {  	v12 =	vld [tilespmem:s15+$0x180]  }
0x71: {  	v8 =	vadd.f32 v9, v8;
	v9 =	vmul.f32 v11, v10;
	v10 =	vbroadcast v15, $0xA  }
0x72: {  	v11 =	vld [tilespmem:s15+$0x200]  }
0x73: {  	v8 =	vadd.f32 v9, v8;
	v9 =	vmul.f32 v13, v10;
	v10 =	vbroadcast v15, $0xB  }
0x74: {  	v13 =	vld [tilespmem:s15+$0x280]  }
0x75: {  	v8 =	vadd.f32 v9, v8;
	v9 =	vmul.f32 v12, v10;
	v10 =	vbroadcast v15, $0xC  }
0x76: {  	v12 =	vld [tilespmem:s15+$0x300]  }
0x77: {  	v8 =	vadd.f32 v9, v8;
	v9 =	vmul.f32 v11, v10;
	v10 =	vbroadcast v15, $0xD  }
0x78: {  	v11 =	vld [tilespmem:s15+$0x380]  }
0x79: {  	v8 =	vadd.f32 v9, v8;
	v9 =	vmul.f32 v13, v10;
	v10 =	vbroadcast v15, $0xE;
	_ =	sdelay $0x1  }
0x7a: {  	v8 =	vadd.f32 v9, v8;
	v9 =	vmul.f32 v12, v10;
	v10 =	vbroadcast v15, $0xF;
	_ =	sdelay $0x1  }
0x7b: {  	v8 =	vadd.f32 v9, v8;
	v9 =	vmul.f32 v11, v10;
	_ =	sdelay $0x1  }
0x7c: {  	v8 =	vadd.f32 v9, v8;
	_ =	sdelay $0x1  }
0x7d: {  	v8 =	vnsel vm0, $0xFF800000, v8  }
0x7e: {  	v9 =	vperm.xlane v8, v1;
	_ =	sdelay $0x1  }
0x7f: {  	v9 =	vmax.f32 v8, v9  }
0x80: {  	v10 =	vperm.xlane v9, v2;
	_ =	sdelay $0x1  }
0x81: {  	v9 =	vmax.f32 v9, v10  }
0x82: {  	v10 =	vperm.xlane v9, v3;
	_ =	sdelay $0x1  }
0x83: {  	v9 =	vmax.f32 v9, v10  }
0x84: {  	v10 =	vperm.xlane v9, v5;
	_ =	sdelay $0x1  }
0x85: {  	v9 =	vmax.f32 v9, v10  }
0x86: {  	v8 =	vsub.f32 v8, v9;
	_ =	sdelay $0x1  }
0x87: {  	v8 =	vmul.f32 $1.442695020e+00, v8;
	_ =	sdelay $0x1  }
0x88: {  	(erf) = vpow2.f32 v8;
	_ =	sdelay $0x8  }
0x89: {  	v8 =	vpop (erf)  }
0x8a: {  	v8 =	vnsel vm0, $0x0, v8  }
0x8b: {  	v9 =	vperm.xlane v8, v1;
	_ =	sdelay $0x1  }
0x8c: {  	v9 =	vadd.f32 v8, v9;
	_ =	sdelay $0x1  }
0x8d: {  	v10 =	vperm.xlane v9, v2;
	_ =	sdelay $0x1  }
0x8e: {  	v9 =	vadd.f32 v9, v10;
	_ =	sdelay $0x1  }
0x8f: {  	v10 =	vperm.xlane v9, v3;
	_ =	sdelay $0x1  }
0x90: {  	v9 =	vadd.f32 v9, v10;
	_ =	sdelay $0x1  }
0x91: {  	v10 =	vperm.xlane v9, v5;
	_ =	sdelay $0x1  }
0x92: {  	v9 =	vadd.f32 v9, v10;
	_ =	sdelay $0x1  }
0x93: {  	(erf) = vrcp.f32 v9;
	_ =	sdelay $0x8  }
0x94: {  	v9 =	vpop (erf)  }
0x95: {  	v9 =	vmul.f32 v9, v8;
	_ =	sdelay $0x1  }
0x96: {  	v8 =	vperm.xlane v9, v1;
	_ =	sdelay $0x1  }
0x97: {  	v8 =	vmax.f32 v9, v8  }
0x98: {  	v10 =	vperm.xlane v8, v2;
	_ =	sdelay $0x1  }
0x99: {  	v8 =	vmax.f32 v8, v10  }
0x9a: {  	v10 =	vperm.xlane v8, v3;
	_ =	sdelay $0x1  }
0x9b: {  	v8 =	vmax.f32 v8, v10  }
0x9c: {  	v10 =	vperm.xlane v8, v5;
	_ =	sdelay $0x1  }
0x9d: {  	v8 =	vmax.f32 v8, v10  }
0x9e: {  	vm1 =	veq.f32 v9, v8  }
0x9f: {  	v10 =	vnsel vm1, $0x8, v6  }
0xa0: {  	v11 =	vperm.xlane v10, v1;
	_ =	sdelay $0x1  }
0xa1: {  	vm1 =	vlt.s32 v10, v11  }
0xa2: {  	v10 =	vsel vm1, v10, v11  }
0xa3: {  	v11 =	vperm.xlane v10, v2;
	_ =	sdelay $0x1  }
0xa4: {  	vm1 =	vlt.s32 v10, v11  }
0xa5: {  	v10 =	vsel vm1, v10, v11  }
0xa6: {  	v11 =	vperm.xlane v10, v3;
	_ =	sdelay $0x1  }
0xa7: {  	vm1 =	vlt.s32 v10, v11  }
0xa8: {  	v10 =	vsel vm1, v10, v11  }
0xa9: {  	v11 =	vperm.xlane v10, v5;
	_ =	sdelay $0x1  }
0xaa: {  	vm1 =	vlt.s32 v10, v11  }
0xab: {  	s31 =	simm.s32 $0x0;
	v10 =	vsel vm1, v10, v11  }
0xac: {  	v12 =	vld [tilespmem:s31+$0x80];
	v9 =	vnsel vm0, $0xFF800000, v9;
	vm1 =	veq.s32 v10, v6  }
0xad: {  	s15 =	simm.s32 $0x600;
	v10 =	vsel vm1, $0xFF800000, v9  }
0xae: {  	v11 =	vld [tilespmem:s15+$0xFFFFFC00];
	v9 =	vperm.xlane v10, v1;
	_ =	sdelay $0x1  }
0xaf: {  	v13 =	vld [tilespmem:s15+$0xFFFFFC80];
	v9 =	vmax.f32 v10, v9  }
0xb0: {  	v15 =	vbroadcast v12, $0x0;
	v14 =	vperm.xlane v9, v2  }
0xb1: {  	v16 =	vld [tilespmem:s15+$0xFFFFFD00]  }
0xb2: {  	v11 =	vmul.f32 v11, v15;
	v9 =	vmax.f32 v9, v14;
	v14 =	vbroadcast v12, $0x1  }
0xb3: {  	v17 =	vimm.f32 $0.0e+00;
	v18 =	vld [tilespmem:s15+$0xFFFFFD80];
	v15 =	vperm.xlane v9, v3  }
0xb4: {  	v11 =	vadd.f32 v11, v17;
	v13 =	vmul.f32 v13, v14;
	v14 =	vbroadcast v12, $0x2  }
0xb5: {  	v9 =	vmax.f32 v9, v15;
	v15 =	vld [tilespmem:s15+$0xFFFFFE00]  }
0xb6: {  	v11 =	vadd.f32 v13, v11;
	v13 =	vmul.f32 v16, v14;
	v14 =	vbroadcast v12, $0x3  }
0xb7: {  	v17 =	vld [tilespmem:s15+$0xFFFFFE80];
	v16 =	vperm.xlane v9, v5  }
0xb8: {  	v11 =	vadd.f32 v13, v11;
	v13 =	vmul.f32 v18, v14;
	v14 =	vbroadcast v12, $0x4  }
0xb9: {  	v9 =	vmax.f32 v9, v16  }
0xba: {  	v16 =	vld [tilespmem:s15+$0xFFFFFF00];
	v11 =	vadd.f32 v13, v11;
	v13 =	vmul.f32 v15, v14;
	v14 =	vbroadcast v12, $0x5  }
0xbb: {  	vm2 =	veq.f32 v10, v9  }
0xbc: {  	v10 =	vnsel vm2, $0x8, v6;
	v15 =	vld [tilespmem:s15+$0xFFFFFF80];
	v11 =	vadd.f32 v13, v11;
	v13 =	vmul.f32 v17, v14  }
0xbd: {  	v14 =	vperm.xlane v10, v1;
	v17 =	vbroadcast v12, $0x6  }
0xbe: {  	v18 =	vld [tilespmem:s15+$0x0];
	v11 =	vadd.f32 v13, v11  }
0xbf: {  	vm2 =	vlt.s32 v10, v14;
	v13 =	vmul.f32 v16, v17;
	v16 =	vbroadcast v12, $0x7  }
0xc0: {  	v10 =	vsel vm2, v10, v14;
	v14 =	vld [tilespmem:s15+$0x80]  }
0xc1: {  	v11 =	vadd.f32 v13, v11;
	v13 =	vmul.f32 v15, v16;
	v15 =	vbroadcast v12, $0x8  }
0xc2: {  	v16 =	vperm.xlane v10, v2  }
0xc3: {  	v17 =	vld [tilespmem:s15+$0x100];
	v11 =	vadd.f32 v13, v11;
	v13 =	vmul.f32 v18, v15;
	v15 =	vbroadcast v12, $0x9  }
0xc4: {  	vm2 =	vlt.s32 v10, v16  }
0xc5: {  	v10 =	vsel vm2, v10, v16;
	v16 =	vld [tilespmem:s15+$0x180];
	v11 =	vadd.f32 v13, v11;
	v13 =	vmul.f32 v14, v15  }
0xc6: {  	v14 =	vperm.xlane v10, v3;
	v15 =	vbroadcast v12, $0xA  }
0xc7: {  	v18 =	vld [tilespmem:s15+$0x200];
	v11 =	vadd.f32 v13, v11  }
0xc8: {  	vm2 =	vlt.s32 v10, v14;
	v13 =	vmul.f32 v17, v15;
	v15 =	vbroadcast v12, $0xB  }
0xc9: {  	v10 =	vsel vm2, v10, v14;
	v14 =	vld [tilespmem:s15+$0x280]  }
0xca: {  	v19 =	vbroadcast v12, $0xC;
	v17 =	vadd.f32 v13, v11;
	v15 =	vmul.f32 v16, v15  }
0xcb: {  	v11 =	vperm.xlane v10, v5;
	v13 =	vld [tilespmem:s15+$0x300]  }
0xcc: {  	s17 =	simm.s32 $0x10;
	s16 =	simm.s32 $0x80;
	v16 =	vadd.f32 v15, v17;
	v17 =	vmul.f32 v18, v19;
	v18 =	vbroadcast v12, $0xD;
	v15 =	vld [tilespmem:s15+$0x380]  }
.LBB2_4:
0xcd: {  	p1 =	sne.s32 s16, $0x140;
	v19 =	vld [tilespmem:s17+$0x80]  }
0xce: {  	s15 =	sadd.s32 $0x800, s15;
	v16 =	vadd.f32 v17, v16;
	v14 =	vmul.f32 v14, v18;
	v17 =	vbroadcast v12, $0xE  }
0xcf: {  	v18 =	vld [tilespmem:s15+$0xFFFFFC00]  }
0xd0: {  	v20 =	vbroadcast v12, $0xF;
	v14 =	vadd.f32 v14, v16;
	v13 =	vmul.f32 v13, v17  }
0xd1: {  	v16 =	vld [tilespmem:s15+$0xFFFFFC80]  }
0xd2: {  	v17 =	vbroadcast v19, $0x0;
	v13 =	vadd.f32 v13, v14;
	v14 =	vmul.f32 v15, v20;
	v12 =	vmovc v19  }
0xd3: {  	v15 =	vld [tilespmem:s15+$0xFFFFFD00]  }
0xd4: {  	v17 =	vmul.f32 v18, v17;
	v18 =	vbroadcast v12, $0x1;
	v13 =	vadd.f32 v14, v13  }
0xd5: {  	v14 =	vld [tilespmem:s15+$0xFFFFFD80]  }
0xd6: {  	v13 =	vadd.f32 v17, v13;
	v16 =	vmul.f32 v16, v18;
	v17 =	vbroadcast v12, $0x2  }
0xd7: {  	v18 =	vld [tilespmem:s15+$0xFFFFFE00]  }
0xd8: {  	v13 =	vadd.f32 v16, v13;
	v15 =	vmul.f32 v15, v17;
	v16 =	vbroadcast v12, $0x3  }
0xd9: {  	v17 =	vld [tilespmem:s15+$0xFFFFFE80]  }
0xda: {  	v13 =	vadd.f32 v15, v13;
	v14 =	vmul.f32 v14, v16;
	v15 =	vbroadcast v12, $0x4  }
0xdb: {  	v16 =	vld [tilespmem:s15+$0xFFFFFF00]  }
0xdc: {  	v13 =	vadd.f32 v14, v13;
	v14 =	vmul.f32 v18, v15;
	v15 =	vbroadcast v12, $0x5  }
0xdd: {  	v18 =	vld [tilespmem:s15+$0xFFFFFF80]  }
0xde: {  	v13 =	vadd.f32 v14, v13;
	v14 =	vmul.f32 v17, v15;
	v15 =	vbroadcast v12, $0x6  }
0xdf: {  	v17 =	vld [tilespmem:s15+$0x0]  }
0xe0: {  	v13 =	vadd.f32 v14, v13;
	v14 =	vmul.f32 v16, v15;
	v15 =	vbroadcast v12, $0x7  }
0xe1: {  	v16 =	vld [tilespmem:s15+$0x80]  }
0xe2: {  	v13 =	vadd.f32 v14, v13;
	v14 =	vmul.f32 v18, v15;
	v15 =	vbroadcast v12, $0x8  }
0xe3: {  	v18 =	vld [tilespmem:s15+$0x100]  }
0xe4: {  	v13 =	vadd.f32 v14, v13;
	v14 =	vmul.f32 v17, v15;
	v15 =	vbroadcast v12, $0x9  }
0xe5: {  	v17 =	vld [tilespmem:s15+$0x180]  }
0xe6: {  	v13 =	vadd.f32 v14, v13;
	v14 =	vmul.f32 v16, v15;
	v15 =	vbroadcast v12, $0xA  }
0xe7: {  	v19 =	vld [tilespmem:s15+$0x200]  }
.Ltmp1:
0xe8: {  	v16 =	vbroadcast v12, $0xB;
	v13 =	vadd.f32 v14, v13;
	v15 =	vmul.f32 v18, v15;
	(pc) =	sbr.rel @p1 .LBB2_4-.Ltmp1, $4  }
0xe9: {  	v14 =	vld [tilespmem:s15+$0x280]  }
0xea: {  	v15 =	vadd.f32 v15, v13;
	v16 =	vmul.f32 v17, v16;
	v17 =	vbroadcast v12, $0xC  }
0xeb: {  	v13 =	vld [tilespmem:s15+$0x300]  }
0xec: {  	s17 =	sshra.s32 s16, $0x2;
	s16 =	sadd.s32 $0x40, s16;
	v18 =	vbroadcast v12, $0xD;
	v16 =	vadd.f32 v16, v15;
	v17 =	vmul.f32 v19, v17;
	v15 =	vld [tilespmem:s15+$0x380]  }
0xed: {  	v19 =	vld [tilespmem:s17+$0x80]  }
0xee: {  	s15 =	sadd.s32 $0x800, s15;
	v16 =	vadd.f32 v17, v16;
	v14 =	vmul.f32 v14, v18;
	v17 =	vbroadcast v12, $0xE  }
0xef: {  	v18 =	vld [tilespmem:s15+$0xFFFFFC00]  }
0xf0: {  	v12 =	vbroadcast v12, $0xF;
	v14 =	vadd.f32 v14, v16;
	v13 =	vmul.f32 v13, v17  }
0xf1: {  	v16 =	vld [tilespmem:s15+$0xFFFFFC80]  }
0xf2: {  	v12 =	vmul.f32 v15, v12;
	v17 =	vbroadcast v19, $0x0;
	v13 =	vadd.f32 v13, v14  }
0xf3: {  	v14 =	vld [tilespmem:s15+$0xFFFFFD00]  }
0xf4: {  	v15 =	vmul.f32 v18, v17;
	v17 =	vbroadcast v19, $0x1;
	v12 =	vadd.f32 v12, v13  }
0xf5: {  	v13 =	vld [tilespmem:s15+$0xFFFFFD80]  }
0xf6: {  	v12 =	vadd.f32 v15, v12;
	v15 =	vmul.f32 v16, v17;
	v16 =	vbroadcast v19, $0x2  }
0xf7: {  	v17 =	vld [tilespmem:s15+$0xFFFFFE00]  }
0xf8: {  	v12 =	vadd.f32 v15, v12;
	v14 =	vmul.f32 v14, v16;
	v15 =	vbroadcast v19, $0x3  }
0xf9: {  	v16 =	vld [tilespmem:s15+$0xFFFFFE80]  }
0xfa: {  	v12 =	vadd.f32 v14, v12;
	v13 =	vmul.f32 v13, v15;
	v14 =	vbroadcast v19, $0x4  }
0xfb: {  	v15 =	vld [tilespmem:s15+$0xFFFFFF00]  }
0xfc: {  	v12 =	vadd.f32 v13, v12;
	v13 =	vmul.f32 v17, v14;
	v14 =	vbroadcast v19, $0x5  }
0xfd: {  	v17 =	vld [tilespmem:s15+$0xFFFFFF80]  }
0xfe: {  	v12 =	vadd.f32 v13, v12;
	v13 =	vmul.f32 v16, v14;
	v14 =	vbroadcast v19, $0x6  }
0xff: {  	v16 =	vld [tilespmem:s15+$0x0]  }
0x100: {  	v12 =	vadd.f32 v13, v12;
	v13 =	vmul.f32 v15, v14;
	v14 =	vbroadcast v19, $0x7  }
0x101: {  	v15 =	vld [tilespmem:s15+$0x80]  }
0x102: {  	v12 =	vadd.f32 v13, v12;
	v13 =	vmul.f32 v17, v14;
	v14 =	vbroadcast v19, $0x8  }
0x103: {  	v17 =	vld [tilespmem:s15+$0x100]  }
0x104: {  	v12 =	vadd.f32 v13, v12;
	v13 =	vmul.f32 v16, v14;
	v14 =	vbroadcast v19, $0x9  }
0x105: {  	v16 =	vld [tilespmem:s15+$0x180]  }
0x106: {  	v12 =	vadd.f32 v13, v12;
	v13 =	vmul.f32 v15, v14;
	v14 =	vbroadcast v19, $0xA  }
0x107: {  	v15 =	vld [tilespmem:s15+$0x200]  }
0x108: {  	v12 =	vadd.f32 v13, v12;
	v13 =	vmul.f32 v17, v14;
	v14 =	vbroadcast v19, $0xB  }
0x109: {  	v17 =	vld [tilespmem:s15+$0x280]  }
0x10a: {  	v12 =	vadd.f32 v13, v12;
	v13 =	vmul.f32 v16, v14;
	v14 =	vbroadcast v19, $0xC  }
0x10b: {  	v16 =	vld [tilespmem:s15+$0x300]  }
0x10c: {  	v12 =	vadd.f32 v13, v12;
	v13 =	vmul.f32 v15, v14;
	v14 =	vbroadcast v19, $0xD  }
0x10d: {  	v15 =	vld [tilespmem:s15+$0x380]  }
0x10e: {  	v12 =	vadd.f32 v13, v12;
	v13 =	vmul.f32 v17, v14;
	v14 =	vbroadcast v19, $0xE;
	_ =	sdelay $0x1  }
0x10f: {  	v12 =	vadd.f32 v13, v12;
	v13 =	vmul.f32 v16, v14;
	v14 =	vbroadcast v19, $0xF;
	_ =	sdelay $0x1  }
0x110: {  	v12 =	vadd.f32 v13, v12;
	v13 =	vmul.f32 v15, v14;
	_ =	sdelay $0x1  }
0x111: {  	v12 =	vadd.f32 v13, v12;
	_ =	sdelay $0x1  }
0x112: {  	v12 =	vnsel vm0, $0xFF800000, v12  }
0x113: {  	v13 =	vperm.xlane v12, v1;
	_ =	sdelay $0x1  }
0x114: {  	v13 =	vmax.f32 v12, v13  }
0x115: {  	v14 =	vperm.xlane v13, v2;
	_ =	sdelay $0x1  }
0x116: {  	v13 =	vmax.f32 v13, v14  }
0x117: {  	v14 =	vperm.xlane v13, v3;
	_ =	sdelay $0x1  }
0x118: {  	v13 =	vmax.f32 v13, v14  }
0x119: {  	v14 =	vperm.xlane v13, v5;
	_ =	sdelay $0x1  }
0x11a: {  	v13 =	vmax.f32 v13, v14  }
0x11b: {  	v12 =	vsub.f32 v12, v13;
	_ =	sdelay $0x1  }
0x11c: {  	v12 =	vmul.f32 $1.442695020e+00, v12;
	_ =	sdelay $0x1  }
0x11d: {  	(erf) = vpow2.f32 v12;
	_ =	sdelay $0x8  }
0x11e: {  	v12 =	vpop (erf)  }
0x11f: {  	v12 =	vnsel vm0, $0x0, v12  }
0x120: {  	v13 =	vperm.xlane v12, v1;
	_ =	sdelay $0x1  }
0x121: {  	v13 =	vadd.f32 v12, v13;
	_ =	sdelay $0x1  }
0x122: {  	v14 =	vperm.xlane v13, v2;
	_ =	sdelay $0x1  }
0x123: {  	v13 =	vadd.f32 v13, v14;
	_ =	sdelay $0x1  }
0x124: {  	v14 =	vperm.xlane v13, v3;
	_ =	sdelay $0x1  }
0x125: {  	v13 =	vadd.f32 v13, v14;
	_ =	sdelay $0x1  }
0x126: {  	v14 =	vperm.xlane v13, v5;
	_ =	sdelay $0x1  }
0x127: {  	v13 =	vadd.f32 v13, v14;
	_ =	sdelay $0x1  }
0x128: {  	(erf) = vrcp.f32 v13;
	_ =	sdelay $0x8  }
0x129: {  	v13 =	vpop (erf)  }
0x12a: {  	v13 =	vmul.f32 v13, v12;
	_ =	sdelay $0x1  }
0x12b: {  	v12 =	vperm.xlane v13, v1;
	_ =	sdelay $0x1  }
0x12c: {  	v12 =	vmax.f32 v13, v12  }
0x12d: {  	v14 =	vperm.xlane v12, v2;
	_ =	sdelay $0x1  }
0x12e: {  	v12 =	vmax.f32 v12, v14  }
0x12f: {  	v14 =	vperm.xlane v12, v3;
	_ =	sdelay $0x1  }
0x130: {  	v12 =	vmax.f32 v12, v14  }
0x131: {  	v14 =	vperm.xlane v12, v5;
	_ =	sdelay $0x1  }
0x132: {  	v12 =	vmax.f32 v12, v14  }
0x133: {  	vm2 =	veq.f32 v13, v12  }
0x134: {  	v14 =	vnsel vm2, $0x8, v6  }
0x135: {  	v15 =	vperm.xlane v14, v1;
	_ =	sdelay $0x1  }
0x136: {  	vm2 =	vlt.s32 v14, v15  }
0x137: {  	v14 =	vsel vm2, v14, v15  }
0x138: {  	v15 =	vperm.xlane v14, v2;
	_ =	sdelay $0x1  }
0x139: {  	vm2 =	vlt.s32 v14, v15  }
0x13a: {  	v14 =	vsel vm2, v14, v15  }
0x13b: {  	v15 =	vperm.xlane v14, v3;
	_ =	sdelay $0x1  }
0x13c: {  	vm2 =	vlt.s32 v14, v15  }
0x13d: {  	v14 =	vsel vm2, v14, v15  }
0x13e: {  	v15 =	vperm.xlane v14, v5;
	_ =	sdelay $0x1  }
0x13f: {  	vm2 =	vlt.s32 v14, v15  }
0x140: {  	s31 =	simm.s32 $0x0;
	v14 =	vsel vm2, v14, v15  }
0x141: {  	v16 =	vld [tilespmem:s31+$0x100];
	v13 =	vnsel vm0, $0xFF800000, v13;
	vm2 =	veq.s32 v14, v6  }
0x142: {  	s15 =	simm.s32 $0x600;
	v14 =	vsel vm2, $0xFF800000, v13  }
0x143: {  	v15 =	vld [tilespmem:s15+$0xFFFFFC00];
	v13 =	vperm.xlane v14, v1;
	_ =	sdelay $0x1  }
0x144: {  	v17 =	vld [tilespmem:s15+$0xFFFFFC80];
	v13 =	vmax.f32 v14, v13  }
0x145: {  	v19 =	vbroadcast v16, $0x0;
	v18 =	vperm.xlane v13, v2  }
0x146: {  	v20 =	vld [tilespmem:s15+$0xFFFFFD00]  }
0x147: {  	v15 =	vmul.f32 v15, v19;
	v13 =	vmax.f32 v13, v18;
	v18 =	vbroadcast v16, $0x1  }
0x148: {  	v21 =	vimm.f32 $0.0e+00;
	v22 =	vld [tilespmem:s15+$0xFFFFFD80];
	v19 =	vperm.xlane v13, v3  }
0x149: {  	v15 =	vadd.f32 v15, v21;
	v17 =	vmul.f32 v17, v18;
	v18 =	vbroadcast v16, $0x2  }
0x14a: {  	v13 =	vmax.f32 v13, v19;
	v19 =	vld [tilespmem:s15+$0xFFFFFE00]  }
0x14b: {  	v15 =	vadd.f32 v17, v15;
	v17 =	vmul.f32 v20, v18;
	v18 =	vbroadcast v16, $0x3  }
0x14c: {  	v21 =	vld [tilespmem:s15+$0xFFFFFE80];
	v20 =	vperm.xlane v13, v5  }
0x14d: {  	v15 =	vadd.f32 v17, v15;
	v17 =	vmul.f32 v22, v18;
	v18 =	vbroadcast v16, $0x4  }
0x14e: {  	v13 =	vmax.f32 v13, v20  }
0x14f: {  	v20 =	vld [tilespmem:s15+$0xFFFFFF00];
	v15 =	vadd.f32 v17, v15;
	v17 =	vmul.f32 v19, v18;
	v18 =	vbroadcast v16, $0x5  }
0x150: {  	vm3 =	veq.f32 v14, v13  }
0x151: {  	v14 =	vnsel vm3, $0x8, v6;
	v19 =	vld [tilespmem:s15+$0xFFFFFF80];
	v15 =	vadd.f32 v17, v15;
	v17 =	vmul.f32 v21, v18  }
0x152: {  	v18 =	vperm.xlane v14, v1;
	v21 =	vbroadcast v16, $0x6  }
0x153: {  	v22 =	vld [tilespmem:s15+$0x0];
	v15 =	vadd.f32 v17, v15  }
0x154: {  	vm3 =	vlt.s32 v14, v18;
	v17 =	vmul.f32 v20, v21;
	v20 =	vbroadcast v16, $0x7  }
0x155: {  	v14 =	vsel vm3, v14, v18;
	v18 =	vld [tilespmem:s15+$0x80]  }
0x156: {  	v15 =	vadd.f32 v17, v15;
	v17 =	vmul.f32 v19, v20;
	v19 =	vbroadcast v16, $0x8  }
0x157: {  	v20 =	vperm.xlane v14, v2  }
0x158: {  	v21 =	vld [tilespmem:s15+$0x100];
	v15 =	vadd.f32 v17, v15;
	v17 =	vmul.f32 v22, v19;
	v19 =	vbroadcast v16, $0x9  }
0x159: {  	vm3 =	vlt.s32 v14, v20  }
0x15a: {  	v14 =	vsel vm3, v14, v20;
	v20 =	vld [tilespmem:s15+$0x180];
	v15 =	vadd.f32 v17, v15;
	v17 =	vmul.f32 v18, v19  }
0x15b: {  	v18 =	vperm.xlane v14, v3;
	v19 =	vbroadcast v16, $0xA  }
0x15c: {  	v22 =	vld [tilespmem:s15+$0x200];
	v15 =	vadd.f32 v17, v15  }
0x15d: {  	vm3 =	vlt.s32 v14, v18;
	v17 =	vmul.f32 v21, v19;
	v19 =	vbroadcast v16, $0xB  }
0x15e: {  	v14 =	vsel vm3, v14, v18;
	v18 =	vld [tilespmem:s15+$0x280]  }
0x15f: {  	v23 =	vbroadcast v16, $0xC;
	v21 =	vadd.f32 v17, v15;
	v19 =	vmul.f32 v20, v19  }
0x160: {  	v15 =	vperm.xlane v14, v5;
	v17 =	vld [tilespmem:s15+$0x300]  }
0x161: {  	s17 =	simm.s32 $0x10;
	s16 =	simm.s32 $0x80;
	v20 =	vadd.f32 v19, v21;
	v21 =	vmul.f32 v22, v23;
	v22 =	vbroadcast v16, $0xD;
	v19 =	vld [tilespmem:s15+$0x380]  }
.LBB2_6:
0x162: {  	p1 =	sne.s32 s16, $0x140;
	v23 =	vld [tilespmem:s17+$0x100]  }
0x163: {  	s15 =	sadd.s32 $0x800, s15;
	v20 =	vadd.f32 v21, v20;
	v18 =	vmul.f32 v18, v22;
	v21 =	vbroadcast v16, $0xE  }
0x164: {  	v22 =	vld [tilespmem:s15+$0xFFFFFC00]  }
0x165: {  	v24 =	vbroadcast v16, $0xF;
	v18 =	vadd.f32 v18, v20;
	v17 =	vmul.f32 v17, v21  }
0x166: {  	v20 =	vld [tilespmem:s15+$0xFFFFFC80]  }
0x167: {  	v21 =	vbroadcast v23, $0x0;
	v17 =	vadd.f32 v17, v18;
	v18 =	vmul.f32 v19, v24;
	v16 =	vmovc v23  }
0x168: {  	v19 =	vld [tilespmem:s15+$0xFFFFFD00]  }
0x169: {  	v21 =	vmul.f32 v22, v21;
	v22 =	vbroadcast v16, $0x1;
	v17 =	vadd.f32 v18, v17  }
0x16a: {  	v18 =	vld [tilespmem:s15+$0xFFFFFD80]  }
0x16b: {  	v17 =	vadd.f32 v21, v17;
	v20 =	vmul.f32 v20, v22;
	v21 =	vbroadcast v16, $0x2  }
0x16c: {  	v22 =	vld [tilespmem:s15+$0xFFFFFE00]  }
0x16d: {  	v17 =	vadd.f32 v20, v17;
	v19 =	vmul.f32 v19, v21;
	v20 =	vbroadcast v16, $0x3  }
0x16e: {  	v21 =	vld [tilespmem:s15+$0xFFFFFE80]  }
0x16f: {  	v17 =	vadd.f32 v19, v17;
	v18 =	vmul.f32 v18, v20;
	v19 =	vbroadcast v16, $0x4  }
0x170: {  	v20 =	vld [tilespmem:s15+$0xFFFFFF00]  }
0x171: {  	v17 =	vadd.f32 v18, v17;
	v18 =	vmul.f32 v22, v19;
	v19 =	vbroadcast v16, $0x5  }
0x172: {  	v22 =	vld [tilespmem:s15+$0xFFFFFF80]  }
0x173: {  	v17 =	vadd.f32 v18, v17;
	v18 =	vmul.f32 v21, v19;
	v19 =	vbroadcast v16, $0x6  }
0x174: {  	v21 =	vld [tilespmem:s15+$0x0]  }
0x175: {  	v17 =	vadd.f32 v18, v17;
	v18 =	vmul.f32 v20, v19;
	v19 =	vbroadcast v16, $0x7  }
0x176: {  	v20 =	vld [tilespmem:s15+$0x80]  }
0x177: {  	v17 =	vadd.f32 v18, v17;
	v18 =	vmul.f32 v22, v19;
	v19 =	vbroadcast v16, $0x8  }
0x178: {  	v22 =	vld [tilespmem:s15+$0x100]  }
0x179: {  	v17 =	vadd.f32 v18, v17;
	v18 =	vmul.f32 v21, v19;
	v19 =	vbroadcast v16, $0x9  }
0x17a: {  	v21 =	vld [tilespmem:s15+$0x180]  }
0x17b: {  	v17 =	vadd.f32 v18, v17;
	v18 =	vmul.f32 v20, v19;
	v19 =	vbroadcast v16, $0xA  }
0x17c: {  	v23 =	vld [tilespmem:s15+$0x200]  }
.Ltmp2:
0x17d: {  	v20 =	vbroadcast v16, $0xB;
	v17 =	vadd.f32 v18, v17;
	v19 =	vmul.f32 v22, v19;
	(pc) =	sbr.rel @p1 .LBB2_6-.Ltmp2, $4  }
0x17e: {  	v18 =	vld [tilespmem:s15+$0x280]  }
0x17f: {  	v19 =	vadd.f32 v19, v17;
	v20 =	vmul.f32 v21, v20;
	v21 =	vbroadcast v16, $0xC  }
0x180: {  	v17 =	vld [tilespmem:s15+$0x300]  }
0x181: {  	s17 =	sshra.s32 s16, $0x2;
	s16 =	sadd.s32 $0x40, s16;
	v22 =	vbroadcast v16, $0xD;
	v20 =	vadd.f32 v20, v19;
	v21 =	vmul.f32 v23, v21;
	v19 =	vld [tilespmem:s15+$0x380]  }
0x182: {  	v23 =	vld [tilespmem:s17+$0x100]  }
0x183: {  	s15 =	sadd.s32 $0x800, s15;
	v20 =	vadd.f32 v21, v20;
	v18 =	vmul.f32 v18, v22;
	v21 =	vbroadcast v16, $0xE  }
0x184: {  	v22 =	vld [tilespmem:s15+$0xFFFFFC00]  }
0x185: {  	v16 =	vbroadcast v16, $0xF;
	v18 =	vadd.f32 v18, v20;
	v17 =	vmul.f32 v17, v21  }
0x186: {  	v20 =	vld [tilespmem:s15+$0xFFFFFC80]  }
0x187: {  	v16 =	vmul.f32 v19, v16;
	v21 =	vbroadcast v23, $0x0;
	v17 =	vadd.f32 v17, v18  }
0x188: {  	v18 =	vld [tilespmem:s15+$0xFFFFFD00]  }
0x189: {  	v19 =	vmul.f32 v22, v21;
	v21 =	vbroadcast v23, $0x1;
	v16 =	vadd.f32 v16, v17  }
0x18a: {  	v17 =	vld [tilespmem:s15+$0xFFFFFD80]  }
0x18b: {  	v16 =	vadd.f32 v19, v16;
	v19 =	vmul.f32 v20, v21;
	v20 =	vbroadcast v23, $0x2  }
0x18c: {  	v21 =	vld [tilespmem:s15+$0xFFFFFE00]  }
0x18d: {  	v16 =	vadd.f32 v19, v16;
	v18 =	vmul.f32 v18, v20;
	v19 =	vbroadcast v23, $0x3  }
0x18e: {  	v20 =	vld [tilespmem:s15+$0xFFFFFE80]  }
0x18f: {  	v16 =	vadd.f32 v18, v16;
	v17 =	vmul.f32 v17, v19;
	v18 =	vbroadcast v23, $0x4  }
0x190: {  	v19 =	vld [tilespmem:s15+$0xFFFFFF00]  }
0x191: {  	v16 =	vadd.f32 v17, v16;
	v17 =	vmul.f32 v21, v18;
	v18 =	vbroadcast v23, $0x5  }
0x192: {  	v21 =	vld [tilespmem:s15+$0xFFFFFF80]  }
0x193: {  	v16 =	vadd.f32 v17, v16;
	v17 =	vmul.f32 v20, v18;
	v18 =	vbroadcast v23, $0x6  }
0x194: {  	v20 =	vld [tilespmem:s15+$0x0]  }
0x195: {  	v16 =	vadd.f32 v17, v16;
	v17 =	vmul.f32 v19, v18;
	v18 =	vbroadcast v23, $0x7  }
0x196: {  	v19 =	vld [tilespmem:s15+$0x80]  }
0x197: {  	v16 =	vadd.f32 v17, v16;
	v17 =	vmul.f32 v21, v18;
	v18 =	vbroadcast v23, $0x8  }
0x198: {  	v21 =	vld [tilespmem:s15+$0x100]  }
0x199: {  	v16 =	vadd.f32 v17, v16;
	v17 =	vmul.f32 v20, v18;
	v18 =	vbroadcast v23, $0x9  }
0x19a: {  	v20 =	vld [tilespmem:s15+$0x180]  }
0x19b: {  	v16 =	vadd.f32 v17, v16;
	v17 =	vmul.f32 v19, v18;
	v18 =	vbroadcast v23, $0xA  }
0x19c: {  	v19 =	vld [tilespmem:s15+$0x200]  }
0x19d: {  	v16 =	vadd.f32 v17, v16;
	v17 =	vmul.f32 v21, v18;
	v18 =	vbroadcast v23, $0xB  }
0x19e: {  	v21 =	vld [tilespmem:s15+$0x280]  }
0x19f: {  	v16 =	vadd.f32 v17, v16;
	v17 =	vmul.f32 v20, v18;
	v18 =	vbroadcast v23, $0xC  }
0x1a0: {  	v20 =	vld [tilespmem:s15+$0x300]  }
0x1a1: {  	v16 =	vadd.f32 v17, v16;
	v17 =	vmul.f32 v19, v18;
	v18 =	vbroadcast v23, $0xD  }
0x1a2: {  	v19 =	vld [tilespmem:s15+$0x380]  }
0x1a3: {  	v16 =	vadd.f32 v17, v16;
	v17 =	vmul.f32 v21, v18;
	v18 =	vbroadcast v23, $0xE;
	_ =	sdelay $0x1  }
0x1a4: {  	v16 =	vadd.f32 v17, v16;
	v17 =	vmul.f32 v20, v18;
	v18 =	vbroadcast v23, $0xF;
	_ =	sdelay $0x1  }
0x1a5: {  	v16 =	vadd.f32 v17, v16;
	v17 =	vmul.f32 v19, v18;
	_ =	sdelay $0x1  }
0x1a6: {  	v16 =	vadd.f32 v17, v16;
	_ =	sdelay $0x1  }
0x1a7: {  	v16 =	vnsel vm0, $0xFF800000, v16  }
0x1a8: {  	v17 =	vperm.xlane v16, v1;
	_ =	sdelay $0x1  }
0x1a9: {  	v17 =	vmax.f32 v16, v17  }
0x1aa: {  	v18 =	vperm.xlane v17, v2;
	_ =	sdelay $0x1  }
0x1ab: {  	v17 =	vmax.f32 v17, v18  }
0x1ac: {  	v18 =	vperm.xlane v17, v3;
	_ =	sdelay $0x1  }
0x1ad: {  	v17 =	vmax.f32 v17, v18  }
0x1ae: {  	v18 =	vperm.xlane v17, v5;
	_ =	sdelay $0x1  }
0x1af: {  	v17 =	vmax.f32 v17, v18  }
0x1b0: {  	v16 =	vsub.f32 v16, v17;
	_ =	sdelay $0x1  }
0x1b1: {  	v16 =	vmul.f32 $1.442695020e+00, v16;
	_ =	sdelay $0x1  }
0x1b2: {  	(erf) = vpow2.f32 v16;
	_ =	sdelay $0x8  }
0x1b3: {  	v16 =	vpop (erf)  }
0x1b4: {  	v16 =	vnsel vm0, $0x0, v16  }
0x1b5: {  	v17 =	vperm.xlane v16, v1;
	_ =	sdelay $0x1  }
0x1b6: {  	v17 =	vadd.f32 v16, v17;
	_ =	sdelay $0x1  }
0x1b7: {  	v18 =	vperm.xlane v17, v2;
	_ =	sdelay $0x1  }
0x1b8: {  	v17 =	vadd.f32 v17, v18;
	_ =	sdelay $0x1  }
0x1b9: {  	v18 =	vperm.xlane v17, v3;
	_ =	sdelay $0x1  }
0x1ba: {  	v17 =	vadd.f32 v17, v18;
	_ =	sdelay $0x1  }
0x1bb: {  	v18 =	vperm.xlane v17, v5;
	_ =	sdelay $0x1  }
0x1bc: {  	v17 =	vadd.f32 v17, v18;
	_ =	sdelay $0x1  }
0x1bd: {  	(erf) = vrcp.f32 v17;
	_ =	sdelay $0x8  }
0x1be: {  	v17 =	vpop (erf)  }
0x1bf: {  	v17 =	vmul.f32 v17, v16;
	_ =	sdelay $0x1  }
0x1c0: {  	v16 =	vperm.xlane v17, v1;
	_ =	sdelay $0x1  }
0x1c1: {  	v16 =	vmax.f32 v17, v16  }
0x1c2: {  	v18 =	vperm.xlane v16, v2;
	_ =	sdelay $0x1  }
0x1c3: {  	v16 =	vmax.f32 v16, v18  }
0x1c4: {  	v18 =	vperm.xlane v16, v3;
	_ =	sdelay $0x1  }
0x1c5: {  	v16 =	vmax.f32 v16, v18  }
0x1c6: {  	v18 =	vperm.xlane v16, v5;
	_ =	sdelay $0x1  }
0x1c7: {  	v16 =	vmax.f32 v16, v18  }
0x1c8: {  	vm3 =	veq.f32 v17, v16  }
0x1c9: {  	v18 =	vnsel vm3, $0x8, v6  }
0x1ca: {  	v19 =	vperm.xlane v18, v1;
	_ =	sdelay $0x1  }
0x1cb: {  	vm3 =	vlt.s32 v18, v19  }
0x1cc: {  	v18 =	vsel vm3, v18, v19  }
0x1cd: {  	v19 =	vperm.xlane v18, v2;
	_ =	sdelay $0x1  }
0x1ce: {  	vm3 =	vlt.s32 v18, v19  }
0x1cf: {  	v18 =	vsel vm3, v18, v19  }
0x1d0: {  	v19 =	vperm.xlane v18, v3;
	_ =	sdelay $0x1  }
0x1d1: {  	vm3 =	vlt.s32 v18, v19  }
0x1d2: {  	v18 =	vsel vm3, v18, v19  }
0x1d3: {  	v19 =	vperm.xlane v18, v5;
	_ =	sdelay $0x1  }
0x1d4: {  	vm3 =	vlt.s32 v18, v19  }
0x1d5: {  	s31 =	simm.s32 $0x0;
	v18 =	vsel vm3, v18, v19  }
0x1d6: {  	v20 =	vld [tilespmem:s31+$0x180];
	v17 =	vnsel vm0, $0xFF800000, v17;
	vm3 =	veq.s32 v18, v6  }
0x1d7: {  	s15 =	simm.s32 $0x600;
	v18 =	vsel vm3, $0xFF800000, v17  }
0x1d8: {  	v19 =	vld [tilespmem:s15+$0xFFFFFC00];
	v17 =	vperm.xlane v18, v1;
	_ =	sdelay $0x1  }
0x1d9: {  	v21 =	vld [tilespmem:s15+$0xFFFFFC80];
	v17 =	vmax.f32 v18, v17  }
0x1da: {  	v23 =	vbroadcast v20, $0x0;
	v22 =	vperm.xlane v17, v2  }
0x1db: {  	v24 =	vld [tilespmem:s15+$0xFFFFFD00]  }
0x1dc: {  	v19 =	vmul.f32 v19, v23;
	v17 =	vmax.f32 v17, v22;
	v22 =	vbroadcast v20, $0x1  }
0x1dd: {  	v25 =	vimm.f32 $0.0e+00;
	v26 =	vld [tilespmem:s15+$0xFFFFFD80];
	v23 =	vperm.xlane v17, v3  }
0x1de: {  	v19 =	vadd.f32 v19, v25;
	v21 =	vmul.f32 v21, v22;
	v22 =	vbroadcast v20, $0x2  }
0x1df: {  	v17 =	vmax.f32 v17, v23;
	v23 =	vld [tilespmem:s15+$0xFFFFFE00]  }
0x1e0: {  	v19 =	vadd.f32 v21, v19;
	v21 =	vmul.f32 v24, v22;
	v22 =	vbroadcast v20, $0x3  }
0x1e1: {  	v25 =	vld [tilespmem:s15+$0xFFFFFE80];
	v24 =	vperm.xlane v17, v5  }
0x1e2: {  	v19 =	vadd.f32 v21, v19;
	v21 =	vmul.f32 v26, v22;
	v22 =	vbroadcast v20, $0x4  }
0x1e3: {  	v17 =	vmax.f32 v17, v24  }
0x1e4: {  	v24 =	vld [tilespmem:s15+$0xFFFFFF00];
	v19 =	vadd.f32 v21, v19;
	v21 =	vmul.f32 v23, v22;
	v22 =	vbroadcast v20, $0x5  }
0x1e5: {  	vm4 =	veq.f32 v18, v17  }
0x1e6: {  	v18 =	vnsel vm4, $0x8, v6;
	v23 =	vld [tilespmem:s15+$0xFFFFFF80];
	v19 =	vadd.f32 v21, v19;
	v21 =	vmul.f32 v25, v22  }
0x1e7: {  	v22 =	vperm.xlane v18, v1;
	v25 =	vbroadcast v20, $0x6  }
0x1e8: {  	v26 =	vld [tilespmem:s15+$0x0];
	v19 =	vadd.f32 v21, v19  }
0x1e9: {  	vm4 =	vlt.s32 v18, v22;
	v21 =	vmul.f32 v24, v25;
	v24 =	vbroadcast v20, $0x7  }
0x1ea: {  	v18 =	vsel vm4, v18, v22;
	v22 =	vld [tilespmem:s15+$0x80]  }
0x1eb: {  	v19 =	vadd.f32 v21, v19;
	v21 =	vmul.f32 v23, v24;
	v23 =	vbroadcast v20, $0x8  }
0x1ec: {  	v24 =	vperm.xlane v18, v2  }
0x1ed: {  	v25 =	vld [tilespmem:s15+$0x100];
	v19 =	vadd.f32 v21, v19;
	v21 =	vmul.f32 v26, v23;
	v23 =	vbroadcast v20, $0x9  }
0x1ee: {  	vm4 =	vlt.s32 v18, v24  }
0x1ef: {  	v18 =	vsel vm4, v18, v24;
	v24 =	vld [tilespmem:s15+$0x180];
	v19 =	vadd.f32 v21, v19;
	v21 =	vmul.f32 v22, v23  }
0x1f0: {  	v22 =	vperm.xlane v18, v3;
	v23 =	vbroadcast v20, $0xA  }
0x1f1: {  	v26 =	vld [tilespmem:s15+$0x200];
	v19 =	vadd.f32 v21, v19  }
0x1f2: {  	vm4 =	vlt.s32 v18, v22;
	v21 =	vmul.f32 v25, v23;
	v23 =	vbroadcast v20, $0xB  }
0x1f3: {  	v18 =	vsel vm4, v18, v22;
	v22 =	vld [tilespmem:s15+$0x280]  }
0x1f4: {  	v27 =	vbroadcast v20, $0xC;
	v25 =	vadd.f32 v21, v19;
	v23 =	vmul.f32 v24, v23  }
0x1f5: {  	v19 =	vperm.xlane v18, v5;
	v21 =	vld [tilespmem:s15+$0x300]  }
0x1f6: {  	s17 =	simm.s32 $0x10;
	s16 =	simm.s32 $0x80;
	v24 =	vadd.f32 v23, v25;
	v25 =	vmul.f32 v26, v27;
	v26 =	vbroadcast v20, $0xD;
	v23 =	vld [tilespmem:s15+$0x380]  }
.LBB2_8:
0x1f7: {  	p1 =	sne.s32 s16, $0x140;
	v27 =	vld [tilespmem:s17+$0x180]  }
0x1f8: {  	s15 =	sadd.s32 $0x800, s15;
	v24 =	vadd.f32 v25, v24;
	v22 =	vmul.f32 v22, v26;
	v25 =	vbroadcast v20, $0xE  }
0x1f9: {  	v26 =	vld [tilespmem:s15+$0xFFFFFC00]  }
0x1fa: {  	v28 =	vbroadcast v20, $0xF;
	v22 =	vadd.f32 v22, v24;
	v21 =	vmul.f32 v21, v25  }
0x1fb: {  	v24 =	vld [tilespmem:s15+$0xFFFFFC80]  }
0x1fc: {  	v25 =	vbroadcast v27, $0x0;
	v21 =	vadd.f32 v21, v22;
	v22 =	vmul.f32 v23, v28;
	v20 =	vmovc v27  }
0x1fd: {  	v23 =	vld [tilespmem:s15+$0xFFFFFD00]  }
0x1fe: {  	v25 =	vmul.f32 v26, v25;
	v26 =	vbroadcast v20, $0x1;
	v21 =	vadd.f32 v22, v21  }
0x1ff: {  	v22 =	vld [tilespmem:s15+$0xFFFFFD80]  }
0x200: {  	v21 =	vadd.f32 v25, v21;
	v24 =	vmul.f32 v24, v26;
	v25 =	vbroadcast v20, $0x2  }
0x201: {  	v26 =	vld [tilespmem:s15+$0xFFFFFE00]  }
0x202: {  	v21 =	vadd.f32 v24, v21;
	v23 =	vmul.f32 v23, v25;
	v24 =	vbroadcast v20, $0x3  }
0x203: {  	v25 =	vld [tilespmem:s15+$0xFFFFFE80]  }
0x204: {  	v21 =	vadd.f32 v23, v21;
	v22 =	vmul.f32 v22, v24;
	v23 =	vbroadcast v20, $0x4  }
0x205: {  	v24 =	vld [tilespmem:s15+$0xFFFFFF00]  }
0x206: {  	v21 =	vadd.f32 v22, v21;
	v22 =	vmul.f32 v26, v23;
	v23 =	vbroadcast v20, $0x5  }
0x207: {  	v26 =	vld [tilespmem:s15+$0xFFFFFF80]  }
0x208: {  	v21 =	vadd.f32 v22, v21;
	v22 =	vmul.f32 v25, v23;
	v23 =	vbroadcast v20, $0x6  }
0x209: {  	v25 =	vld [tilespmem:s15+$0x0]  }
0x20a: {  	v21 =	vadd.f32 v22, v21;
	v22 =	vmul.f32 v24, v23;
	v23 =	vbroadcast v20, $0x7  }
0x20b: {  	v24 =	vld [tilespmem:s15+$0x80]  }
0x20c: {  	v21 =	vadd.f32 v22, v21;
	v22 =	vmul.f32 v26, v23;
	v23 =	vbroadcast v20, $0x8  }
0x20d: {  	v26 =	vld [tilespmem:s15+$0x100]  }
0x20e: {  	v21 =	vadd.f32 v22, v21;
	v22 =	vmul.f32 v25, v23;
	v23 =	vbroadcast v20, $0x9  }
0x20f: {  	v25 =	vld [tilespmem:s15+$0x180]  }
0x210: {  	v21 =	vadd.f32 v22, v21;
	v22 =	vmul.f32 v24, v23;
	v23 =	vbroadcast v20, $0xA  }
0x211: {  	v27 =	vld [tilespmem:s15+$0x200]  }
.Ltmp3:
0x212: {  	v24 =	vbroadcast v20, $0xB;
	v21 =	vadd.f32 v22, v21;
	v23 =	vmul.f32 v26, v23;
	(pc) =	sbr.rel @p1 .LBB2_8-.Ltmp3, $4  }
0x213: {  	v22 =	vld [tilespmem:s15+$0x280]  }
0x214: {  	v23 =	vadd.f32 v23, v21;
	v24 =	vmul.f32 v25, v24;
	v25 =	vbroadcast v20, $0xC  }
0x215: {  	v21 =	vld [tilespmem:s15+$0x300]  }
0x216: {  	s17 =	sshra.s32 s16, $0x2;
	s16 =	sadd.s32 $0x40, s16;
	v26 =	vbroadcast v20, $0xD;
	v24 =	vadd.f32 v24, v23;
	v25 =	vmul.f32 v27, v25;
	v23 =	vld [tilespmem:s15+$0x380]  }
0x217: {  	v27 =	vld [tilespmem:s17+$0x180]  }
0x218: {  	v28 =	vbroadcast v20, $0xE;
	s15 =	sadd.s32 $0x800, s15;
	v24 =	vadd.f32 v25, v24;
	v22 =	vmul.f32 v22, v26  }
0x219: {  	v29 =	vld [tilespmem:s15+$0xFFFFFC00]  }
0x21a: {  	v30 =	vbroadcast v20, $0xF;
	v22 =	vadd.f32 v22, v24;
	v21 =	vmul.f32 v21, v28  }
0x21b: {  	v31 =	vld [tilespmem:s15+$0xFFFFFC80]  }
0x21c: {  	v20 =	vmul.f32 v23, v30;
	v32 =	vbroadcast v27, $0x0;
	v21 =	vadd.f32 v21, v22  }
0x21d: {  	v33 =	vld [tilespmem:s15+$0xFFFFFD00]  }
0x21e: {  	v35 =	vbroadcast v27, $0x1;
	v34 =	vmul.f32 v29, v32;
	v20 =	vadd.f32 v20, v21  }
0x21f: {  	v36 =	vld [tilespmem:s15+$0xFFFFFD80]  }
0x220: {  	v38 =	vbroadcast v27, $0x2;
	v37 =	vmul.f32 v31, v35;
	v20 =	vadd.f32 v34, v20  }
0x221: {  	v39 =	vld [tilespmem:s15+$0xFFFFFE00]  }
0x222: {  	v40 =	vbroadcast v27, $0x3;
	v22 =	vmul.f32 v33, v38;
	v20 =	vadd.f32 v37, v20  }
0x223: {  	v41 =	vld [tilespmem:s15+$0xFFFFFE80]  }
0x224: {  	v42 =	vbroadcast v27, $0x4;
	v21 =	vmul.f32 v36, v40;
	v20 =	vadd.f32 v22, v20  }
0x225: {  	v43 =	vld [tilespmem:s15+$0xFFFFFF00]  }
0x226: {  	v45 =	vbroadcast v27, $0x5;
	v44 =	vmul.f32 v39, v42;
	v20 =	vadd.f32 v21, v20  }
0x227: {  	v46 =	vld [tilespmem:s15+$0xFFFFFF80]  }
0x228: {  	v48 =	vbroadcast v27, $0x6;
	v47 =	vmul.f32 v41, v45;
	v20 =	vadd.f32 v44, v20  }
0x229: {  	v49 =	vld [tilespmem:s15+$0x0]  }
0x22a: {  	v51 =	vbroadcast v27, $0x7;
	v50 =	vmul.f32 v43, v48;
	v20 =	vadd.f32 v47, v20  }
0x22b: {  	v52 =	vld [tilespmem:s15+$0x80]  }
0x22c: {  	v54 =	vbroadcast v27, $0x8;
	v53 =	vmul.f32 v46, v51;
	v20 =	vadd.f32 v50, v20  }
0x22d: {  	v55 =	vld [tilespmem:s15+$0x100]  }
0x22e: {  	v57 =	vbroadcast v27, $0x9;
	v56 =	vmul.f32 v49, v54;
	v20 =	vadd.f32 v53, v20  }
0x22f: {  	v58 =	vld [tilespmem:s15+$0x180]  }
0x230: {  	v60 =	vbroadcast v27, $0xA;
	v59 =	vmul.f32 v52, v57;
	v20 =	vadd.f32 v56, v20  }
0x231: {  	v61 =	vld [tilespmem:s15+$0x200]  }
0x232: {  	v63 =	vbroadcast v27, $0xB;
	v62 =	vmul.f32 v55, v60;
	v20 =	vadd.f32 v59, v20  }
0x233: {  	v28 =	vld [tilespmem:s15+$0x280]  }
0x234: {  	v30 =	vbroadcast v27, $0xC;
	v29 =	vmul.f32 v58, v63;
	v20 =	vadd.f32 v62, v20  }
0x235: {  	v31 =	vld [tilespmem:s15+$0x300]  }
0x236: {  	v32 =	vmul.f32 v61, v30;
	v33 =	vbroadcast v27, $0xD;
	v20 =	vadd.f32 v29, v20  }
0x237: {  	v34 =	vld [tilespmem:s15+$0x380]  }
0x238: {  	v36 =	vbroadcast v27, $0xE;
	v35 =	vmul.f32 v28, v33;
	v20 =	vadd.f32 v32, v20;
	_ =	sdelay $0x1  }
0x239: {  	v38 =	vbroadcast v27, $0xF;
	v37 =	vmul.f32 v31, v36;
	v20 =	vadd.f32 v35, v20;
	_ =	sdelay $0x1  }
0x23a: {  	v39 =	vmul.f32 v34, v38;
	v20 =	vadd.f32 v37, v20;
	_ =	sdelay $0x1  }
0x23b: {  	v20 =	vadd.f32 v39, v20;
	_ =	sdelay $0x1  }
0x23c: {  	v20 =	vnsel vm0, $0xFF800000, v20  }
0x23d: {  	v40 =	vperm.xlane v20, v1;
	_ =	sdelay $0x1  }
0x23e: {  	v21 =	vmax.f32 v20, v40  }
0x23f: {  	v41 =	vperm.xlane v21, v2;
	_ =	sdelay $0x1  }
0x240: {  	v21 =	vmax.f32 v21, v41  }
0x241: {  	v22 =	vperm.xlane v21, v3;
	_ =	sdelay $0x1  }
0x242: {  	v21 =	vmax.f32 v21, v22  }
0x243: {  	v42 =	vadd.f32 v9, v8;
	v43 =	vperm.xlane v21, v5  }
0x244: {  	v44 =	vadd.f32 v13, v12  }
0x245: {  	v45 =	vadd.f32 v17, v16;
	v22 =	vadd.f32 $9.999999970e-07, v42;
	v21 =	vmax.f32 v21, v43  }
0x246: {  	v46 =	vadd.f32 $9.999999970e-07, v44;
	v20 =	vsub.f32 v20, v21  }
0x247: {  	v47 =	vadd.f32 $9.999999970e-07, v45;
	(erf) = vrcp.f32 v22  }
0x248: {  	(erf) = vrcp.f32 v46;
	v20 =	vmul.f32 $1.442695020e+00, v20  }
0x249: {  	(erf) = vrcp.f32 v47  }
0x24a: {  	(erf) = vpow2.f32 v20;
	_ =	sdelay $0x5  }
0x24b: {  	v48 =	vpop (erf)  }
0x24c: {  	v49 =	vpop (erf)  }
0x24d: {  	v50 =	vpop (erf)  }
0x24e: {  	v51 =	vpop (erf)  }
0x24f: {  	v23 =	vnsel vm0, $0x0, v51  }
0x250: {  	v52 =	vperm.xlane v23, v1;
	_ =	sdelay $0x1  }
0x251: {  	v24 =	vadd.f32 v23, v52;
	_ =	sdelay $0x1  }
0x252: {  	v53 =	vperm.xlane v24, v2;
	_ =	sdelay $0x1  }
0x253: {  	v24 =	vadd.f32 v24, v53;
	_ =	sdelay $0x1  }
0x254: {  	v25 =	vperm.xlane v24, v3;
	_ =	sdelay $0x1  }
0x255: {  	v24 =	vadd.f32 v24, v25;
	_ =	sdelay $0x1  }
0x256: {  	v25 =	vperm.xlane v24, v5;
	_ =	sdelay $0x1  }
0x257: {  	v24 =	vadd.f32 v24, v25;
	_ =	sdelay $0x1  }
0x258: {  	(erf) = vrcp.f32 v24;
	_ =	sdelay $0x8  }
0x259: {  	v24 =	vpop (erf)  }
0x25a: {  	v23 =	vmul.f32 v24, v23;
	_ =	sdelay $0x1  }
0x25b: {  	v24 =	vperm.xlane v23, v1;
	_ =	sdelay $0x1  }
0x25c: {  	v24 =	vmax.f32 v23, v24  }
0x25d: {  	v54 =	vperm.xlane v24, v2;
	_ =	sdelay $0x1  }
0x25e: {  	v24 =	vmax.f32 v24, v54  }
0x25f: {  	v25 =	vperm.xlane v24, v3;
	_ =	sdelay $0x1  }
0x260: {  	v24 =	vmax.f32 v24, v25  }
0x261: {  	v25 =	vperm.xlane v24, v5;
	_ =	sdelay $0x1  }
0x262: {  	v24 =	vmax.f32 v24, v25  }
0x263: {  	vm4 =	veq.f32 v23, v24  }
0x264: {  	v55 =	vnsel vm4, $0x8, v6  }
0x265: {  	v56 =	vperm.xlane v55, v1;
	_ =	sdelay $0x1  }
0x266: {  	vm4 =	vlt.s32 v55, v56  }
0x267: {  	v25 =	vsel vm4, v55, v56  }
0x268: {  	v26 =	vperm.xlane v25, v2;
	_ =	sdelay $0x1  }
0x269: {  	vm4 =	vlt.s32 v25, v26  }
0x26a: {  	v25 =	vsel vm4, v25, v26  }
0x26b: {  	v26 =	vperm.xlane v25, v3;
	_ =	sdelay $0x1  }
0x26c: {  	vm4 =	vlt.s32 v25, v26  }
0x26d: {  	v25 =	vsel vm4, v25, v26  }
0x26e: {  	v26 =	vperm.xlane v25, v5;
	_ =	sdelay $0x1  }
0x26f: {  	vm4 =	vlt.s32 v25, v26  }
0x270: {  	v25 =	vsel vm4, v25, v26  }
0x271: {  	v23 =	vnsel vm0, $0xFF800000, v23;
	vm4 =	veq.s32 v25, v6  }
0x272: {  	v23 =	vsel vm4, $0xFF800000, v23  }
0x273: {  	v57 =	vperm.xlane v23, v1;
	_ =	sdelay $0x1  }
0x274: {  	v25 =	vmax.f32 v23, v57  }
0x275: {  	v58 =	vperm.xlane v25, v2;
	_ =	sdelay $0x1  }
0x276: {  	v25 =	vmax.f32 v25, v58  }
0x277: {  	v26 =	vperm.xlane v25, v3;
	_ =	sdelay $0x1  }
0x278: {  	v25 =	vmax.f32 v25, v26  }
0x279: {  	v26 =	vperm.xlane v25, v5;
	_ =	sdelay $0x1  }
0x27a: {  	v25 =	vmax.f32 v25, v26  }
0x27b: {  	vm5 =	veq.f32 v23, v25  }
0x27c: {  	v23 =	vnsel vm5, $0x8, v6  }
0x27d: {  	v59 =	vperm.xlane v23, v1;
	_ =	sdelay $0x1  }
0x27e: {  	vm5 =	vlt.s32 v23, v59  }
0x27f: {  	v23 =	vsel vm5, v23, v59  }
0x280: {  	v26 =	vperm.xlane v23, v2;
	_ =	sdelay $0x1  }
0x281: {  	v60 =	vadd.f32 v25, v24;
	vm5 =	vlt.s32 v23, v26  }
0x282: {  	v23 =	vsel vm5, v23, v26  }
0x283: {  	vm15 =	vlt.s32 v10, v11;
	v27 =	vadd.f32 $9.999999970e-07, v60;
	v26 =	vperm.xlane v23, v3  }
0x284: {  	v10 =	vsel vm15, v10, v11  }
0x285: {  	v8 =	vnsel vm1, $0x0, v8;
	(erf) = vrcp.f32 v27;
	vm1 =	vlt.s32 v23, v26  }
0x286: {  	vm5 =	veq.s32 v10, v6;
	v10 =	vsel vm1, v23, v26;
	vm1 =	vlt.s32 v14, v15  }
0x287: {  	v9 =	vnsel vm5, $0x0, v9;
	v11 =	vsel vm1, v14, v15;
	v61 =	vperm.xlane v10, v5  }
0x288: {  	v8 =	vadd.f32 v9, v8;
	v9 =	vnsel vm2, $0x0, v12;
	vm1 =	veq.s32 v11, v6  }
0x289: {  	v11 =	vnsel vm1, $0x0, v13;
	vm1 =	vlt.s32 v18, v19;
	vm2 =	vlt.s32 v10, v61  }
0x28a: {  	v9 =	vadd.f32 v11, v9;
	v11 =	vsel vm1, v18, v19;
	v10 =	vsel vm2, v10, v61  }
.Ltmp4:
0x28b: {  	v62 =	vnsel vm3, $0x0, v16;
	vm1 =	veq.s32 v11, v6;
	vm2 =	veq.s32 v10, v6;
	(pc) =	sbr.rel @p0 .LBB2_11-.Ltmp4, $4  }
0x28c: {  	v11 =	vnsel vm4, $0x0, v24;
	v10 =	vnsel vm1, $0x0, v17;
	v63 =	vnsel vm2, $0x0, v25  }
0x28d: {  	v12 =	vadd.f32 v10, v62;
	v13 =	vadd.f32 v63, v11  }
0x28e: {  	v11 =	vmul.f32 v8, v48;
	v10 =	vmul.f32 v9, v49;
	v8 =	vpop (erf)  }
0x28f: {  	v9 =	vmul.f32 v12, v50;
	v8 =	vmul.f32 v13, v8  }
0x290: {  	v12 =	vadd.f32 $0.0e+00, v11;
	vm1 =	vgt.f32 v11, $0.0e+00;
	vm2 =	vgt.f32 v10, $0.0e+00  }
0x291: {  	v13 =	vsel vm1, $0x3F800000, v7;
	v14 =	vsel vm2, $0x3F800000, v7  }
0x292: {  	vm1 =	vgt.f32 v9, $0.0e+00;
	v12 =	vadd.f32 v10, v12;
	v13 =	vadd.f32 v14, v13  }
0x293: {  	v53 =	vsel vm1, $0x3F800000, v7  }
0x294: {  	vm1 =	vgt.f32 v8, $0.0e+00;
	v12 =	vadd.f32 v9, v12;
	v13 =	vadd.f32 v53, v13  }
0x295: {  	v54 =	vsel vm1, $0x3F800000, v7  }
0x296: {  	v12 =	vadd.f32 v8, v12;
	v13 =	vadd.f32 v54, v13;
	_ =	sdelay $0x1  }
0x297: {  	v55 =	vnsel vm0, $0x0, v12;
	v16 =	vnsel vm0, $0x0, v13  }
0x298: {  	v15 =	vperm.xlane v55, v1;
	v17 =	vperm.xlane v16, v1;
	_ =	sdelay $0x1  }
0x299: {  	v14 =	vadd.f32 v15, v55;
	v56 =	vadd.f32 v17, v16;
	_ =	sdelay $0x1  }
0x29a: {  	v57 =	vperm.xlane v14, v2;
	v17 =	vperm.xlane v56, v2;
	_ =	sdelay $0x1  }
0x29b: {  	v14 =	vadd.f32 v57, v14;
	v15 =	vadd.f32 v17, v56;
	_ =	sdelay $0x1  }
0x29c: {  	v16 =	vperm.xlane v14, v3;
	v17 =	vperm.xlane v15, v3;
	_ =	sdelay $0x1  }
0x29d: {  	v14 =	vadd.f32 v16, v14;
	v15 =	vadd.f32 v17, v15;
	_ =	sdelay $0x1  }
0x29e: {  	v16 =	vperm.xlane v14, v5;
	v17 =	vperm.xlane v15, v5;
	_ =	sdelay $0x1  }
0x29f: {  	v14 =	vadd.f32 v16, v14;
	v15 =	vadd.f32 v17, v15;
	_ =	sdelay $0x1  }
0x2a0: {  	v14 =	vmul.f32 v14, v0;
	v15 =	vmul.f32 v15, v0;
	_ =	sdelay $0x1  }
0x2a1: {  	v12 =	vsub.f32 v12, v14;
	v13 =	vsub.f32 v13, v15;
	_ =	sdelay $0x1  }
0x2a2: {  	v12 =	vnsel vm0, $0x0, v12;
	v13 =	vnsel vm0, $0x0, v13  }
0x2a3: {  	v12 =	vmul.f32 v12, v12;
	v13 =	vmul.f32 v13, v13;
	_ =	sdelay $0x1  }
0x2a4: {  	v58 =	vperm.xlane v12, v1;
	v59 =	vperm.xlane v13, v1;
	_ =	sdelay $0x1  }
0x2a5: {  	v14 =	vmul.f32 v14, v14;
	v12 =	vadd.f32 v12, v58;
	v13 =	vadd.f32 v13, v59  }
0x2a6: {  	v15 =	vmul.f32 v15, v15  }
0x2a7: {  	v14 =	vadd.f32 $1.000000010e-10, v14;
	v16 =	vperm.xlane v12, v2;
	v17 =	vperm.xlane v13, v2  }
0x2a8: {  	v15 =	vadd.f32 $1.000000010e-10, v15  }
0x2a9: {  	(erf) = vrcp.f32 v14;
	v12 =	vadd.f32 v12, v16;
	v13 =	vadd.f32 v13, v17  }
0x2aa: {  	(erf) = vrcp.f32 v15  }
0x2ab: {  	v60 =	vperm.xlane v12, v3;
	v61 =	vperm.xlane v13, v3;
	_ =	sdelay $0x1  }
0x2ac: {  	v12 =	vadd.f32 v12, v60;
	v13 =	vadd.f32 v13, v61;
	_ =	sdelay $0x1  }
0x2ad: {  	v14 =	vperm.xlane v12, v5;
	v15 =	vperm.xlane v13, v5;
	_ =	sdelay $0x1  }
0x2ae: {  	v12 =	vadd.f32 v12, v14;
	v13 =	vadd.f32 v13, v15;
	_ =	sdelay $0x1  }
0x2af: {  	v62 =	vpop (erf);
	v12 =	vmul.f32 v12, v4;
	v13 =	vmul.f32 v13, v4  }
0x2b0: {  	v63 =	vpop (erf)  }
0x2b1: {  	v12 =	vmul.f32 v12, v62;
	v13 =	vmul.f32 v13, v63;
	_ =	sdelay $0x1  }
0x2b2: {  	v12 =	vadd.f32 v13, v12;
	_ =	sdelay $0x1  }
0x2b3: {  	v12 =	vmul.f32 $9.999999770e-03, v12  }
0x2b4: {  	vm1 =	vmmov $0x1  }
0x2b5: {  	v12 =	vnsel vm1, $0x0, v12  }
0x2b6: {  	[tilespmem:$0xB000] =	vst v12  }
0x2b7: {  	[hbm4b:s1+s2] =	stream.linear.scatter [tilespmem:s11], [sflag:$0x1], $0x80, $0x38;
	[tilespmem:$0xB080] =	vst v63  }
0x2b8: {  	_ =	swait.ge [sflag:s9], $0x80  }
0x2b9: {  	[sflag:s9] =	ssyncset.done $0x0  }
0x2ba: {  	[sflag:s9] =	ssyncadd.s32 $0xFFFFFF80  }
.LBB2_11:
0x2bb: {  	s15 =	simm.s32 $0x0  }
0x2bc: {  	[tilespmem:s12], [sflag:$0x1] =	stream.linear.gather [hbm4b:s6+s15], $0x5400, $0x38;
	[tilespmem:$0xB080] =	vst v63  }
0x2bd: {  	s16 =	simm.s32 $0x0;
	_ =	swait.ge [sflag:s9], $0x5400  }
0x2be: {  	s20 =	sand.u32 $0x70, s15;
	s31 =	sand.u32 $0x3FFFFC00, s16;
	[sflag:s9] =	ssyncset.done $0x0  }
0x2bf: {  	s15 =	sor.u32 s20, s31;
	[sflag:s9] =	ssyncadd.s32 $0xFFFFAC00  }
0x2c0: {  	v19 =	vld [tilespmem:s15+$0x3200]  }
0x2c1: {  	v20 =	vld [tilespmem:s15+$0x3280];
	_ =	sdelay $0x1  }
0x2c2: {  	v21 =	vld [tilespmem:s15+$0x3300]  }
0x2c3: {  	v17 =	vbroadcast v11, $0x0;
	v18 =	vbroadcast v11, $0x1  }
0x2c4: {  	v16 =	vbroadcast v11, $0x2;
	v22 =	vld [tilespmem:s15+$0x3380]  }
0x2c5: {  	v19 =	vmul.f32 v19, v17;
	v20 =	vmul.f32 v20, v18  }
0x2c6: {  	v23 =	vld [tilespmem:s15+$0x3400]  }
0x2c7: {  	v15 =	vbroadcast v11, $0x3;
	v19 =	vadd.f32 v20, v19;
	v20 =	vmul.f32 v21, v16  }
0x2c8: {  	v61 =	vld [tilespmem:s15+$0x3480]  }
0x2c9: {  	v14 =	vbroadcast v11, $0x4;
	v19 =	vadd.f32 v20, v19;
	v20 =	vmul.f32 v22, v15  }
0x2ca: {  	v62 =	vld [tilespmem:s15+$0x3500]  }
0x2cb: {  	v12 =	vbroadcast v11, $0x5;
	v19 =	vadd.f32 v20, v19;
	v20 =	vmul.f32 v23, v14  }
0x2cc: {  	v63 =	vld [tilespmem:s15+$0x3580]  }
0x2cd: {  	v13 =	vbroadcast v11, $0x6;
	v19 =	vadd.f32 v20, v19;
	v20 =	vmul.f32 v61, v12;
	_ =	sdelay $0x1  }
0x2ce: {  	v11 =	vbroadcast v11, $0x7;
	v19 =	vadd.f32 v20, v19;
	v20 =	vmul.f32 v62, v13;
	_ =	sdelay $0x1  }
0x2cf: {  	v19 =	vadd.f32 v20, v19;
	v20 =	vmul.f32 v63, v11  }
0x2d0: {  	s17 =	simm.s32 $0x0;
	s19 =	simm.s32 $0x80;
	s16 =	simm.s32 $0x10  }
0x2d1: {  	s21 =	sand.u32 $0x3FFFFE00, s17;
	s19 =	sand.u32 $0x3FFFFC00, s19;
	s17 =	simm.s32 $0x2;
	v19 =	vadd.f32 v20, v19  }
0x2d2: {  	s18 =	sand.u32 $0x70, s16;
	s20 =	sor.u32 s20, s21;
	s15 =	simm.s32 $0x1  }
.LBB2_12:
0x2d3: {  	p1 =	seq.s32 s17, $0xA7;
	s19 =	sor.u32 s18, s19;
	[tilespmem:s20+$0x8600] =	vst v19;
	s20 =	smov.u32 s18  }
0x2d4: {  	v19 =	vld [tilespmem:s19+$0x3200]  }
0x2d5: {  	v20 =	vld [tilespmem:s19+$0x3280];
	_ =	sdelay $0x1  }
0x2d6: {  	v21 =	vld [tilespmem:s19+$0x3300];
	_ =	sdelay $0x1  }
0x2d7: {  	v22 =	vld [tilespmem:s19+$0x3380]  }
0x2d8: {  	v19 =	vmul.f32 v19, v17;
	v20 =	vmul.f32 v20, v18  }
0x2d9: {  	v23 =	vld [tilespmem:s19+$0x3400]  }
0x2da: {  	v19 =	vadd.f32 v20, v19;
	v20 =	vmul.f32 v21, v16  }
0x2db: {  	v21 =	vld [tilespmem:s19+$0x3480]  }
0x2dc: {  	v19 =	vadd.f32 v20, v19;
	v20 =	vmul.f32 v22, v15  }
0x2dd: {  	v22 =	vld [tilespmem:s19+$0x3500]  }
0x2de: {  	v19 =	vadd.f32 v20, v19;
	v20 =	vmul.f32 v23, v14  }
0x2df: {  	v23 =	vld [tilespmem:s19+$0x3580]  }
0x2e0: {  	v19 =	vadd.f32 v20, v19;
	v20 =	vmul.f32 v21, v12;
	_ =	sdelay $0x1  }
0x2e1: {  	v19 =	vadd.f32 v20, v19;
	v20 =	vmul.f32 v22, v13  }
.Ltmp5:
0x2e2: {  	(pc) =	sbr.rel @!p1 .LBB2_12-.Ltmp5, $4  }
0x2e3: {  	v19 =	vadd.f32 v20, v19;
	v20 =	vmul.f32 v23, v11  }
0x2e4: {  	s16 =	sadd.s32 $0x10, s16;
	s19 =	sshll.u32 s15, $0x6;
	s15 =	smov.u32 s17  }
0x2e5: {  	s21 =	sshll.u32 s17, $0x7;
	s18 =	sand.u32 $0x70, s16;
	s22 =	sand.u32 $0x3FFFFE00, s19;
	v19 =	vadd.f32 v20, v19  }
0x2e6: {  	s17 =	sadd.s32 $0x1, s17;
	s19 =	sand.u32 $0x3FFFFC00, s21;
	s20 =	sor.u32 s20, s22  }
0x2e7: {  	s16 =	sor.u32 s18, s19;
	[tilespmem:s20+$0x8600] =	vst v19  }
0x2e8: {  	v19 =	vld [tilespmem:s16+$0x3200]  }
0x2e9: {  	v20 =	vld [tilespmem:s16+$0x3280];
	_ =	sdelay $0x1  }
0x2ea: {  	v21 =	vld [tilespmem:s16+$0x3300];
	_ =	sdelay $0x1  }
0x2eb: {  	v22 =	vld [tilespmem:s16+$0x3380]  }
0x2ec: {  	v17 =	vmul.f32 v19, v17;
	v18 =	vmul.f32 v20, v18  }
0x2ed: {  	v19 =	vld [tilespmem:s16+$0x3400]  }
0x2ee: {  	v16 =	vmul.f32 v21, v16;
	v17 =	vadd.f32 v18, v17  }
0x2ef: {  	v18 =	vld [tilespmem:s16+$0x3480]  }
0x2f0: {  	v15 =	vmul.f32 v22, v15;
	v16 =	vadd.f32 v16, v17  }
0x2f1: {  	v17 =	vld [tilespmem:s16+$0x3500]  }
0x2f2: {  	v14 =	vmul.f32 v19, v14;
	v15 =	vadd.f32 v15, v16  }
0x2f3: {  	v16 =	vld [tilespmem:s16+$0x3580]  }
0x2f4: {  	v12 =	vmul.f32 v18, v12;
	v14 =	vadd.f32 v14, v15;
	_ =	sdelay $0x1  }
0x2f5: {  	v13 =	vmul.f32 v17, v13;
	v12 =	vadd.f32 v12, v14;
	_ =	sdelay $0x1  }
0x2f6: {  	v11 =	vmul.f32 v16, v11;
	v12 =	vadd.f32 v13, v12  }
0x2f7: {  	s15 =	sshll.u32 s15, $0x6  }
0x2f8: {  	s26 =	simm.s32 $0x0;
	s28 =	simm.s32 $0x0;
	s15 =	sand.u32 $0x3FFFFE00, s15;
	v11 =	vadd.f32 v11, v12  }
0x2f9: {  	s29 =	sand.u32 $0x70, s26;
	s30 =	sand.u32 $0x3FFFFC00, s28;
	s15 =	sor.u32 s18, s15  }
0x2fa: {  	[tilespmem:s15+$0x8600] =	vst v11;
	s15 =	sor.u32 s29, s30  }
0x2fb: {  	v18 =	vld [tilespmem:s15+$0x3200]  }
0x2fc: {  	v19 =	vld [tilespmem:s15+$0x3280];
	_ =	sdelay $0x1  }
0x2fd: {  	v20 =	vld [tilespmem:s15+$0x3300]  }
0x2fe: {  	v17 =	vbroadcast v10, $0x1;
	v16 =	vbroadcast v10, $0x0  }
0x2ff: {  	v15 =	vbroadcast v10, $0x2;
	v60 =	vld [tilespmem:s15+$0x3380]  }
0x300: {  	v18 =	vmul.f32 v18, v16;
	v19 =	vmul.f32 v19, v17  }
0x301: {  	v61 =	vld [tilespmem:s15+$0x3400]  }
0x302: {  	v14 =	vbroadcast v10, $0x3;
	v18 =	vadd.f32 v19, v18;
	v19 =	vmul.f32 v20, v15  }
0x303: {  	v20 =	vld [tilespmem:s15+$0x3480]  }
0x304: {  	v13 =	vbroadcast v10, $0x4;
	v18 =	vadd.f32 v19, v18;
	v19 =	vmul.f32 v60, v14  }
0x305: {  	v62 =	vld [tilespmem:s15+$0x3500]  }
0x306: {  	v12 =	vbroadcast v10, $0x5;
	v18 =	vadd.f32 v19, v18;
	v19 =	vmul.f32 v61, v13  }
0x307: {  	v63 =	vld [tilespmem:s15+$0x3580]  }
0x308: {  	v11 =	vbroadcast v10, $0x6;
	v18 =	vadd.f32 v19, v18;
	v19 =	vmul.f32 v20, v12;
	_ =	sdelay $0x1  }
0x309: {  	v10 =	vbroadcast v10, $0x7;
	v18 =	vadd.f32 v19, v18;
	v19 =	vmul.f32 v62, v11;
	_ =	sdelay $0x1  }
0x30a: {  	s17 =	simm.s32 $0x0;
	v18 =	vadd.f32 v19, v18;
	v19 =	vmul.f32 v63, v10  }
0x30b: {  	s31 =	simm.s32 $0x80;
	s21 =	sand.u32 $0x3FFFFE00, s17  }
0x30c: {  	s19 =	sand.u32 $0x3FFFFC00, s31;
	s17 =	simm.s32 $0x2;
	s16 =	simm.s32 $0x10;
	v18 =	vadd.f32 v19, v18  }
0x30d: {  	s20 =	sor.u32 s29, s21;
	s18 =	sand.u32 $0x70, s16;
	s15 =	simm.s32 $0x1  }
.LBB2_14:
0x30e: {  	p1 =	seq.s32 s17, $0xA7;
	s19 =	sor.u32 s18, s19;
	[tilespmem:s20+$0x8680] =	vst v18;
	s20 =	smov.u32 s18  }
0x30f: {  	v18 =	vld [tilespmem:s19+$0x3200]  }
0x310: {  	v19 =	vld [tilespmem:s19+$0x3280];
	_ =	sdelay $0x1  }
0x311: {  	v20 =	vld [tilespmem:s19+$0x3300];
	_ =	sdelay $0x1  }
0x312: {  	v21 =	vld [tilespmem:s19+$0x3380]  }
0x313: {  	v18 =	vmul.f32 v18, v16;
	v19 =	vmul.f32 v19, v17  }
0x314: {  	v22 =	vld [tilespmem:s19+$0x3400]  }
0x315: {  	v18 =	vadd.f32 v19, v18;
	v19 =	vmul.f32 v20, v15  }
0x316: {  	v20 =	vld [tilespmem:s19+$0x3480]  }
0x317: {  	v18 =	vadd.f32 v19, v18;
	v19 =	vmul.f32 v21, v14  }
0x318: {  	v21 =	vld [tilespmem:s19+$0x3500]  }
0x319: {  	v18 =	vadd.f32 v19, v18;
	v19 =	vmul.f32 v22, v13  }
0x31a: {  	v22 =	vld [tilespmem:s19+$0x3580]  }
0x31b: {  	v18 =	vadd.f32 v19, v18;
	v19 =	vmul.f32 v20, v12;
	_ =	sdelay $0x1  }
0x31c: {  	v18 =	vadd.f32 v19, v18;
	v19 =	vmul.f32 v21, v11  }
.Ltmp6:
0x31d: {  	(pc) =	sbr.rel @!p1 .LBB2_14-.Ltmp6, $4  }
0x31e: {  	v18 =	vadd.f32 v19, v18;
	v19 =	vmul.f32 v22, v10  }
0x31f: {  	s16 =	sadd.s32 $0x10, s16;
	s19 =	sshll.u32 s15, $0x6;
	s15 =	smov.u32 s17  }
0x320: {  	s21 =	sshll.u32 s17, $0x7;
	s18 =	sand.u32 $0x70, s16;
	s22 =	sand.u32 $0x3FFFFE00, s19;
	v18 =	vadd.f32 v19, v18  }
0x321: {  	s17 =	sadd.s32 $0x1, s17;
	s19 =	sand.u32 $0x3FFFFC00, s21;
	s20 =	sor.u32 s20, s22  }
0x322: {  	s16 =	sor.u32 s18, s19;
	[tilespmem:s20+$0x8680] =	vst v18  }
0x323: {  	v18 =	vld [tilespmem:s16+$0x3200]  }
0x324: {  	v19 =	vld [tilespmem:s16+$0x3280];
	_ =	sdelay $0x1  }
0x325: {  	v20 =	vld [tilespmem:s16+$0x3300];
	_ =	sdelay $0x1  }
0x326: {  	v21 =	vld [tilespmem:s16+$0x3380]  }
0x327: {  	v16 =	vmul.f32 v18, v16;
	v17 =	vmul.f32 v19, v17  }
0x328: {  	v18 =	vld [tilespmem:s16+$0x3400]  }
0x329: {  	v15 =	vmul.f32 v20, v15;
	v16 =	vadd.f32 v17, v16  }
0x32a: {  	v17 =	vld [tilespmem:s16+$0x3480]  }
0x32b: {  	v14 =	vmul.f32 v21, v14;
	v15 =	vadd.f32 v15, v16  }
0x32c: {  	v16 =	vld [tilespmem:s16+$0x3500]  }
0x32d: {  	v13 =	vmul.f32 v18, v13;
	v14 =	vadd.f32 v14, v15  }
0x32e: {  	v15 =	vld [tilespmem:s16+$0x3580]  }
0x32f: {  	v12 =	vmul.f32 v17, v12;
	v13 =	vadd.f32 v13, v14;
	_ =	sdelay $0x1  }
0x330: {  	v11 =	vmul.f32 v16, v11;
	v12 =	vadd.f32 v12, v13;
	_ =	sdelay $0x1  }
0x331: {  	v10 =	vmul.f32 v15, v10;
	v11 =	vadd.f32 v11, v12  }
0x332: {  	s15 =	sshll.u32 s15, $0x6  }
0x333: {  	s26 =	simm.s32 $0x0;
	s28 =	simm.s32 $0x0;
	s15 =	sand.u32 $0x3FFFFE00, s15;
	v10 =	vadd.f32 v10, v11  }
0x334: {  	s29 =	sand.u32 $0x70, s26;
	s30 =	sand.u32 $0x3FFFFC00, s28;
	s15 =	sor.u32 s18, s15  }
0x335: {  	[tilespmem:s15+$0x8680] =	vst v10;
	s15 =	sor.u32 s29, s30  }
0x336: {  	v17 =	vld [tilespmem:s15+$0x3200]  }
0x337: {  	v18 =	vld [tilespmem:s15+$0x3280];
	_ =	sdelay $0x1  }
0x338: {  	v19 =	vld [tilespmem:s15+$0x3300]  }
0x339: {  	v16 =	vbroadcast v9, $0x1;
	v15 =	vbroadcast v9, $0x0  }
0x33a: {  	v14 =	vbroadcast v9, $0x2;
	v60 =	vld [tilespmem:s15+$0x3380]  }
0x33b: {  	v17 =	vmul.f32 v17, v15;
	v18 =	vmul.f32 v18, v16  }
0x33c: {  	v61 =	vld [tilespmem:s15+$0x3400]  }
0x33d: {  	v13 =	vbroadcast v9, $0x3;
	v17 =	vadd.f32 v18, v17;
	v18 =	vmul.f32 v19, v14  }
0x33e: {  	v19 =	vld [tilespmem:s15+$0x3480]  }
0x33f: {  	v12 =	vbroadcast v9, $0x4;
	v17 =	vadd.f32 v18, v17;
	v18 =	vmul.f32 v60, v13  }
0x340: {  	v62 =	vld [tilespmem:s15+$0x3500]  }
0x341: {  	v11 =	vbroadcast v9, $0x5;
	v17 =	vadd.f32 v18, v17;
	v18 =	vmul.f32 v61, v12  }
0x342: {  	v63 =	vld [tilespmem:s15+$0x3580]  }
0x343: {  	v10 =	vbroadcast v9, $0x6;
	v17 =	vadd.f32 v18, v17;
	v18 =	vmul.f32 v19, v11;
	_ =	sdelay $0x1  }
0x344: {  	v9 =	vbroadcast v9, $0x7;
	v17 =	vadd.f32 v18, v17;
	v18 =	vmul.f32 v62, v10;
	_ =	sdelay $0x1  }
0x345: {  	s17 =	simm.s32 $0x0;
	v17 =	vadd.f32 v18, v17;
	v18 =	vmul.f32 v63, v9  }
0x346: {  	s31 =	simm.s32 $0x80;
	s21 =	sand.u32 $0x3FFFFE00, s17  }
0x347: {  	s19 =	sand.u32 $0x3FFFFC00, s31;
	s17 =	simm.s32 $0x2;
	s16 =	simm.s32 $0x10;
	v17 =	vadd.f32 v18, v17  }
0x348: {  	s20 =	sor.u32 s29, s21;
	s18 =	sand.u32 $0x70, s16;
	s15 =	simm.s32 $0x1  }
.LBB2_16:
0x349: {  	p1 =	seq.s32 s17, $0xA7;
	s19 =	sor.u32 s18, s19;
	[tilespmem:s20+$0x8700] =	vst v17;
	s20 =	smov.u32 s18  }
0x34a: {  	v17 =	vld [tilespmem:s19+$0x3200]  }
0x34b: {  	v18 =	vld [tilespmem:s19+$0x3280];
	_ =	sdelay $0x1  }
0x34c: {  	v19 =	vld [tilespmem:s19+$0x3300];
	_ =	sdelay $0x1  }
0x34d: {  	v20 =	vld [tilespmem:s19+$0x3380]  }
0x34e: {  	v17 =	vmul.f32 v17, v15;
	v18 =	vmul.f32 v18, v16  }
0x34f: {  	v21 =	vld [tilespmem:s19+$0x3400]  }
0x350: {  	v17 =	vadd.f32 v18, v17;
	v18 =	vmul.f32 v19, v14  }
0x351: {  	v19 =	vld [tilespmem:s19+$0x3480]  }
0x352: {  	v17 =	vadd.f32 v18, v17;
	v18 =	vmul.f32 v20, v13  }
0x353: {  	v20 =	vld [tilespmem:s19+$0x3500]  }
0x354: {  	v17 =	vadd.f32 v18, v17;
	v18 =	vmul.f32 v21, v12  }
0x355: {  	v21 =	vld [tilespmem:s19+$0x3580]  }
0x356: {  	v17 =	vadd.f32 v18, v17;
	v18 =	vmul.f32 v19, v11;
	_ =	sdelay $0x1  }
0x357: {  	v17 =	vadd.f32 v18, v17;
	v18 =	vmul.f32 v20, v10  }
.Ltmp7:
0x358: {  	(pc) =	sbr.rel @!p1 .LBB2_16-.Ltmp7, $4  }
0x359: {  	v17 =	vadd.f32 v18, v17;
	v18 =	vmul.f32 v21, v9  }
0x35a: {  	s16 =	sadd.s32 $0x10, s16;
	s19 =	sshll.u32 s15, $0x6;
	s15 =	smov.u32 s17  }
0x35b: {  	s21 =	sshll.u32 s17, $0x7;
	s18 =	sand.u32 $0x70, s16;
	s22 =	sand.u32 $0x3FFFFE00, s19;
	v17 =	vadd.f32 v18, v17  }
0x35c: {  	s17 =	sadd.s32 $0x1, s17;
	s19 =	sand.u32 $0x3FFFFC00, s21;
	s20 =	sor.u32 s20, s22  }
0x35d: {  	s16 =	sor.u32 s18, s19;
	[tilespmem:s20+$0x8700] =	vst v17  }
0x35e: {  	v17 =	vld [tilespmem:s16+$0x3200]  }
0x35f: {  	v18 =	vld [tilespmem:s16+$0x3280];
	_ =	sdelay $0x1  }
0x360: {  	v19 =	vld [tilespmem:s16+$0x3300];
	_ =	sdelay $0x1  }
0x361: {  	v20 =	vld [tilespmem:s16+$0x3380]  }
0x362: {  	v15 =	vmul.f32 v17, v15;
	v16 =	vmul.f32 v18, v16  }
0x363: {  	v17 =	vld [tilespmem:s16+$0x3400]  }
0x364: {  	v14 =	vmul.f32 v19, v14;
	v15 =	vadd.f32 v16, v15  }
0x365: {  	v16 =	vld [tilespmem:s16+$0x3480]  }
0x366: {  	v13 =	vmul.f32 v20, v13;
	v14 =	vadd.f32 v14, v15  }
0x367: {  	v15 =	vld [tilespmem:s16+$0x3500]  }
0x368: {  	v12 =	vmul.f32 v17, v12;
	v13 =	vadd.f32 v13, v14  }
0x369: {  	v14 =	vld [tilespmem:s16+$0x3580]  }
0x36a: {  	v11 =	vmul.f32 v16, v11;
	v12 =	vadd.f32 v12, v13;
	_ =	sdelay $0x1  }
0x36b: {  	v10 =	vmul.f32 v15, v10;
	v11 =	vadd.f32 v11, v12;
	_ =	sdelay $0x1  }
0x36c: {  	v9 =	vmul.f32 v14, v9;
	v10 =	vadd.f32 v10, v11  }
0x36d: {  	s15 =	sshll.u32 s15, $0x6  }
0x36e: {  	s26 =	simm.s32 $0x0;
	s28 =	simm.s32 $0x0;
	s15 =	sand.u32 $0x3FFFFE00, s15;
	v9 =	vadd.f32 v9, v10  }
0x36f: {  	s29 =	sand.u32 $0x70, s26;
	s30 =	sand.u32 $0x3FFFFC00, s28;
	s15 =	sor.u32 s18, s15  }
0x370: {  	[tilespmem:s15+$0x8700] =	vst v9;
	s15 =	sor.u32 s29, s30  }
0x371: {  	v16 =	vld [tilespmem:s15+$0x3200]  }
0x372: {  	v17 =	vld [tilespmem:s15+$0x3280];
	_ =	sdelay $0x1  }
0x373: {  	v18 =	vld [tilespmem:s15+$0x3300]  }
0x374: {  	v15 =	vbroadcast v8, $0x1;
	v14 =	vbroadcast v8, $0x0  }
0x375: {  	v13 =	vbroadcast v8, $0x2;
	v19 =	vld [tilespmem:s15+$0x3380]  }
0x376: {  	v16 =	vmul.f32 v16, v14;
	v17 =	vmul.f32 v17, v15  }
0x377: {  	v62 =	vld [tilespmem:s15+$0x3400]  }
0x378: {  	v12 =	vbroadcast v8, $0x3;
	v16 =	vadd.f32 v17, v16;
	v17 =	vmul.f32 v18, v13  }
0x379: {  	v18 =	vld [tilespmem:s15+$0x3480]  }
0x37a: {  	v11 =	vbroadcast v8, $0x4;
	v16 =	vadd.f32 v17, v16;
	v17 =	vmul.f32 v19, v12  }
0x37b: {  	v19 =	vld [tilespmem:s15+$0x3500]  }
0x37c: {  	v10 =	vbroadcast v8, $0x5;
	v16 =	vadd.f32 v17, v16;
	v17 =	vmul.f32 v62, v11  }
0x37d: {  	v63 =	vld [tilespmem:s15+$0x3580]  }
0x37e: {  	v9 =	vbroadcast v8, $0x6;
	v16 =	vadd.f32 v17, v16;
	v17 =	vmul.f32 v18, v10;
	_ =	sdelay $0x1  }
0x37f: {  	v8 =	vbroadcast v8, $0x7;
	v16 =	vadd.f32 v17, v16;
	v17 =	vmul.f32 v19, v9;
	_ =	sdelay $0x1  }
0x380: {  	s17 =	simm.s32 $0x0;
	v16 =	vadd.f32 v17, v16;
	v17 =	vmul.f32 v63, v8  }
0x381: {  	s31 =	simm.s32 $0x80;
	s21 =	sand.u32 $0x3FFFFE00, s17  }
0x382: {  	s19 =	sand.u32 $0x3FFFFC00, s31;
	s17 =	simm.s32 $0x2;
	s16 =	simm.s32 $0x10;
	v16 =	vadd.f32 v17, v16  }
0x383: {  	s20 =	sor.u32 s29, s21;
	s18 =	sand.u32 $0x70, s16;
	s15 =	simm.s32 $0x1  }
.LBB2_18:
0x384: {  	p1 =	sne.s32 s17, $0xA7;
	s19 =	sor.u32 s18, s19;
	[tilespmem:s20+$0x8780] =	vst v16;
	s20 =	smov.u32 s18  }
0x385: {  	v16 =	vld [tilespmem:s19+$0x3200]  }
0x386: {  	v17 =	vld [tilespmem:s19+$0x3280];
	_ =	sdelay $0x1  }
0x387: {  	v18 =	vld [tilespmem:s19+$0x3300];
	_ =	sdelay $0x1  }
0x388: {  	v19 =	vld [tilespmem:s19+$0x3380]  }
0x389: {  	v16 =	vmul.f32 v16, v14;
	v17 =	vmul.f32 v17, v15  }
0x38a: {  	v20 =	vld [tilespmem:s19+$0x3400]  }
0x38b: {  	v16 =	vadd.f32 v17, v16;
	v17 =	vmul.f32 v18, v13  }
0x38c: {  	v18 =	vld [tilespmem:s19+$0x3480]  }
0x38d: {  	v16 =	vadd.f32 v17, v16;
	v17 =	vmul.f32 v19, v12  }
0x38e: {  	v19 =	vld [tilespmem:s19+$0x3500]  }
0x38f: {  	v16 =	vadd.f32 v17, v16;
	v17 =	vmul.f32 v20, v11  }
0x390: {  	v20 =	vld [tilespmem:s19+$0x3580]  }
0x391: {  	v16 =	vadd.f32 v17, v16;
	v17 =	vmul.f32 v18, v10;
	_ =	sdelay $0x1  }
0x392: {  	v16 =	vadd.f32 v17, v16;
	v17 =	vmul.f32 v19, v9  }
.Ltmp8:
0x393: {  	(pc) =	sbr.rel @p1 .LBB2_18-.Ltmp8, $4  }
0x394: {  	v16 =	vadd.f32 v17, v16;
	v17 =	vmul.f32 v20, v8  }
0x395: {  	s16 =	sadd.s32 $0x10, s16;
	s19 =	sshll.u32 s15, $0x6;
	s15 =	smov.u32 s17  }
0x396: {  	s21 =	sshll.u32 s17, $0x7;
	s18 =	sand.u32 $0x70, s16;
	s22 =	sand.u32 $0x3FFFFE00, s19;
	v16 =	vadd.f32 v17, v16  }
0x397: {  	s17 =	sadd.s32 $0x1, s17;
	s19 =	sand.u32 $0x3FFFFC00, s21;
	s20 =	sor.u32 s20, s22  }
0x398: {  	s16 =	sor.u32 s18, s19;
	[tilespmem:s20+$0x8780] =	vst v16  }
0x399: {  	v16 =	vld [tilespmem:s16+$0x3200]  }
0x39a: {  	v17 =	vld [tilespmem:s16+$0x3280];
	_ =	sdelay $0x1  }
0x39b: {  	v18 =	vld [tilespmem:s16+$0x3300];
	_ =	sdelay $0x1  }
0x39c: {  	v19 =	vld [tilespmem:s16+$0x3380]  }
0x39d: {  	v14 =	vmul.f32 v16, v14;
	v15 =	vmul.f32 v17, v15  }
0x39e: {  	v60 =	vld [tilespmem:s16+$0x3400]  }
0x39f: {  	v13 =	vmul.f32 v18, v13;
	v14 =	vadd.f32 v15, v14  }
0x3a0: {  	v61 =	vld [tilespmem:s16+$0x3480]  }
0x3a1: {  	v12 =	vmul.f32 v19, v12;
	v13 =	vadd.f32 v13, v14  }
0x3a2: {  	v62 =	vld [tilespmem:s16+$0x3500]  }
0x3a3: {  	v11 =	vmul.f32 v60, v11;
	v12 =	vadd.f32 v12, v13  }
0x3a4: {  	v63 =	vld [tilespmem:s16+$0x3580]  }
0x3a5: {  	v10 =	vmul.f32 v61, v10;
	v11 =	vadd.f32 v11, v12;
	_ =	sdelay $0x1  }
0x3a6: {  	v9 =	vmul.f32 v62, v9;
	v10 =	vadd.f32 v10, v11;
	_ =	sdelay $0x1  }
0x3a7: {  	v8 =	vmul.f32 v63, v8;
	v9 =	vadd.f32 v9, v10  }
0x3a8: {  	s15 =	sshll.u32 s15, $0x6  }
0x3a9: {  	s14 =	sadd.s32 $0x1, s14;
	s15 =	sand.u32 $0x3FFFFE00, s15;
	v8 =	vadd.f32 v8, v9  }
0x3aa: {  	p1 =	sne.s32 s14, s8;
	s15 =	sor.u32 s18, s15  }
.Ltmp9:
0x3ab: {  	[tilespmem:s15+$0x8780] =	vst v8;
	(pc) =	sbr.rel @p1 .LBB2_1-.Ltmp9, $4  }
0x3ac: {  	[hbm4b:s7+s2] =	stream.linear.scatter [tilespmem:s13], [sflag:$0x1], $0x2A00, $0x38;
	[tilespmem:$0xB080] =	vst v63  }
0x3ad: {  	_ =	swait.ge [sflag:s9], $0x2A00  }
0x3ae: {  	[sflag:s9] =	ssyncset.done $0x0  }
0x3af: {  	[sflag:s9] =	ssyncadd.s32 $0xFFFFD600  }
0x3b0: {  	_ =	sfence.sel $0x180000  }
0x3b1: {  	[bflag:$0x0] =	sbarrier.arrive $0xFFFF  }
0x3b2: {  	p0 =	sne.s32 s3, $0x0;
	_ =	strace $0x90000047  }
0x3b3: {  	s0 =	sadd.s32 @!p0 $0x100000, s0;
	[bflag:$0x2] =	sbarrier.arrive $0xFFFF  }
0x3b4: {  	[sflag:s0] =	ssyncadd.tile.s32 @!p0 $0x1;
	_ =	shalt  }
.Lfunc_end2:
_tile_overlayer_lowered:
.L_overlay_start_2:
0x3b5: {  	(tag) =	ssettag $0x2  }
0x3b6: {  	s0 =	rddreg [dreg:$0x0];
	s2 =	stileid.u32  }
0x3b7: {  	s1 =	rddreg [dreg:$0x1];
	p0 =	sne.s32 s2, $0x0  }
0x3b8: {  	s3 =	rddreg [dreg:$0x2];
	[bflag:$0x3] =	sbarrier.arrive $0xFFFF;
	s2 =	simm.s32 @!p0 $0x1C01  }
0x3b9: {  	[timem:s3], [sflag:s2] =	dma.local @!p0 [hbm:s0], s1  }
0x3ba: {  	s0 =	simm.s32 @!p0 $0x1  }
0x3bb: {  	_ =	swait.ge @!p0 [sflag:s0], s1  }
0x3bc: {  	s1 =	ssub.s32 @!p0 $0x0, s1;
	[sflag:s0] =	ssyncset.done @!p0 $0x0  }
0x3bd: {  	[sflag:s0] =	ssyncadd.s32 @!p0 s1  }
0x3be: {  	[bflag:$0x3] =	sbarrier.arrive $0xFFFF  }
0x3bf: {  	_ =	shalt  }

// kernel: sparse-core-data-format-call.cloned.1.call-start
scs
called_computation_lowered:
.L_overlay_start_0:
0x0: {  	s2 =	sld [smem:$0x3FD9]  }
0x1: {  	s3 =	sld [smem:$0x3FFE];
	_ =	sdelay $0x1  }
0x2: {  	s1 =	srdreg.scid  }
0x3: {  	s0 =	sand.u32 $0x1, s1  }
0x4: {  	s18 =	sshll.u32 s0, $0xA;
	s2 =	sadd.s32 s3, s2  }
0x5: {  	s2 =	sadd.s32 s2, s18  }
0x6: {  	[smem:$0x3FC4] =	sst s2  }
0x7: {  	_ = 	snop  }
0x8: {  	(tm) =	ssettm $0x1  }
0x9: {  	s19 =	sld [smem:$0x3FFB];
	_ =	sdelay $0x3  }
0xa: {  	_ =	strace s19  }
0xb: {  	s2 =	sld [smem:$0x3FFC];
	_ =	sdelay $0x3  }
0xc: {  	_ =	strace s2  }
0xd: {  	s2 =	sld [smem:$0x3FFD];
	_ =	sdelay $0x3  }
0xe: {  	_ =	strace s2  }
0xf: {  	_ =	strace $0x8FFFFFFF  }
0x10: {  	s20 =	sld [smem:$0x3FDB];
	_ =	sdelay $0x1  }
0x11: {  	s21 =	simm.s32 $_scs_section_size  }
0x12: {  	s4 =	simm.s32 $_size__tile_overlayer_lowered;
	s5 =	simm.s32 $_tile_overlayer_lowered  }
0x13: {  	s6 =	simm.s32 $0x1BFF;
	s22 =	sshll.u32 s5, $0x1;
	s3 =	sadd.s32 s21, s20  }
0x14: {  	s23 =	simm.s32 $0x0;
	s4 =	sshll.u32 s4, $0x1;
	s5 =	sadd.s32 s22, s3  }
0x15: {  	[timem:s23], [sflag:s6] =	dma.local [hbm:s5], s4  }
0x16: {  	_ =	swait.ge [sflag:s6], s4  }
0x17: {  	s4 =	ssub.s32 $0x0, s4;
	[sflag:s6] =	ssyncset.done $0x0  }
0x18: {  	[sflag:s6] =	ssyncadd.s32 s4;
	_ =	sdelay $0x1  }
0x19: {  	s24 =	simm.s32 $0x1B8B  }
0x1a: {  	_ =	swait.ge [sflag:s24], $0x1  }
0x1b: {  	[sflag:s24] =	ssyncset.done $0x0  }
0x1c: {  	[sflag:s24] =	ssyncadd.s32 $0xFFFFFFFF  }
0x1d: {  	s4 =	sld [smem:$0x0]  }
0x1e: {  	s5 =	sand.u32 $0xFFFFFFFE, s1  }
0x1f: {  	p0 =	sne.s32 s1, s5  }
0x20: {  	s5 =	sshll.u32 @p0 s5, $0xE  }
0x21: {  	s5 =	sadd.s32 @p0 $0x11B8D, s5;
	s6 =	sshll.u32 @p0 s4, $0x11  }
0x22: {  	s5 =	sor.u32 @p0 s6, s5  }
0x23: {  	[sflag:s5] =	ssyncadd.remote.s32 @p0 $0x1;
	_ =	sdelay $0x1  }
0x24: {  	s5 =	simm.s32 @p0 $0x1B8D  }
0x25: {  	_ =	swait.eq @p0 [sflag:s5], $0x1  }
0x26: {  	[sflag:s5] =	ssyncadd.s32 @p0 $0xFFFFFFFF  }
0x27: {  	s6 =	sshll.u32 @!p0 s1, $0xE  }
0x28: {  	s6 =	sor.u32 @!p0 $0x4000, s6;
	s5 =	simm.s32 @!p0 $0x1B8D  }
0x29: {  	s4 =	sshll.u32 @!p0 s4, $0x11;
	s6 =	sadd.s32 @!p0 $0x11B8D, s6;
	_ =	swait.eq @!p0 [sflag:s5], $0x1  }
0x2a: {  	s4 =	sor.u32 @!p0 s4, s6;
	[sflag:s5] =	ssyncadd.s32 @!p0 $0xFFFFFFFF  }
0x2b: {  	s26 =	simm.s32 $0x1B8E;
	s25 =	sld [smem:$0x3FFE];
	[sflag:s4] =	ssyncadd.remote.s32 @!p0 $0x1  }
0x2c: {  	s27 =	simm.s32 $execute0_lowered;
	[smem:$0x3FD2] =	sst s26  }
0x2d: {  	s5 =	sshll.u32 s27, $0x1;
	_ =	strace $0x80000049;
	[dreg:$0x1] =	wrdreg $0xFFFFFFFF  }
0x2e: {  	s28 =	simm.s32 $_size_execute0_lowered;
	s3 =	sadd.s32 s3, s5;
	[dreg:$0x0] =	wrdreg $0x0  }
0x2f: {  	s5 =	sshll.u32 s28, $0x1;
	[dreg:$0x2] =	wrdreg s3  }
0x30: {  	[dreg:$0x3] =	wrdreg s5  }
0x31: {  	[dreg:$0x4] =	wrdreg $0xC0  }
0x32: {  	_ =	task [dreg:s23], $0x5FFFF  }
0x33: {  	[dreg:$0x1] =	wrdreg $0xFFFFFFFF  }
0x34: {  	[dreg:$0x0] =	wrdreg $0x60  }
0x35: {  	[dreg:$0x2] =	wrdreg s25  }
0x36: {  	[dreg:$0x3] =	wrdreg $0x9  }
0x37: {  	_ =	task.clear_ibuf [dreg:s23], $0x4FFFF;
	_ =	strace $0x90000049  }
0x38: {  	s29 =	simm.s32 $0x9;
	_ =	strace $0x8000004B  }
0x39: {  	_ =	swait.ge [sflag:s29], $0x1  }
0x3a: {  	[sflag:s29] =	ssyncadd.s32 $0xFFFFFFFF  }
0x3b: {  	_ =	strace $0x9000004B  }
0x3c: {  	_ =	sfence  }
0x3d: {  	s30 =	sld [smem:$0x0];
	_ =	sdelay $0x2  }
0x3e: {  	s31 =	sshll.u32 s1, $0xD;
	s1 =	sshrl.u32 s1, $0x2  }
0x3f: {  	s4 =	sand.u32 $0x4000, s31;
	s1 =	sadd.s32 s1, s30  }
0x40: {  	s0 =	sor.u32 s4, s0;
	s1 =	sshll.u32 s1, $0x11  }
0x41: {  	s0 =	sor.u32 s1, s0  }
0x42: {  	s0 =	sadd.s32 $0x8F2B, s0  }
0x43: {  	[sflag:s0] =	ssyncadd.remote.s32 $0x1  }
0x44: {  	_ =	sfence.sel $0xFFFF  }
0x45: {  	[dreg:$0x0] =	wrdreg $0xFFFFFFFF;
	(pc) =	sbr.abs _section_cstart, $3  }
0x46: {  	[dreg:$0x1] =	wrdreg $0xFFFFFFFF  }
0x47: {  	_ =	task.clear_ibuf [dreg:s23], $0x2FFFF;
	_ =	strace $0x9FFFFFFF  }
0x48: {  	(tm) =	ssettm $0x7FFFFFFF  }
0x49: {  	_ =	shalt  }
tec
execute0_lowered:
.L_overlay_start_1:
0x0: {  	(tag) =	ssettag $0x1  }
0x1: {  	s0 =	stileid.u32  }
0x2: {  	s2 =	srdreg.scid;
	s9 =	rddreg [dreg:$0x0]  }
0x3: {  	s10 =	simm.s32 $0x2;
	s19 =	simm.s32 $0x0;
	s1 =	sshll.u32 s0, $0x1  }
0x4: {  	s11 =	simm.s32 $0x400;
	s12 =	simm.s32 $0x1C00;
	s1 =	sand.u32 $0x18, s1  }
0x5: {  	s13 =	simm.s32 $0x0;
	s20 =	simm.s32 $0x0;
	s3 =	ssub.s32 $0x70, s1  }
0x6: {  	s21 =	simm.s32 $0x0;
	s2 =	sand.u32 $0x1, s2;
	s4 =	sand.u32 $0x18, s3  }
0x7: {  	s5 =	ssub.s32 $0x2, s2;
	p0 =	sne.s32 s4, $0x0;
	s4 =	simm.s32 $0x1  }
0x8: {  	s6 =	sshrl.u32 s5, $0x1;
	s3 =	sshrl.u32 s3, $0x5;
	s4 =	simm.s32 @!p0 $0x0  }
0x9: {  	s22 =	simm.s32 $0x0;
	s5 =	ssub.s32 s5, s6;
	s4 =	sadd.s32 s4, s3  }
0xa: {  	s14 =	simm.s32 $0x0;
	s18 =	simm.s32 $0x0;
	s7 =	smul.u32 s4, s5  }
.Ltmp0:
0xb: {  	s8 =	sand.u32 $0x3, s0;
	s15 =	smov.u32 s2;
	(pc) =	sbr.rel .LBB1_1-.Ltmp0, $4  }
0xc: {  	s17 =	smov.u32 s8;
	s16 =	smov.u32 s1;
	s6 =	simm.s32 $0x1  }
0xd: {  	s3 =	rddreg [dreg:$0x1];
	_ =	strace $0x8000004A;
	s7 =	smul.u32 $0x7, s7  }
0xe: {  	s4 =	sadd.s32 $0x15BC00, s9;
	s5 =	sadd.s32 $0x2E3C00, s9;
	[sflag:s6] =	ssyncpa.u1 $0x0  }
0xf: {  	s9 =	sadd.s32 $0x2FC400, s9;
	[sflag:s10] =	ssyncpa.u1 $0x0;
	s10 =	sadd.s32 $0x1, s7  }
.LBB1_7:
0x10: {  	s23 =	sadd.s32 $0x10, s14  }
0x11: {  	s19 =	sadd.s32 $0x2, s15;
	s24 =	smov.u32 s15;
	p1 =	sgt.s32 s23, $0x6F  }
0x12: {  	s24 =	smov.u32 @p1 s19  }
0x13: {  	s25 =	smov.u32 s16;
	s19 =	sadd.s32 $0x20, s16;
	p2 =	sgt.s32 s24, $0x1  }
0x14: {  	s25 =	smov.u32 @p2 s19  }
0x15: {  	s26 =	smov.u32 s17;
	s19 =	sadd.s32 $0x4, s17;
	p3 =	sgt.s32 s25, $0x6F  }
0x16: {  	p0 =	slt.u32 s18, $0x2;
	s26 =	smov.u32 @p3 s19  }
0x17: {  	s20 =	smov.u32 s15;
	s23 =	simm.s32 @p1 $0x0;
	p1 =	sgt.s32 s26, $0x3  }
0x18: {  	s27 =	simm.s32 @!p0 $0x2;
	s26 =	smov.u32 @p1 s8;
	p1 =	sne.s32 s18, s10  }
.Ltmp1:
0x19: {  	s21 =	smov.u32 s16;
	_ =	swait.ge @!p0 [sflag:s27], $0x4000;
	(pc) =	sbr.rel @!p1 .LBB1_8-.Ltmp1, $4  }
0x1a: {  	s22 =	smov.u32 s17;
	[sflag:s27] =	ssyncset.done @!p0 $0x0;
	s24 =	smov.u32 @p2 s2  }
0x1b: {  	s13 =	sadd.s32 $0x8000, s13;
	[sflag:s27] =	ssyncadd.s32 @!p0 $0xFFFFC000;
	s15 =	smov.u32 s24  }
0x1c: {  	s25 =	smov.u32 @p3 s1;
	s19 =	smov.u32 s14;
	s14 =	smov.u32 s23  }
0x1d: {  	s16 =	smov.u32 s25;
	s18 =	sadd.s32 $0x1, s18;
	s17 =	smov.u32 s26  }
.LBB1_1:
0x1e: {  	p0 =	sge.u32 s18, s7  }
0x1f: {  	s23 =	smul.u32 @!p0 $0x62000, s17  }
0x20: {  	s24 =	smul.u32 @!p0 $0xE00, s16  }
0x21: {  	s31 =	sadd.s32 $0xFFFFFFFF, s18;
	s25 =	smul.u32 @!p0 $0x700, s15;
	s23 =	sadd.s32 @!p0 s4, s23  }
0x22: {  	s26 =	sshll.u32 @!p0 s14, $0x4;
	s23 =	sadd.s32 @!p0 s24, s23;
	s24 =	sxor.u32 @!p0 $0xFFFFFFFF, s18  }
0x23: {  	s23 =	sadd.s32 @!p0 s25, s23;
	s24 =	sshll.u32 @!p0 s24, $0xE;
	s25 =	simm.s32 @!p0 $0x800  }
0x24: {  	s23 =	sadd.s32 @!p0 s26, s23;
	s24 =	sand.u32 @!p0 $0x4000, s24;
	s26 =	simm.s32 @!p0 $0x7000  }
0x25: {  	[tilespmem:s24], [sflag:$0x1] =	stream.strided.gather @!p0 [hbm4b:s23+s25], $0x4000, s26, s25, $0x38;
	[tilespmem:$0x10000] =	vst v63  }
0x26: {  	p0 =	sge.u32 s31, s7  }
.Ltmp2:
0x27: {  	_ = 	snop;
	(pc) =	sbr.rel @p0 .LBB1_7-.Ltmp2, $1  }
0x28: {  	_ =	sdelay $0x3  }
0x29: {  	s23 =	sshrl.u32 s13, $0x1;
	_ =	swait.ge [sflag:s6], $0x4000  }
0x2a: {  	s24 =	sshll.u32 s18, $0xE;
	s23 =	sand.u32 $0x4000, s23;
	[sflag:s6] =	ssyncset.done $0x0  }
0x2b: {  	s25 =	sor.u32 $0x80, s23;
	s26 =	sor.u32 $0xA000, s23;
	s23 =	sand.u32 $0x4000, s24  }
0x2c: {  	s27 =	simm.s32 $0x0;
	[sflag:s6] =	ssyncadd.s32 $0xFFFFC000;
	s24 =	sor.u32 $0x8000, s23  }
.LBB1_3:
0x2d: {  	v0 =	vld [tilespmem:s25+$0xFFFFFFF0]  }
0x2e: {  	v1 =	vld [tilespmem:s25+$0x70]  }
0x2f: {  	v2 =	vld [tilespmem:s25+$0x0]  }
0x30: {  	v3 =	vld [tilespmem:s25+$0xFFFFFF90]  }
0x31: {  	v4 =	vld [tilespmem:s25+$0x10]  }
0x32: {  	v5 =	vld [tilespmem:s25+$0xFFFFFFA0]  }
0x33: {  	v7 =	vld [tilespmem:s25+$0x20]  }
0x34: {  	v11 =	vld [tilespmem:s25+$0x30];
	v6 =	vunpack.i.l.s16.s32 v0;
	v8 =	vunpack.i.u.s16.s32 v0;
	v9 =	vunpack.i.u.s16.s32 v1  }
0x35: {  	v10 =	vunpack.i.l.s16.s32 v1;
	v0 =	vunpack.i.u.s16.s32 v2;
	v1 =	vunpack.i.l.s16.s32 v2;
	v2 =	vld [tilespmem:s25+$0xFFFFFFB0]  }
0x36: {  	v8 =	vpack.i.b32.b16 v9, v8;
	v9 =	vunpack.i.u.s16.s32 v3;
	v3 =	vunpack.i.l.s16.s32 v3  }
0x37: {  	v12 =	vld [tilespmem:s25+$0xFFFFFFC0];
	v6 =	vpack.i.b32.b16 v10, v6;
	[tilespmem:s26+$0x70] =	vst v8;
	v8 =	vunpack.i.u.s16.s32 v4;
	v4 =	vunpack.i.l.s16.s32 v4  }
0x38: {  	v13 =	vld [tilespmem:s25+$0x40];
	v10 =	vunpack.i.u.s16.s32 v5;
	v5 =	vunpack.i.l.s16.s32 v5;
	[tilespmem:s26+$0xFFFFE070] =	vst v6;
	v3 =	vpack.i.b32.b16 v4, v3  }
0x39: {  	v6 =	vunpack.i.l.s16.s32 v7;
	v4 =	vld [tilespmem:s25+$0xFFFFFFD0];
	[tilespmem:s26+$0xFFFFE010] =	vst v3;
	v3 =	vpack.i.b32.b16 v8, v9;
	v8 =	vunpack.i.u.s16.s32 v7  }
0x3a: {  	v7 =	vunpack.i.l.s16.s32 v11;
	[tilespmem:s26+$0x10] =	vst v3;
	v3 =	vpack.i.b32.b16 v6, v5;
	v9 =	vunpack.i.u.s16.s32 v2;
	v6 =	vld [tilespmem:s25+$0x50]  }
0x3b: {  	v5 =	vunpack.i.l.s16.s32 v2;
	v2 =	vld [tilespmem:s25+$0xFFFFFFE0];
	[tilespmem:s26+$0xFFFFE020] =	vst v3;
	v3 =	vpack.i.b32.b16 v8, v10;
	v10 =	vunpack.i.u.s16.s32 v11  }
0x3c: {  	s30 =	simm.s32 $0x0;
	v11 =	vpack.i.b32.b16 v7, v5;
	v7 =	vunpack.i.u.s16.s32 v12;
	v8 =	vunpack.i.l.s16.s32 v12;
	[tilespmem:s26+$0x20] =	vst v3;
	v3 =	vld [tilespmem:s25+$0x60]  }
0x3d: {  	s31 =	sadd.s32 $0x100, s25;
	s29 =	smov.u32 s26;
	s28 =	smov.u32 s26;
	v5 =	vld [tilespmem:s25+$0xFFFFFF80];
	[tilespmem:s26+$0xFFFFE030] =	vst v11;
	v10 =	vpack.i.b32.b16 v10, v9;
	v9 =	vunpack.i.u.s16.s32 v13;
	v11 =	vunpack.i.l.s16.s32 v13  }
.LBB1_4:
0x3e: {  	v12 =	vld [tilespmem:s31+$0xFFFFFFF0];
	[tilespmem:s29+$0x30] =	vst v10;
	v8 =	vpack.i.b32.b16 v11, v8;
	v10 =	vunpack.i.u.s16.s32 v4;
	v4 =	vunpack.i.l.s16.s32 v4  }
0x3f: {  	s30 =	sadd.s32 $0x2, s30;
	v7 =	vpack.i.b32.b16 v9, v7;
	v11 =	vld [tilespmem:s31+$0x70];
	[tilespmem:s29+$0xFFFFE040] =	vst v8;
	v8 =	vunpack.i.u.s16.s32 v6;
	v6 =	vunpack.i.l.s16.s32 v6  }
0x40: {  	p0 =	slt.u32 s30, $0xE;
	v9 =	vld [tilespmem:s31+$0x0];
	[tilespmem:s29+$0x40] =	vst v7;
	v4 =	vpack.i.b32.b16 v6, v4;
	v6 =	vunpack.i.u.s16.s32 v2;
	v2 =	vunpack.i.l.s16.s32 v2  }
0x41: {  	v7 =	vld [tilespmem:s31+$0xFFFFFF90];
	[tilespmem:s29+$0xFFFFE050] =	vst v4;
	v4 =	vpack.i.b32.b16 v8, v10;
	v8 =	vunpack.i.u.s16.s32 v3;
	v3 =	vunpack.i.l.s16.s32 v3  }
0x42: {  	v10 =	vld [tilespmem:s31+$0x10];
	v13 =	vunpack.i.u.s16.s32 v5;
	v5 =	vunpack.i.l.s16.s32 v5;
	[tilespmem:s29+$0x50] =	vst v4;
	v2 =	vpack.i.b32.b16 v3, v2  }
0x43: {  	v3 =	vld [tilespmem:s31+$0xFFFFFFA0];
	v4 =	vunpack.i.l.s16.s32 v12;
	v1 =	vpack.i.b32.b16 v1, v5;
	v5 =	vpack.i.b32.b16 v0, v13;
	[tilespmem:s29+$0xFFFFE060] =	vst v2  }
0x44: {  	v12 =	vunpack.i.u.s16.s32 v12;
	v2 =	vld [tilespmem:s31+$0x20];
	v13 =	vunpack.i.u.s16.s32 v11;
	v11 =	vunpack.i.l.s16.s32 v11;
	[tilespmem:s29+$0xFFFFE000] =	vst v1  }
0x45: {  	s29 =	sadd.s32 $0x80, s29;
	v0 =	vunpack.i.u.s16.s32 v9;
	v1 =	vunpack.i.l.s16.s32 v9;
	v9 =	vld [tilespmem:s31+$0xFFFFFFB0];
	v12 =	vpack.i.b32.b16 v13, v12;
	[tilespmem:s28+$0x0] =	vst v5  }
0x46: {  	v6 =	vpack.i.b32.b16 v8, v6;
	v5 =	vunpack.i.u.s16.s32 v7;
	v7 =	vunpack.i.l.s16.s32 v7;
	v13 =	vld [tilespmem:s31+$0x30];
	[tilespmem:s29+$0x70] =	vst v12  }
0x47: {  	v4 =	vpack.i.b32.b16 v11, v4;
	v8 =	vunpack.i.u.s16.s32 v10;
	v10 =	vunpack.i.l.s16.s32 v10;
	v12 =	vld [tilespmem:s31+$0xFFFFFFC0];
	[tilespmem:s28+$0x60] =	vst v6;
	s28 =	smov.u32 s29  }
0x48: {  	v6 =	vpack.i.b32.b16 v10, v7;
	v7 =	vunpack.i.u.s16.s32 v3;
	v3 =	vunpack.i.l.s16.s32 v3;
	v11 =	vld [tilespmem:s31+$0x40];
	[tilespmem:s29+$0xFFFFE070] =	vst v4  }
.Ltmp3:
0x49: {  	v5 =	vpack.i.b32.b16 v8, v5;
	[tilespmem:s29+$0xFFFFE010] =	vst v6;
	v8 =	vunpack.i.u.s16.s32 v2;
	v2 =	vunpack.i.l.s16.s32 v2;
	v4 =	vld [tilespmem:s31+$0xFFFFFFD0];
	(pc) =	sbr.rel @p0 .LBB1_4-.Ltmp3, $4  }
0x4a: {  	[tilespmem:s29+$0x10] =	vst v5;
	v2 =	vpack.i.b32.b16 v2, v3;
	v10 =	vunpack.i.u.s16.s32 v9;
	v3 =	vunpack.i.l.s16.s32 v9;
	v6 =	vld [tilespmem:s31+$0x50]  }
0x4b: {  	v5 =	vpack.i.b32.b16 v8, v7;
	[tilespmem:s29+$0xFFFFE020] =	vst v2;
	v9 =	vunpack.i.u.s16.s32 v13;
	v7 =	vunpack.i.l.s16.s32 v13;
	v2 =	vld [tilespmem:s31+$0xFFFFFFE0]  }
0x4c: {  	[tilespmem:s29+$0x20] =	vst v5;
	v13 =	vpack.i.b32.b16 v7, v3;
	v7 =	vunpack.i.u.s16.s32 v12;
	v8 =	vunpack.i.l.s16.s32 v12;
	v3 =	vld [tilespmem:s31+$0x60]  }
0x4d: {  	v10 =	vpack.i.b32.b16 v9, v10;
	v5 =	vld [tilespmem:s31+$0xFFFFFF80];
	[tilespmem:s29+$0xFFFFE030] =	vst v13;
	v9 =	vunpack.i.u.s16.s32 v11;
	v11 =	vunpack.i.l.s16.s32 v11;
	s31 =	sadd.s32 $0x100, s31  }
0x4e: {  	[tilespmem:s29+$0x30] =	vst v10;
	v8 =	vpack.i.b32.b16 v11, v8  }
0x4f: {  	v51 =	vunpack.i.l.s16.s32 v4;
	v7 =	vpack.i.b32.b16 v9, v7;
	[tilespmem:s29+$0xFFFFE040] =	vst v8;
	v52 =	vunpack.i.l.s16.s32 v6  }
0x50: {  	v53 =	vunpack.i.u.s16.s32 v4;
	s27 =	sadd.s32 $0x1, s27;
	v54 =	vunpack.i.u.s16.s32 v6;
	[tilespmem:s29+$0x40] =	vst v7;
	v55 =	vpack.i.b32.b16 v52, v51  }
0x51: {  	p0 =	sne.s32 s27, $0x8;
	v56 =	vunpack.i.l.s16.s32 v2;
	v4 =	vpack.i.b32.b16 v54, v53;
	[tilespmem:s29+$0xFFFFE050] =	vst v55;
	v57 =	vunpack.i.l.s16.s32 v3  }
.Ltmp4:
0x52: {  	[tilespmem:s29+$0x50] =	vst v4;
	v58 =	vunpack.i.l.s16.s32 v5;
	v59 =	vpack.i.b32.b16 v57, v56;
	(pc) =	sbr.rel @p0 .LBB1_3-.Ltmp4, $4  }
0x53: {  	v61 =	vunpack.i.u.s16.s32 v2;
	v62 =	vunpack.i.u.s16.s32 v3;
	v1 =	vpack.i.b32.b16 v1, v58;
	[tilespmem:s29+$0xFFFFE060] =	vst v59  }
0x54: {  	v60 =	vunpack.i.u.s16.s32 v5;
	v63 =	vpack.i.b32.b16 v62, v61;
	[tilespmem:s29+$0xFFFFE000] =	vst v1  }
0x55: {  	v0 =	vpack.i.b32.b16 v0, v60;
	[tilespmem:s28+$0x60] =	vst v63  }
0x56: {  	s25 =	sadd.s32 $0x800, s25;
	s26 =	sadd.s32 $0x400, s26;
	[tilespmem:s28+$0x0] =	vst v0  }
0x57: {  	s22 =	smul.u32 $0x62000, s22  }
0x58: {  	s19 =	sand.u32 $0x1FFFFFE, s19;
	s20 =	smul.u32 $0x31000, s20  }
0x59: {  	s25 =	smulhi.u32 $0x2492493, s19  }
0x5a: {  	s21 =	smul.u32 $0x380, s21  }
0x5b: {  	s25 =	smul.u32 $0x70, s25  }
0x5c: {  	s20 =	sadd.s32 s22, s20  }
0x5d: {  	s30 =	sadd.s32 s5, s21;
	s21 =	sadd.s32 s21, s9;
	s19 =	ssub.s32 s19, s25  }
.Ltmp5:
0x5e: {  	s22 =	sadd.s32 s20, s30;
	s19 =	sshll.u32 s19, $0x3;
	(pc) =	sbr.rel .LBB1_7-.Ltmp5, $4  }
0x5f: {  	s20 =	sadd.s32 s20, s21;
	s22 =	sadd.s32 s19, s22  }
0x60: {  	[hbm4b:s22+s11] =	stream.strided.scatter [tilespmem:s24], [sflag:$0x2], $0x2000, s12, s11, $0x38;
	[tilespmem:$0x10000] =	vst v63  }
0x61: {  	s31 =	sadd.s32 $0xA000, s23;
	s19 =	sadd.s32 s19, s20  }
0x62: {  	[hbm4b:s19+s11] =	stream.strided.scatter [tilespmem:s31], [sflag:$0x2], $0x2000, s12, s11, $0x38;
	[tilespmem:$0x10000] =	vst v63  }
.LBB1_8:
0x63: {  	_ =	sfence.sel $0x180000  }
0x64: {  	s1 =	simm.s32 $0x1;
	[bflag:$0x0] =	sbarrier.arrive $0xFFFF  }
0x65: {  	s31 =	simm.s32 $0x2;
	[sflag:s1] =	ssyncpa.u1 $0x1  }
0x66: {  	[sflag:s31] =	ssyncpa.u1 $0x1  }
0x67: {  	p0 =	sne.s32 s0, $0x0;
	_ =	strace $0x9000004A  }
0x68: {  	s0 =	sadd.s32 @!p0 $0x100000, s3;
	[bflag:$0x2] =	sbarrier.arrive $0xFFFF  }
0x69: {  	[sflag:s0] =	ssyncadd.tile.s32 @!p0 $0x1;
	_ =	shalt  }
.Lfunc_end1:
_tile_overlayer_lowered:
.L_overlay_start_2:
0x6a: {  	(tag) =	ssettag $0x2  }
0x6b: {  	s0 =	rddreg [dreg:$0x0];
	s2 =	stileid.u32  }
0x6c: {  	s1 =	rddreg [dreg:$0x1];
	p0 =	sne.s32 s2, $0x0  }
0x6d: {  	s3 =	rddreg [dreg:$0x2];
	[bflag:$0x3] =	sbarrier.arrive $0xFFFF;
	s2 =	simm.s32 @!p0 $0x1C01  }
0x6e: {  	[timem:s3], [sflag:s2] =	dma.local @!p0 [hbm:s0], s1  }
0x6f: {  	s0 =	simm.s32 @!p0 $0x1  }
0x70: {  	_ =	swait.ge @!p0 [sflag:s0], s1  }
0x71: {  	s1 =	ssub.s32 @!p0 $0x0, s1;
	[sflag:s0] =	ssyncset.done @!p0 $0x0  }
0x72: {  	[sflag:s0] =	ssyncadd.s32 @!p0 s1  }
0x73: {  	[bflag:$0x3] =	sbarrier.arrive $0xFFFF  }
0x74: {  	_ =	shalt  }

</sc_bundles>
